<compile_context>
chip_gen: v7x
topology: tpu7x:2x2x1
jax: 0.10.2.dev20260603
libtpu: 0.0.44.dev20260713+nightly
codegen_flags: <defaults>
</compile_context>

<pallas_src>
import functools
import jax
import jax.numpy as jnp
from jax import lax
from jax.experimental import pallas as pl
from jax.experimental.pallas import tpu as pltpu
from jax.experimental.pallas import tpu_sc as plsc

_D_MODEL = 64
_MS = 48
_NPHYS = 4096
_EL = 96
_CLOUD = 4095
_SOURCE = 0


def _iota(shape, dim):
    return lax.broadcasted_iota(jnp.int32, shape, dim)


def _eye(n):
    return jnp.where(_iota((n, n), 0) == _iota((n, n), 1),
                     jnp.float32(1.0), jnp.float32(0.0))


def _torow(x_c):
    n = x_c.shape[0]
    diag = jnp.where(_iota((n, n), 0) == _iota((n, n), 1),
                     jnp.broadcast_to(x_c, (n, n)), 0.0)
    ones_r = jnp.full((1, n), 1.0, jnp.float32)
    return jnp.dot(ones_r, diag, preferred_element_type=jnp.float32)


def _tc_a_body(lf, wes, saw1, sab1, saw2, sab2, wq, row_c, row_r, col_r,
               acts_c, qp_ref, mhs_ref, ap_ref, last_ref):
    f32 = jnp.float32
    lf = lf[...]
    row_c = row_c[...]
    row_r = row_r[...]
    col_r = col_r[...]
    acts_c = acts_c[...]

    nodes_r = _iota((1, _MS), 1)
    nodes_c = _iota((_MS, 1), 0)

    R = jnp.where(jnp.broadcast_to(row_c, (_EL, _MS)) == _iota((_EL, _MS), 1),
                  f32(1.0), f32(0.0))
    Ctb = jnp.broadcast_to(col_r, (_MS, _EL)) == _iota((_MS, _EL), 0)
    Ct = jnp.where(Ctb, f32(1.0), f32(0.0))
    G = jnp.dot(R, lf, preferred_element_type=f32)
    agg_s = jnp.dot(Ct, G, preferred_element_type=f32)

    h_s = jax.nn.relu(jnp.dot(lf + agg_s, wes[...], preferred_element_type=f32))
    h_s = h_s + jnp.dot(jnp.tanh(jnp.dot(h_s, saw1[...], preferred_element_type=f32)
                                 + sab1[...]), saw2[...],
                        preferred_element_type=f32) + sab2[...]

    eidx_r2 = _iota((_MS, _EL), 1)
    trilE = jnp.where(_iota((_MS, _MS), 1) <= _iota((_MS, _MS), 0),
                      f32(1.0), f32(0.0))
    indeg0 = jnp.sum(jnp.where(Ctb, 1, 0), axis=1, keepdims=True)
    zero0 = indeg0 == 0
    zero0_f = jnp.where(zero0, f32(1.0), f32(0.0))
    cum0 = jnp.dot(trilE, zero0_f, preferred_element_type=f32)
    pos0 = jnp.where(zero0, cum0 - 1.0, f32(_MS))
    pos0_r = _torow(pos0)
    m0 = jnp.broadcast_to(pos0_r, (_MS, _MS)) == nodes_c.astype(f32)
    q0 = jnp.where(jnp.any(m0, axis=1, keepdims=True),
                   jnp.sum(jnp.where(m0, nodes_r, 0), axis=1, keepdims=True),
                   _MS)
    tail0 = jnp.sum(jnp.where(zero0, 1, 0))

    def topo_body(t, st):
        q, head, tail, indeg, seen = st
        cond = head < tail
        u = jnp.sum(jnp.where(nodes_c == jnp.minimum(head, _MS - 1), q, 0))
        em_r = (row_r == u) & cond
        emC = jnp.broadcast_to(em_r, (_MS, _EL)) & Ctb
        dec = jnp.sum(jnp.where(emC, 1, 0), axis=1, keepdims=True)
        lastidx = jnp.max(jnp.where(emC, eidx_r2, -1), axis=1, keepdims=True)
        nind = indeg - dec
        newly = (indeg > 0) & (nind == 0)
        keys = jnp.where(newly, lastidx, _EL + nodes_c)
        keys_r = _torow(keys.astype(f32))
        keys_b = jnp.broadcast_to(keys_r, (_MS, _MS))
        rank_r = jnp.sum(jnp.where(jnp.broadcast_to(keys.astype(f32), (_MS, _MS))
                                   < keys_b, 1, 0),
                         axis=0, keepdims=True)
        num_new = jnp.sum(jnp.where(newly, 1, 0))
        posv_r = jnp.where((keys_r < _EL) & cond,
                           tail.astype(f32) + rank_r.astype(f32), f32(_MS))
        mm = jnp.broadcast_to(posv_r, (_MS, _MS)) == nodes_c.astype(f32)
        q = jnp.where(jnp.any(mm, axis=1, keepdims=True),
                      jnp.sum(jnp.where(mm, nodes_r, 0), axis=1, keepdims=True),
                      q)
        indeg = jnp.where(cond, nind, indeg)
        seen = jnp.maximum(seen, jnp.where((nodes_c == u) & cond, 1, 0))
        head = head + cond.astype(jnp.int32)
        tail = tail + jnp.where(cond, num_new, 0)
        return (q, head, tail, indeg, seen)

    q, head, tail, _, seen = lax.fori_loop(
        0, _MS, topo_body,
        (q0, jnp.int32(0), tail0, indeg0, jnp.zeros((_MS, 1), jnp.int32)))
    unseen = seen == 0
    unseen_f = jnp.where(unseen, f32(1.0), f32(0.0))
    cumu = jnp.dot(trilE, unseen_f, preferred_element_type=f32)
    fpos = jnp.where(unseen, head.astype(f32) + cumu - 1.0, f32(_MS))
    fpos_r = _torow(fpos)
    mmf = jnp.broadcast_to(fpos_r, (_MS, _MS)) == nodes_c.astype(f32)
    order = jnp.where(jnp.any(mmf, axis=1, keepdims=True),
                      jnp.sum(jnp.where(mmf, nodes_r, 0), axis=1, keepdims=True),
                      q)

    Pm = jnp.where(jnp.broadcast_to(order, (_MS, _MS)) == nodes_r,
                   f32(1.0), f32(0.0))
    ap = jnp.dot(Pm, acts_c, preferred_element_type=f32,
                 precision=lax.Precision.HIGHEST)
    S = jnp.where(_iota((_MS, _MS), 0) == (_iota((_MS, _MS), 1) + 1),
                  f32(1.0), f32(0.0))
    last = jnp.dot(S, ap, preferred_element_type=f32,
                   precision=lax.Precision.HIGHEST)

    qp_ref[...] = jnp.dot(Pm, jnp.dot(h_s, wq[...], preferred_element_type=f32),
                          preferred_element_type=f32)
    mhs_ref[...] = jnp.sum(h_s, axis=0, keepdims=True) * f32(1.0 / _MS)
    ap_ref[...] = ap
    last_ref[...] = last


def _tc_b_body(pf, wep, daw1, dab1, daw2, dab2, wk, wv, bv, metric_r, aggp,
               qp_in, mhs_in, ap_in, last_in, out_ref):
    f32 = jnp.float32
    metric_r = metric_r[...]
    ap = ap_in[...]
    last = last_in[...]

    hp0 = jax.nn.relu(jnp.dot(pf[...] + aggp[...], wep[...],
                              preferred_element_type=f32))
    h_p = hp0 + jnp.dot(jnp.tanh(jnp.dot(hp0, daw1[...], preferred_element_type=f32)
                                 + dab1[...]), daw2[...],
                        preferred_element_type=f32) + dab2[...]

    diff_f = jnp.where(ap != last, f32(1.0), f32(0.0))
    pj = _iota((1, _NPHYS), 1).astype(f32)
    oh_last = jnp.where(jnp.broadcast_to(last, (_MS, _NPHYS)) == pj,
                        f32(1.0), f32(0.0))
    dep = diff_f * oh_last
    trilS = jnp.where(_iota((_MS, _MS), 1) < _iota((_MS, _MS), 0),
                      f32(1.0), f32(0.0))
    visited = jnp.minimum(jnp.dot(trilS, dep, preferred_element_type=f32), 1.0)
    metric_last = jnp.sum(oh_last * metric_r, axis=1, keepdims=True)
    ge_f = jnp.where(jnp.broadcast_to(metric_r, (_MS, _NPHYS))
                     >= jnp.broadcast_to(metric_last, (_MS, _NPHYS)),
                     f32(1.0), f32(0.0))
    open_f = jnp.maximum(1.0 - visited, oh_last) * ge_f
    iscf = jnp.where(last == f32(_CLOUD), f32(1.0), f32(0.0))
    cloud_f = jnp.where(pj == f32(_CLOUD), f32(1.0), f32(0.0))
    maskf = iscf * cloud_f + (1.0 - iscf) * open_f

    k = jnp.dot(h_p, wk[...], preferred_element_type=f32)
    scores = lax.dot_general(qp_in[...], k, (((1,), (1,)), ((), ())),
                             preferred_element_type=f32) * f32(1.0 / 8.0)
    logits = jnp.where(maskf > 0.5, scores, f32(-1e9))
    rowmax = jnp.max(logits, axis=1, keepdims=True)
    ex = jnp.exp(logits - rowmax)
    se = jnp.sum(ex, axis=1, keepdims=True)
    lse = jnp.log(se) + rowmax
    lp = logits - lse
    oh_a = jnp.where(jnp.broadcast_to(ap, (_MS, _NPHYS)) == pj,
                     f32(1.0), f32(0.0))
    logp_sum = jnp.sum(oh_a * lp)
    ent_sum = -jnp.sum(maskf * (ex / se) * lp)

    wv_r = wv[...]
    mh_p = jnp.sum(h_p, axis=0, keepdims=True) * f32(1.0 / _NPHYS)
    value = (jnp.sum(mhs_in[...] * wv_r[:, :_D_MODEL])
             + jnp.sum(mh_p * wv_r[:, _D_MODEL:]) + bv[...][0, 0])

    lane = _iota((1, 128), 1)
    out_ref[...] = (jnp.where(lane == 0, logp_sum, 0.0)
                    + jnp.where(lane == 1, ent_sum, 0.0)
                    + jnp.where(lane == 2, value, 0.0))


@jax.jit
def _tc_a_call(args):
    return pl.pallas_call(
        _tc_a_body,
        out_shape=[jax.ShapeDtypeStruct((_MS, _D_MODEL), jnp.float32),
                   jax.ShapeDtypeStruct((1, _D_MODEL), jnp.float32),
                   jax.ShapeDtypeStruct((_MS, 1), jnp.float32),
                   jax.ShapeDtypeStruct((_MS, 1), jnp.float32)],
    )(*args)


@jax.jit
def _tc_b_call(args):
    return pl.pallas_call(
        _tc_b_body,
        out_shape=jax.ShapeDtypeStruct((1, 128), jnp.float32),
    )(*args)


def _sc_body(pfpad_hbm, row2d_hbm, col2d_hbm, aggp_hbm, metric_hbm,
             idx_fw, idx_bw, rows_v, d_v, mark2d, mmv2, ident, zrow2, agg_sh,
             mark_sh, st_ref, sem):
    f32 = jnp.float32
    cid = lax.axis_index("c")
    sid = lax.axis_index("s")
    base = sid * 16

    pltpu.sync_copy(row2d_hbm.at[pl.ds(base, 16)], idx_fw)
    pltpu.sync_copy(col2d_hbm.at[pl.ds(base, 16)], idx_bw)
    lanes = lax.iota(jnp.int32, 16)
    zero16 = lanes.astype(f32) * 0.0

    @pl.when(cid == 1)
    def _agg():
        def zrows(i, c):
            rows_v[0, i >> 3, pl.ds((i & 7) * 16, 16)] = zero16
            return c

        lax.fori_loop(0, 1024, zrows, 0)
        pltpu.sync_copy(rows_v.at[0], agg_sh.at[pl.ds(sid * 256, 128)])
        pltpu.sync_copy(rows_v.at[0], agg_sh.at[pl.ds(sid * 256 + 128, 128)])
        plsc.subcore_barrier()

        h = pltpu.async_copy(pfpad_hbm.at[idx_fw.at[0]], rows_v.at[0], sem)
        for j in range(16):
            h.wait()
            if j < 15:
                h = pltpu.async_copy(pfpad_hbm.at[idx_fw.at[j + 1]],
                                     rows_v.at[(j + 1) & 1], sem)
            pltpu.sync_copy(rows_v.at[j & 1], agg_sh.at[idx_bw.at[j]], add=True)
        plsc.subcore_barrier()
        pltpu.sync_copy(agg_sh.at[pl.ds(sid * 256, 256)],
                        aggp_hbm.at[pl.ds(sid * 256, 256)])

    @pl.when(cid == 0)
    def _bfs():
        ones16 = zero16 + 1.0
        big16 = zero16 + 4096.0

        def init_d(i, c):
            d_v[pl.ds(i * 16, 16)] = big16
            return c

        lax.fori_loop(0, 256, init_d, 0)
        d_v[pl.ds(0, 16)] = jnp.where(lanes == 0, 0.0, 4096.0)

        def zmark(i, c):
            mark2d[i >> 3, pl.ds((i & 7) * 16, 16)] = zero16
            return c

        lax.fori_loop(0, 256, zmark, 0)

        def zz(i, c):
            zrow2[i >> 3, pl.ds((i & 7) * 16, 16)] = zero16
            return c

        lax.fori_loop(0, 16, zz, 0)
        ident[0, pl.ds(0, 16)] = lanes
        ident[0, pl.ds(16, 16)] = lanes + 16
        ident[1, pl.ds(0, 16)] = lanes + 32
        ident[1, pl.ds(16, 16)] = lanes + 48
        pltpu.sync_copy(zrow2, mark_sh.at[pl.ds(2 * sid, 2)])
        pltpu.sync_copy(zrow2, mark_sh.at[pl.ds(32 + 2 * sid, 2)])
        st_ref[0] = f32(1.0)
        plsc.subcore_barrier()

        def one_round(rf, cur):
            def chunk(j, c):
                for i in range(8):
                    r16 = idx_fw[j, pl.ds(i * 16, 16)]
                    c16 = idx_bw[j, pl.ds(i * 16, 16)]
                    dr = plsc.load_gather(d_v, [r16])
                    plsc.store_scatter(mark2d,
                                       [lax.shift_right_logical(c16, 7),
                                        lax.bitwise_and(c16, 127)],
                                       ones16, mask=dr == rf)
                    dc = plsc.load_gather(d_v, [c16])
                    plsc.store_scatter(mark2d,
                                       [lax.shift_right_logical(r16, 7),
                                        lax.bitwise_and(r16, 127)],
                                       ones16, mask=dc == rf)
                return c

            lax.fori_loop(0, 16, chunk, 0)
            pltpu.sync_copy(mark2d, mark_sh.at[ident.at[cur]], add=True)
            plsc.subcore_barrier()
            pltpu.sync_copy(mark_sh.at[pl.ds(cur * 32, 32)], mmv2)
            pltpu.sync_copy(zrow2,
                            mark_sh.at[pl.ds((1 - cur) * 32 + 2 * sid, 2)])
            nr = rf + 1.0

            def upd(i, cnt):
                m16 = mmv2[i >> 3, pl.ds((i & 7) * 16, 16)]
                d16 = d_v[pl.ds(i * 16, 16)]
                hit = (m16 > 0.0) & (d16 == 4096.0)
                d_v[pl.ds(i * 16, 16)] = jnp.where(hit, nr, d16)
                mark2d[i >> 3, pl.ds((i & 7) * 16, 16)] = zero16
                return cnt + jnp.sum(jnp.where(hit, 1.0, 0.0))

            changed = lax.fori_loop(0, 256, upd, f32(0.0))
            plsc.subcore_barrier()
            st_ref[0] = changed

        def outer(j, c):
            @pl.when(st_ref[0] > 0.0)
            def _blk():
                for k in range(8):
                    @pl.when(st_ref[0] > 0.0)
                    def _rnd():
                        one_round((j * 8 + k).astype(f32), k & 1)
            return c

        lax.fori_loop(0, 512, outer, 0)
        pltpu.sync_copy(d_v.at[pl.ds(sid * 256, 256)],
                        metric_hbm.at[pl.ds(sid * 256, 256)])


@jax.jit
def _sc_call(pfpad, row2d, col2d):
    mesh = plsc.VectorSubcoreMesh(core_axis_name="c", subcore_axis_name="s")
    prog = pl.kernel(
        _sc_body,
        out_type=[jax.ShapeDtypeStruct((_NPHYS, 128), jnp.float32),
                  jax.ShapeDtypeStruct((_NPHYS,), jnp.float32)],
        mesh=mesh,
        compiler_params=pltpu.CompilerParams(needs_layout_passes=False),
        scratch_types=[
            pltpu.VMEM((16, 128), jnp.int32),
            pltpu.VMEM((16, 128), jnp.int32),
            pltpu.VMEM((2, 128, 128), jnp.float32),
            pltpu.VMEM((_NPHYS,), jnp.float32),
            pltpu.VMEM((32, 128), jnp.float32),
            pltpu.VMEM((32, 128), jnp.float32),
            pltpu.VMEM((2, 32), jnp.int32),
            pltpu.VMEM((2, 128), jnp.float32),
            pltpu.VMEM_SHARED((_NPHYS, 128), jnp.float32),
            pltpu.VMEM_SHARED((64, 128), jnp.float32),
            pltpu.SMEM((1,), jnp.float32),
            pltpu.SemaphoreType.DMA,
        ],
    )
    return prog(pfpad, row2d, col2d)


def kernel(logic_feats, phys_feats, W_enc_s, W_enc_p, sa_W1, sa_b1, sa_W2, sa_b2,
           da_W1, da_b1, da_W2, da_b2, Wq, Wk, Wv, bv,
           logic_edge_index, phys_edge_index, actions, static_mask):
    del static_mask

    row2d = phys_edge_index[0].reshape(256, 128)
    col2d = phys_edge_index[1].reshape(256, 128)
    pfpad = jnp.pad(phys_feats, ((0, 0), (0, 128 - 16)))
    agg_p, metric = _sc_call(pfpad, row2d, col2d)

    row_c = logic_edge_index[0].reshape(_EL, 1)
    row_r = logic_edge_index[0].reshape(1, _EL)
    col_r = logic_edge_index[1].reshape(1, _EL)
    acts_c = actions.astype(jnp.float32).reshape(_MS, 1)
    metric_r = metric.reshape(1, _NPHYS)
    wv_r = Wv.reshape(1, 2 * _D_MODEL)
    bv_r = bv.reshape(1, 1)
    b_sa1 = sa_b1.reshape(1, _D_MODEL)
    b_sa2 = sa_b2.reshape(1, _D_MODEL)
    b_da1 = da_b1.reshape(1, _D_MODEL)
    b_da2 = da_b2.reshape(1, _D_MODEL)
    wep_pad = jnp.pad(W_enc_p, ((0, 128 - 16), (0, 0)))

    qp, mhs, ap, last = _tc_a_call((logic_feats, W_enc_s, sa_W1, b_sa1, sa_W2,
                                    b_sa2, Wq, row_c, row_r, col_r, acts_c))
    out = _tc_b_call((pfpad, wep_pad, da_W1, b_da1, da_W2, b_da2, Wk, wv_r,
                      bv_r, metric_r, agg_p, qp, mhs, ap, last))
    return out[0, :3]

# --- scband reference (transcript-rebuilt; emitter-appended) ---
"""Pipeline reference for scband-hedger-offloading-ppo-23055384445711 (READ-ONLY COPY).

The authoritative reference and input builder live on the scoring server;
editing this copy changes nothing except your own understanding.
"""

import jax, jax.numpy as jnp
import numpy as np

D_MODEL = 64; D_IN = 16; MS = 48; NPHYS = 4096; EL = 96; EP = 32768
SOURCE = 0; CLOUD = -1
USE_METRIC = True; METRIC_NONDEC = True; CLOUD_STICKY = True; FORBID_RETURN = True; ALLOW_STAY = True


def topo_order_np(edge_index, num_nodes):
    row, col = edge_index[0], edge_index[1]
    indeg = np.zeros(num_nodes, dtype=np.int64)
    np.add.at(indeg, col, 1)
    adj = [[] for _ in range(num_nodes)]
    for u, v in zip(row.tolist(), col.tolist()):
        adj[u].append(v)
    q = [i for i in range(num_nodes) if indeg[i] == 0]
    order = []
    while q:
        u = q.pop(0)
        order.append(u)
        for v in adj[u]:
            indeg[v] -= 1
            if indeg[v] == 0:
                q.append(v)
    if len(order) < num_nodes:
        seen = set(order)
        order += [i for i in range(num_nodes) if i not in seen]
    return order


def bfs_hop_np(edge_index, n, src):
    row, col = edge_index[0], edge_index[1]
    adj = [[] for _ in range(n)]
    for u, v in zip(row.tolist(), col.tolist()):
        adj[u].append(v)
        adj[v].append(u)
    dist = np.full(n, n, dtype=np.int64)
    dist[src] = 0
    q = [src]
    while q:
        u = q.pop(0)
        for v in adj[u]:
            if dist[v] > dist[u] + 1:
                dist[v] = dist[u] + 1
                q.append(v)
    return dist


def build_masks(le, pe, acts, sm):
    Ms, Np_ = sm.shape
    El = le.shape[1]
    row, col = le[0], le[1]
    nodes = jnp.arange(Ms, dtype=jnp.int32)
    eidx = jnp.arange(El, dtype=jnp.int32)
    indeg0 = jax.ops.segment_sum(jnp.ones((El,), jnp.int32), col, num_segments=Ms)
    zero0 = indeg0 == 0
    pos0 = jnp.where(zero0, jnp.cumsum(zero0.astype(jnp.int32)) - 1, Ms)
    q0 = jnp.full((Ms,), Ms, dtype=jnp.int32).at[pos0].set(nodes, mode='drop')
    tail0 = jnp.sum(zero0).astype(jnp.int32)

    def topo_body(t, st):
        q, head, tail, indeg, seen = st
        cond = head < tail
        u = q[jnp.minimum(head, Ms - 1)]
        em = row == u
        dec = jax.ops.segment_sum(em.astype(jnp.int32), col, num_segments=Ms)
        nind = indeg - dec
        newly = (indeg > 0) & (nind == 0)
        lastidx = jax.ops.segment_max(jnp.where(em, eidx, -1), col, num_segments=Ms)
        keys = jnp.where(newly, lastidx, El + nodes)
        pushed = jnp.argsort(keys).astype(jnp.int32)
        num_new = jnp.sum(newly).astype(jnp.int32)
        slots = jnp.where((nodes < num_new) & cond, tail + nodes, Ms)
        q = q.at[slots].set(pushed, mode='drop')
        indeg = jnp.where(cond, nind, indeg)
        seen = seen.at[u].set(seen[u] | cond)
        head = head + cond.astype(jnp.int32)
        tail = tail + jnp.where(cond, num_new, jnp.int32(0))
        return (q, head, tail, indeg, seen)

    q, head, tail, indeg, seen = jax.lax.fori_loop(
        0, Ms, topo_body,
        (q0, jnp.int32(0), tail0, indeg0, jnp.zeros((Ms,), dtype=bool)))
    unseen = ~seen
    fillpos = jnp.where(unseen, head + jnp.cumsum(unseen.astype(jnp.int32)) - 1, Ms)
    order = q.at[fillpos].set(nodes, mode='drop')

    if USE_METRIC:
        prow, pcol = pe[0], pe[1]
        dist0 = jnp.full((Np_,), Np_, dtype=jnp.int32).at[SOURCE].set(0)

        def bf_body(st):
            d, _ = st
            cand = jnp.minimum(
                jax.ops.segment_min(d[prow] + 1, pcol, num_segments=Np_),
                jax.ops.segment_min(d[pcol] + 1, prow, num_segments=Np_))
            nd = jnp.minimum(d, cand)
            return (nd, jnp.any(nd != d))

        metric, _ = jax.lax.while_loop(lambda st: st[1], bf_body, (dist0, jnp.bool_(True)))
    else:
        metric = None
    cloud = CLOUD % Np_

    def mask_body(t, st):
        visited, last, switches, relax, masks = st
        i = order[t]
        base = sm[i]
        sticky_allowed = jnp.zeros_like(base).at[cloud].set(base[cloud])
        allowed_open = base
        if FORBID_RETURN:
            forbid = visited
            if ALLOW_STAY:
                forbid = forbid.at[last].set(False)
            allowed_open = allowed_open & (~forbid)
        if metric is not None:
            if METRIC_NONDEC:
                allowed_open = allowed_open & (metric >= metric[last])
            else:
                allowed_open = allowed_open & (metric <= metric[last])
        if CLOUD_STICKY:
            allowed = jnp.where(last == cloud, sticky_allowed, allowed_open)
        else:
            allowed = allowed_open
        anyA = jnp.any(allowed)
        relax = relax + (~anyA).astype(jnp.int32)
        oh_last = jnp.zeros_like(base).at[last].set(True)
        oh_cloud = jnp.zeros_like(base).at[cloud].set(True)
        if ALLOW_STAY:
            fallback = jnp.where(base[last], oh_last, jnp.where(base[cloud], oh_cloud, base))
        else:
            fallback = jnp.where(base[cloud], oh_cloud, base)
        allowed = jnp.where(anyA, allowed, fallback)
        masks = masks.at[i].set(allowed)
        a = acts[i]
        diff = a != last
        switches = switches + diff.astype(jnp.int32)
        visited = visited.at[last].set(visited[last] | diff)
        last = a
        return (visited, last, switches, relax, masks)

    visited0 = jnp.zeros((Np_,), dtype=bool)
    masks0 = jnp.zeros((Ms, Np_), dtype=bool)
    _, _, switches, relax, masks = jax.lax.fori_loop(
        0, Ms, mask_body,
        (visited0, jnp.int32(SOURCE), jnp.int32(0), jnp.int32(0), masks0))
    return masks, switches, relax


def _encode(feats, ei, W):
    agg = jax.ops.segment_sum(feats[ei[0]], ei[1], num_segments=feats.shape[0])
    return jax.nn.relu((feats + agg) @ W)


def _adapt(h, W1, b1, W2, b2):
    return h + jnp.tanh(h @ W1 + b1) @ W2 + b2


def setup_inputs(seed: int = 0):
    key = jax.random.key(seed)
    ks = jax.random.split(key, 24)
    s = 1.0 / np.sqrt(D_MODEL)
    inp = {}
    inp['logic_feats'] = jax.random.normal(ks[0], (MS, D_IN), dtype=jnp.float32)
    inp['phys_feats'] = jax.random.normal(ks[1], (NPHYS, D_IN), dtype=jnp.float32)
    inp['W_enc_s'] = jax.random.normal(ks[2], (D_IN, D_MODEL), dtype=jnp.float32) / np.sqrt(D_IN)
    inp['W_enc_p'] = jax.random.normal(ks[3], (D_IN, D_MODEL), dtype=jnp.float32) / np.sqrt(D_IN)
    inp['sa_W1'] = jax.random.normal(ks[4], (D_MODEL, D_MODEL), dtype=jnp.float32) * s
    inp['sa_b1'] = jnp.zeros((D_MODEL,), dtype=jnp.float32)
    inp['sa_W2'] = jax.random.normal(ks[5], (D_MODEL, D_MODEL), dtype=jnp.float32) * s
    inp['sa_b2'] = jnp.zeros((D_MODEL,), dtype=jnp.float32)
    inp['da_W1'] = jax.random.normal(ks[6], (D_MODEL, D_MODEL), dtype=jnp.float32) * s
    inp['da_b1'] = jnp.zeros((D_MODEL,), dtype=jnp.float32)
    inp['da_W2'] = jax.random.normal(ks[7], (D_MODEL, D_MODEL), dtype=jnp.float32) * s
    inp['da_b2'] = jnp.zeros((D_MODEL,), dtype=jnp.float32)
    inp['Wq'] = jax.random.normal(ks[8], (D_MODEL, D_MODEL), dtype=jnp.float32) * s
    inp['Wk'] = jax.random.normal(ks[9], (D_MODEL, D_MODEL), dtype=jnp.float32) * s
    inp['Wv'] = jax.random.normal(ks[10], (2 * D_MODEL, 1), dtype=jnp.float32) * s
    inp['bv'] = jnp.zeros((1,), dtype=jnp.float32)
    inp['logic_edge_index'] = jax.random.randint(ks[11], (2, EL), 0, MS).astype(jnp.int32)
    inp['phys_edge_index'] = jax.random.randint(ks[12], (2, EP), 0, NPHYS).astype(jnp.int32)
    inp['actions'] = jax.random.randint(ks[13], (MS,), 0, NPHYS).astype(jnp.int32)
    inp['static_mask'] = jnp.ones((MS, NPHYS), dtype=bool)
    return inp


def reference(logic_feats, phys_feats, W_enc_s, W_enc_p, sa_W1, sa_b1, sa_W2, sa_b2, da_W1, da_b1, da_W2, da_b2, Wq, Wk, Wv, bv, logic_edge_index, phys_edge_index, actions, static_mask):
    masks, switches, relax = build_masks(logic_edge_index, phys_edge_index, actions, static_mask)
    h_s = _encode(logic_feats, logic_edge_index, W_enc_s)
    h_p = _encode(phys_feats, phys_edge_index, W_enc_p)
    h_s = _adapt(h_s, sa_W1, sa_b1, sa_W2, sa_b2)
    h_p = _adapt(h_p, da_W1, da_b1, da_W2, da_b2)
    scores = (h_s @ Wq) @ (h_p @ Wk).T / jnp.sqrt(jnp.float32(D_MODEL))
    m = jnp.asarray(masks)
    logits = jnp.where(m, scores, jnp.float32(-1e9))
    lp = jax.nn.log_softmax(logits, axis=-1)
    p = jnp.exp(lp)
    acts = actions
    logp_sum = jnp.sum(jnp.take_along_axis(lp, acts[:, None], axis=1))
    ent_sum = -jnp.sum(jnp.where(m, p * lp, 0.0))
    hv = jnp.concatenate([h_s.mean(0), h_p.mean(0)])
    value = (hv @ Wv + bv)[0]
    return jnp.stack([logp_sum, ent_sum, value])

if __name__ == "__main__":
    import jax
    _d = setup_inputs()
    print(jax.jit(kernel)(*tuple(_d.values())))

</pallas_src>

<mosaic_0001>
#map = affine_map<(d0, d1) -> (0, 0)>
#map1 = affine_map<(d0, d1) -> (0)>
module attributes {stable_mosaic.version = 14 : i64} {
  func.func @_sc_body(%arg0: i32, %arg1: i32, %arg2: memref<4096x128xf32, #tpu.memory_space<hbm>>, %arg3: memref<256x128xi32, #tpu.memory_space<hbm>>, %arg4: memref<256x128xi32, #tpu.memory_space<hbm>>, %arg5: memref<4096x128xf32, #tpu.memory_space<hbm>>, %arg6: memref<4096xf32, #tpu.memory_space<hbm>>, %arg7: memref<16x128xi32, #tpu.memory_space<vmem>>, %arg8: memref<16x128xi32, #tpu.memory_space<vmem>>, %arg9: memref<2x128x128xf32, #tpu.memory_space<vmem>>, %arg10: memref<4096xf32, #tpu.memory_space<vmem>>, %arg11: memref<32x128xf32, #tpu.memory_space<vmem>>, %arg12: memref<32x128xf32, #tpu.memory_space<vmem>>, %arg13: memref<2x32xi32, #tpu.memory_space<vmem>>, %arg14: memref<2x128xf32, #tpu.memory_space<vmem>>, %arg15: memref<4096x128xf32, #tpu.memory_space<vmem_shared>>, %arg16: memref<64x128xf32, #tpu.memory_space<vmem_shared>>, %arg17: memref<1xf32, #tpu.memory_space<smem>>, %arg18: memref<!tpu.dma_semaphore, #tpu.memory_space<semaphore_mem>>) attributes {dimension_semantics = [#tpu.dimension_semantics<core_parallel>, #tpu.dimension_semantics<subcore_parallel>], iteration_bounds = array<i64: 2, 16>, scalar_prefetch = 0 : i64, scratch_operands = 12 : i64, tpu.core_type = #tpu.core_type<sc_vector_subcore>, window_params = [{transform_indices = #map}, {transform_indices = #map}, {transform_indices = #map}, {transform_indices = #map}, {transform_indices = #map1}]} {
    %mul3A = arith.constant 16 : i32
    %mul3A_0 = arith.muli %arg1, %mul3A : i32
    "tpu.region"() ({
      %run_scoped3A = tpu.sem_alloc : memref<!tpu.dma_semaphore, #tpu.memory_space<semaphore_mem>>
      %dma_start3A = arith.constant 0 : i32
      %dma_start3A_12 = tpu.memref_slice %arg3[%mul3A_0, %dma_start3A] : memref<256x128xi32, #tpu.memory_space<hbm>> -> memref<16x128xi32, #tpu.memory_space<hbm>>
      %dma_start3A_13 = arith.constant 0 : i32
      %dma_start3A_14 = tpu.memref_slice %arg3[%mul3A_0, %dma_start3A_13] : memref<256x128xi32, #tpu.memory_space<hbm>> -> memref<16x128xi32, #tpu.memory_space<hbm>>
      tpu.enqueue_dma source(%dma_start3A_14 : memref<16x128xi32, #tpu.memory_space<hbm>>) target(%arg7 : memref<16x128xi32, #tpu.memory_space<vmem>>) target_semaphore(%run_scoped3A : memref<!tpu.dma_semaphore, #tpu.memory_space<semaphore_mem>>)
      %dma_wait3A = arith.constant 0 : i32
      %dma_wait3A_15 = tpu.memref_slice %arg3[%mul3A_0, %dma_wait3A] : memref<256x128xi32, #tpu.memory_space<hbm>> -> memref<16x128xi32, #tpu.memory_space<hbm>>
      %dma_wait3A_16 = arith.constant 0 : i32
      %dma_wait3A_17 = tpu.memref_slice %arg3[%mul3A_0, %dma_wait3A_16] : memref<256x128xi32, #tpu.memory_space<hbm>> -> memref<16x128xi32, #tpu.memory_space<hbm>>
      tpu.wait_dma2 semaphore(%run_scoped3A : memref<!tpu.dma_semaphore, #tpu.memory_space<semaphore_mem>>) src(%dma_wait3A_17 : memref<16x128xi32, #tpu.memory_space<hbm>>) dst(%arg7 : memref<16x128xi32, #tpu.memory_space<vmem>>)
      tpu.yield
    }) : () -> ()
    "tpu.region"() ({
      %run_scoped3A = tpu.sem_alloc : memref<!tpu.dma_semaphore, #tpu.memory_space<semaphore_mem>>
      %dma_start3A = arith.constant 0 : i32
      %dma_start3A_12 = tpu.memref_slice %arg4[%mul3A_0, %dma_start3A] : memref<256x128xi32, #tpu.memory_space<hbm>> -> memref<16x128xi32, #tpu.memory_space<hbm>>
      %dma_start3A_13 = arith.constant 0 : i32
      %dma_start3A_14 = tpu.memref_slice %arg4[%mul3A_0, %dma_start3A_13] : memref<256x128xi32, #tpu.memory_space<hbm>> -> memref<16x128xi32, #tpu.memory_space<hbm>>
      tpu.enqueue_dma source(%dma_start3A_14 : memref<16x128xi32, #tpu.memory_space<hbm>>) target(%arg8 : memref<16x128xi32, #tpu.memory_space<vmem>>) target_semaphore(%run_scoped3A : memref<!tpu.dma_semaphore, #tpu.memory_space<semaphore_mem>>)
      %dma_wait3A = arith.constant 0 : i32
      %dma_wait3A_15 = tpu.memref_slice %arg4[%mul3A_0, %dma_wait3A] : memref<256x128xi32, #tpu.memory_space<hbm>> -> memref<16x128xi32, #tpu.memory_space<hbm>>
      %dma_wait3A_16 = arith.constant 0 : i32
      %dma_wait3A_17 = tpu.memref_slice %arg4[%mul3A_0, %dma_wait3A_16] : memref<256x128xi32, #tpu.memory_space<hbm>> -> memref<16x128xi32, #tpu.memory_space<hbm>>
      tpu.wait_dma2 semaphore(%run_scoped3A : memref<!tpu.dma_semaphore, #tpu.memory_space<semaphore_mem>>) src(%dma_wait3A_17 : memref<16x128xi32, #tpu.memory_space<hbm>>) dst(%arg8 : memref<16x128xi32, #tpu.memory_space<vmem>>)
      tpu.yield
    }) : () -> ()
    %iota3A = tpu.iota {dimensions = array<i32: 0>} : vector<16xi32>
    %convert_element_type3A = arith.sitofp %iota3A : vector<16xi32> to vector<16xf32>
    %mul3A_1 = arith.constant 0.000000e+00 : f32
    %mul3A_2 = vector.broadcast %mul3A_1 : f32 to vector<16xf32>
    %mul3A_3 = arith.mulf %convert_element_type3A, %mul3A_2 : vector<16xf32>
    %eq3A = arith.constant 1 : i32
    %eq3A_4 = arith.cmpi eq, %arg0, %eq3A : i32
    %convert_element_type3A_5 = arith.extui %eq3A_4 : i1 to i32
    %cond3A = arith.constant 0 : i32
    %cond3A_6 = arith.cmpi ne, %convert_element_type3A_5, %cond3A : i32
    scf.if %cond3A_6 {
      %scan3A = arith.constant 0 : i32
      %scan3A_12 = arith.constant 0 : i32
      %scan3A_13 = arith.constant 1024 : i32
      %scan3A_14 = arith.addi %scan3A_12, %scan3A_13 : i32
      %scan3A_15 = arith.constant 1 : i32
      scf.for %scan3A_442 = %scan3A_12 to %scan3A_14 step %scan3A_15  : i32 {
        %shift_right_arithmetic3A = arith.constant 3 : i32
        %shift_right_arithmetic3A_443 = arith.shrsi %scan3A_442, %shift_right_arithmetic3A : i32
        %and3A = arith.constant 7 : i32
        %and3A_444 = arith.andi %scan3A_442, %and3A : i32
        %mul3A_445 = arith.constant 16 : i32
        %mul3A_446 = arith.muli %and3A_444, %mul3A_445 : i32
        %swap3A = arith.constant 0 : i32
        %swap3A_447 = arith.index_cast %swap3A : i32 to index
        %swap3A_448 = arith.index_cast %shift_right_arithmetic3A_443 : i32 to index
        %swap3A_449 = arith.index_cast %mul3A_446 : i32 to index
        %swap3A_450 = tpu.vector_load %arg9[%swap3A_447, %swap3A_448, %swap3A_449] {strides = array<i32>} : memref<2x128x128xf32, #tpu.memory_space<vmem>>, vector<16xf32>,
        tpu.vector_store %arg9[%swap3A_447, %swap3A_448, %swap3A_449], %mul3A_3 {strides = array<i32>} : memref<2x128x128xf32, #tpu.memory_space<vmem>>, vector<16xf32>,
      }
      %scan3A_16 = arith.constant 1024 : i32
      %mul3A_17 = arith.constant 256 : i32
      %mul3A_18 = arith.muli %arg1, %mul3A_17 : i32
      %run_scoped3A = arith.constant 0 : i32
      "tpu.region"() ({
        %run_scoped3A_442 = tpu.sem_alloc : memref<!tpu.dma_semaphore, #tpu.memory_space<semaphore_mem>>
        %dma_start3A_443 = arith.constant 0 : i32
        %dma_start3A_444 = arith.constant 0 : i32
        %dma_start3A_445 = tpu.memref_slice %arg9[%run_scoped3A, %dma_start3A_443, %dma_start3A_444] : memref<2x128x128xf32, #tpu.memory_space<vmem>> -> memref<1x128x128xf32, #tpu.memory_space<vmem>>
        %dma_start3A_446 = tpu.memref_squeeze %dma_start3A_445 : memref<1x128x128xf32, #tpu.memory_space<vmem>> -> memref<128x128xf32, #tpu.memory_space<vmem>>
        %dma_start3A_447 = arith.constant 0 : i32
        %dma_start3A_448 = tpu.memref_slice %arg15[%mul3A_18, %dma_start3A_447] : memref<4096x128xf32, #tpu.memory_space<vmem_shared>> -> memref<128x128xf32, #tpu.memory_space<vmem_shared>>
        %dma_start3A_449 = arith.constant 0 : i32
        %dma_start3A_450 = tpu.memref_slice %arg15[%mul3A_18, %dma_start3A_449] : memref<4096x128xf32, #tpu.memory_space<vmem_shared>> -> memref<128x128xf32, #tpu.memory_space<vmem_shared>>
        %dma_start3A_451 = arith.constant 0 : i32
        %dma_start3A_452 = arith.constant 0 : i32
        %dma_start3A_453 = tpu.memref_slice %arg9[%run_scoped3A, %dma_start3A_451, %dma_start3A_452] : memref<2x128x128xf32, #tpu.memory_space<vmem>> -> memref<1x128x128xf32, #tpu.memory_space<vmem>>
        %dma_start3A_454 = tpu.memref_squeeze %dma_start3A_453 : memref<1x128x128xf32, #tpu.memory_space<vmem>> -> memref<128x128xf32, #tpu.memory_space<vmem>>
        tpu.enqueue_dma source(%dma_start3A_454 : memref<128x128xf32, #tpu.memory_space<vmem>>) target(%dma_start3A_450 : memref<128x128xf32, #tpu.memory_space<vmem_shared>>) target_semaphore(%run_scoped3A_442 : memref<!tpu.dma_semaphore, #tpu.memory_space<semaphore_mem>>)
        %dma_wait3A_455 = arith.constant 0 : i32
        %dma_wait3A_456 = arith.constant 0 : i32
        %dma_wait3A_457 = tpu.memref_slice %arg9[%run_scoped3A, %dma_wait3A_455, %dma_wait3A_456] : memref<2x128x128xf32, #tpu.memory_space<vmem>> -> memref<1x128x128xf32, #tpu.memory_space<vmem>>
        %dma_wait3A_458 = tpu.memref_squeeze %dma_wait3A_457 : memref<1x128x128xf32, #tpu.memory_space<vmem>> -> memref<128x128xf32, #tpu.memory_space<vmem>>
        %dma_wait3A_459 = arith.constant 0 : i32
        %dma_wait3A_460 = tpu.memref_slice %arg15[%mul3A_18, %dma_wait3A_459] : memref<4096x128xf32, #tpu.memory_space<vmem_shared>> -> memref<128x128xf32, #tpu.memory_space<vmem_shared>>
        %dma_wait3A_461 = arith.constant 0 : i32
        %dma_wait3A_462 = tpu.memref_slice %arg15[%mul3A_18, %dma_wait3A_461] : memref<4096x128xf32, #tpu.memory_space<vmem_shared>> -> memref<128x128xf32, #tpu.memory_space<vmem_shared>>
        %dma_wait3A_463 = arith.constant 0 : i32
        %dma_wait3A_464 = arith.constant 0 : i32
        %dma_wait3A_465 = tpu.memref_slice %arg9[%run_scoped3A, %dma_wait3A_463, %dma_wait3A_464] : memref<2x128x128xf32, #tpu.memory_space<vmem>> -> memref<1x128x128xf32, #tpu.memory_space<vmem>>
        %dma_wait3A_466 = tpu.memref_squeeze %dma_wait3A_465 : memref<1x128x128xf32, #tpu.memory_space<vmem>> -> memref<128x128xf32, #tpu.memory_space<vmem>>
        tpu.wait_dma2 semaphore(%run_scoped3A_442 : memref<!tpu.dma_semaphore, #tpu.memory_space<semaphore_mem>>) src(%dma_wait3A_466 : memref<128x128xf32, #tpu.memory_space<vmem>>) dst(%dma_wait3A_462 : memref<128x128xf32, #tpu.memory_space<vmem_shared>>)
        tpu.yield
      }) : () -> ()
      %mul3A_19 = arith.constant 256 : i32
      %mul3A_20 = arith.muli %arg1, %mul3A_19 : i32
      %add3A = arith.constant 128 : i32
      %add3A_21 = arith.addi %mul3A_20, %add3A : i32
      %run_scoped3A_22 = arith.constant 0 : i32
      "tpu.region"() ({
        %run_scoped3A_442 = tpu.sem_alloc : memref<!tpu.dma_semaphore, #tpu.memory_space<semaphore_mem>>
        %dma_start3A_443 = arith.constant 0 : i32
        %dma_start3A_444 = arith.constant 0 : i32
        %dma_start3A_445 = tpu.memref_slice %arg9[%run_scoped3A_22, %dma_start3A_443, %dma_start3A_444] : memref<2x128x128xf32, #tpu.memory_space<vmem>> -> memref<1x128x128xf32, #tpu.memory_space<vmem>>
        %dma_start3A_446 = tpu.memref_squeeze %dma_start3A_445 : memref<1x128x128xf32, #tpu.memory_space<vmem>> -> memref<128x128xf32, #tpu.memory_space<vmem>>
        %dma_start3A_447 = arith.constant 0 : i32
        %dma_start3A_448 = tpu.memref_slice %arg15[%add3A_21, %dma_start3A_447] : memref<4096x128xf32, #tpu.memory_space<vmem_shared>> -> memref<128x128xf32, #tpu.memory_space<vmem_shared>>
        %dma_start3A_449 = arith.constant 0 : i32
        %dma_start3A_450 = tpu.memref_slice %arg15[%add3A_21, %dma_start3A_449] : memref<4096x128xf32, #tpu.memory_space<vmem_shared>> -> memref<128x128xf32, #tpu.memory_space<vmem_shared>>
        %dma_start3A_451 = arith.constant 0 : i32
        %dma_start3A_452 = arith.constant 0 : i32
        %dma_start3A_453 = tpu.memref_slice %arg9[%run_scoped3A_22, %dma_start3A_451, %dma_start3A_452] : memref<2x128x128xf32, #tpu.memory_space<vmem>> -> memref<1x128x128xf32, #tpu.memory_space<vmem>>
        %dma_start3A_454 = tpu.memref_squeeze %dma_start3A_453 : memref<1x128x128xf32, #tpu.memory_space<vmem>> -> memref<128x128xf32, #tpu.memory_space<vmem>>
        tpu.enqueue_dma source(%dma_start3A_454 : memref<128x128xf32, #tpu.memory_space<vmem>>) target(%dma_start3A_450 : memref<128x128xf32, #tpu.memory_space<vmem_shared>>) target_semaphore(%run_scoped3A_442 : memref<!tpu.dma_semaphore, #tpu.memory_space<semaphore_mem>>)
        %dma_wait3A_455 = arith.constant 0 : i32
        %dma_wait3A_456 = arith.constant 0 : i32
        %dma_wait3A_457 = tpu.memref_slice %arg9[%run_scoped3A_22, %dma_wait3A_455, %dma_wait3A_456] : memref<2x128x128xf32, #tpu.memory_space<vmem>> -> memref<1x128x128xf32, #tpu.memory_space<vmem>>
        %dma_wait3A_458 = tpu.memref_squeeze %dma_wait3A_457 : memref<1x128x128xf32, #tpu.memory_space<vmem>> -> memref<128x128xf32, #tpu.memory_space<vmem>>
        %dma_wait3A_459 = arith.constant 0 : i32
        %dma_wait3A_460 = tpu.memref_slice %arg15[%add3A_21, %dma_wait3A_459] : memref<4096x128xf32, #tpu.memory_space<vmem_shared>> -> memref<128x128xf32, #tpu.memory_space<vmem_shared>>
        %dma_wait3A_461 = arith.constant 0 : i32
        %dma_wait3A_462 = tpu.memref_slice %arg15[%add3A_21, %dma_wait3A_461] : memref<4096x128xf32, #tpu.memory_space<vmem_shared>> -> memref<128x128xf32, #tpu.memory_space<vmem_shared>>
        %dma_wait3A_463 = arith.constant 0 : i32
        %dma_wait3A_464 = arith.constant 0 : i32
        %dma_wait3A_465 = tpu.memref_slice %arg9[%run_scoped3A_22, %dma_wait3A_463, %dma_wait3A_464] : memref<2x128x128xf32, #tpu.memory_space<vmem>> -> memref<1x128x128xf32, #tpu.memory_space<vmem>>
        %dma_wait3A_466 = tpu.memref_squeeze %dma_wait3A_465 : memref<1x128x128xf32, #tpu.memory_space<vmem>> -> memref<128x128xf32, #tpu.memory_space<vmem>>
        tpu.wait_dma2 semaphore(%run_scoped3A_442 : memref<!tpu.dma_semaphore, #tpu.memory_space<semaphore_mem>>) src(%dma_wait3A_466 : memref<128x128xf32, #tpu.memory_space<vmem>>) dst(%dma_wait3A_462 : memref<128x128xf32, #tpu.memory_space<vmem_shared>>)
        tpu.yield
      }) : () -> ()
      %barrier3A = arith.constant 0 : index
      tpu.barrier barrier_id(%barrier3A)
      %dma_start3A = arith.constant 0 : i32
      %dma_start3A_23 = arith.constant 0 : i32
      %dma_start3A_24 = arith.constant 0 : i32
      %dma_start3A_25 = arith.constant 0 : i32
      %dma_start3A_26 = tpu.memref_slice %arg9[%dma_start3A_23, %dma_start3A_24, %dma_start3A_25] : memref<2x128x128xf32, #tpu.memory_space<vmem>> -> memref<1x128x128xf32, #tpu.memory_space<vmem>>
      %dma_start3A_27 = tpu.memref_squeeze %dma_start3A_26 : memref<1x128x128xf32, #tpu.memory_space<vmem>> -> memref<128x128xf32, #tpu.memory_space<vmem>>
      %dma_start3A_28 = arith.constant 0 : i32
      %dma_start3A_29 = tpu.memref_slice %arg7[%dma_start3A, %dma_start3A_28] : memref<16x128xi32, #tpu.memory_space<vmem>> -> memref<1x128xi32, #tpu.memory_space<vmem>>
      %dma_start3A_30 = tpu.memref_squeeze %dma_start3A_29 : memref<1x128xi32, #tpu.memory_space<vmem>> -> memref<128xi32, #tpu.memory_space<vmem>>
      %dma_start3A_31 = arith.constant 0 : i32
      %dma_start3A_32 = arith.constant 0 : i32
      %dma_start3A_33 = tpu.memref_slice %arg2[%dma_start3A_31, %dma_start3A_32] : memref<4096x128xf32, #tpu.memory_space<hbm>> -> memref<4096x128xf32, #tpu.memory_space<hbm>>
      tpu.enqueue_indirect_dma source(%dma_start3A_33 : memref<4096x128xf32, #tpu.memory_space<hbm>>) target(%dma_start3A_27 : memref<128x128xf32, #tpu.memory_space<vmem>>) offsets(%dma_start3A_30 : memref<128xi32, #tpu.memory_space<vmem>>) semaphore(%arg18 : memref<!tpu.dma_semaphore, #tpu.memory_space<semaphore_mem>>)
      %dma_wait3A = arith.constant 0 : i32
      %dma_wait3A_34 = arith.constant 0 : i32
      %dma_wait3A_35 = arith.constant 0 : i32
      %dma_wait3A_36 = arith.constant 0 : i32
      %dma_wait3A_37 = tpu.memref_slice %arg9[%dma_wait3A_34, %dma_wait3A_35, %dma_wait3A_36] : memref<2x128x128xf32, #tpu.memory_space<vmem>> -> memref<1x128x128xf32, #tpu.memory_space<vmem>>
      %dma_wait3A_38 = tpu.memref_squeeze %dma_wait3A_37 : memref<1x128x128xf32, #tpu.memory_space<vmem>> -> memref<128x128xf32, #tpu.memory_space<vmem>>
      %dma_wait3A_39 = arith.constant 0 : i32
      %dma_wait3A_40 = tpu.memref_slice %arg7[%dma_wait3A, %dma_wait3A_39] : memref<16x128xi32, #tpu.memory_space<vmem>> -> memref<1x128xi32, #tpu.memory_space<vmem>>
      %dma_wait3A_41 = tpu.memref_squeeze %dma_wait3A_40 : memref<1x128xi32, #tpu.memory_space<vmem>> -> memref<128xi32, #tpu.memory_space<vmem>>
      %dma_wait3A_42 = arith.constant 0 : i32
      %dma_wait3A_43 = arith.constant 0 : i32
      %dma_wait3A_44 = tpu.memref_slice %arg2[%dma_wait3A_42, %dma_wait3A_43] : memref<4096x128xf32, #tpu.memory_space<hbm>> -> memref<4096x128xf32, #tpu.memory_space<hbm>>
      tpu.wait_indirect_dma semaphore(%arg18 : memref<!tpu.dma_semaphore, #tpu.memory_space<semaphore_mem>>) src(%dma_wait3A_44 : memref<4096x128xf32, #tpu.memory_space<hbm>>) dst(%dma_wait3A_38 : memref<128x128xf32, #tpu.memory_space<vmem>>)
      %dma_start3A_45 = arith.constant 1 : i32
      %dma_start3A_46 = arith.constant 1 : i32
      %dma_start3A_47 = arith.constant 0 : i32
      %dma_start3A_48 = arith.constant 0 : i32
      %dma_start3A_49 = tpu.memref_slice %arg9[%dma_start3A_46, %dma_start3A_47, %dma_start3A_48] : memref<2x128x128xf32, #tpu.memory_space<vmem>> -> memref<1x128x128xf32, #tpu.memory_space<vmem>>
      %dma_start3A_50 = tpu.memref_squeeze %dma_start3A_49 : memref<1x128x128xf32, #tpu.memory_space<vmem>> -> memref<128x128xf32, #tpu.memory_space<vmem>>
      %dma_start3A_51 = arith.constant 0 : i32
      %dma_start3A_52 = tpu.memref_slice %arg7[%dma_start3A_45, %dma_start3A_51] : memref<16x128xi32, #tpu.memory_space<vmem>> -> memref<1x128xi32, #tpu.memory_space<vmem>>
      %dma_start3A_53 = tpu.memref_squeeze %dma_start3A_52 : memref<1x128xi32, #tpu.memory_space<vmem>> -> memref<128xi32, #tpu.memory_space<vmem>>
      %dma_start3A_54 = arith.constant 0 : i32
      %dma_start3A_55 = arith.constant 0 : i32
      %dma_start3A_56 = tpu.memref_slice %arg2[%dma_start3A_54, %dma_start3A_55] : memref<4096x128xf32, #tpu.memory_space<hbm>> -> memref<4096x128xf32, #tpu.memory_space<hbm>>
      tpu.enqueue_indirect_dma source(%dma_start3A_56 : memref<4096x128xf32, #tpu.memory_space<hbm>>) target(%dma_start3A_50 : memref<128x128xf32, #tpu.memory_space<vmem>>) offsets(%dma_start3A_53 : memref<128xi32, #tpu.memory_space<vmem>>) semaphore(%arg18 : memref<!tpu.dma_semaphore, #tpu.memory_space<semaphore_mem>>)
      %run_scoped3A_57 = arith.constant 0 : i32
      %run_scoped3A_58 = arith.constant 0 : i32
      "tpu.region"() ({
        %run_scoped3A_442 = tpu.sem_alloc : memref<!tpu.dma_semaphore, #tpu.memory_space<semaphore_mem>>
        %dma_start3A_443 = arith.constant 0 : i32
        %dma_start3A_444 = arith.constant 0 : i32
        %dma_start3A_445 = tpu.memref_slice %arg9[%run_scoped3A_57, %dma_start3A_443, %dma_start3A_444] : memref<2x128x128xf32, #tpu.memory_space<vmem>> -> memref<1x128x128xf32, #tpu.memory_space<vmem>>
        %dma_start3A_446 = tpu.memref_squeeze %dma_start3A_445 : memref<1x128x128xf32, #tpu.memory_space<vmem>> -> memref<128x128xf32, #tpu.memory_space<vmem>>
        %dma_start3A_447 = arith.constant 0 : i32
        %dma_start3A_448 = tpu.memref_slice %arg8[%run_scoped3A_58, %dma_start3A_447] : memref<16x128xi32, #tpu.memory_space<vmem>> -> memref<1x128xi32, #tpu.memory_space<vmem>>
        %dma_start3A_449 = tpu.memref_squeeze %dma_start3A_448 : memref<1x128xi32, #tpu.memory_space<vmem>> -> memref<128xi32, #tpu.memory_space<vmem>>
        %dma_start3A_450 = arith.constant 0 : i32
        %dma_start3A_451 = arith.constant 0 : i32
        %dma_start3A_452 = tpu.memref_slice %arg15[%dma_start3A_450, %dma_start3A_451] : memref<4096x128xf32, #tpu.memory_space<vmem_shared>> -> memref<4096x128xf32, #tpu.memory_space<vmem_shared>>
        tpu.enqueue_indirect_dma source(%dma_start3A_446 : memref<128x128xf32, #tpu.memory_space<vmem>>) target(%dma_start3A_452 : memref<4096x128xf32, #tpu.memory_space<vmem_shared>>) offsets(%dma_start3A_449 : memref<128xi32, #tpu.memory_space<vmem>>) semaphore(%run_scoped3A_442 : memref<!tpu.dma_semaphore, #tpu.memory_space<semaphore_mem>>) {add = true}
        %dma_wait3A_453 = arith.constant 0 : i32
        %dma_wait3A_454 = arith.constant 0 : i32
        %dma_wait3A_455 = tpu.memref_slice %arg9[%run_scoped3A_57, %dma_wait3A_453, %dma_wait3A_454] : memref<2x128x128xf32, #tpu.memory_space<vmem>> -> memref<1x128x128xf32, #tpu.memory_space<vmem>>
        %dma_wait3A_456 = tpu.memref_squeeze %dma_wait3A_455 : memref<1x128x128xf32, #tpu.memory_space<vmem>> -> memref<128x128xf32, #tpu.memory_space<vmem>>
        %dma_wait3A_457 = arith.constant 0 : i32
        %dma_wait3A_458 = tpu.memref_slice %arg8[%run_scoped3A_58, %dma_wait3A_457] : memref<16x128xi32, #tpu.memory_space<vmem>> -> memref<1x128xi32, #tpu.memory_space<vmem>>
        %dma_wait3A_459 = tpu.memref_squeeze %dma_wait3A_458 : memref<1x128xi32, #tpu.memory_space<vmem>> -> memref<128xi32, #tpu.memory_space<vmem>>
        %dma_wait3A_460 = arith.constant 0 : i32
        %dma_wait3A_461 = arith.constant 0 : i32
        %dma_wait3A_462 = tpu.memref_slice %arg15[%dma_wait3A_460, %dma_wait3A_461] : memref<4096x128xf32, #tpu.memory_space<vmem_shared>> -> memref<4096x128xf32, #tpu.memory_space<vmem_shared>>
        tpu.wait_indirect_dma semaphore(%run_scoped3A_442 : memref<!tpu.dma_semaphore, #tpu.memory_space<semaphore_mem>>) src(%dma_wait3A_456 : memref<128x128xf32, #tpu.memory_space<vmem>>) dst(%dma_wait3A_462 : memref<4096x128xf32, #tpu.memory_space<vmem_shared>>)
        tpu.yield
      }) : () -> ()
      %dma_wait3A_59 = arith.constant 1 : i32
      %dma_wait3A_60 = arith.constant 1 : i32
      %dma_wait3A_61 = arith.constant 0 : i32
      %dma_wait3A_62 = arith.constant 0 : i32
      %dma_wait3A_63 = tpu.memref_slice %arg9[%dma_wait3A_60, %dma_wait3A_61, %dma_wait3A_62] : memref<2x128x128xf32, #tpu.memory_space<vmem>> -> memref<1x128x128xf32, #tpu.memory_space<vmem>>
      %dma_wait3A_64 = tpu.memref_squeeze %dma_wait3A_63 : memref<1x128x128xf32, #tpu.memory_space<vmem>> -> memref<128x128xf32, #tpu.memory_space<vmem>>
      %dma_wait3A_65 = arith.constant 0 : i32
      %dma_wait3A_66 = tpu.memref_slice %arg7[%dma_wait3A_59, %dma_wait3A_65] : memref<16x128xi32, #tpu.memory_space<vmem>> -> memref<1x128xi32, #tpu.memory_space<vmem>>
      %dma_wait3A_67 = tpu.memref_squeeze %dma_wait3A_66 : memref<1x128xi32, #tpu.memory_space<vmem>> -> memref<128xi32, #tpu.memory_space<vmem>>
      %dma_wait3A_68 = arith.constant 0 : i32
      %dma_wait3A_69 = arith.constant 0 : i32
      %dma_wait3A_70 = tpu.memref_slice %arg2[%dma_wait3A_68, %dma_wait3A_69] : memref<4096x128xf32, #tpu.memory_space<hbm>> -> memref<4096x128xf32, #tpu.memory_space<hbm>>
      tpu.wait_indirect_dma semaphore(%arg18 : memref<!tpu.dma_semaphore, #tpu.memory_space<semaphore_mem>>) src(%dma_wait3A_70 : memref<4096x128xf32, #tpu.memory_space<hbm>>) dst(%dma_wait3A_64 : memref<128x128xf32, #tpu.memory_space<vmem>>)
      %dma_start3A_71 = arith.constant 2 : i32
      %dma_start3A_72 = arith.constant 0 : i32
      %dma_start3A_73 = arith.constant 0 : i32
      %dma_start3A_74 = arith.constant 0 : i32
      %dma_start3A_75 = tpu.memref_slice %arg9[%dma_start3A_72, %dma_start3A_73, %dma_start3A_74] : memref<2x128x128xf32, #tpu.memory_space<vmem>> -> memref<1x128x128xf32, #tpu.memory_space<vmem>>
      %dma_start3A_76 = tpu.memref_squeeze %dma_start3A_75 : memref<1x128x128xf32, #tpu.memory_space<vmem>> -> memref<128x128xf32, #tpu.memory_space<vmem>>
      %dma_start3A_77 = arith.constant 0 : i32
      %dma_start3A_78 = tpu.memref_slice %arg7[%dma_start3A_71, %dma_start3A_77] : memref<16x128xi32, #tpu.memory_space<vmem>> -> memref<1x128xi32, #tpu.memory_space<vmem>>
      %dma_start3A_79 = tpu.memref_squeeze %dma_start3A_78 : memref<1x128xi32, #tpu.memory_space<vmem>> -> memref<128xi32, #tpu.memory_space<vmem>>
      %dma_start3A_80 = arith.constant 0 : i32
      %dma_start3A_81 = arith.constant 0 : i32
      %dma_start3A_82 = tpu.memref_slice %arg2[%dma_start3A_80, %dma_start3A_81] : memref<4096x128xf32, #tpu.memory_space<hbm>> -> memref<4096x128xf32, #tpu.memory_space<hbm>>
      tpu.enqueue_indirect_dma source(%dma_start3A_82 : memref<4096x128xf32, #tpu.memory_space<hbm>>) target(%dma_start3A_76 : memref<128x128xf32, #tpu.memory_space<vmem>>) offsets(%dma_start3A_79 : memref<128xi32, #tpu.memory_space<vmem>>) semaphore(%arg18 : memref<!tpu.dma_semaphore, #tpu.memory_space<semaphore_mem>>)
      %run_scoped3A_83 = arith.constant 1 : i32
      %run_scoped3A_84 = arith.constant 1 : i32
      "tpu.region"() ({
        %run_scoped3A_442 = tpu.sem_alloc : memref<!tpu.dma_semaphore, #tpu.memory_space<semaphore_mem>>
        %dma_start3A_443 = arith.constant 0 : i32
        %dma_start3A_444 = arith.constant 0 : i32
        %dma_start3A_445 = tpu.memref_slice %arg9[%run_scoped3A_83, %dma_start3A_443, %dma_start3A_444] : memref<2x128x128xf32, #tpu.memory_space<vmem>> -> memref<1x128x128xf32, #tpu.memory_space<vmem>>
        %dma_start3A_446 = tpu.memref_squeeze %dma_start3A_445 : memref<1x128x128xf32, #tpu.memory_space<vmem>> -> memref<128x128xf32, #tpu.memory_space<vmem>>
        %dma_start3A_447 = arith.constant 0 : i32
        %dma_start3A_448 = tpu.memref_slice %arg8[%run_scoped3A_84, %dma_start3A_447] : memref<16x128xi32, #tpu.memory_space<vmem>> -> memref<1x128xi32, #tpu.memory_space<vmem>>
        %dma_start3A_449 = tpu.memref_squeeze %dma_start3A_448 : memref<1x128xi32, #tpu.memory_space<vmem>> -> memref<128xi32, #tpu.memory_space<vmem>>
        %dma_start3A_450 = arith.constant 0 : i32
        %dma_start3A_451 = arith.constant 0 : i32
        %dma_start3A_452 = tpu.memref_slice %arg15[%dma_start3A_450, %dma_start3A_451] : memref<4096x128xf32, #tpu.memory_space<vmem_shared>> -> memref<4096x128xf32, #tpu.memory_space<vmem_shared>>
        tpu.enqueue_indirect_dma source(%dma_start3A_446 : memref<128x128xf32, #tpu.memory_space<vmem>>) target(%dma_start3A_452 : memref<4096x128xf32, #tpu.memory_space<vmem_shared>>) offsets(%dma_start3A_449 : memref<128xi32, #tpu.memory_space<vmem>>) semaphore(%run_scoped3A_442 : memref<!tpu.dma_semaphore, #tpu.memory_space<semaphore_mem>>) {add = true}
        %dma_wait3A_453 = arith.constant 0 : i32
        %dma_wait3A_454 = arith.constant 0 : i32
        %dma_wait3A_455 = tpu.memref_slice %arg9[%run_scoped3A_83, %dma_wait3A_453, %dma_wait3A_454] : memref<2x128x128xf32, #tpu.memory_space<vmem>> -> memref<1x128x128xf32, #tpu.memory_space<vmem>>
        %dma_wait3A_456 = tpu.memref_squeeze %dma_wait3A_455 : memref<1x128x128xf32, #tpu.memory_space<vmem>> -> memref<128x128xf32, #tpu.memory_space<vmem>>
        %dma_wait3A_457 = arith.constant 0 : i32
        %dma_wait3A_458 = tpu.memref_slice %arg8[%run_scoped3A_84, %dma_wait3A_457] : memref<16x128xi32, #tpu.memory_space<vmem>> -> memref<1x128xi32, #tpu.memory_space<vmem>>
        %dma_wait3A_459 = tpu.memref_squeeze %dma_wait3A_458 : memref<1x128xi32, #tpu.memory_space<vmem>> -> memref<128xi32, #tpu.memory_space<vmem>>
        %dma_wait3A_460 = arith.constant 0 : i32
        %dma_wait3A_461 = arith.constant 0 : i32
        %dma_wait3A_462 = tpu.memref_slice %arg15[%dma_wait3A_460, %dma_wait3A_461] : memref<4096x128xf32, #tpu.memory_space<vmem_shared>> -> memref<4096x128xf32, #tpu.memory_space<vmem_shared>>
        tpu.wait_indirect_dma semaphore(%run_scoped3A_442 : memref<!tpu.dma_semaphore, #tpu.memory_space<semaphore_mem>>) src(%dma_wait3A_456 : memref<128x128xf32, #tpu.memory_space<vmem>>) dst(%dma_wait3A_462 : memref<4096x128xf32, #tpu.memory_space<vmem_shared>>)
        tpu.yield
      }) : () -> ()
      %dma_wait3A_85 = arith.constant 2 : i32
      %dma_wait3A_86 = arith.constant 0 : i32
      %dma_wait3A_87 = arith.constant 0 : i32
      %dma_wait3A_88 = arith.constant 0 : i32
      %dma_wait3A_89 = tpu.memref_slice %arg9[%dma_wait3A_86, %dma_wait3A_87, %dma_wait3A_88] : memref<2x128x128xf32, #tpu.memory_space<vmem>> -> memref<1x128x128xf32, #tpu.memory_space<vmem>>
      %dma_wait3A_90 = tpu.memref_squeeze %dma_wait3A_89 : memref<1x128x128xf32, #tpu.memory_space<vmem>> -> memref<128x128xf32, #tpu.memory_space<vmem>>
      %dma_wait3A_91 = arith.constant 0 : i32
      %dma_wait3A_92 = tpu.memref_slice %arg7[%dma_wait3A_85, %dma_wait3A_91] : memref<16x128xi32, #tpu.memory_space<vmem>> -> memref<1x128xi32, #tpu.memory_space<vmem>>
      %dma_wait3A_93 = tpu.memref_squeeze %dma_wait3A_92 : memref<1x128xi32, #tpu.memory_space<vmem>> -> memref<128xi32, #tpu.memory_space<vmem>>
      %dma_wait3A_94 = arith.constant 0 : i32
      %dma_wait3A_95 = arith.constant 0 : i32
      %dma_wait3A_96 = tpu.memref_slice %arg2[%dma_wait3A_94, %dma_wait3A_95] : memref<4096x128xf32, #tpu.memory_space<hbm>> -> memref<4096x128xf32, #tpu.memory_space<hbm>>
      tpu.wait_indirect_dma semaphore(%arg18 : memref<!tpu.dma_semaphore, #tpu.memory_space<semaphore_mem>>) src(%dma_wait3A_96 : memref<4096x128xf32, #tpu.memory_space<hbm>>) dst(%dma_wait3A_90 : memref<128x128xf32, #tpu.memory_space<vmem>>)
      %dma_start3A_97 = arith.constant 3 : i32
      %dma_start3A_98 = arith.constant 1 : i32
      %dma_start3A_99 = arith.constant 0 : i32
      %dma_start3A_100 = arith.constant 0 : i32
      %dma_start3A_101 = tpu.memref_slice %arg9[%dma_start3A_98, %dma_start3A_99, %dma_start3A_100] : memref<2x128x128xf32, #tpu.memory_space<vmem>> -> memref<1x128x128xf32, #tpu.memory_space<vmem>>
      %dma_start3A_102 = tpu.memref_squeeze %dma_start3A_101 : memref<1x128x128xf32, #tpu.memory_space<vmem>> -> memref<128x128xf32, #tpu.memory_space<vmem>>
      %dma_start3A_103 = arith.constant 0 : i32
      %dma_start3A_104 = tpu.memref_slice %arg7[%dma_start3A_97, %dma_start3A_103] : memref<16x128xi32, #tpu.memory_space<vmem>> -> memref<1x128xi32, #tpu.memory_space<vmem>>
      %dma_start3A_105 = tpu.memref_squeeze %dma_start3A_104 : memref<1x128xi32, #tpu.memory_space<vmem>> -> memref<128xi32, #tpu.memory_space<vmem>>
      %dma_start3A_106 = arith.constant 0 : i32
      %dma_start3A_107 = arith.constant 0 : i32
      %dma_start3A_108 = tpu.memref_slice %arg2[%dma_start3A_106, %dma_start3A_107] : memref<4096x128xf32, #tpu.memory_space<hbm>> -> memref<4096x128xf32, #tpu.memory_space<hbm>>
      tpu.enqueue_indirect_dma source(%dma_start3A_108 : memref<4096x128xf32, #tpu.memory_space<hbm>>) target(%dma_start3A_102 : memref<128x128xf32, #tpu.memory_space<vmem>>) offsets(%dma_start3A_105 : memref<128xi32, #tpu.memory_space<vmem>>) semaphore(%arg18 : memref<!tpu.dma_semaphore, #tpu.memory_space<semaphore_mem>>)
      %run_scoped3A_109 = arith.constant 0 : i32
      %run_scoped3A_110 = arith.constant 2 : i32
      "tpu.region"() ({
        %run_scoped3A_442 = tpu.sem_alloc : memref<!tpu.dma_semaphore, #tpu.memory_space<semaphore_mem>>
        %dma_start3A_443 = arith.constant 0 : i32
        %dma_start3A_444 = arith.constant 0 : i32
        %dma_start3A_445 = tpu.memref_slice %arg9[%run_scoped3A_109, %dma_start3A_443, %dma_start3A_444] : memref<2x128x128xf32, #tpu.memory_space<vmem>> -> memref<1x128x128xf32, #tpu.memory_space<vmem>>
        %dma_start3A_446 = tpu.memref_squeeze %dma_start3A_445 : memref<1x128x128xf32, #tpu.memory_space<vmem>> -> memref<128x128xf32, #tpu.memory_space<vmem>>
        %dma_start3A_447 = arith.constant 0 : i32
        %dma_start3A_448 = tpu.memref_slice %arg8[%run_scoped3A_110, %dma_start3A_447] : memref<16x128xi32, #tpu.memory_space<vmem>> -> memref<1x128xi32, #tpu.memory_space<vmem>>
        %dma_start3A_449 = tpu.memref_squeeze %dma_start3A_448 : memref<1x128xi32, #tpu.memory_space<vmem>> -> memref<128xi32, #tpu.memory_space<vmem>>
        %dma_start3A_450 = arith.constant 0 : i32
        %dma_start3A_451 = arith.constant 0 : i32
        %dma_start3A_452 = tpu.memref_slice %arg15[%dma_start3A_450, %dma_start3A_451] : memref<4096x128xf32, #tpu.memory_space<vmem_shared>> -> memref<4096x128xf32, #tpu.memory_space<vmem_shared>>
        tpu.enqueue_indirect_dma source(%dma_start3A_446 : memref<128x128xf32, #tpu.memory_space<vmem>>) target(%dma_start3A_452 : memref<4096x128xf32, #tpu.memory_space<vmem_shared>>) offsets(%dma_start3A_449 : memref<128xi32, #tpu.memory_space<vmem>>) semaphore(%run_scoped3A_442 : memref<!tpu.dma_semaphore, #tpu.memory_space<semaphore_mem>>) {add = true}
        %dma_wait3A_453 = arith.constant 0 : i32
        %dma_wait3A_454 = arith.constant 0 : i32
        %dma_wait3A_455 = tpu.memref_slice %arg9[%run_scoped3A_109, %dma_wait3A_453, %dma_wait3A_454] : memref<2x128x128xf32, #tpu.memory_space<vmem>> -> memref<1x128x128xf32, #tpu.memory_space<vmem>>
        %dma_wait3A_456 = tpu.memref_squeeze %dma_wait3A_455 : memref<1x128x128xf32, #tpu.memory_space<vmem>> -> memref<128x128xf32, #tpu.memory_space<vmem>>
        %dma_wait3A_457 = arith.constant 0 : i32
        %dma_wait3A_458 = tpu.memref_slice %arg8[%run_scoped3A_110, %dma_wait3A_457] : memref<16x128xi32, #tpu.memory_space<vmem>> -> memref<1x128xi32, #tpu.memory_space<vmem>>
        %dma_wait3A_459 = tpu.memref_squeeze %dma_wait3A_458 : memref<1x128xi32, #tpu.memory_space<vmem>> -> memref<128xi32, #tpu.memory_space<vmem>>
        %dma_wait3A_460 = arith.constant 0 : i32
        %dma_wait3A_461 = arith.constant 0 : i32
        %dma_wait3A_462 = tpu.memref_slice %arg15[%dma_wait3A_460, %dma_wait3A_461] : memref<4096x128xf32, #tpu.memory_space<vmem_shared>> -> memref<4096x128xf32, #tpu.memory_space<vmem_shared>>
        tpu.wait_indirect_dma semaphore(%run_scoped3A_442 : memref<!tpu.dma_semaphore, #tpu.memory_space<semaphore_mem>>) src(%dma_wait3A_456 : memref<128x128xf32, #tpu.memory_space<vmem>>) dst(%dma_wait3A_462 : memref<4096x128xf32, #tpu.memory_space<vmem_shared>>)
        tpu.yield
      }) : () -> ()
      %dma_wait3A_111 = arith.constant 3 : i32
      %dma_wait3A_112 = arith.constant 1 : i32
      %dma_wait3A_113 = arith.constant 0 : i32
      %dma_wait3A_114 = arith.constant 0 : i32
      %dma_wait3A_115 = tpu.memref_slice %arg9[%dma_wait3A_112, %dma_wait3A_113, %dma_wait3A_114] : memref<2x128x128xf32, #tpu.memory_space<vmem>> -> memref<1x128x128xf32, #tpu.memory_space<vmem>>
      %dma_wait3A_116 = tpu.memref_squeeze %dma_wait3A_115 : memref<1x128x128xf32, #tpu.memory_space<vmem>> -> memref<128x128xf32, #tpu.memory_space<vmem>>
      %dma_wait3A_117 = arith.constant 0 : i32
      %dma_wait3A_118 = tpu.memref_slice %arg7[%dma_wait3A_111, %dma_wait3A_117] : memref<16x128xi32, #tpu.memory_space<vmem>> -> memref<1x128xi32, #tpu.memory_space<vmem>>
      %dma_wait3A_119 = tpu.memref_squeeze %dma_wait3A_118 : memref<1x128xi32, #tpu.memory_space<vmem>> -> memref<128xi32, #tpu.memory_space<vmem>>
      %dma_wait3A_120 = arith.constant 0 : i32
      %dma_wait3A_121 = arith.constant 0 : i32
      %dma_wait3A_122 = tpu.memref_slice %arg2[%dma_wait3A_120, %dma_wait3A_121] : memref<4096x128xf32, #tpu.memory_space<hbm>> -> memref<4096x128xf32, #tpu.memory_space<hbm>>
      tpu.wait_indirect_dma semaphore(%arg18 : memref<!tpu.dma_semaphore, #tpu.memory_space<semaphore_mem>>) src(%dma_wait3A_122 : memref<4096x128xf32, #tpu.memory_space<hbm>>) dst(%dma_wait3A_116 : memref<128x128xf32, #tpu.memory_space<vmem>>)
      %dma_start3A_123 = arith.constant 4 : i32
      %dma_start3A_124 = arith.constant 0 : i32
      %dma_start3A_125 = arith.constant 0 : i32
      %dma_start3A_126 = arith.constant 0 : i32
      %dma_start3A_127 = tpu.memref_slice %arg9[%dma_start3A_124, %dma_start3A_125, %dma_start3A_126] : memref<2x128x128xf32, #tpu.memory_space<vmem>> -> memref<1x128x128xf32, #tpu.memory_space<vmem>>
      %dma_start3A_128 = tpu.memref_squeeze %dma_start3A_127 : memref<1x128x128xf32, #tpu.memory_space<vmem>> -> memref<128x128xf32, #tpu.memory_space<vmem>>
      %dma_start3A_129 = arith.constant 0 : i32
      %dma_start3A_130 = tpu.memref_slice %arg7[%dma_start3A_123, %dma_start3A_129] : memref<16x128xi32, #tpu.memory_space<vmem>> -> memref<1x128xi32, #tpu.memory_space<vmem>>
      %dma_start3A_131 = tpu.memref_squeeze %dma_start3A_130 : memref<1x128xi32, #tpu.memory_space<vmem>> -> memref<128xi32, #tpu.memory_space<vmem>>
      %dma_start3A_132 = arith.constant 0 : i32
      %dma_start3A_133 = arith.constant 0 : i32
      %dma_start3A_134 = tpu.memref_slice %arg2[%dma_start3A_132, %dma_start3A_133] : memref<4096x128xf32, #tpu.memory_space<hbm>> -> memref<4096x128xf32, #tpu.memory_space<hbm>>
      tpu.enqueue_indirect_dma source(%dma_start3A_134 : memref<4096x128xf32, #tpu.memory_space<hbm>>) target(%dma_start3A_128 : memref<128x128xf32, #tpu.memory_space<vmem>>) offsets(%dma_start3A_131 : memref<128xi32, #tpu.memory_space<vmem>>) semaphore(%arg18 : memref<!tpu.dma_semaphore, #tpu.memory_space<semaphore_mem>>)
      %run_scoped3A_135 = arith.constant 1 : i32
      %run_scoped3A_136 = arith.constant 3 : i32
      "tpu.region"() ({
        %run_scoped3A_442 = tpu.sem_alloc : memref<!tpu.dma_semaphore, #tpu.memory_space<semaphore_mem>>
        %dma_start3A_443 = arith.constant 0 : i32
        %dma_start3A_444 = arith.constant 0 : i32
        %dma_start3A_445 = tpu.memref_slice %arg9[%run_scoped3A_135, %dma_start3A_443, %dma_start3A_444] : memref<2x128x128xf32, #tpu.memory_space<vmem>> -> memref<1x128x128xf32, #tpu.memory_space<vmem>>
        %dma_start3A_446 = tpu.memref_squeeze %dma_start3A_445 : memref<1x128x128xf32, #tpu.memory_space<vmem>> -> memref<128x128xf32, #tpu.memory_space<vmem>>
        %dma_start3A_447 = arith.constant 0 : i32
        %dma_start3A_448 = tpu.memref_slice %arg8[%run_scoped3A_136, %dma_start3A_447] : memref<16x128xi32, #tpu.memory_space<vmem>> -> memref<1x128xi32, #tpu.memory_space<vmem>>
        %dma_start3A_449 = tpu.memref_squeeze %dma_start3A_448 : memref<1x128xi32, #tpu.memory_space<vmem>> -> memref<128xi32, #tpu.memory_space<vmem>>
        %dma_start3A_450 = arith.constant 0 : i32
        %dma_start3A_451 = arith.constant 0 : i32
        %dma_start3A_452 = tpu.memref_slice %arg15[%dma_start3A_450, %dma_start3A_451] : memref<4096x128xf32, #tpu.memory_space<vmem_shared>> -> memref<4096x128xf32, #tpu.memory_space<vmem_shared>>
        tpu.enqueue_indirect_dma source(%dma_start3A_446 : memref<128x128xf32, #tpu.memory_space<vmem>>) target(%dma_start3A_452 : memref<4096x128xf32, #tpu.memory_space<vmem_shared>>) offsets(%dma_start3A_449 : memref<128xi32, #tpu.memory_space<vmem>>) semaphore(%run_scoped3A_442 : memref<!tpu.dma_semaphore, #tpu.memory_space<semaphore_mem>>) {add = true}
        %dma_wait3A_453 = arith.constant 0 : i32
        %dma_wait3A_454 = arith.constant 0 : i32
        %dma_wait3A_455 = tpu.memref_slice %arg9[%run_scoped3A_135, %dma_wait3A_453, %dma_wait3A_454] : memref<2x128x128xf32, #tpu.memory_space<vmem>> -> memref<1x128x128xf32, #tpu.memory_space<vmem>>
        %dma_wait3A_456 = tpu.memref_squeeze %dma_wait3A_455 : memref<1x128x128xf32, #tpu.memory_space<vmem>> -> memref<128x128xf32, #tpu.memory_space<vmem>>
        %dma_wait3A_457 = arith.constant 0 : i32
        %dma_wait3A_458 = tpu.memref_slice %arg8[%run_scoped3A_136, %dma_wait3A_457] : memref<16x128xi32, #tpu.memory_space<vmem>> -> memref<1x128xi32, #tpu.memory_space<vmem>>
        %dma_wait3A_459 = tpu.memref_squeeze %dma_wait3A_458 : memref<1x128xi32, #tpu.memory_space<vmem>> -> memref<128xi32, #tpu.memory_space<vmem>>
        %dma_wait3A_460 = arith.constant 0 : i32
        %dma_wait3A_461 = arith.constant 0 : i32
        %dma_wait3A_462 = tpu.memref_slice %arg15[%dma_wait3A_460, %dma_wait3A_461] : memref<4096x128xf32, #tpu.memory_space<vmem_shared>> -> memref<4096x128xf32, #tpu.memory_space<vmem_shared>>
        tpu.wait_indirect_dma semaphore(%run_scoped3A_442 : memref<!tpu.dma_semaphore, #tpu.memory_space<semaphore_mem>>) src(%dma_wait3A_456 : memref<128x128xf32, #tpu.memory_space<vmem>>) dst(%dma_wait3A_462 : memref<4096x128xf32, #tpu.memory_space<vmem_shared>>)
        tpu.yield
      }) : () -> ()
      %dma_wait3A_137 = arith.constant 4 : i32
      %dma_wait3A_138 = arith.constant 0 : i32
      %dma_wait3A_139 = arith.constant 0 : i32
      %dma_wait3A_140 = arith.constant 0 : i32
      %dma_wait3A_141 = tpu.memref_slice %arg9[%dma_wait3A_138, %dma_wait3A_139, %dma_wait3A_140] : memref<2x128x128xf32, #tpu.memory_space<vmem>> -> memref<1x128x128xf32, #tpu.memory_space<vmem>>
      %dma_wait3A_142 = tpu.memref_squeeze %dma_wait3A_141 : memref<1x128x128xf32, #tpu.memory_space<vmem>> -> memref<128x128xf32, #tpu.memory_space<vmem>>
      %dma_wait3A_143 = arith.constant 0 : i32
      %dma_wait3A_144 = tpu.memref_slice %arg7[%dma_wait3A_137, %dma_wait3A_143] : memref<16x128xi32, #tpu.memory_space<vmem>> -> memref<1x128xi32, #tpu.memory_space<vmem>>
      %dma_wait3A_145 = tpu.memref_squeeze %dma_wait3A_144 : memref<1x128xi32, #tpu.memory_space<vmem>> -> memref<128xi32, #tpu.memory_space<vmem>>
      %dma_wait3A_146 = arith.constant 0 : i32
      %dma_wait3A_147 = arith.constant 0 : i32
      %dma_wait3A_148 = tpu.memref_slice %arg2[%dma_wait3A_146, %dma_wait3A_147] : memref<4096x128xf32, #tpu.memory_space<hbm>> -> memref<4096x128xf32, #tpu.memory_space<hbm>>
      tpu.wait_indirect_dma semaphore(%arg18 : memref<!tpu.dma_semaphore, #tpu.memory_space<semaphore_mem>>) src(%dma_wait3A_148 : memref<4096x128xf32, #tpu.memory_space<hbm>>) dst(%dma_wait3A_142 : memref<128x128xf32, #tpu.memory_space<vmem>>)
      %dma_start3A_149 = arith.constant 5 : i32
      %dma_start3A_150 = arith.constant 1 : i32
      %dma_start3A_151 = arith.constant 0 : i32
      %dma_start3A_152 = arith.constant 0 : i32
      %dma_start3A_153 = tpu.memref_slice %arg9[%dma_start3A_150, %dma_start3A_151, %dma_start3A_152] : memref<2x128x128xf32, #tpu.memory_space<vmem>> -> memref<1x128x128xf32, #tpu.memory_space<vmem>>
      %dma_start3A_154 = tpu.memref_squeeze %dma_start3A_153 : memref<1x128x128xf32, #tpu.memory_space<vmem>> -> memref<128x128xf32, #tpu.memory_space<vmem>>
      %dma_start3A_155 = arith.constant 0 : i32
      %dma_start3A_156 = tpu.memref_slice %arg7[%dma_start3A_149, %dma_start3A_155] : memref<16x128xi32, #tpu.memory_space<vmem>> -> memref<1x128xi32, #tpu.memory_space<vmem>>
      %dma_start3A_157 = tpu.memref_squeeze %dma_start3A_156 : memref<1x128xi32, #tpu.memory_space<vmem>> -> memref<128xi32, #tpu.memory_space<vmem>>
      %dma_start3A_158 = arith.constant 0 : i32
      %dma_start3A_159 = arith.constant 0 : i32
      %dma_start3A_160 = tpu.memref_slice %arg2[%dma_start3A_158, %dma_start3A_159] : memref<4096x128xf32, #tpu.memory_space<hbm>> -> memref<4096x128xf32, #tpu.memory_space<hbm>>
      tpu.enqueue_indirect_dma source(%dma_start3A_160 : memref<4096x128xf32, #tpu.memory_space<hbm>>) target(%dma_start3A_154 : memref<128x128xf32, #tpu.memory_space<vmem>>) offsets(%dma_start3A_157 : memref<128xi32, #tpu.memory_space<vmem>>) semaphore(%arg18 : memref<!tpu.dma_semaphore, #tpu.memory_space<semaphore_mem>>)
      %run_scoped3A_161 = arith.constant 0 : i32
      %run_scoped3A_162 = arith.constant 4 : i32
      "tpu.region"() ({
        %run_scoped3A_442 = tpu.sem_alloc : memref<!tpu.dma_semaphore, #tpu.memory_space<semaphore_mem>>
        %dma_start3A_443 = arith.constant 0 : i32
        %dma_start3A_444 = arith.constant 0 : i32
        %dma_start3A_445 = tpu.memref_slice %arg9[%run_scoped3A_161, %dma_start3A_443, %dma_start3A_444] : memref<2x128x128xf32, #tpu.memory_space<vmem>> -> memref<1x128x128xf32, #tpu.memory_space<vmem>>
        %dma_start3A_446 = tpu.memref_squeeze %dma_start3A_445 : memref<1x128x128xf32, #tpu.memory_space<vmem>> -> memref<128x128xf32, #tpu.memory_space<vmem>>
        %dma_start3A_447 = arith.constant 0 : i32
        %dma_start3A_448 = tpu.memref_slice %arg8[%run_scoped3A_162, %dma_start3A_447] : memref<16x128xi32, #tpu.memory_space<vmem>> -> memref<1x128xi32, #tpu.memory_space<vmem>>
        %dma_start3A_449 = tpu.memref_squeeze %dma_start3A_448 : memref<1x128xi32, #tpu.memory_space<vmem>> -> memref<128xi32, #tpu.memory_space<vmem>>
        %dma_start3A_450 = arith.constant 0 : i32
        %dma_start3A_451 = arith.constant 0 : i32
        %dma_start3A_452 = tpu.memref_slice %arg15[%dma_start3A_450, %dma_start3A_451] : memref<4096x128xf32, #tpu.memory_space<vmem_shared>> -> memref<4096x128xf32, #tpu.memory_space<vmem_shared>>
        tpu.enqueue_indirect_dma source(%dma_start3A_446 : memref<128x128xf32, #tpu.memory_space<vmem>>) target(%dma_start3A_452 : memref<4096x128xf32, #tpu.memory_space<vmem_shared>>) offsets(%dma_start3A_449 : memref<128xi32, #tpu.memory_space<vmem>>) semaphore(%run_scoped3A_442 : memref<!tpu.dma_semaphore, #tpu.memory_space<semaphore_mem>>) {add = true}
        %dma_wait3A_453 = arith.constant 0 : i32
        %dma_wait3A_454 = arith.constant 0 : i32
        %dma_wait3A_455 = tpu.memref_slice %arg9[%run_scoped3A_161, %dma_wait3A_453, %dma_wait3A_454] : memref<2x128x128xf32, #tpu.memory_space<vmem>> -> memref<1x128x128xf32, #tpu.memory_space<vmem>>
        %dma_wait3A_456 = tpu.memref_squeeze %dma_wait3A_455 : memref<1x128x128xf32, #tpu.memory_space<vmem>> -> memref<128x128xf32, #tpu.memory_space<vmem>>
        %dma_wait3A_457 = arith.constant 0 : i32
        %dma_wait3A_458 = tpu.memref_slice %arg8[%run_scoped3A_162, %dma_wait3A_457] : memref<16x128xi32, #tpu.memory_space<vmem>> -> memref<1x128xi32, #tpu.memory_space<vmem>>
        %dma_wait3A_459 = tpu.memref_squeeze %dma_wait3A_458 : memref<1x128xi32, #tpu.memory_space<vmem>> -> memref<128xi32, #tpu.memory_space<vmem>>
        %dma_wait3A_460 = arith.constant 0 : i32
        %dma_wait3A_461 = arith.constant 0 : i32
        %dma_wait3A_462 = tpu.memref_slice %arg15[%dma_wait3A_460, %dma_wait3A_461] : memref<4096x128xf32, #tpu.memory_space<vmem_shared>> -> memref<4096x128xf32, #tpu.memory_space<vmem_shared>>
        tpu.wait_indirect_dma semaphore(%run_scoped3A_442 : memref<!tpu.dma_semaphore, #tpu.memory_space<semaphore_mem>>) src(%dma_wait3A_456 : memref<128x128xf32, #tpu.memory_space<vmem>>) dst(%dma_wait3A_462 : memref<4096x128xf32, #tpu.memory_space<vmem_shared>>)
        tpu.yield
      }) : () -> ()
      %dma_wait3A_163 = arith.constant 5 : i32
      %dma_wait3A_164 = arith.constant 1 : i32
      %dma_wait3A_165 = arith.constant 0 : i32
      %dma_wait3A_166 = arith.constant 0 : i32
      %dma_wait3A_167 = tpu.memref_slice %arg9[%dma_wait3A_164, %dma_wait3A_165, %dma_wait3A_166] : memref<2x128x128xf32, #tpu.memory_space<vmem>> -> memref<1x128x128xf32, #tpu.memory_space<vmem>>
      %dma_wait3A_168 = tpu.memref_squeeze %dma_wait3A_167 : memref<1x128x128xf32, #tpu.memory_space<vmem>> -> memref<128x128xf32, #tpu.memory_space<vmem>>
      %dma_wait3A_169 = arith.constant 0 : i32
      %dma_wait3A_170 = tpu.memref_slice %arg7[%dma_wait3A_163, %dma_wait3A_169] : memref<16x128xi32, #tpu.memory_space<vmem>> -> memref<1x128xi32, #tpu.memory_space<vmem>>
      %dma_wait3A_171 = tpu.memref_squeeze %dma_wait3A_170 : memref<1x128xi32, #tpu.memory_space<vmem>> -> memref<128xi32, #tpu.memory_space<vmem>>
      %dma_wait3A_172 = arith.constant 0 : i32
      %dma_wait3A_173 = arith.constant 0 : i32
      %dma_wait3A_174 = tpu.memref_slice %arg2[%dma_wait3A_172, %dma_wait3A_173] : memref<4096x128xf32, #tpu.memory_space<hbm>> -> memref<4096x128xf32, #tpu.memory_space<hbm>>
      tpu.wait_indirect_dma semaphore(%arg18 : memref<!tpu.dma_semaphore, #tpu.memory_space<semaphore_mem>>) src(%dma_wait3A_174 : memref<4096x128xf32, #tpu.memory_space<hbm>>) dst(%dma_wait3A_168 : memref<128x128xf32, #tpu.memory_space<vmem>>)
      %dma_start3A_175 = arith.constant 6 : i32
      %dma_start3A_176 = arith.constant 0 : i32
      %dma_start3A_177 = arith.constant 0 : i32
      %dma_start3A_178 = arith.constant 0 : i32
      %dma_start3A_179 = tpu.memref_slice %arg9[%dma_start3A_176, %dma_start3A_177, %dma_start3A_178] : memref<2x128x128xf32, #tpu.memory_space<vmem>> -> memref<1x128x128xf32, #tpu.memory_space<vmem>>
      %dma_start3A_180 = tpu.memref_squeeze %dma_start3A_179 : memref<1x128x128xf32, #tpu.memory_space<vmem>> -> memref<128x128xf32, #tpu.memory_space<vmem>>
      %dma_start3A_181 = arith.constant 0 : i32
      %dma_start3A_182 = tpu.memref_slice %arg7[%dma_start3A_175, %dma_start3A_181] : memref<16x128xi32, #tpu.memory_space<vmem>> -> memref<1x128xi32, #tpu.memory_space<vmem>>
      %dma_start3A_183 = tpu.memref_squeeze %dma_start3A_182 : memref<1x128xi32, #tpu.memory_space<vmem>> -> memref<128xi32, #tpu.memory_space<vmem>>
      %dma_start3A_184 = arith.constant 0 : i32
      %dma_start3A_185 = arith.constant 0 : i32
      %dma_start3A_186 = tpu.memref_slice %arg2[%dma_start3A_184, %dma_start3A_185] : memref<4096x128xf32, #tpu.memory_space<hbm>> -> memref<4096x128xf32, #tpu.memory_space<hbm>>
      tpu.enqueue_indirect_dma source(%dma_start3A_186 : memref<4096x128xf32, #tpu.memory_space<hbm>>) target(%dma_start3A_180 : memref<128x128xf32, #tpu.memory_space<vmem>>) offsets(%dma_start3A_183 : memref<128xi32, #tpu.memory_space<vmem>>) semaphore(%arg18 : memref<!tpu.dma_semaphore, #tpu.memory_space<semaphore_mem>>)
      %run_scoped3A_187 = arith.constant 1 : i32
      %run_scoped3A_188 = arith.constant 5 : i32
      "tpu.region"() ({
        %run_scoped3A_442 = tpu.sem_alloc : memref<!tpu.dma_semaphore, #tpu.memory_space<semaphore_mem>>
        %dma_start3A_443 = arith.constant 0 : i32
        %dma_start3A_444 = arith.constant 0 : i32
        %dma_start3A_445 = tpu.memref_slice %arg9[%run_scoped3A_187, %dma_start3A_443, %dma_start3A_444] : memref<2x128x128xf32, #tpu.memory_space<vmem>> -> memref<1x128x128xf32, #tpu.memory_space<vmem>>
        %dma_start3A_446 = tpu.memref_squeeze %dma_start3A_445 : memref<1x128x128xf32, #tpu.memory_space<vmem>> -> memref<128x128xf32, #tpu.memory_space<vmem>>
        %dma_start3A_447 = arith.constant 0 : i32
        %dma_start3A_448 = tpu.memref_slice %arg8[%run_scoped3A_188, %dma_start3A_447] : memref<16x128xi32, #tpu.memory_space<vmem>> -> memref<1x128xi32, #tpu.memory_space<vmem>>
        %dma_start3A_449 = tpu.memref_squeeze %dma_start3A_448 : memref<1x128xi32, #tpu.memory_space<vmem>> -> memref<128xi32, #tpu.memory_space<vmem>>
        %dma_start3A_450 = arith.constant 0 : i32
        %dma_start3A_451 = arith.constant 0 : i32
        %dma_start3A_452 = tpu.memref_slice %arg15[%dma_start3A_450, %dma_start3A_451] : memref<4096x128xf32, #tpu.memory_space<vmem_shared>> -> memref<4096x128xf32, #tpu.memory_space<vmem_shared>>
        tpu.enqueue_indirect_dma source(%dma_start3A_446 : memref<128x128xf32, #tpu.memory_space<vmem>>) target(%dma_start3A_452 : memref<4096x128xf32, #tpu.memory_space<vmem_shared>>) offsets(%dma_start3A_449 : memref<128xi32, #tpu.memory_space<vmem>>) semaphore(%run_scoped3A_442 : memref<!tpu.dma_semaphore, #tpu.memory_space<semaphore_mem>>) {add = true}
        %dma_wait3A_453 = arith.constant 0 : i32
        %dma_wait3A_454 = arith.constant 0 : i32
        %dma_wait3A_455 = tpu.memref_slice %arg9[%run_scoped3A_187, %dma_wait3A_453, %dma_wait3A_454] : memref<2x128x128xf32, #tpu.memory_space<vmem>> -> memref<1x128x128xf32, #tpu.memory_space<vmem>>
        %dma_wait3A_456 = tpu.memref_squeeze %dma_wait3A_455 : memref<1x128x128xf32, #tpu.memory_space<vmem>> -> memref<128x128xf32, #tpu.memory_space<vmem>>
        %dma_wait3A_457 = arith.constant 0 : i32
        %dma_wait3A_458 = tpu.memref_slice %arg8[%run_scoped3A_188, %dma_wait3A_457] : memref<16x128xi32, #tpu.memory_space<vmem>> -> memref<1x128xi32, #tpu.memory_space<vmem>>
        %dma_wait3A_459 = tpu.memref_squeeze %dma_wait3A_458 : memref<1x128xi32, #tpu.memory_space<vmem>> -> memref<128xi32, #tpu.memory_space<vmem>>
        %dma_wait3A_460 = arith.constant 0 : i32
        %dma_wait3A_461 = arith.constant 0 : i32
        %dma_wait3A_462 = tpu.memref_slice %arg15[%dma_wait3A_460, %dma_wait3A_461] : memref<4096x128xf32, #tpu.memory_space<vmem_shared>> -> memref<4096x128xf32, #tpu.memory_space<vmem_shared>>
        tpu.wait_indirect_dma semaphore(%run_scoped3A_442 : memref<!tpu.dma_semaphore, #tpu.memory_space<semaphore_mem>>) src(%dma_wait3A_456 : memref<128x128xf32, #tpu.memory_space<vmem>>) dst(%dma_wait3A_462 : memref<4096x128xf32, #tpu.memory_space<vmem_shared>>)
        tpu.yield
      }) : () -> ()
      %dma_wait3A_189 = arith.constant 6 : i32
      %dma_wait3A_190 = arith.constant 0 : i32
      %dma_wait3A_191 = arith.constant 0 : i32
      %dma_wait3A_192 = arith.constant 0 : i32
      %dma_wait3A_193 = tpu.memref_slice %arg9[%dma_wait3A_190, %dma_wait3A_191, %dma_wait3A_192] : memref<2x128x128xf32, #tpu.memory_space<vmem>> -> memref<1x128x128xf32, #tpu.memory_space<vmem>>
      %dma_wait3A_194 = tpu.memref_squeeze %dma_wait3A_193 : memref<1x128x128xf32, #tpu.memory_space<vmem>> -> memref<128x128xf32, #tpu.memory_space<vmem>>
      %dma_wait3A_195 = arith.constant 0 : i32
      %dma_wait3A_196 = tpu.memref_slice %arg7[%dma_wait3A_189, %dma_wait3A_195] : memref<16x128xi32, #tpu.memory_space<vmem>> -> memref<1x128xi32, #tpu.memory_space<vmem>>
      %dma_wait3A_197 = tpu.memref_squeeze %dma_wait3A_196 : memref<1x128xi32, #tpu.memory_space<vmem>> -> memref<128xi32, #tpu.memory_space<vmem>>
      %dma_wait3A_198 = arith.constant 0 : i32
      %dma_wait3A_199 = arith.constant 0 : i32
      %dma_wait3A_200 = tpu.memref_slice %arg2[%dma_wait3A_198, %dma_wait3A_199] : memref<4096x128xf32, #tpu.memory_space<hbm>> -> memref<4096x128xf32, #tpu.memory_space<hbm>>
      tpu.wait_indirect_dma semaphore(%arg18 : memref<!tpu.dma_semaphore, #tpu.memory_space<semaphore_mem>>) src(%dma_wait3A_200 : memref<4096x128xf32, #tpu.memory_space<hbm>>) dst(%dma_wait3A_194 : memref<128x128xf32, #tpu.memory_space<vmem>>)
      %dma_start3A_201 = arith.constant 7 : i32
      %dma_start3A_202 = arith.constant 1 : i32
      %dma_start3A_203 = arith.constant 0 : i32
      %dma_start3A_204 = arith.constant 0 : i32
      %dma_start3A_205 = tpu.memref_slice %arg9[%dma_start3A_202, %dma_start3A_203, %dma_start3A_204] : memref<2x128x128xf32, #tpu.memory_space<vmem>> -> memref<1x128x128xf32, #tpu.memory_space<vmem>>
      %dma_start3A_206 = tpu.memref_squeeze %dma_start3A_205 : memref<1x128x128xf32, #tpu.memory_space<vmem>> -> memref<128x128xf32, #tpu.memory_space<vmem>>
      %dma_start3A_207 = arith.constant 0 : i32
      %dma_start3A_208 = tpu.memref_slice %arg7[%dma_start3A_201, %dma_start3A_207] : memref<16x128xi32, #tpu.memory_space<vmem>> -> memref<1x128xi32, #tpu.memory_space<vmem>>
      %dma_start3A_209 = tpu.memref_squeeze %dma_start3A_208 : memref<1x128xi32, #tpu.memory_space<vmem>> -> memref<128xi32, #tpu.memory_space<vmem>>
      %dma_start3A_210 = arith.constant 0 : i32
      %dma_start3A_211 = arith.constant 0 : i32
      %dma_start3A_212 = tpu.memref_slice %arg2[%dma_start3A_210, %dma_start3A_211] : memref<4096x128xf32, #tpu.memory_space<hbm>> -> memref<4096x128xf32, #tpu.memory_space<hbm>>
      tpu.enqueue_indirect_dma source(%dma_start3A_212 : memref<4096x128xf32, #tpu.memory_space<hbm>>) target(%dma_start3A_206 : memref<128x128xf32, #tpu.memory_space<vmem>>) offsets(%dma_start3A_209 : memref<128xi32, #tpu.memory_space<vmem>>) semaphore(%arg18 : memref<!tpu.dma_semaphore, #tpu.memory_space<semaphore_mem>>)
      %run_scoped3A_213 = arith.constant 0 : i32
      %run_scoped3A_214 = arith.constant 6 : i32
      "tpu.region"() ({
        %run_scoped3A_442 = tpu.sem_alloc : memref<!tpu.dma_semaphore, #tpu.memory_space<semaphore_mem>>
        %dma_start3A_443 = arith.constant 0 : i32
        %dma_start3A_444 = arith.constant 0 : i32
        %dma_start3A_445 = tpu.memref_slice %arg9[%run_scoped3A_213, %dma_start3A_443, %dma_start3A_444] : memref<2x128x128xf32, #tpu.memory_space<vmem>> -> memref<1x128x128xf32, #tpu.memory_space<vmem>>
        %dma_start3A_446 = tpu.memref_squeeze %dma_start3A_445 : memref<1x128x128xf32, #tpu.memory_space<vmem>> -> memref<128x128xf32, #tpu.memory_space<vmem>>
        %dma_start3A_447 = arith.constant 0 : i32
        %dma_start3A_448 = tpu.memref_slice %arg8[%run_scoped3A_214, %dma_start3A_447] : memref<16x128xi32, #tpu.memory_space<vmem>> -> memref<1x128xi32, #tpu.memory_space<vmem>>
        %dma_start3A_449 = tpu.memref_squeeze %dma_start3A_448 : memref<1x128xi32, #tpu.memory_space<vmem>> -> memref<128xi32, #tpu.memory_space<vmem>>
        %dma_start3A_450 = arith.constant 0 : i32
        %dma_start3A_451 = arith.constant 0 : i32
        %dma_start3A_452 = tpu.memref_slice %arg15[%dma_start3A_450, %dma_start3A_451] : memref<4096x128xf32, #tpu.memory_space<vmem_shared>> -> memref<4096x128xf32, #tpu.memory_space<vmem_shared>>
        tpu.enqueue_indirect_dma source(%dma_start3A_446 : memref<128x128xf32, #tpu.memory_space<vmem>>) target(%dma_start3A_452 : memref<4096x128xf32, #tpu.memory_space<vmem_shared>>) offsets(%dma_start3A_449 : memref<128xi32, #tpu.memory_space<vmem>>) semaphore(%run_scoped3A_442 : memref<!tpu.dma_semaphore, #tpu.memory_space<semaphore_mem>>) {add = true}
        %dma_wait3A_453 = arith.constant 0 : i32
        %dma_wait3A_454 = arith.constant 0 : i32
        %dma_wait3A_455 = tpu.memref_slice %arg9[%run_scoped3A_213, %dma_wait3A_453, %dma_wait3A_454] : memref<2x128x128xf32, #tpu.memory_space<vmem>> -> memref<1x128x128xf32, #tpu.memory_space<vmem>>
        %dma_wait3A_456 = tpu.memref_squeeze %dma_wait3A_455 : memref<1x128x128xf32, #tpu.memory_space<vmem>> -> memref<128x128xf32, #tpu.memory_space<vmem>>
        %dma_wait3A_457 = arith.constant 0 : i32
        %dma_wait3A_458 = tpu.memref_slice %arg8[%run_scoped3A_214, %dma_wait3A_457] : memref<16x128xi32, #tpu.memory_space<vmem>> -> memref<1x128xi32, #tpu.memory_space<vmem>>
        %dma_wait3A_459 = tpu.memref_squeeze %dma_wait3A_458 : memref<1x128xi32, #tpu.memory_space<vmem>> -> memref<128xi32, #tpu.memory_space<vmem>>
        %dma_wait3A_460 = arith.constant 0 : i32
        %dma_wait3A_461 = arith.constant 0 : i32
        %dma_wait3A_462 = tpu.memref_slice %arg15[%dma_wait3A_460, %dma_wait3A_461] : memref<4096x128xf32, #tpu.memory_space<vmem_shared>> -> memref<4096x128xf32, #tpu.memory_space<vmem_shared>>
        tpu.wait_indirect_dma semaphore(%run_scoped3A_442 : memref<!tpu.dma_semaphore, #tpu.memory_space<semaphore_mem>>) src(%dma_wait3A_456 : memref<128x128xf32, #tpu.memory_space<vmem>>) dst(%dma_wait3A_462 : memref<4096x128xf32, #tpu.memory_space<vmem_shared>>)
        tpu.yield
      }) : () -> ()
      %dma_wait3A_215 = arith.constant 7 : i32
      %dma_wait3A_216 = arith.constant 1 : i32
      %dma_wait3A_217 = arith.constant 0 : i32
      %dma_wait3A_218 = arith.constant 0 : i32
      %dma_wait3A_219 = tpu.memref_slice %arg9[%dma_wait3A_216, %dma_wait3A_217, %dma_wait3A_218] : memref<2x128x128xf32, #tpu.memory_space<vmem>> -> memref<1x128x128xf32, #tpu.memory_space<vmem>>
      %dma_wait3A_220 = tpu.memref_squeeze %dma_wait3A_219 : memref<1x128x128xf32, #tpu.memory_space<vmem>> -> memref<128x128xf32, #tpu.memory_space<vmem>>
      %dma_wait3A_221 = arith.constant 0 : i32
      %dma_wait3A_222 = tpu.memref_slice %arg7[%dma_wait3A_215, %dma_wait3A_221] : memref<16x128xi32, #tpu.memory_space<vmem>> -> memref<1x128xi32, #tpu.memory_space<vmem>>
      %dma_wait3A_223 = tpu.memref_squeeze %dma_wait3A_222 : memref<1x128xi32, #tpu.memory_space<vmem>> -> memref<128xi32, #tpu.memory_space<vmem>>
      %dma_wait3A_224 = arith.constant 0 : i32
      %dma_wait3A_225 = arith.constant 0 : i32
      %dma_wait3A_226 = tpu.memref_slice %arg2[%dma_wait3A_224, %dma_wait3A_225] : memref<4096x128xf32, #tpu.memory_space<hbm>> -> memref<4096x128xf32, #tpu.memory_space<hbm>>
      tpu.wait_indirect_dma semaphore(%arg18 : memref<!tpu.dma_semaphore, #tpu.memory_space<semaphore_mem>>) src(%dma_wait3A_226 : memref<4096x128xf32, #tpu.memory_space<hbm>>) dst(%dma_wait3A_220 : memref<128x128xf32, #tpu.memory_space<vmem>>)
      %dma_start3A_227 = arith.constant 8 : i32
      %dma_start3A_228 = arith.constant 0 : i32
      %dma_start3A_229 = arith.constant 0 : i32
      %dma_start3A_230 = arith.constant 0 : i32
      %dma_start3A_231 = tpu.memref_slice %arg9[%dma_start3A_228, %dma_start3A_229, %dma_start3A_230] : memref<2x128x128xf32, #tpu.memory_space<vmem>> -> memref<1x128x128xf32, #tpu.memory_space<vmem>>
      %dma_start3A_232 = tpu.memref_squeeze %dma_start3A_231 : memref<1x128x128xf32, #tpu.memory_space<vmem>> -> memref<128x128xf32, #tpu.memory_space<vmem>>
      %dma_start3A_233 = arith.constant 0 : i32
      %dma_start3A_234 = tpu.memref_slice %arg7[%dma_start3A_227, %dma_start3A_233] : memref<16x128xi32, #tpu.memory_space<vmem>> -> memref<1x128xi32, #tpu.memory_space<vmem>>
      %dma_start3A_235 = tpu.memref_squeeze %dma_start3A_234 : memref<1x128xi32, #tpu.memory_space<vmem>> -> memref<128xi32, #tpu.memory_space<vmem>>
      %dma_start3A_236 = arith.constant 0 : i32
      %dma_start3A_237 = arith.constant 0 : i32
      %dma_start3A_238 = tpu.memref_slice %arg2[%dma_start3A_236, %dma_start3A_237] : memref<4096x128xf32, #tpu.memory_space<hbm>> -> memref<4096x128xf32, #tpu.memory_space<hbm>>
      tpu.enqueue_indirect_dma source(%dma_start3A_238 : memref<4096x128xf32, #tpu.memory_space<hbm>>) target(%dma_start3A_232 : memref<128x128xf32, #tpu.memory_space<vmem>>) offsets(%dma_start3A_235 : memref<128xi32, #tpu.memory_space<vmem>>) semaphore(%arg18 : memref<!tpu.dma_semaphore, #tpu.memory_space<semaphore_mem>>)
      %run_scoped3A_239 = arith.constant 1 : i32
      %run_scoped3A_240 = arith.constant 7 : i32
      "tpu.region"() ({
        %run_scoped3A_442 = tpu.sem_alloc : memref<!tpu.dma_semaphore, #tpu.memory_space<semaphore_mem>>
        %dma_start3A_443 = arith.constant 0 : i32
        %dma_start3A_444 = arith.constant 0 : i32
        %dma_start3A_445 = tpu.memref_slice %arg9[%run_scoped3A_239, %dma_start3A_443, %dma_start3A_444] : memref<2x128x128xf32, #tpu.memory_space<vmem>> -> memref<1x128x128xf32, #tpu.memory_space<vmem>>
        %dma_start3A_446 = tpu.memref_squeeze %dma_start3A_445 : memref<1x128x128xf32, #tpu.memory_space<vmem>> -> memref<128x128xf32, #tpu.memory_space<vmem>>
        %dma_start3A_447 = arith.constant 0 : i32
        %dma_start3A_448 = tpu.memref_slice %arg8[%run_scoped3A_240, %dma_start3A_447] : memref<16x128xi32, #tpu.memory_space<vmem>> -> memref<1x128xi32, #tpu.memory_space<vmem>>
        %dma_start3A_449 = tpu.memref_squeeze %dma_start3A_448 : memref<1x128xi32, #tpu.memory_space<vmem>> -> memref<128xi32, #tpu.memory_space<vmem>>
        %dma_start3A_450 = arith.constant 0 : i32
        %dma_start3A_451 = arith.constant 0 : i32
        %dma_start3A_452 = tpu.memref_slice %arg15[%dma_start3A_450, %dma_start3A_451] : memref<4096x128xf32, #tpu.memory_space<vmem_shared>> -> memref<4096x128xf32, #tpu.memory_space<vmem_shared>>
        tpu.enqueue_indirect_dma source(%dma_start3A_446 : memref<128x128xf32, #tpu.memory_space<vmem>>) target(%dma_start3A_452 : memref<4096x128xf32, #tpu.memory_space<vmem_shared>>) offsets(%dma_start3A_449 : memref<128xi32, #tpu.memory_space<vmem>>) semaphore(%run_scoped3A_442 : memref<!tpu.dma_semaphore, #tpu.memory_space<semaphore_mem>>) {add = true}
        %dma_wait3A_453 = arith.constant 0 : i32
        %dma_wait3A_454 = arith.constant 0 : i32
        %dma_wait3A_455 = tpu.memref_slice %arg9[%run_scoped3A_239, %dma_wait3A_453, %dma_wait3A_454] : memref<2x128x128xf32, #tpu.memory_space<vmem>> -> memref<1x128x128xf32, #tpu.memory_space<vmem>>
        %dma_wait3A_456 = tpu.memref_squeeze %dma_wait3A_455 : memref<1x128x128xf32, #tpu.memory_space<vmem>> -> memref<128x128xf32, #tpu.memory_space<vmem>>
        %dma_wait3A_457 = arith.constant 0 : i32
        %dma_wait3A_458 = tpu.memref_slice %arg8[%run_scoped3A_240, %dma_wait3A_457] : memref<16x128xi32, #tpu.memory_space<vmem>> -> memref<1x128xi32, #tpu.memory_space<vmem>>
        %dma_wait3A_459 = tpu.memref_squeeze %dma_wait3A_458 : memref<1x128xi32, #tpu.memory_space<vmem>> -> memref<128xi32, #tpu.memory_space<vmem>>
        %dma_wait3A_460 = arith.constant 0 : i32
        %dma_wait3A_461 = arith.constant 0 : i32
        %dma_wait3A_462 = tpu.memref_slice %arg15[%dma_wait3A_460, %dma_wait3A_461] : memref<4096x128xf32, #tpu.memory_space<vmem_shared>> -> memref<4096x128xf32, #tpu.memory_space<vmem_shared>>
        tpu.wait_indirect_dma semaphore(%run_scoped3A_442 : memref<!tpu.dma_semaphore, #tpu.memory_space<semaphore_mem>>) src(%dma_wait3A_456 : memref<128x128xf32, #tpu.memory_space<vmem>>) dst(%dma_wait3A_462 : memref<4096x128xf32, #tpu.memory_space<vmem_shared>>)
        tpu.yield
      }) : () -> ()
      %dma_wait3A_241 = arith.constant 8 : i32
      %dma_wait3A_242 = arith.constant 0 : i32
      %dma_wait3A_243 = arith.constant 0 : i32
      %dma_wait3A_244 = arith.constant 0 : i32
      %dma_wait3A_245 = tpu.memref_slice %arg9[%dma_wait3A_242, %dma_wait3A_243, %dma_wait3A_244] : memref<2x128x128xf32, #tpu.memory_space<vmem>> -> memref<1x128x128xf32, #tpu.memory_space<vmem>>
      %dma_wait3A_246 = tpu.memref_squeeze %dma_wait3A_245 : memref<1x128x128xf32, #tpu.memory_space<vmem>> -> memref<128x128xf32, #tpu.memory_space<vmem>>
      %dma_wait3A_247 = arith.constant 0 : i32
      %dma_wait3A_248 = tpu.memref_slice %arg7[%dma_wait3A_241, %dma_wait3A_247] : memref<16x128xi32, #tpu.memory_space<vmem>> -> memref<1x128xi32, #tpu.memory_space<vmem>>
      %dma_wait3A_249 = tpu.memref_squeeze %dma_wait3A_248 : memref<1x128xi32, #tpu.memory_space<vmem>> -> memref<128xi32, #tpu.memory_space<vmem>>
      %dma_wait3A_250 = arith.constant 0 : i32
      %dma_wait3A_251 = arith.constant 0 : i32
      %dma_wait3A_252 = tpu.memref_slice %arg2[%dma_wait3A_250, %dma_wait3A_251] : memref<4096x128xf32, #tpu.memory_space<hbm>> -> memref<4096x128xf32, #tpu.memory_space<hbm>>
      tpu.wait_indirect_dma semaphore(%arg18 : memref<!tpu.dma_semaphore, #tpu.memory_space<semaphore_mem>>) src(%dma_wait3A_252 : memref<4096x128xf32, #tpu.memory_space<hbm>>) dst(%dma_wait3A_246 : memref<128x128xf32, #tpu.memory_space<vmem>>)
      %dma_start3A_253 = arith.constant 9 : i32
      %dma_start3A_254 = arith.constant 1 : i32
      %dma_start3A_255 = arith.constant 0 : i32
      %dma_start3A_256 = arith.constant 0 : i32
      %dma_start3A_257 = tpu.memref_slice %arg9[%dma_start3A_254, %dma_start3A_255, %dma_start3A_256] : memref<2x128x128xf32, #tpu.memory_space<vmem>> -> memref<1x128x128xf32, #tpu.memory_space<vmem>>
      %dma_start3A_258 = tpu.memref_squeeze %dma_start3A_257 : memref<1x128x128xf32, #tpu.memory_space<vmem>> -> memref<128x128xf32, #tpu.memory_space<vmem>>
      %dma_start3A_259 = arith.constant 0 : i32
      %dma_start3A_260 = tpu.memref_slice %arg7[%dma_start3A_253, %dma_start3A_259] : memref<16x128xi32, #tpu.memory_space<vmem>> -> memref<1x128xi32, #tpu.memory_space<vmem>>
      %dma_start3A_261 = tpu.memref_squeeze %dma_start3A_260 : memref<1x128xi32, #tpu.memory_space<vmem>> -> memref<128xi32, #tpu.memory_space<vmem>>
      %dma_start3A_262 = arith.constant 0 : i32
      %dma_start3A_263 = arith.constant 0 : i32
      %dma_start3A_264 = tpu.memref_slice %arg2[%dma_start3A_262, %dma_start3A_263] : memref<4096x128xf32, #tpu.memory_space<hbm>> -> memref<4096x128xf32, #tpu.memory_space<hbm>>
      tpu.enqueue_indirect_dma source(%dma_start3A_264 : memref<4096x128xf32, #tpu.memory_space<hbm>>) target(%dma_start3A_258 : memref<128x128xf32, #tpu.memory_space<vmem>>) offsets(%dma_start3A_261 : memref<128xi32, #tpu.memory_space<vmem>>) semaphore(%arg18 : memref<!tpu.dma_semaphore, #tpu.memory_space<semaphore_mem>>)
      %run_scoped3A_265 = arith.constant 0 : i32
      %run_scoped3A_266 = arith.constant 8 : i32
      "tpu.region"() ({
        %run_scoped3A_442 = tpu.sem_alloc : memref<!tpu.dma_semaphore, #tpu.memory_space<semaphore_mem>>
        %dma_start3A_443 = arith.constant 0 : i32
        %dma_start3A_444 = arith.constant 0 : i32
        %dma_start3A_445 = tpu.memref_slice %arg9[%run_scoped3A_265, %dma_start3A_443, %dma_start3A_444] : memref<2x128x128xf32, #tpu.memory_space<vmem>> -> memref<1x128x128xf32, #tpu.memory_space<vmem>>
        %dma_start3A_446 = tpu.memref_squeeze %dma_start3A_445 : memref<1x128x128xf32, #tpu.memory_space<vmem>> -> memref<128x128xf32, #tpu.memory_space<vmem>>
        %dma_start3A_447 = arith.constant 0 : i32
        %dma_start3A_448 = tpu.memref_slice %arg8[%run_scoped3A_266, %dma_start3A_447] : memref<16x128xi32, #tpu.memory_space<vmem>> -> memref<1x128xi32, #tpu.memory_space<vmem>>
        %dma_start3A_449 = tpu.memref_squeeze %dma_start3A_448 : memref<1x128xi32, #tpu.memory_space<vmem>> -> memref<128xi32, #tpu.memory_space<vmem>>
        %dma_start3A_450 = arith.constant 0 : i32
        %dma_start3A_451 = arith.constant 0 : i32
        %dma_start3A_452 = tpu.memref_slice %arg15[%dma_start3A_450, %dma_start3A_451] : memref<4096x128xf32, #tpu.memory_space<vmem_shared>> -> memref<4096x128xf32, #tpu.memory_space<vmem_shared>>
        tpu.enqueue_indirect_dma source(%dma_start3A_446 : memref<128x128xf32, #tpu.memory_space<vmem>>) target(%dma_start3A_452 : memref<4096x128xf32, #tpu.memory_space<vmem_shared>>) offsets(%dma_start3A_449 : memref<128xi32, #tpu.memory_space<vmem>>) semaphore(%run_scoped3A_442 : memref<!tpu.dma_semaphore, #tpu.memory_space<semaphore_mem>>) {add = true}
        %dma_wait3A_453 = arith.constant 0 : i32
        %dma_wait3A_454 = arith.constant 0 : i32
        %dma_wait3A_455 = tpu.memref_slice %arg9[%run_scoped3A_265, %dma_wait3A_453, %dma_wait3A_454] : memref<2x128x128xf32, #tpu.memory_space<vmem>> -> memref<1x128x128xf32, #tpu.memory_space<vmem>>
        %dma_wait3A_456 = tpu.memref_squeeze %dma_wait3A_455 : memref<1x128x128xf32, #tpu.memory_space<vmem>> -> memref<128x128xf32, #tpu.memory_space<vmem>>
        %dma_wait3A_457 = arith.constant 0 : i32
        %dma_wait3A_458 = tpu.memref_slice %arg8[%run_scoped3A_266, %dma_wait3A_457] : memref<16x128xi32, #tpu.memory_space<vmem>> -> memref<1x128xi32, #tpu.memory_space<vmem>>
        %dma_wait3A_459 = tpu.memref_squeeze %dma_wait3A_458 : memref<1x128xi32, #tpu.memory_space<vmem>> -> memref<128xi32, #tpu.memory_space<vmem>>
        %dma_wait3A_460 = arith.constant 0 : i32
        %dma_wait3A_461 = arith.constant 0 : i32
        %dma_wait3A_462 = tpu.memref_slice %arg15[%dma_wait3A_460, %dma_wait3A_461] : memref<4096x128xf32, #tpu.memory_space<vmem_shared>> -> memref<4096x128xf32, #tpu.memory_space<vmem_shared>>
        tpu.wait_indirect_dma semaphore(%run_scoped3A_442 : memref<!tpu.dma_semaphore, #tpu.memory_space<semaphore_mem>>) src(%dma_wait3A_456 : memref<128x128xf32, #tpu.memory_space<vmem>>) dst(%dma_wait3A_462 : memref<4096x128xf32, #tpu.memory_space<vmem_shared>>)
        tpu.yield
      }) : () -> ()
      %dma_wait3A_267 = arith.constant 9 : i32
      %dma_wait3A_268 = arith.constant 1 : i32
      %dma_wait3A_269 = arith.constant 0 : i32
      %dma_wait3A_270 = arith.constant 0 : i32
      %dma_wait3A_271 = tpu.memref_slice %arg9[%dma_wait3A_268, %dma_wait3A_269, %dma_wait3A_270] : memref<2x128x128xf32, #tpu.memory_space<vmem>> -> memref<1x128x128xf32, #tpu.memory_space<vmem>>
      %dma_wait3A_272 = tpu.memref_squeeze %dma_wait3A_271 : memref<1x128x128xf32, #tpu.memory_space<vmem>> -> memref<128x128xf32, #tpu.memory_space<vmem>>
      %dma_wait3A_273 = arith.constant 0 : i32
      %dma_wait3A_274 = tpu.memref_slice %arg7[%dma_wait3A_267, %dma_wait3A_273] : memref<16x128xi32, #tpu.memory_space<vmem>> -> memref<1x128xi32, #tpu.memory_space<vmem>>
      %dma_wait3A_275 = tpu.memref_squeeze %dma_wait3A_274 : memref<1x128xi32, #tpu.memory_space<vmem>> -> memref<128xi32, #tpu.memory_space<vmem>>
      %dma_wait3A_276 = arith.constant 0 : i32
      %dma_wait3A_277 = arith.constant 0 : i32
      %dma_wait3A_278 = tpu.memref_slice %arg2[%dma_wait3A_276, %dma_wait3A_277] : memref<4096x128xf32, #tpu.memory_space<hbm>> -> memref<4096x128xf32, #tpu.memory_space<hbm>>
      tpu.wait_indirect_dma semaphore(%arg18 : memref<!tpu.dma_semaphore, #tpu.memory_space<semaphore_mem>>) src(%dma_wait3A_278 : memref<4096x128xf32, #tpu.memory_space<hbm>>) dst(%dma_wait3A_272 : memref<128x128xf32, #tpu.memory_space<vmem>>)
      %dma_start3A_279 = arith.constant 10 : i32
      %dma_start3A_280 = arith.constant 0 : i32
      %dma_start3A_281 = arith.constant 0 : i32
      %dma_start3A_282 = arith.constant 0 : i32
      %dma_start3A_283 = tpu.memref_slice %arg9[%dma_start3A_280, %dma_start3A_281, %dma_start3A_282] : memref<2x128x128xf32, #tpu.memory_space<vmem>> -> memref<1x128x128xf32, #tpu.memory_space<vmem>>
      %dma_start3A_284 = tpu.memref_squeeze %dma_start3A_283 : memref<1x128x128xf32, #tpu.memory_space<vmem>> -> memref<128x128xf32, #tpu.memory_space<vmem>>
      %dma_start3A_285 = arith.constant 0 : i32
      %dma_start3A_286 = tpu.memref_slice %arg7[%dma_start3A_279, %dma_start3A_285] : memref<16x128xi32, #tpu.memory_space<vmem>> -> memref<1x128xi32, #tpu.memory_space<vmem>>
      %dma_start3A_287 = tpu.memref_squeeze %dma_start3A_286 : memref<1x128xi32, #tpu.memory_space<vmem>> -> memref<128xi32, #tpu.memory_space<vmem>>
      %dma_start3A_288 = arith.constant 0 : i32
      %dma_start3A_289 = arith.constant 0 : i32
      %dma_start3A_290 = tpu.memref_slice %arg2[%dma_start3A_288, %dma_start3A_289] : memref<4096x128xf32, #tpu.memory_space<hbm>> -> memref<4096x128xf32, #tpu.memory_space<hbm>>
      tpu.enqueue_indirect_dma source(%dma_start3A_290 : memref<4096x128xf32, #tpu.memory_space<hbm>>) target(%dma_start3A_284 : memref<128x128xf32, #tpu.memory_space<vmem>>) offsets(%dma_start3A_287 : memref<128xi32, #tpu.memory_space<vmem>>) semaphore(%arg18 : memref<!tpu.dma_semaphore, #tpu.memory_space<semaphore_mem>>)
      %run_scoped3A_291 = arith.constant 1 : i32
      %run_scoped3A_292 = arith.constant 9 : i32
      "tpu.region"() ({
        %run_scoped3A_442 = tpu.sem_alloc : memref<!tpu.dma_semaphore, #tpu.memory_space<semaphore_mem>>
        %dma_start3A_443 = arith.constant 0 : i32
        %dma_start3A_444 = arith.constant 0 : i32
        %dma_start3A_445 = tpu.memref_slice %arg9[%run_scoped3A_291, %dma_start3A_443, %dma_start3A_444] : memref<2x128x128xf32, #tpu.memory_space<vmem>> -> memref<1x128x128xf32, #tpu.memory_space<vmem>>
        %dma_start3A_446 = tpu.memref_squeeze %dma_start3A_445 : memref<1x128x128xf32, #tpu.memory_space<vmem>> -> memref<128x128xf32, #tpu.memory_space<vmem>>
        %dma_start3A_447 = arith.constant 0 : i32
        %dma_start3A_448 = tpu.memref_slice %arg8[%run_scoped3A_292, %dma_start3A_447] : memref<16x128xi32, #tpu.memory_space<vmem>> -> memref<1x128xi32, #tpu.memory_space<vmem>>
        %dma_start3A_449 = tpu.memref_squeeze %dma_start3A_448 : memref<1x128xi32, #tpu.memory_space<vmem>> -> memref<128xi32, #tpu.memory_space<vmem>>
        %dma_start3A_450 = arith.constant 0 : i32
        %dma_start3A_451 = arith.constant 0 : i32
        %dma_start3A_452 = tpu.memref_slice %arg15[%dma_start3A_450, %dma_start3A_451] : memref<4096x128xf32, #tpu.memory_space<vmem_shared>> -> memref<4096x128xf32, #tpu.memory_space<vmem_shared>>
        tpu.enqueue_indirect_dma source(%dma_start3A_446 : memref<128x128xf32, #tpu.memory_space<vmem>>) target(%dma_start3A_452 : memref<4096x128xf32, #tpu.memory_space<vmem_shared>>) offsets(%dma_start3A_449 : memref<128xi32, #tpu.memory_space<vmem>>) semaphore(%run_scoped3A_442 : memref<!tpu.dma_semaphore, #tpu.memory_space<semaphore_mem>>) {add = true}
        %dma_wait3A_453 = arith.constant 0 : i32
        %dma_wait3A_454 = arith.constant 0 : i32
        %dma_wait3A_455 = tpu.memref_slice %arg9[%run_scoped3A_291, %dma_wait3A_453, %dma_wait3A_454] : memref<2x128x128xf32, #tpu.memory_space<vmem>> -> memref<1x128x128xf32, #tpu.memory_space<vmem>>
        %dma_wait3A_456 = tpu.memref_squeeze %dma_wait3A_455 : memref<1x128x128xf32, #tpu.memory_space<vmem>> -> memref<128x128xf32, #tpu.memory_space<vmem>>
        %dma_wait3A_457 = arith.constant 0 : i32
        %dma_wait3A_458 = tpu.memref_slice %arg8[%run_scoped3A_292, %dma_wait3A_457] : memref<16x128xi32, #tpu.memory_space<vmem>> -> memref<1x128xi32, #tpu.memory_space<vmem>>
        %dma_wait3A_459 = tpu.memref_squeeze %dma_wait3A_458 : memref<1x128xi32, #tpu.memory_space<vmem>> -> memref<128xi32, #tpu.memory_space<vmem>>
        %dma_wait3A_460 = arith.constant 0 : i32
        %dma_wait3A_461 = arith.constant 0 : i32
        %dma_wait3A_462 = tpu.memref_slice %arg15[%dma_wait3A_460, %dma_wait3A_461] : memref<4096x128xf32, #tpu.memory_space<vmem_shared>> -> memref<4096x128xf32, #tpu.memory_space<vmem_shared>>
        tpu.wait_indirect_dma semaphore(%run_scoped3A_442 : memref<!tpu.dma_semaphore, #tpu.memory_space<semaphore_mem>>) src(%dma_wait3A_456 : memref<128x128xf32, #tpu.memory_space<vmem>>) dst(%dma_wait3A_462 : memref<4096x128xf32, #tpu.memory_space<vmem_shared>>)
        tpu.yield
      }) : () -> ()
      %dma_wait3A_293 = arith.constant 10 : i32
      %dma_wait3A_294 = arith.constant 0 : i32
      %dma_wait3A_295 = arith.constant 0 : i32
      %dma_wait3A_296 = arith.constant 0 : i32
      %dma_wait3A_297 = tpu.memref_slice %arg9[%dma_wait3A_294, %dma_wait3A_295, %dma_wait3A_296] : memref<2x128x128xf32, #tpu.memory_space<vmem>> -> memref<1x128x128xf32, #tpu.memory_space<vmem>>
      %dma_wait3A_298 = tpu.memref_squeeze %dma_wait3A_297 : memref<1x128x128xf32, #tpu.memory_space<vmem>> -> memref<128x128xf32, #tpu.memory_space<vmem>>
      %dma_wait3A_299 = arith.constant 0 : i32
      %dma_wait3A_300 = tpu.memref_slice %arg7[%dma_wait3A_293, %dma_wait3A_299] : memref<16x128xi32, #tpu.memory_space<vmem>> -> memref<1x128xi32, #tpu.memory_space<vmem>>
      %dma_wait3A_301 = tpu.memref_squeeze %dma_wait3A_300 : memref<1x128xi32, #tpu.memory_space<vmem>> -> memref<128xi32, #tpu.memory_space<vmem>>
      %dma_wait3A_302 = arith.constant 0 : i32
      %dma_wait3A_303 = arith.constant 0 : i32
      %dma_wait3A_304 = tpu.memref_slice %arg2[%dma_wait3A_302, %dma_wait3A_303] : memref<4096x128xf32, #tpu.memory_space<hbm>> -> memref<4096x128xf32, #tpu.memory_space<hbm>>
      tpu.wait_indirect_dma semaphore(%arg18 : memref<!tpu.dma_semaphore, #tpu.memory_space<semaphore_mem>>) src(%dma_wait3A_304 : memref<4096x128xf32, #tpu.memory_space<hbm>>) dst(%dma_wait3A_298 : memref<128x128xf32, #tpu.memory_space<vmem>>)
      %dma_start3A_305 = arith.constant 11 : i32
      %dma_start3A_306 = arith.constant 1 : i32
      %dma_start3A_307 = arith.constant 0 : i32
      %dma_start3A_308 = arith.constant 0 : i32
      %dma_start3A_309 = tpu.memref_slice %arg9[%dma_start3A_306, %dma_start3A_307, %dma_start3A_308] : memref<2x128x128xf32, #tpu.memory_space<vmem>> -> memref<1x128x128xf32, #tpu.memory_space<vmem>>
      %dma_start3A_310 = tpu.memref_squeeze %dma_start3A_309 : memref<1x128x128xf32, #tpu.memory_space<vmem>> -> memref<128x128xf32, #tpu.memory_space<vmem>>
      %dma_start3A_311 = arith.constant 0 : i32
      %dma_start3A_312 = tpu.memref_slice %arg7[%dma_start3A_305, %dma_start3A_311] : memref<16x128xi32, #tpu.memory_space<vmem>> -> memref<1x128xi32, #tpu.memory_space<vmem>>
      %dma_start3A_313 = tpu.memref_squeeze %dma_start3A_312 : memref<1x128xi32, #tpu.memory_space<vmem>> -> memref<128xi32, #tpu.memory_space<vmem>>
      %dma_start3A_314 = arith.constant 0 : i32
      %dma_start3A_315 = arith.constant 0 : i32
      %dma_start3A_316 = tpu.memref_slice %arg2[%dma_start3A_314, %dma_start3A_315] : memref<4096x128xf32, #tpu.memory_space<hbm>> -> memref<4096x128xf32, #tpu.memory_space<hbm>>
      tpu.enqueue_indirect_dma source(%dma_start3A_316 : memref<4096x128xf32, #tpu.memory_space<hbm>>) target(%dma_start3A_310 : memref<128x128xf32, #tpu.memory_space<vmem>>) offsets(%dma_start3A_313 : memref<128xi32, #tpu.memory_space<vmem>>) semaphore(%arg18 : memref<!tpu.dma_semaphore, #tpu.memory_space<semaphore_mem>>)
      %run_scoped3A_317 = arith.constant 0 : i32
      %run_scoped3A_318 = arith.constant 10 : i32
      "tpu.region"() ({
        %run_scoped3A_442 = tpu.sem_alloc : memref<!tpu.dma_semaphore, #tpu.memory_space<semaphore_mem>>
        %dma_start3A_443 = arith.constant 0 : i32
        %dma_start3A_444 = arith.constant 0 : i32
        %dma_start3A_445 = tpu.memref_slice %arg9[%run_scoped3A_317, %dma_start3A_443, %dma_start3A_444] : memref<2x128x128xf32, #tpu.memory_space<vmem>> -> memref<1x128x128xf32, #tpu.memory_space<vmem>>
        %dma_start3A_446 = tpu.memref_squeeze %dma_start3A_445 : memref<1x128x128xf32, #tpu.memory_space<vmem>> -> memref<128x128xf32, #tpu.memory_space<vmem>>
        %dma_start3A_447 = arith.constant 0 : i32
        %dma_start3A_448 = tpu.memref_slice %arg8[%run_scoped3A_318, %dma_start3A_447] : memref<16x128xi32, #tpu.memory_space<vmem>> -> memref<1x128xi32, #tpu.memory_space<vmem>>
        %dma_start3A_449 = tpu.memref_squeeze %dma_start3A_448 : memref<1x128xi32, #tpu.memory_space<vmem>> -> memref<128xi32, #tpu.memory_space<vmem>>
        %dma_start3A_450 = arith.constant 0 : i32
        %dma_start3A_451 = arith.constant 0 : i32
        %dma_start3A_452 = tpu.memref_slice %arg15[%dma_start3A_450, %dma_start3A_451] : memref<4096x128xf32, #tpu.memory_space<vmem_shared>> -> memref<4096x128xf32, #tpu.memory_space<vmem_shared>>
        tpu.enqueue_indirect_dma source(%dma_start3A_446 : memref<128x128xf32, #tpu.memory_space<vmem>>) target(%dma_start3A_452 : memref<4096x128xf32, #tpu.memory_space<vmem_shared>>) offsets(%dma_start3A_449 : memref<128xi32, #tpu.memory_space<vmem>>) semaphore(%run_scoped3A_442 : memref<!tpu.dma_semaphore, #tpu.memory_space<semaphore_mem>>) {add = true}
        %dma_wait3A_453 = arith.constant 0 : i32
        %dma_wait3A_454 = arith.constant 0 : i32
        %dma_wait3A_455 = tpu.memref_slice %arg9[%run_scoped3A_317, %dma_wait3A_453, %dma_wait3A_454] : memref<2x128x128xf32, #tpu.memory_space<vmem>> -> memref<1x128x128xf32, #tpu.memory_space<vmem>>
        %dma_wait3A_456 = tpu.memref_squeeze %dma_wait3A_455 : memref<1x128x128xf32, #tpu.memory_space<vmem>> -> memref<128x128xf32, #tpu.memory_space<vmem>>
        %dma_wait3A_457 = arith.constant 0 : i32
        %dma_wait3A_458 = tpu.memref_slice %arg8[%run_scoped3A_318, %dma_wait3A_457] : memref<16x128xi32, #tpu.memory_space<vmem>> -> memref<1x128xi32, #tpu.memory_space<vmem>>
        %dma_wait3A_459 = tpu.memref_squeeze %dma_wait3A_458 : memref<1x128xi32, #tpu.memory_space<vmem>> -> memref<128xi32, #tpu.memory_space<vmem>>
        %dma_wait3A_460 = arith.constant 0 : i32
        %dma_wait3A_461 = arith.constant 0 : i32
        %dma_wait3A_462 = tpu.memref_slice %arg15[%dma_wait3A_460, %dma_wait3A_461] : memref<4096x128xf32, #tpu.memory_space<vmem_shared>> -> memref<4096x128xf32, #tpu.memory_space<vmem_shared>>
        tpu.wait_indirect_dma semaphore(%run_scoped3A_442 : memref<!tpu.dma_semaphore, #tpu.memory_space<semaphore_mem>>) src(%dma_wait3A_456 : memref<128x128xf32, #tpu.memory_space<vmem>>) dst(%dma_wait3A_462 : memref<4096x128xf32, #tpu.memory_space<vmem_shared>>)
        tpu.yield
      }) : () -> ()
      %dma_wait3A_319 = arith.constant 11 : i32
      %dma_wait3A_320 = arith.constant 1 : i32
      %dma_wait3A_321 = arith.constant 0 : i32
      %dma_wait3A_322 = arith.constant 0 : i32
      %dma_wait3A_323 = tpu.memref_slice %arg9[%dma_wait3A_320, %dma_wait3A_321, %dma_wait3A_322] : memref<2x128x128xf32, #tpu.memory_space<vmem>> -> memref<1x128x128xf32, #tpu.memory_space<vmem>>
      %dma_wait3A_324 = tpu.memref_squeeze %dma_wait3A_323 : memref<1x128x128xf32, #tpu.memory_space<vmem>> -> memref<128x128xf32, #tpu.memory_space<vmem>>
      %dma_wait3A_325 = arith.constant 0 : i32
      %dma_wait3A_326 = tpu.memref_slice %arg7[%dma_wait3A_319, %dma_wait3A_325] : memref<16x128xi32, #tpu.memory_space<vmem>> -> memref<1x128xi32, #tpu.memory_space<vmem>>
      %dma_wait3A_327 = tpu.memref_squeeze %dma_wait3A_326 : memref<1x128xi32, #tpu.memory_space<vmem>> -> memref<128xi32, #tpu.memory_space<vmem>>
      %dma_wait3A_328 = arith.constant 0 : i32
      %dma_wait3A_329 = arith.constant 0 : i32
      %dma_wait3A_330 = tpu.memref_slice %arg2[%dma_wait3A_328, %dma_wait3A_329] : memref<4096x128xf32, #tpu.memory_space<hbm>> -> memref<4096x128xf32, #tpu.memory_space<hbm>>
      tpu.wait_indirect_dma semaphore(%arg18 : memref<!tpu.dma_semaphore, #tpu.memory_space<semaphore_mem>>) src(%dma_wait3A_330 : memref<4096x128xf32, #tpu.memory_space<hbm>>) dst(%dma_wait3A_324 : memref<128x128xf32, #tpu.memory_space<vmem>>)
      %dma_start3A_331 = arith.constant 12 : i32
      %dma_start3A_332 = arith.constant 0 : i32
      %dma_start3A_333 = arith.constant 0 : i32
      %dma_start3A_334 = arith.constant 0 : i32
      %dma_start3A_335 = tpu.memref_slice %arg9[%dma_start3A_332, %dma_start3A_333, %dma_start3A_334] : memref<2x128x128xf32, #tpu.memory_space<vmem>> -> memref<1x128x128xf32, #tpu.memory_space<vmem>>
      %dma_start3A_336 = tpu.memref_squeeze %dma_start3A_335 : memref<1x128x128xf32, #tpu.memory_space<vmem>> -> memref<128x128xf32, #tpu.memory_space<vmem>>
      %dma_start3A_337 = arith.constant 0 : i32
      %dma_start3A_338 = tpu.memref_slice %arg7[%dma_start3A_331, %dma_start3A_337] : memref<16x128xi32, #tpu.memory_space<vmem>> -> memref<1x128xi32, #tpu.memory_space<vmem>>
      %dma_start3A_339 = tpu.memref_squeeze %dma_start3A_338 : memref<1x128xi32, #tpu.memory_space<vmem>> -> memref<128xi32, #tpu.memory_space<vmem>>
      %dma_start3A_340 = arith.constant 0 : i32
      %dma_start3A_341 = arith.constant 0 : i32
      %dma_start3A_342 = tpu.memref_slice %arg2[%dma_start3A_340, %dma_start3A_341] : memref<4096x128xf32, #tpu.memory_space<hbm>> -> memref<4096x128xf32, #tpu.memory_space<hbm>>
      tpu.enqueue_indirect_dma source(%dma_start3A_342 : memref<4096x128xf32, #tpu.memory_space<hbm>>) target(%dma_start3A_336 : memref<128x128xf32, #tpu.memory_space<vmem>>) offsets(%dma_start3A_339 : memref<128xi32, #tpu.memory_space<vmem>>) semaphore(%arg18 : memref<!tpu.dma_semaphore, #tpu.memory_space<semaphore_mem>>)
      %run_scoped3A_343 = arith.constant 1 : i32
      %run_scoped3A_344 = arith.constant 11 : i32
      "tpu.region"() ({
        %run_scoped3A_442 = tpu.sem_alloc : memref<!tpu.dma_semaphore, #tpu.memory_space<semaphore_mem>>
        %dma_start3A_443 = arith.constant 0 : i32
        %dma_start3A_444 = arith.constant 0 : i32
        %dma_start3A_445 = tpu.memref_slice %arg9[%run_scoped3A_343, %dma_start3A_443, %dma_start3A_444] : memref<2x128x128xf32, #tpu.memory_space<vmem>> -> memref<1x128x128xf32, #tpu.memory_space<vmem>>
        %dma_start3A_446 = tpu.memref_squeeze %dma_start3A_445 : memref<1x128x128xf32, #tpu.memory_space<vmem>> -> memref<128x128xf32, #tpu.memory_space<vmem>>
        %dma_start3A_447 = arith.constant 0 : i32
        %dma_start3A_448 = tpu.memref_slice %arg8[%run_scoped3A_344, %dma_start3A_447] : memref<16x128xi32, #tpu.memory_space<vmem>> -> memref<1x128xi32, #tpu.memory_space<vmem>>
        %dma_start3A_449 = tpu.memref_squeeze %dma_start3A_448 : memref<1x128xi32, #tpu.memory_space<vmem>> -> memref<128xi32, #tpu.memory_space<vmem>>
        %dma_start3A_450 = arith.constant 0 : i32
        %dma_start3A_451 = arith.constant 0 : i32
        %dma_start3A_452 = tpu.memref_slice %arg15[%dma_start3A_450, %dma_start3A_451] : memref<4096x128xf32, #tpu.memory_space<vmem_shared>> -> memref<4096x128xf32, #tpu.memory_space<vmem_shared>>
        tpu.enqueue_indirect_dma source(%dma_start3A_446 : memref<128x128xf32, #tpu.memory_space<vmem>>) target(%dma_start3A_452 : memref<4096x128xf32, #tpu.memory_space<vmem_shared>>) offsets(%dma_start3A_449 : memref<128xi32, #tpu.memory_space<vmem>>) semaphore(%run_scoped3A_442 : memref<!tpu.dma_semaphore, #tpu.memory_space<semaphore_mem>>) {add = true}
        %dma_wait3A_453 = arith.constant 0 : i32
        %dma_wait3A_454 = arith.constant 0 : i32
        %dma_wait3A_455 = tpu.memref_slice %arg9[%run_scoped3A_343, %dma_wait3A_453, %dma_wait3A_454] : memref<2x128x128xf32, #tpu.memory_space<vmem>> -> memref<1x128x128xf32, #tpu.memory_space<vmem>>
        %dma_wait3A_456 = tpu.memref_squeeze %dma_wait3A_455 : memref<1x128x128xf32, #tpu.memory_space<vmem>> -> memref<128x128xf32, #tpu.memory_space<vmem>>
        %dma_wait3A_457 = arith.constant 0 : i32
        %dma_wait3A_458 = tpu.memref_slice %arg8[%run_scoped3A_344, %dma_wait3A_457] : memref<16x128xi32, #tpu.memory_space<vmem>> -> memref<1x128xi32, #tpu.memory_space<vmem>>
        %dma_wait3A_459 = tpu.memref_squeeze %dma_wait3A_458 : memref<1x128xi32, #tpu.memory_space<vmem>> -> memref<128xi32, #tpu.memory_space<vmem>>
        %dma_wait3A_460 = arith.constant 0 : i32
        %dma_wait3A_461 = arith.constant 0 : i32
        %dma_wait3A_462 = tpu.memref_slice %arg15[%dma_wait3A_460, %dma_wait3A_461] : memref<4096x128xf32, #tpu.memory_space<vmem_shared>> -> memref<4096x128xf32, #tpu.memory_space<vmem_shared>>
        tpu.wait_indirect_dma semaphore(%run_scoped3A_442 : memref<!tpu.dma_semaphore, #tpu.memory_space<semaphore_mem>>) src(%dma_wait3A_456 : memref<128x128xf32, #tpu.memory_space<vmem>>) dst(%dma_wait3A_462 : memref<4096x128xf32, #tpu.memory_space<vmem_shared>>)
        tpu.yield
      }) : () -> ()
      %dma_wait3A_345 = arith.constant 12 : i32
      %dma_wait3A_346 = arith.constant 0 : i32
      %dma_wait3A_347 = arith.constant 0 : i32
      %dma_wait3A_348 = arith.constant 0 : i32
      %dma_wait3A_349 = tpu.memref_slice %arg9[%dma_wait3A_346, %dma_wait3A_347, %dma_wait3A_348] : memref<2x128x128xf32, #tpu.memory_space<vmem>> -> memref<1x128x128xf32, #tpu.memory_space<vmem>>
      %dma_wait3A_350 = tpu.memref_squeeze %dma_wait3A_349 : memref<1x128x128xf32, #tpu.memory_space<vmem>> -> memref<128x128xf32, #tpu.memory_space<vmem>>
      %dma_wait3A_351 = arith.constant 0 : i32
      %dma_wait3A_352 = tpu.memref_slice %arg7[%dma_wait3A_345, %dma_wait3A_351] : memref<16x128xi32, #tpu.memory_space<vmem>> -> memref<1x128xi32, #tpu.memory_space<vmem>>
      %dma_wait3A_353 = tpu.memref_squeeze %dma_wait3A_352 : memref<1x128xi32, #tpu.memory_space<vmem>> -> memref<128xi32, #tpu.memory_space<vmem>>
      %dma_wait3A_354 = arith.constant 0 : i32
      %dma_wait3A_355 = arith.constant 0 : i32
      %dma_wait3A_356 = tpu.memref_slice %arg2[%dma_wait3A_354, %dma_wait3A_355] : memref<4096x128xf32, #tpu.memory_space<hbm>> -> memref<4096x128xf32, #tpu.memory_space<hbm>>
      tpu.wait_indirect_dma semaphore(%arg18 : memref<!tpu.dma_semaphore, #tpu.memory_space<semaphore_mem>>) src(%dma_wait3A_356 : memref<4096x128xf32, #tpu.memory_space<hbm>>) dst(%dma_wait3A_350 : memref<128x128xf32, #tpu.memory_space<vmem>>)
      %dma_start3A_357 = arith.constant 13 : i32
      %dma_start3A_358 = arith.constant 1 : i32
      %dma_start3A_359 = arith.constant 0 : i32
      %dma_start3A_360 = arith.constant 0 : i32
      %dma_start3A_361 = tpu.memref_slice %arg9[%dma_start3A_358, %dma_start3A_359, %dma_start3A_360] : memref<2x128x128xf32, #tpu.memory_space<vmem>> -> memref<1x128x128xf32, #tpu.memory_space<vmem>>
      %dma_start3A_362 = tpu.memref_squeeze %dma_start3A_361 : memref<1x128x128xf32, #tpu.memory_space<vmem>> -> memref<128x128xf32, #tpu.memory_space<vmem>>
      %dma_start3A_363 = arith.constant 0 : i32
      %dma_start3A_364 = tpu.memref_slice %arg7[%dma_start3A_357, %dma_start3A_363] : memref<16x128xi32, #tpu.memory_space<vmem>> -> memref<1x128xi32, #tpu.memory_space<vmem>>
      %dma_start3A_365 = tpu.memref_squeeze %dma_start3A_364 : memref<1x128xi32, #tpu.memory_space<vmem>> -> memref<128xi32, #tpu.memory_space<vmem>>
      %dma_start3A_366 = arith.constant 0 : i32
      %dma_start3A_367 = arith.constant 0 : i32
      %dma_start3A_368 = tpu.memref_slice %arg2[%dma_start3A_366, %dma_start3A_367] : memref<4096x128xf32, #tpu.memory_space<hbm>> -> memref<4096x128xf32, #tpu.memory_space<hbm>>
      tpu.enqueue_indirect_dma source(%dma_start3A_368 : memref<4096x128xf32, #tpu.memory_space<hbm>>) target(%dma_start3A_362 : memref<128x128xf32, #tpu.memory_space<vmem>>) offsets(%dma_start3A_365 : memref<128xi32, #tpu.memory_space<vmem>>) semaphore(%arg18 : memref<!tpu.dma_semaphore, #tpu.memory_space<semaphore_mem>>)
      %run_scoped3A_369 = arith.constant 0 : i32
      %run_scoped3A_370 = arith.constant 12 : i32
      "tpu.region"() ({
        %run_scoped3A_442 = tpu.sem_alloc : memref<!tpu.dma_semaphore, #tpu.memory_space<semaphore_mem>>
        %dma_start3A_443 = arith.constant 0 : i32
        %dma_start3A_444 = arith.constant 0 : i32
        %dma_start3A_445 = tpu.memref_slice %arg9[%run_scoped3A_369, %dma_start3A_443, %dma_start3A_444] : memref<2x128x128xf32, #tpu.memory_space<vmem>> -> memref<1x128x128xf32, #tpu.memory_space<vmem>>
        %dma_start3A_446 = tpu.memref_squeeze %dma_start3A_445 : memref<1x128x128xf32, #tpu.memory_space<vmem>> -> memref<128x128xf32, #tpu.memory_space<vmem>>
        %dma_start3A_447 = arith.constant 0 : i32
        %dma_start3A_448 = tpu.memref_slice %arg8[%run_scoped3A_370, %dma_start3A_447] : memref<16x128xi32, #tpu.memory_space<vmem>> -> memref<1x128xi32, #tpu.memory_space<vmem>>
        %dma_start3A_449 = tpu.memref_squeeze %dma_start3A_448 : memref<1x128xi32, #tpu.memory_space<vmem>> -> memref<128xi32, #tpu.memory_space<vmem>>
        %dma_start3A_450 = arith.constant 0 : i32
        %dma_start3A_451 = arith.constant 0 : i32
        %dma_start3A_452 = tpu.memref_slice %arg15[%dma_start3A_450, %dma_start3A_451] : memref<4096x128xf32, #tpu.memory_space<vmem_shared>> -> memref<4096x128xf32, #tpu.memory_space<vmem_shared>>
        tpu.enqueue_indirect_dma source(%dma_start3A_446 : memref<128x128xf32, #tpu.memory_space<vmem>>) target(%dma_start3A_452 : memref<4096x128xf32, #tpu.memory_space<vmem_shared>>) offsets(%dma_start3A_449 : memref<128xi32, #tpu.memory_space<vmem>>) semaphore(%run_scoped3A_442 : memref<!tpu.dma_semaphore, #tpu.memory_space<semaphore_mem>>) {add = true}
        %dma_wait3A_453 = arith.constant 0 : i32
        %dma_wait3A_454 = arith.constant 0 : i32
        %dma_wait3A_455 = tpu.memref_slice %arg9[%run_scoped3A_369, %dma_wait3A_453, %dma_wait3A_454] : memref<2x128x128xf32, #tpu.memory_space<vmem>> -> memref<1x128x128xf32, #tpu.memory_space<vmem>>
        %dma_wait3A_456 = tpu.memref_squeeze %dma_wait3A_455 : memref<1x128x128xf32, #tpu.memory_space<vmem>> -> memref<128x128xf32, #tpu.memory_space<vmem>>
        %dma_wait3A_457 = arith.constant 0 : i32
        %dma_wait3A_458 = tpu.memref_slice %arg8[%run_scoped3A_370, %dma_wait3A_457] : memref<16x128xi32, #tpu.memory_space<vmem>> -> memref<1x128xi32, #tpu.memory_space<vmem>>
        %dma_wait3A_459 = tpu.memref_squeeze %dma_wait3A_458 : memref<1x128xi32, #tpu.memory_space<vmem>> -> memref<128xi32, #tpu.memory_space<vmem>>
        %dma_wait3A_460 = arith.constant 0 : i32
        %dma_wait3A_461 = arith.constant 0 : i32
        %dma_wait3A_462 = tpu.memref_slice %arg15[%dma_wait3A_460, %dma_wait3A_461] : memref<4096x128xf32, #tpu.memory_space<vmem_shared>> -> memref<4096x128xf32, #tpu.memory_space<vmem_shared>>
        tpu.wait_indirect_dma semaphore(%run_scoped3A_442 : memref<!tpu.dma_semaphore, #tpu.memory_space<semaphore_mem>>) src(%dma_wait3A_456 : memref<128x128xf32, #tpu.memory_space<vmem>>) dst(%dma_wait3A_462 : memref<4096x128xf32, #tpu.memory_space<vmem_shared>>)
        tpu.yield
      }) : () -> ()
      %dma_wait3A_371 = arith.constant 13 : i32
      %dma_wait3A_372 = arith.constant 1 : i32
      %dma_wait3A_373 = arith.constant 0 : i32
      %dma_wait3A_374 = arith.constant 0 : i32
      %dma_wait3A_375 = tpu.memref_slice %arg9[%dma_wait3A_372, %dma_wait3A_373, %dma_wait3A_374] : memref<2x128x128xf32, #tpu.memory_space<vmem>> -> memref<1x128x128xf32, #tpu.memory_space<vmem>>
      %dma_wait3A_376 = tpu.memref_squeeze %dma_wait3A_375 : memref<1x128x128xf32, #tpu.memory_space<vmem>> -> memref<128x128xf32, #tpu.memory_space<vmem>>
      %dma_wait3A_377 = arith.constant 0 : i32
      %dma_wait3A_378 = tpu.memref_slice %arg7[%dma_wait3A_371, %dma_wait3A_377] : memref<16x128xi32, #tpu.memory_space<vmem>> -> memref<1x128xi32, #tpu.memory_space<vmem>>
      %dma_wait3A_379 = tpu.memref_squeeze %dma_wait3A_378 : memref<1x128xi32, #tpu.memory_space<vmem>> -> memref<128xi32, #tpu.memory_space<vmem>>
      %dma_wait3A_380 = arith.constant 0 : i32
      %dma_wait3A_381 = arith.constant 0 : i32
      %dma_wait3A_382 = tpu.memref_slice %arg2[%dma_wait3A_380, %dma_wait3A_381] : memref<4096x128xf32, #tpu.memory_space<hbm>> -> memref<4096x128xf32, #tpu.memory_space<hbm>>
      tpu.wait_indirect_dma semaphore(%arg18 : memref<!tpu.dma_semaphore, #tpu.memory_space<semaphore_mem>>) src(%dma_wait3A_382 : memref<4096x128xf32, #tpu.memory_space<hbm>>) dst(%dma_wait3A_376 : memref<128x128xf32, #tpu.memory_space<vmem>>)
      %dma_start3A_383 = arith.constant 14 : i32
      %dma_start3A_384 = arith.constant 0 : i32
      %dma_start3A_385 = arith.constant 0 : i32
      %dma_start3A_386 = arith.constant 0 : i32
      %dma_start3A_387 = tpu.memref_slice %arg9[%dma_start3A_384, %dma_start3A_385, %dma_start3A_386] : memref<2x128x128xf32, #tpu.memory_space<vmem>> -> memref<1x128x128xf32, #tpu.memory_space<vmem>>
      %dma_start3A_388 = tpu.memref_squeeze %dma_start3A_387 : memref<1x128x128xf32, #tpu.memory_space<vmem>> -> memref<128x128xf32, #tpu.memory_space<vmem>>
      %dma_start3A_389 = arith.constant 0 : i32
      %dma_start3A_390 = tpu.memref_slice %arg7[%dma_start3A_383, %dma_start3A_389] : memref<16x128xi32, #tpu.memory_space<vmem>> -> memref<1x128xi32, #tpu.memory_space<vmem>>
      %dma_start3A_391 = tpu.memref_squeeze %dma_start3A_390 : memref<1x128xi32, #tpu.memory_space<vmem>> -> memref<128xi32, #tpu.memory_space<vmem>>
      %dma_start3A_392 = arith.constant 0 : i32
      %dma_start3A_393 = arith.constant 0 : i32
      %dma_start3A_394 = tpu.memref_slice %arg2[%dma_start3A_392, %dma_start3A_393] : memref<4096x128xf32, #tpu.memory_space<hbm>> -> memref<4096x128xf32, #tpu.memory_space<hbm>>
      tpu.enqueue_indirect_dma source(%dma_start3A_394 : memref<4096x128xf32, #tpu.memory_space<hbm>>) target(%dma_start3A_388 : memref<128x128xf32, #tpu.memory_space<vmem>>) offsets(%dma_start3A_391 : memref<128xi32, #tpu.memory_space<vmem>>) semaphore(%arg18 : memref<!tpu.dma_semaphore, #tpu.memory_space<semaphore_mem>>)
      %run_scoped3A_395 = arith.constant 1 : i32
      %run_scoped3A_396 = arith.constant 13 : i32
      "tpu.region"() ({
        %run_scoped3A_442 = tpu.sem_alloc : memref<!tpu.dma_semaphore, #tpu.memory_space<semaphore_mem>>
        %dma_start3A_443 = arith.constant 0 : i32
        %dma_start3A_444 = arith.constant 0 : i32
        %dma_start3A_445 = tpu.memref_slice %arg9[%run_scoped3A_395, %dma_start3A_443, %dma_start3A_444] : memref<2x128x128xf32, #tpu.memory_space<vmem>> -> memref<1x128x128xf32, #tpu.memory_space<vmem>>
        %dma_start3A_446 = tpu.memref_squeeze %dma_start3A_445 : memref<1x128x128xf32, #tpu.memory_space<vmem>> -> memref<128x128xf32, #tpu.memory_space<vmem>>
        %dma_start3A_447 = arith.constant 0 : i32
        %dma_start3A_448 = tpu.memref_slice %arg8[%run_scoped3A_396, %dma_start3A_447] : memref<16x128xi32, #tpu.memory_space<vmem>> -> memref<1x128xi32, #tpu.memory_space<vmem>>
        %dma_start3A_449 = tpu.memref_squeeze %dma_start3A_448 : memref<1x128xi32, #tpu.memory_space<vmem>> -> memref<128xi32, #tpu.memory_space<vmem>>
        %dma_start3A_450 = arith.constant 0 : i32
        %dma_start3A_451 = arith.constant 0 : i32
        %dma_start3A_452 = tpu.memref_slice %arg15[%dma_start3A_450, %dma_start3A_451] : memref<4096x128xf32, #tpu.memory_space<vmem_shared>> -> memref<4096x128xf32, #tpu.memory_space<vmem_shared>>
        tpu.enqueue_indirect_dma source(%dma_start3A_446 : memref<128x128xf32, #tpu.memory_space<vmem>>) target(%dma_start3A_452 : memref<4096x128xf32, #tpu.memory_space<vmem_shared>>) offsets(%dma_start3A_449 : memref<128xi32, #tpu.memory_space<vmem>>) semaphore(%run_scoped3A_442 : memref<!tpu.dma_semaphore, #tpu.memory_space<semaphore_mem>>) {add = true}
        %dma_wait3A_453 = arith.constant 0 : i32
        %dma_wait3A_454 = arith.constant 0 : i32
        %dma_wait3A_455 = tpu.memref_slice %arg9[%run_scoped3A_395, %dma_wait3A_453, %dma_wait3A_454] : memref<2x128x128xf32, #tpu.memory_space<vmem>> -> memref<1x128x128xf32, #tpu.memory_space<vmem>>
        %dma_wait3A_456 = tpu.memref_squeeze %dma_wait3A_455 : memref<1x128x128xf32, #tpu.memory_space<vmem>> -> memref<128x128xf32, #tpu.memory_space<vmem>>
        %dma_wait3A_457 = arith.constant 0 : i32
        %dma_wait3A_458 = tpu.memref_slice %arg8[%run_scoped3A_396, %dma_wait3A_457] : memref<16x128xi32, #tpu.memory_space<vmem>> -> memref<1x128xi32, #tpu.memory_space<vmem>>
        %dma_wait3A_459 = tpu.memref_squeeze %dma_wait3A_458 : memref<1x128xi32, #tpu.memory_space<vmem>> -> memref<128xi32, #tpu.memory_space<vmem>>
        %dma_wait3A_460 = arith.constant 0 : i32
        %dma_wait3A_461 = arith.constant 0 : i32
        %dma_wait3A_462 = tpu.memref_slice %arg15[%dma_wait3A_460, %dma_wait3A_461] : memref<4096x128xf32, #tpu.memory_space<vmem_shared>> -> memref<4096x128xf32, #tpu.memory_space<vmem_shared>>
        tpu.wait_indirect_dma semaphore(%run_scoped3A_442 : memref<!tpu.dma_semaphore, #tpu.memory_space<semaphore_mem>>) src(%dma_wait3A_456 : memref<128x128xf32, #tpu.memory_space<vmem>>) dst(%dma_wait3A_462 : memref<4096x128xf32, #tpu.memory_space<vmem_shared>>)
        tpu.yield
      }) : () -> ()
      %dma_wait3A_397 = arith.constant 14 : i32
      %dma_wait3A_398 = arith.constant 0 : i32
      %dma_wait3A_399 = arith.constant 0 : i32
      %dma_wait3A_400 = arith.constant 0 : i32
      %dma_wait3A_401 = tpu.memref_slice %arg9[%dma_wait3A_398, %dma_wait3A_399, %dma_wait3A_400] : memref<2x128x128xf32, #tpu.memory_space<vmem>> -> memref<1x128x128xf32, #tpu.memory_space<vmem>>
      %dma_wait3A_402 = tpu.memref_squeeze %dma_wait3A_401 : memref<1x128x128xf32, #tpu.memory_space<vmem>> -> memref<128x128xf32, #tpu.memory_space<vmem>>
      %dma_wait3A_403 = arith.constant 0 : i32
      %dma_wait3A_404 = tpu.memref_slice %arg7[%dma_wait3A_397, %dma_wait3A_403] : memref<16x128xi32, #tpu.memory_space<vmem>> -> memref<1x128xi32, #tpu.memory_space<vmem>>
      %dma_wait3A_405 = tpu.memref_squeeze %dma_wait3A_404 : memref<1x128xi32, #tpu.memory_space<vmem>> -> memref<128xi32, #tpu.memory_space<vmem>>
      %dma_wait3A_406 = arith.constant 0 : i32
      %dma_wait3A_407 = arith.constant 0 : i32
      %dma_wait3A_408 = tpu.memref_slice %arg2[%dma_wait3A_406, %dma_wait3A_407] : memref<4096x128xf32, #tpu.memory_space<hbm>> -> memref<4096x128xf32, #tpu.memory_space<hbm>>
      tpu.wait_indirect_dma semaphore(%arg18 : memref<!tpu.dma_semaphore, #tpu.memory_space<semaphore_mem>>) src(%dma_wait3A_408 : memref<4096x128xf32, #tpu.memory_space<hbm>>) dst(%dma_wait3A_402 : memref<128x128xf32, #tpu.memory_space<vmem>>)
      %dma_start3A_409 = arith.constant 15 : i32
      %dma_start3A_410 = arith.constant 1 : i32
      %dma_start3A_411 = arith.constant 0 : i32
      %dma_start3A_412 = arith.constant 0 : i32
      %dma_start3A_413 = tpu.memref_slice %arg9[%dma_start3A_410, %dma_start3A_411, %dma_start3A_412] : memref<2x128x128xf32, #tpu.memory_space<vmem>> -> memref<1x128x128xf32, #tpu.memory_space<vmem>>
      %dma_start3A_414 = tpu.memref_squeeze %dma_start3A_413 : memref<1x128x128xf32, #tpu.memory_space<vmem>> -> memref<128x128xf32, #tpu.memory_space<vmem>>
      %dma_start3A_415 = arith.constant 0 : i32
      %dma_start3A_416 = tpu.memref_slice %arg7[%dma_start3A_409, %dma_start3A_415] : memref<16x128xi32, #tpu.memory_space<vmem>> -> memref<1x128xi32, #tpu.memory_space<vmem>>
      %dma_start3A_417 = tpu.memref_squeeze %dma_start3A_416 : memref<1x128xi32, #tpu.memory_space<vmem>> -> memref<128xi32, #tpu.memory_space<vmem>>
      %dma_start3A_418 = arith.constant 0 : i32
      %dma_start3A_419 = arith.constant 0 : i32
      %dma_start3A_420 = tpu.memref_slice %arg2[%dma_start3A_418, %dma_start3A_419] : memref<4096x128xf32, #tpu.memory_space<hbm>> -> memref<4096x128xf32, #tpu.memory_space<hbm>>
      tpu.enqueue_indirect_dma source(%dma_start3A_420 : memref<4096x128xf32, #tpu.memory_space<hbm>>) target(%dma_start3A_414 : memref<128x128xf32, #tpu.memory_space<vmem>>) offsets(%dma_start3A_417 : memref<128xi32, #tpu.memory_space<vmem>>) semaphore(%arg18 : memref<!tpu.dma_semaphore, #tpu.memory_space<semaphore_mem>>)
      %run_scoped3A_421 = arith.constant 0 : i32
      %run_scoped3A_422 = arith.constant 14 : i32
      "tpu.region"() ({
        %run_scoped3A_442 = tpu.sem_alloc : memref<!tpu.dma_semaphore, #tpu.memory_space<semaphore_mem>>
        %dma_start3A_443 = arith.constant 0 : i32
        %dma_start3A_444 = arith.constant 0 : i32
        %dma_start3A_445 = tpu.memref_slice %arg9[%run_scoped3A_421, %dma_start3A_443, %dma_start3A_444] : memref<2x128x128xf32, #tpu.memory_space<vmem>> -> memref<1x128x128xf32, #tpu.memory_space<vmem>>
        %dma_start3A_446 = tpu.memref_squeeze %dma_start3A_445 : memref<1x128x128xf32, #tpu.memory_space<vmem>> -> memref<128x128xf32, #tpu.memory_space<vmem>>
        %dma_start3A_447 = arith.constant 0 : i32
        %dma_start3A_448 = tpu.memref_slice %arg8[%run_scoped3A_422, %dma_start3A_447] : memref<16x128xi32, #tpu.memory_space<vmem>> -> memref<1x128xi32, #tpu.memory_space<vmem>>
        %dma_start3A_449 = tpu.memref_squeeze %dma_start3A_448 : memref<1x128xi32, #tpu.memory_space<vmem>> -> memref<128xi32, #tpu.memory_space<vmem>>
        %dma_start3A_450 = arith.constant 0 : i32
        %dma_start3A_451 = arith.constant 0 : i32
        %dma_start3A_452 = tpu.memref_slice %arg15[%dma_start3A_450, %dma_start3A_451] : memref<4096x128xf32, #tpu.memory_space<vmem_shared>> -> memref<4096x128xf32, #tpu.memory_space<vmem_shared>>
        tpu.enqueue_indirect_dma source(%dma_start3A_446 : memref<128x128xf32, #tpu.memory_space<vmem>>) target(%dma_start3A_452 : memref<4096x128xf32, #tpu.memory_space<vmem_shared>>) offsets(%dma_start3A_449 : memref<128xi32, #tpu.memory_space<vmem>>) semaphore(%run_scoped3A_442 : memref<!tpu.dma_semaphore, #tpu.memory_space<semaphore_mem>>) {add = true}
        %dma_wait3A_453 = arith.constant 0 : i32
        %dma_wait3A_454 = arith.constant 0 : i32
        %dma_wait3A_455 = tpu.memref_slice %arg9[%run_scoped3A_421, %dma_wait3A_453, %dma_wait3A_454] : memref<2x128x128xf32, #tpu.memory_space<vmem>> -> memref<1x128x128xf32, #tpu.memory_space<vmem>>
        %dma_wait3A_456 = tpu.memref_squeeze %dma_wait3A_455 : memref<1x128x128xf32, #tpu.memory_space<vmem>> -> memref<128x128xf32, #tpu.memory_space<vmem>>
        %dma_wait3A_457 = arith.constant 0 : i32
        %dma_wait3A_458 = tpu.memref_slice %arg8[%run_scoped3A_422, %dma_wait3A_457] : memref<16x128xi32, #tpu.memory_space<vmem>> -> memref<1x128xi32, #tpu.memory_space<vmem>>
        %dma_wait3A_459 = tpu.memref_squeeze %dma_wait3A_458 : memref<1x128xi32, #tpu.memory_space<vmem>> -> memref<128xi32, #tpu.memory_space<vmem>>
        %dma_wait3A_460 = arith.constant 0 : i32
        %dma_wait3A_461 = arith.constant 0 : i32
        %dma_wait3A_462 = tpu.memref_slice %arg15[%dma_wait3A_460, %dma_wait3A_461] : memref<4096x128xf32, #tpu.memory_space<vmem_shared>> -> memref<4096x128xf32, #tpu.memory_space<vmem_shared>>
        tpu.wait_indirect_dma semaphore(%run_scoped3A_442 : memref<!tpu.dma_semaphore, #tpu.memory_space<semaphore_mem>>) src(%dma_wait3A_456 : memref<128x128xf32, #tpu.memory_space<vmem>>) dst(%dma_wait3A_462 : memref<4096x128xf32, #tpu.memory_space<vmem_shared>>)
        tpu.yield
      }) : () -> ()
      %dma_wait3A_423 = arith.constant 15 : i32
      %dma_wait3A_424 = arith.constant 1 : i32
      %dma_wait3A_425 = arith.constant 0 : i32
      %dma_wait3A_426 = arith.constant 0 : i32
      %dma_wait3A_427 = tpu.memref_slice %arg9[%dma_wait3A_424, %dma_wait3A_425, %dma_wait3A_426] : memref<2x128x128xf32, #tpu.memory_space<vmem>> -> memref<1x128x128xf32, #tpu.memory_space<vmem>>
      %dma_wait3A_428 = tpu.memref_squeeze %dma_wait3A_427 : memref<1x128x128xf32, #tpu.memory_space<vmem>> -> memref<128x128xf32, #tpu.memory_space<vmem>>
      %dma_wait3A_429 = arith.constant 0 : i32
      %dma_wait3A_430 = tpu.memref_slice %arg7[%dma_wait3A_423, %dma_wait3A_429] : memref<16x128xi32, #tpu.memory_space<vmem>> -> memref<1x128xi32, #tpu.memory_space<vmem>>
      %dma_wait3A_431 = tpu.memref_squeeze %dma_wait3A_430 : memref<1x128xi32, #tpu.memory_space<vmem>> -> memref<128xi32, #tpu.memory_space<vmem>>
      %dma_wait3A_432 = arith.constant 0 : i32
      %dma_wait3A_433 = arith.constant 0 : i32
      %dma_wait3A_434 = tpu.memref_slice %arg2[%dma_wait3A_432, %dma_wait3A_433] : memref<4096x128xf32, #tpu.memory_space<hbm>> -> memref<4096x128xf32, #tpu.memory_space<hbm>>
      tpu.wait_indirect_dma semaphore(%arg18 : memref<!tpu.dma_semaphore, #tpu.memory_space<semaphore_mem>>) src(%dma_wait3A_434 : memref<4096x128xf32, #tpu.memory_space<hbm>>) dst(%dma_wait3A_428 : memref<128x128xf32, #tpu.memory_space<vmem>>)
      %run_scoped3A_435 = arith.constant 1 : i32
      %run_scoped3A_436 = arith.constant 15 : i32
      "tpu.region"() ({
        %run_scoped3A_442 = tpu.sem_alloc : memref<!tpu.dma_semaphore, #tpu.memory_space<semaphore_mem>>
        %dma_start3A_443 = arith.constant 0 : i32
        %dma_start3A_444 = arith.constant 0 : i32
        %dma_start3A_445 = tpu.memref_slice %arg9[%run_scoped3A_435, %dma_start3A_443, %dma_start3A_444] : memref<2x128x128xf32, #tpu.memory_space<vmem>> -> memref<1x128x128xf32, #tpu.memory_space<vmem>>
        %dma_start3A_446 = tpu.memref_squeeze %dma_start3A_445 : memref<1x128x128xf32, #tpu.memory_space<vmem>> -> memref<128x128xf32, #tpu.memory_space<vmem>>
        %dma_start3A_447 = arith.constant 0 : i32
        %dma_start3A_448 = tpu.memref_slice %arg8[%run_scoped3A_436, %dma_start3A_447] : memref<16x128xi32, #tpu.memory_space<vmem>> -> memref<1x128xi32, #tpu.memory_space<vmem>>
        %dma_start3A_449 = tpu.memref_squeeze %dma_start3A_448 : memref<1x128xi32, #tpu.memory_space<vmem>> -> memref<128xi32, #tpu.memory_space<vmem>>
        %dma_start3A_450 = arith.constant 0 : i32
        %dma_start3A_451 = arith.constant 0 : i32
        %dma_start3A_452 = tpu.memref_slice %arg15[%dma_start3A_450, %dma_start3A_451] : memref<4096x128xf32, #tpu.memory_space<vmem_shared>> -> memref<4096x128xf32, #tpu.memory_space<vmem_shared>>
        tpu.enqueue_indirect_dma source(%dma_start3A_446 : memref<128x128xf32, #tpu.memory_space<vmem>>) target(%dma_start3A_452 : memref<4096x128xf32, #tpu.memory_space<vmem_shared>>) offsets(%dma_start3A_449 : memref<128xi32, #tpu.memory_space<vmem>>) semaphore(%run_scoped3A_442 : memref<!tpu.dma_semaphore, #tpu.memory_space<semaphore_mem>>) {add = true}
        %dma_wait3A_453 = arith.constant 0 : i32
        %dma_wait3A_454 = arith.constant 0 : i32
        %dma_wait3A_455 = tpu.memref_slice %arg9[%run_scoped3A_435, %dma_wait3A_453, %dma_wait3A_454] : memref<2x128x128xf32, #tpu.memory_space<vmem>> -> memref<1x128x128xf32, #tpu.memory_space<vmem>>
        %dma_wait3A_456 = tpu.memref_squeeze %dma_wait3A_455 : memref<1x128x128xf32, #tpu.memory_space<vmem>> -> memref<128x128xf32, #tpu.memory_space<vmem>>
        %dma_wait3A_457 = arith.constant 0 : i32
        %dma_wait3A_458 = tpu.memref_slice %arg8[%run_scoped3A_436, %dma_wait3A_457] : memref<16x128xi32, #tpu.memory_space<vmem>> -> memref<1x128xi32, #tpu.memory_space<vmem>>
        %dma_wait3A_459 = tpu.memref_squeeze %dma_wait3A_458 : memref<1x128xi32, #tpu.memory_space<vmem>> -> memref<128xi32, #tpu.memory_space<vmem>>
        %dma_wait3A_460 = arith.constant 0 : i32
        %dma_wait3A_461 = arith.constant 0 : i32
        %dma_wait3A_462 = tpu.memref_slice %arg15[%dma_wait3A_460, %dma_wait3A_461] : memref<4096x128xf32, #tpu.memory_space<vmem_shared>> -> memref<4096x128xf32, #tpu.memory_space<vmem_shared>>
        tpu.wait_indirect_dma semaphore(%run_scoped3A_442 : memref<!tpu.dma_semaphore, #tpu.memory_space<semaphore_mem>>) src(%dma_wait3A_456 : memref<128x128xf32, #tpu.memory_space<vmem>>) dst(%dma_wait3A_462 : memref<4096x128xf32, #tpu.memory_space<vmem_shared>>)
        tpu.yield
      }) : () -> ()
      %barrier3A_437 = arith.constant 0 : index
      tpu.barrier barrier_id(%barrier3A_437)
      %mul3A_438 = arith.constant 256 : i32
      %mul3A_439 = arith.muli %arg1, %mul3A_438 : i32
      %mul3A_440 = arith.constant 256 : i32
      %mul3A_441 = arith.muli %arg1, %mul3A_440 : i32
      "tpu.region"() ({
        %run_scoped3A_442 = tpu.sem_alloc : memref<!tpu.dma_semaphore, #tpu.memory_space<semaphore_mem>>
        %dma_start3A_443 = arith.constant 0 : i32
        %dma_start3A_444 = tpu.memref_slice %arg5[%mul3A_441, %dma_start3A_443] : memref<4096x128xf32, #tpu.memory_space<hbm>> -> memref<256x128xf32, #tpu.memory_space<hbm>>
        %dma_start3A_445 = arith.constant 0 : i32
        %dma_start3A_446 = tpu.memref_slice %arg15[%mul3A_439, %dma_start3A_445] : memref<4096x128xf32, #tpu.memory_space<vmem_shared>> -> memref<256x128xf32, #tpu.memory_space<vmem_shared>>
        tpu.enqueue_dma source(%dma_start3A_446 : memref<256x128xf32, #tpu.memory_space<vmem_shared>>) target(%dma_start3A_444 : memref<256x128xf32, #tpu.memory_space<hbm>>) target_semaphore(%run_scoped3A_442 : memref<!tpu.dma_semaphore, #tpu.memory_space<semaphore_mem>>)
        %dma_wait3A_447 = arith.constant 0 : i32
        %dma_wait3A_448 = tpu.memref_slice %arg5[%mul3A_441, %dma_wait3A_447] : memref<4096x128xf32, #tpu.memory_space<hbm>> -> memref<256x128xf32, #tpu.memory_space<hbm>>
        %dma_wait3A_449 = arith.constant 0 : i32
        %dma_wait3A_450 = tpu.memref_slice %arg15[%mul3A_439, %dma_wait3A_449] : memref<4096x128xf32, #tpu.memory_space<vmem_shared>> -> memref<256x128xf32, #tpu.memory_space<vmem_shared>>
        tpu.wait_dma2 semaphore(%run_scoped3A_442 : memref<!tpu.dma_semaphore, #tpu.memory_space<semaphore_mem>>) src(%dma_wait3A_450 : memref<256x128xf32, #tpu.memory_space<vmem_shared>>) dst(%dma_wait3A_448 : memref<256x128xf32, #tpu.memory_space<hbm>>)
        tpu.yield
      }) : () -> ()
    } else {
    }
    %eq3A_7 = arith.constant 0 : i32
    %eq3A_8 = arith.cmpi eq, %arg0, %eq3A_7 : i32
    %convert_element_type3A_9 = arith.extui %eq3A_8 : i1 to i32
    %cond3A_10 = arith.constant 0 : i32
    %cond3A_11 = arith.cmpi ne, %convert_element_type3A_9, %cond3A_10 : i32
    scf.if %cond3A_11 {
      %add3A = arith.constant 1.000000e+00 : f32
      %add3A_12 = vector.broadcast %add3A : f32 to vector<16xf32>
      %add3A_13 = arith.addf %mul3A_3, %add3A_12 : vector<16xf32>
      %add3A_14 = arith.constant 4.096000e+03 : f32
      %add3A_15 = vector.broadcast %add3A_14 : f32 to vector<16xf32>
      %add3A_16 = arith.addf %mul3A_3, %add3A_15 : vector<16xf32>
      %scan3A = arith.constant 0 : i32
      %scan3A_17 = arith.constant 0 : i32
      %scan3A_18 = arith.constant 256 : i32
      %scan3A_19 = arith.addi %scan3A_17, %scan3A_18 : i32
      %scan3A_20 = arith.constant 1 : i32
      scf.for %scan3A_85 = %scan3A_17 to %scan3A_19 step %scan3A_20  : i32 {
        %mul3A_86 = arith.constant 16 : i32
        %mul3A_87 = arith.muli %scan3A_85, %mul3A_86 : i32
        %swap3A_88 = arith.index_cast %mul3A_87 : i32 to index
        %swap3A_89 = tpu.vector_load %arg10[%swap3A_88] {strides = array<i32>} : memref<4096xf32, #tpu.memory_space<vmem>>, vector<16xf32>,
        tpu.vector_store %arg10[%swap3A_88], %add3A_16 {strides = array<i32>} : memref<4096xf32, #tpu.memory_space<vmem>>, vector<16xf32>,
      }
      %scan3A_21 = arith.constant 256 : i32
      %eq3A_22 = arith.constant 0 : i32
      %eq3A_23 = vector.broadcast %eq3A_22 : i32 to vector<16xi32>
      %eq3A_24 = arith.cmpi eq, %iota3A, %eq3A_23 : vector<16xi32>
      %jit3A = arith.constant 0.000000e+00 : f32
      %jit3A_25 = arith.constant 4.096000e+03 : f32
      %broadcast_in_dim3A = vector.broadcast %jit3A : f32 to vector<16xf32>
      %broadcast_in_dim3A_26 = vector.broadcast %jit3A_25 : f32 to vector<16xf32>
      %select_n3A = arith.select %eq3A_24, %broadcast_in_dim3A, %broadcast_in_dim3A_26 : vector<16xi1>, vector<16xf32>
      %swap3A = arith.constant 0 : index
      %swap3A_27 = tpu.vector_load %arg10[%swap3A] {strides = array<i32>} : memref<4096xf32, #tpu.memory_space<vmem>>, vector<16xf32>,
      tpu.vector_store %arg10[%swap3A], %select_n3A {strides = array<i32>} : memref<4096xf32, #tpu.memory_space<vmem>>, vector<16xf32>,
      %scan3A_28 = arith.constant 0 : i32
      %scan3A_29 = arith.constant 0 : i32
      %scan3A_30 = arith.constant 256 : i32
      %scan3A_31 = arith.addi %scan3A_29, %scan3A_30 : i32
      %scan3A_32 = arith.constant 1 : i32
      scf.for %scan3A_85 = %scan3A_29 to %scan3A_31 step %scan3A_32  : i32 {
        %shift_right_arithmetic3A = arith.constant 3 : i32
        %shift_right_arithmetic3A_86 = arith.shrsi %scan3A_85, %shift_right_arithmetic3A : i32
        %and3A = arith.constant 7 : i32
        %and3A_87 = arith.andi %scan3A_85, %and3A : i32
        %mul3A_88 = arith.constant 16 : i32
        %mul3A_89 = arith.muli %and3A_87, %mul3A_88 : i32
        %swap3A_90 = arith.index_cast %shift_right_arithmetic3A_86 : i32 to index
        %swap3A_91 = arith.index_cast %mul3A_89 : i32 to index
        %swap3A_92 = tpu.vector_load %arg11[%swap3A_90, %swap3A_91] {strides = array<i32>} : memref<32x128xf32, #tpu.memory_space<vmem>>, vector<16xf32>,
        tpu.vector_store %arg11[%swap3A_90, %swap3A_91], %mul3A_3 {strides = array<i32>} : memref<32x128xf32, #tpu.memory_space<vmem>>, vector<16xf32>,
      }
      %scan3A_33 = arith.constant 256 : i32
      %scan3A_34 = arith.constant 0 : i32
      %scan3A_35 = arith.constant 0 : i32
      %scan3A_36 = arith.constant 16 : i32
      %scan3A_37 = arith.addi %scan3A_35, %scan3A_36 : i32
      %scan3A_38 = arith.constant 1 : i32
      scf.for %scan3A_85 = %scan3A_35 to %scan3A_37 step %scan3A_38  : i32 {
        %shift_right_arithmetic3A = arith.constant 3 : i32
        %shift_right_arithmetic3A_86 = arith.shrsi %scan3A_85, %shift_right_arithmetic3A : i32
        %and3A = arith.constant 7 : i32
        %and3A_87 = arith.andi %scan3A_85, %and3A : i32
        %mul3A_88 = arith.constant 16 : i32
        %mul3A_89 = arith.muli %and3A_87, %mul3A_88 : i32
        %swap3A_90 = arith.index_cast %shift_right_arithmetic3A_86 : i32 to index
        %swap3A_91 = arith.index_cast %mul3A_89 : i32 to index
        %swap3A_92 = tpu.vector_load %arg14[%swap3A_90, %swap3A_91] {strides = array<i32>} : memref<2x128xf32, #tpu.memory_space<vmem>>, vector<16xf32>,
        tpu.vector_store %arg14[%swap3A_90, %swap3A_91], %mul3A_3 {strides = array<i32>} : memref<2x128xf32, #tpu.memory_space<vmem>>, vector<16xf32>,
      }
      %scan3A_39 = arith.constant 16 : i32
      %swap3A_40 = arith.constant 0 : i32
      %swap3A_41 = arith.index_cast %swap3A_40 : i32 to index
      %swap3A_42 = arith.constant 0 : index
      %swap3A_43 = tpu.vector_load %arg13[%swap3A_41, %swap3A_42] {strides = array<i32>} : memref<2x32xi32, #tpu.memory_space<vmem>>, vector<16xi32>,
      tpu.vector_store %arg13[%swap3A_41, %swap3A_42], %iota3A {strides = array<i32>} : memref<2x32xi32, #tpu.memory_space<vmem>>, vector<16xi32>,
      %add3A_44 = arith.constant 16 : i32
      %add3A_45 = vector.broadcast %add3A_44 : i32 to vector<16xi32>
      %add3A_46 = arith.addi %iota3A, %add3A_45 : vector<16xi32>
      %swap3A_47 = arith.constant 0 : i32
      %swap3A_48 = arith.index_cast %swap3A_47 : i32 to index
      %swap3A_49 = arith.constant 16 : index
      %swap3A_50 = tpu.vector_load %arg13[%swap3A_48, %swap3A_49] {strides = array<i32>} : memref<2x32xi32, #tpu.memory_space<vmem>>, vector<16xi32>,
      tpu.vector_store %arg13[%swap3A_48, %swap3A_49], %add3A_46 {strides = array<i32>} : memref<2x32xi32, #tpu.memory_space<vmem>>, vector<16xi32>,
      %add3A_51 = arith.constant 32 : i32
      %add3A_52 = vector.broadcast %add3A_51 : i32 to vector<16xi32>
      %add3A_53 = arith.addi %iota3A, %add3A_52 : vector<16xi32>
      %swap3A_54 = arith.constant 1 : i32
      %swap3A_55 = arith.index_cast %swap3A_54 : i32 to index
      %swap3A_56 = arith.constant 0 : index
      %swap3A_57 = tpu.vector_load %arg13[%swap3A_55, %swap3A_56] {strides = array<i32>} : memref<2x32xi32, #tpu.memory_space<vmem>>, vector<16xi32>,
      tpu.vector_store %arg13[%swap3A_55, %swap3A_56], %add3A_53 {strides = array<i32>} : memref<2x32xi32, #tpu.memory_space<vmem>>, vector<16xi32>,
      %add3A_58 = arith.constant 48 : i32
      %add3A_59 = vector.broadcast %add3A_58 : i32 to vector<16xi32>
      %add3A_60 = arith.addi %iota3A, %add3A_59 : vector<16xi32>
      %swap3A_61 = arith.constant 1 : i32
      %swap3A_62 = arith.index_cast %swap3A_61 : i32 to index
      %swap3A_63 = arith.constant 16 : index
      %swap3A_64 = tpu.vector_load %arg13[%swap3A_62, %swap3A_63] {strides = array<i32>} : memref<2x32xi32, #tpu.memory_space<vmem>>, vector<16xi32>,
      tpu.vector_store %arg13[%swap3A_62, %swap3A_63], %add3A_60 {strides = array<i32>} : memref<2x32xi32, #tpu.memory_space<vmem>>, vector<16xi32>,
      %mul3A_65 = arith.constant 2 : i32
      %mul3A_66 = arith.muli %mul3A_65, %arg1 : i32
      "tpu.region"() ({
        %run_scoped3A = tpu.sem_alloc : memref<!tpu.dma_semaphore, #tpu.memory_space<semaphore_mem>>
        %dma_start3A = arith.constant 0 : i32
        %dma_start3A_85 = tpu.memref_slice %arg16[%mul3A_66, %dma_start3A] : memref<64x128xf32, #tpu.memory_space<vmem_shared>> -> memref<2x128xf32, #tpu.memory_space<vmem_shared>>
        %dma_start3A_86 = arith.constant 0 : i32
        %dma_start3A_87 = tpu.memref_slice %arg16[%mul3A_66, %dma_start3A_86] : memref<64x128xf32, #tpu.memory_space<vmem_shared>> -> memref<2x128xf32, #tpu.memory_space<vmem_shared>>
        tpu.enqueue_dma source(%arg14 : memref<2x128xf32, #tpu.memory_space<vmem>>) target(%dma_start3A_87 : memref<2x128xf32, #tpu.memory_space<vmem_shared>>) target_semaphore(%run_scoped3A : memref<!tpu.dma_semaphore, #tpu.memory_space<semaphore_mem>>)
        %dma_wait3A = arith.constant 0 : i32
        %dma_wait3A_88 = tpu.memref_slice %arg16[%mul3A_66, %dma_wait3A] : memref<64x128xf32, #tpu.memory_space<vmem_shared>> -> memref<2x128xf32, #tpu.memory_space<vmem_shared>>
        %dma_wait3A_89 = arith.constant 0 : i32
        %dma_wait3A_90 = tpu.memref_slice %arg16[%mul3A_66, %dma_wait3A_89] : memref<64x128xf32, #tpu.memory_space<vmem_shared>> -> memref<2x128xf32, #tpu.memory_space<vmem_shared>>
        tpu.wait_dma2 semaphore(%run_scoped3A : memref<!tpu.dma_semaphore, #tpu.memory_space<semaphore_mem>>) src(%arg14 : memref<2x128xf32, #tpu.memory_space<vmem>>) dst(%dma_wait3A_90 : memref<2x128xf32, #tpu.memory_space<vmem_shared>>)
        tpu.yield
      }) : () -> ()
      %mul3A_67 = arith.constant 2 : i32
      %mul3A_68 = arith.muli %mul3A_67, %arg1 : i32
      %add3A_69 = arith.constant 32 : i32
      %add3A_70 = arith.addi %add3A_69, %mul3A_68 : i32
      "tpu.region"() ({
        %run_scoped3A = tpu.sem_alloc : memref<!tpu.dma_semaphore, #tpu.memory_space<semaphore_mem>>
        %dma_start3A = arith.constant 0 : i32
        %dma_start3A_85 = tpu.memref_slice %arg16[%add3A_70, %dma_start3A] : memref<64x128xf32, #tpu.memory_space<vmem_shared>> -> memref<2x128xf32, #tpu.memory_space<vmem_shared>>
        %dma_start3A_86 = arith.constant 0 : i32
        %dma_start3A_87 = tpu.memref_slice %arg16[%add3A_70, %dma_start3A_86] : memref<64x128xf32, #tpu.memory_space<vmem_shared>> -> memref<2x128xf32, #tpu.memory_space<vmem_shared>>
        tpu.enqueue_dma source(%arg14 : memref<2x128xf32, #tpu.memory_space<vmem>>) target(%dma_start3A_87 : memref<2x128xf32, #tpu.memory_space<vmem_shared>>) target_semaphore(%run_scoped3A : memref<!tpu.dma_semaphore, #tpu.memory_space<semaphore_mem>>)
        %dma_wait3A = arith.constant 0 : i32
        %dma_wait3A_88 = tpu.memref_slice %arg16[%add3A_70, %dma_wait3A] : memref<64x128xf32, #tpu.memory_space<vmem_shared>> -> memref<2x128xf32, #tpu.memory_space<vmem_shared>>
        %dma_wait3A_89 = arith.constant 0 : i32
        %dma_wait3A_90 = tpu.memref_slice %arg16[%add3A_70, %dma_wait3A_89] : memref<64x128xf32, #tpu.memory_space<vmem_shared>> -> memref<2x128xf32, #tpu.memory_space<vmem_shared>>
        tpu.wait_dma2 semaphore(%run_scoped3A : memref<!tpu.dma_semaphore, #tpu.memory_space<semaphore_mem>>) src(%arg14 : memref<2x128xf32, #tpu.memory_space<vmem>>) dst(%dma_wait3A_90 : memref<2x128xf32, #tpu.memory_space<vmem_shared>>)
        tpu.yield
      }) : () -> ()
      %swap3A_71 = arith.constant 1.000000e+00 : f32
      %swap3A_72 = arith.constant 0 : i32
      %swap3A_73 = arith.index_cast %swap3A_72 : i32 to index
      %swap3A_74 = memref.load %arg17[%swap3A_73] : memref<1xf32, #tpu.memory_space<smem>>
      memref.store %swap3A_71, %arg17[%swap3A_73] : memref<1xf32, #tpu.memory_space<smem>>
      %barrier3A = arith.constant 0 : index
      tpu.barrier barrier_id(%barrier3A)
      %scan3A_75 = arith.constant 0 : i32
      %scan3A_76 = arith.constant 0 : i32
      %scan3A_77 = arith.constant 512 : i32
      %scan3A_78 = arith.addi %scan3A_76, %scan3A_77 : i32
      %scan3A_79 = arith.constant 1 : i32
      scf.for %scan3A_85 = %scan3A_76 to %scan3A_78 step %scan3A_79  : i32 {
        %get3A = arith.constant 0 : i32
        %get3A_86 = arith.index_cast %get3A : i32 to index
        %get3A_87 = memref.load %arg17[%get3A_86] : memref<1xf32, #tpu.memory_space<smem>>
        %gt3A = arith.constant 0.000000e+00 : f32
        %gt3A_88 = arith.cmpf ogt, %get3A_87, %gt3A : f32
        %convert_element_type3A_89 = arith.extui %gt3A_88 : i1 to i32
        %cond3A_90 = arith.constant 0 : i32
        %cond3A_91 = arith.cmpi ne, %convert_element_type3A_89, %cond3A_90 : i32
        scf.if %cond3A_91 {
          %get3A_92 = arith.constant 0 : i32
          %get3A_93 = arith.index_cast %get3A_92 : i32 to index
          %get3A_94 = memref.load %arg17[%get3A_93] : memref<1xf32, #tpu.memory_space<smem>>
          %gt3A_95 = arith.constant 0.000000e+00 : f32
          %gt3A_96 = arith.cmpf ogt, %get3A_94, %gt3A_95 : f32
          %convert_element_type3A_97 = arith.extui %gt3A_96 : i1 to i32
          %cond3A_98 = arith.constant 0 : i32
          %cond3A_99 = arith.cmpi ne, %convert_element_type3A_97, %cond3A_98 : i32
          scf.if %cond3A_99 {
            %mul3A_156 = arith.constant 8 : i32
            %mul3A_157 = arith.muli %scan3A_85, %mul3A_156 : i32
            %add3A_158 = arith.constant 0 : i32
            %add3A_159 = arith.addi %mul3A_157, %add3A_158 : i32
            %convert_element_type3A_160 = arith.sitofp %add3A_159 : i32 to f32
            %scan3A_161 = arith.constant 0 : i32
            %scan3A_162 = arith.constant 0 : i32
            %scan3A_163 = arith.constant 16 : i32
            %scan3A_164 = arith.addi %scan3A_162, %scan3A_163 : i32
            %scan3A_165 = arith.constant 1 : i32
            scf.for %scan3A_185 = %scan3A_162 to %scan3A_164 step %scan3A_165  : i32 {
              %get3A_186 = arith.index_cast %scan3A_185 : i32 to index
              %get3A_187 = arith.constant 0 : index
              %get3A_188 = tpu.vector_load %arg7[%get3A_186, %get3A_187] {strides = array<i32>} : memref<16x128xi32, #tpu.memory_space<vmem>>, vector<16xi32>,
              %get3A_189 = arith.index_cast %scan3A_185 : i32 to index
              %get3A_190 = arith.constant 0 : index
              %get3A_191 = tpu.vector_load %arg8[%get3A_189, %get3A_190] {strides = array<i32>} : memref<16x128xi32, #tpu.memory_space<vmem>>, vector<16xi32>,
              %gather3A = tpu.vector_load_idx %arg10[%get3A_188] : memref<4096xf32, #tpu.memory_space<vmem>>[vector<16xi32>], vector<16xf32>,
              %shift_right_logical3A = arith.constant 7 : i32
              %shift_right_logical3A_192 = vector.broadcast %shift_right_logical3A : i32 to vector<16xi32>
              %shift_right_logical3A_193 = arith.shrui %get3A_191, %shift_right_logical3A_192 : vector<16xi32>
              %and3A = arith.constant 127 : i32
              %and3A_194 = vector.broadcast %and3A : i32 to vector<16xi32>
              %and3A_195 = arith.andi %get3A_191, %and3A_194 : vector<16xi32>
              %eq3A_196 = vector.broadcast %convert_element_type3A_160 : f32 to vector<16xf32>
              %eq3A_197 = arith.cmpf oeq, %gather3A, %eq3A_196 : vector<16xf32>
              tpu.vector_store_idx %arg11[%shift_right_logical3A_193, %and3A_195], %add3A_13 masked %eq3A_197 : memref<32x128xf32, #tpu.memory_space<vmem>>[vector<16xi32>, vector<16xi32>], vector<16xf32>, vector<16xi1>
              %gather3A_198 = tpu.vector_load_idx %arg10[%get3A_191] : memref<4096xf32, #tpu.memory_space<vmem>>[vector<16xi32>], vector<16xf32>,
              %shift_right_logical3A_199 = arith.constant 7 : i32
              %shift_right_logical3A_200 = vector.broadcast %shift_right_logical3A_199 : i32 to vector<16xi32>
              %shift_right_logical3A_201 = arith.shrui %get3A_188, %shift_right_logical3A_200 : vector<16xi32>
              %and3A_202 = arith.constant 127 : i32
              %and3A_203 = vector.broadcast %and3A_202 : i32 to vector<16xi32>
              %and3A_204 = arith.andi %get3A_188, %and3A_203 : vector<16xi32>
              %eq3A_205 = vector.broadcast %convert_element_type3A_160 : f32 to vector<16xf32>
              %eq3A_206 = arith.cmpf oeq, %gather3A_198, %eq3A_205 : vector<16xf32>
              tpu.vector_store_idx %arg11[%shift_right_logical3A_201, %and3A_204], %add3A_13 masked %eq3A_206 : memref<32x128xf32, #tpu.memory_space<vmem>>[vector<16xi32>, vector<16xi32>], vector<16xf32>, vector<16xi1>
              %get3A_207 = arith.index_cast %scan3A_185 : i32 to index
              %get3A_208 = arith.constant 16 : index
              %get3A_209 = tpu.vector_load %arg7[%get3A_207, %get3A_208] {strides = array<i32>} : memref<16x128xi32, #tpu.memory_space<vmem>>, vector<16xi32>,
              %get3A_210 = arith.index_cast %scan3A_185 : i32 to index
              %get3A_211 = arith.constant 16 : index
              %get3A_212 = tpu.vector_load %arg8[%get3A_210, %get3A_211] {strides = array<i32>} : memref<16x128xi32, #tpu.memory_space<vmem>>, vector<16xi32>,
              %gather3A_213 = tpu.vector_load_idx %arg10[%get3A_209] : memref<4096xf32, #tpu.memory_space<vmem>>[vector<16xi32>], vector<16xf32>,
              %shift_right_logical3A_214 = arith.constant 7 : i32
              %shift_right_logical3A_215 = vector.broadcast %shift_right_logical3A_214 : i32 to vector<16xi32>
              %shift_right_logical3A_216 = arith.shrui %get3A_212, %shift_right_logical3A_215 : vector<16xi32>
              %and3A_217 = arith.constant 127 : i32
              %and3A_218 = vector.broadcast %and3A_217 : i32 to vector<16xi32>
              %and3A_219 = arith.andi %get3A_212, %and3A_218 : vector<16xi32>
              %eq3A_220 = vector.broadcast %convert_element_type3A_160 : f32 to vector<16xf32>
              %eq3A_221 = arith.cmpf oeq, %gather3A_213, %eq3A_220 : vector<16xf32>
              tpu.vector_store_idx %arg11[%shift_right_logical3A_216, %and3A_219], %add3A_13 masked %eq3A_221 : memref<32x128xf32, #tpu.memory_space<vmem>>[vector<16xi32>, vector<16xi32>], vector<16xf32>, vector<16xi1>
              %gather3A_222 = tpu.vector_load_idx %arg10[%get3A_212] : memref<4096xf32, #tpu.memory_space<vmem>>[vector<16xi32>], vector<16xf32>,
              %shift_right_logical3A_223 = arith.constant 7 : i32
              %shift_right_logical3A_224 = vector.broadcast %shift_right_logical3A_223 : i32 to vector<16xi32>
              %shift_right_logical3A_225 = arith.shrui %get3A_209, %shift_right_logical3A_224 : vector<16xi32>
              %and3A_226 = arith.constant 127 : i32
              %and3A_227 = vector.broadcast %and3A_226 : i32 to vector<16xi32>
              %and3A_228 = arith.andi %get3A_209, %and3A_227 : vector<16xi32>
              %eq3A_229 = vector.broadcast %convert_element_type3A_160 : f32 to vector<16xf32>
              %eq3A_230 = arith.cmpf oeq, %gather3A_222, %eq3A_229 : vector<16xf32>
              tpu.vector_store_idx %arg11[%shift_right_logical3A_225, %and3A_228], %add3A_13 masked %eq3A_230 : memref<32x128xf32, #tpu.memory_space<vmem>>[vector<16xi32>, vector<16xi32>], vector<16xf32>, vector<16xi1>
              %get3A_231 = arith.index_cast %scan3A_185 : i32 to index
              %get3A_232 = arith.constant 32 : index
              %get3A_233 = tpu.vector_load %arg7[%get3A_231, %get3A_232] {strides = array<i32>} : memref<16x128xi32, #tpu.memory_space<vmem>>, vector<16xi32>,
              %get3A_234 = arith.index_cast %scan3A_185 : i32 to index
              %get3A_235 = arith.constant 32 : index
              %get3A_236 = tpu.vector_load %arg8[%get3A_234, %get3A_235] {strides = array<i32>} : memref<16x128xi32, #tpu.memory_space<vmem>>, vector<16xi32>,
              %gather3A_237 = tpu.vector_load_idx %arg10[%get3A_233] : memref<4096xf32, #tpu.memory_space<vmem>>[vector<16xi32>], vector<16xf32>,
              %shift_right_logical3A_238 = arith.constant 7 : i32
              %shift_right_logical3A_239 = vector.broadcast %shift_right_logical3A_238 : i32 to vector<16xi32>
              %shift_right_logical3A_240 = arith.shrui %get3A_236, %shift_right_logical3A_239 : vector<16xi32>
              %and3A_241 = arith.constant 127 : i32
              %and3A_242 = vector.broadcast %and3A_241 : i32 to vector<16xi32>
              %and3A_243 = arith.andi %get3A_236, %and3A_242 : vector<16xi32>
              %eq3A_244 = vector.broadcast %convert_element_type3A_160 : f32 to vector<16xf32>
              %eq3A_245 = arith.cmpf oeq, %gather3A_237, %eq3A_244 : vector<16xf32>
              tpu.vector_store_idx %arg11[%shift_right_logical3A_240, %and3A_243], %add3A_13 masked %eq3A_245 : memref<32x128xf32, #tpu.memory_space<vmem>>[vector<16xi32>, vector<16xi32>], vector<16xf32>, vector<16xi1>
              %gather3A_246 = tpu.vector_load_idx %arg10[%get3A_236] : memref<4096xf32, #tpu.memory_space<vmem>>[vector<16xi32>], vector<16xf32>,
              %shift_right_logical3A_247 = arith.constant 7 : i32
              %shift_right_logical3A_248 = vector.broadcast %shift_right_logical3A_247 : i32 to vector<16xi32>
              %shift_right_logical3A_249 = arith.shrui %get3A_233, %shift_right_logical3A_248 : vector<16xi32>
              %and3A_250 = arith.constant 127 : i32
              %and3A_251 = vector.broadcast %and3A_250 : i32 to vector<16xi32>
              %and3A_252 = arith.andi %get3A_233, %and3A_251 : vector<16xi32>
              %eq3A_253 = vector.broadcast %convert_element_type3A_160 : f32 to vector<16xf32>
              %eq3A_254 = arith.cmpf oeq, %gather3A_246, %eq3A_253 : vector<16xf32>
              tpu.vector_store_idx %arg11[%shift_right_logical3A_249, %and3A_252], %add3A_13 masked %eq3A_254 : memref<32x128xf32, #tpu.memory_space<vmem>>[vector<16xi32>, vector<16xi32>], vector<16xf32>, vector<16xi1>
              %get3A_255 = arith.index_cast %scan3A_185 : i32 to index
              %get3A_256 = arith.constant 48 : index
              %get3A_257 = tpu.vector_load %arg7[%get3A_255, %get3A_256] {strides = array<i32>} : memref<16x128xi32, #tpu.memory_space<vmem>>, vector<16xi32>,
              %get3A_258 = arith.index_cast %scan3A_185 : i32 to index
              %get3A_259 = arith.constant 48 : index
              %get3A_260 = tpu.vector_load %arg8[%get3A_258, %get3A_259] {strides = array<i32>} : memref<16x128xi32, #tpu.memory_space<vmem>>, vector<16xi32>,
              %gather3A_261 = tpu.vector_load_idx %arg10[%get3A_257] : memref<4096xf32, #tpu.memory_space<vmem>>[vector<16xi32>], vector<16xf32>,
              %shift_right_logical3A_262 = arith.constant 7 : i32
              %shift_right_logical3A_263 = vector.broadcast %shift_right_logical3A_262 : i32 to vector<16xi32>
              %shift_right_logical3A_264 = arith.shrui %get3A_260, %shift_right_logical3A_263 : vector<16xi32>
              %and3A_265 = arith.constant 127 : i32
              %and3A_266 = vector.broadcast %and3A_265 : i32 to vector<16xi32>
              %and3A_267 = arith.andi %get3A_260, %and3A_266 : vector<16xi32>
              %eq3A_268 = vector.broadcast %convert_element_type3A_160 : f32 to vector<16xf32>
              %eq3A_269 = arith.cmpf oeq, %gather3A_261, %eq3A_268 : vector<16xf32>
              tpu.vector_store_idx %arg11[%shift_right_logical3A_264, %and3A_267], %add3A_13 masked %eq3A_269 : memref<32x128xf32, #tpu.memory_space<vmem>>[vector<16xi32>, vector<16xi32>], vector<16xf32>, vector<16xi1>
              %gather3A_270 = tpu.vector_load_idx %arg10[%get3A_260] : memref<4096xf32, #tpu.memory_space<vmem>>[vector<16xi32>], vector<16xf32>,
              %shift_right_logical3A_271 = arith.constant 7 : i32
              %shift_right_logical3A_272 = vector.broadcast %shift_right_logical3A_271 : i32 to vector<16xi32>
              %shift_right_logical3A_273 = arith.shrui %get3A_257, %shift_right_logical3A_272 : vector<16xi32>
              %and3A_274 = arith.constant 127 : i32
              %and3A_275 = vector.broadcast %and3A_274 : i32 to vector<16xi32>
              %and3A_276 = arith.andi %get3A_257, %and3A_275 : vector<16xi32>
              %eq3A_277 = vector.broadcast %convert_element_type3A_160 : f32 to vector<16xf32>
              %eq3A_278 = arith.cmpf oeq, %gather3A_270, %eq3A_277 : vector<16xf32>
              tpu.vector_store_idx %arg11[%shift_right_logical3A_273, %and3A_276], %add3A_13 masked %eq3A_278 : memref<32x128xf32, #tpu.memory_space<vmem>>[vector<16xi32>, vector<16xi32>], vector<16xf32>, vector<16xi1>
              %get3A_279 = arith.index_cast %scan3A_185 : i32 to index
              %get3A_280 = arith.constant 64 : index
              %get3A_281 = tpu.vector_load %arg7[%get3A_279, %get3A_280] {strides = array<i32>} : memref<16x128xi32, #tpu.memory_space<vmem>>, vector<16xi32>,
              %get3A_282 = arith.index_cast %scan3A_185 : i32 to index
              %get3A_283 = arith.constant 64 : index
              %get3A_284 = tpu.vector_load %arg8[%get3A_282, %get3A_283] {strides = array<i32>} : memref<16x128xi32, #tpu.memory_space<vmem>>, vector<16xi32>,
              %gather3A_285 = tpu.vector_load_idx %arg10[%get3A_281] : memref<4096xf32, #tpu.memory_space<vmem>>[vector<16xi32>], vector<16xf32>,
              %shift_right_logical3A_286 = arith.constant 7 : i32
              %shift_right_logical3A_287 = vector.broadcast %shift_right_logical3A_286 : i32 to vector<16xi32>
              %shift_right_logical3A_288 = arith.shrui %get3A_284, %shift_right_logical3A_287 : vector<16xi32>
              %and3A_289 = arith.constant 127 : i32
              %and3A_290 = vector.broadcast %and3A_289 : i32 to vector<16xi32>
              %and3A_291 = arith.andi %get3A_284, %and3A_290 : vector<16xi32>
              %eq3A_292 = vector.broadcast %convert_element_type3A_160 : f32 to vector<16xf32>
              %eq3A_293 = arith.cmpf oeq, %gather3A_285, %eq3A_292 : vector<16xf32>
              tpu.vector_store_idx %arg11[%shift_right_logical3A_288, %and3A_291], %add3A_13 masked %eq3A_293 : memref<32x128xf32, #tpu.memory_space<vmem>>[vector<16xi32>, vector<16xi32>], vector<16xf32>, vector<16xi1>
              %gather3A_294 = tpu.vector_load_idx %arg10[%get3A_284] : memref<4096xf32, #tpu.memory_space<vmem>>[vector<16xi32>], vector<16xf32>,
              %shift_right_logical3A_295 = arith.constant 7 : i32
              %shift_right_logical3A_296 = vector.broadcast %shift_right_logical3A_295 : i32 to vector<16xi32>
              %shift_right_logical3A_297 = arith.shrui %get3A_281, %shift_right_logical3A_296 : vector<16xi32>
              %and3A_298 = arith.constant 127 : i32
              %and3A_299 = vector.broadcast %and3A_298 : i32 to vector<16xi32>
              %and3A_300 = arith.andi %get3A_281, %and3A_299 : vector<16xi32>
              %eq3A_301 = vector.broadcast %convert_element_type3A_160 : f32 to vector<16xf32>
              %eq3A_302 = arith.cmpf oeq, %gather3A_294, %eq3A_301 : vector<16xf32>
              tpu.vector_store_idx %arg11[%shift_right_logical3A_297, %and3A_300], %add3A_13 masked %eq3A_302 : memref<32x128xf32, #tpu.memory_space<vmem>>[vector<16xi32>, vector<16xi32>], vector<16xf32>, vector<16xi1>
              %get3A_303 = arith.index_cast %scan3A_185 : i32 to index
              %get3A_304 = arith.constant 80 : index
              %get3A_305 = tpu.vector_load %arg7[%get3A_303, %get3A_304] {strides = array<i32>} : memref<16x128xi32, #tpu.memory_space<vmem>>, vector<16xi32>,
              %get3A_306 = arith.index_cast %scan3A_185 : i32 to index
              %get3A_307 = arith.constant 80 : index
              %get3A_308 = tpu.vector_load %arg8[%get3A_306, %get3A_307] {strides = array<i32>} : memref<16x128xi32, #tpu.memory_space<vmem>>, vector<16xi32>,
              %gather3A_309 = tpu.vector_load_idx %arg10[%get3A_305] : memref<4096xf32, #tpu.memory_space<vmem>>[vector<16xi32>], vector<16xf32>,
              %shift_right_logical3A_310 = arith.constant 7 : i32
              %shift_right_logical3A_311 = vector.broadcast %shift_right_logical3A_310 : i32 to vector<16xi32>
              %shift_right_logical3A_312 = arith.shrui %get3A_308, %shift_right_logical3A_311 : vector<16xi32>
              %and3A_313 = arith.constant 127 : i32
              %and3A_314 = vector.broadcast %and3A_313 : i32 to vector<16xi32>
              %and3A_315 = arith.andi %get3A_308, %and3A_314 : vector<16xi32>
              %eq3A_316 = vector.broadcast %convert_element_type3A_160 : f32 to vector<16xf32>
              %eq3A_317 = arith.cmpf oeq, %gather3A_309, %eq3A_316 : vector<16xf32>
              tpu.vector_store_idx %arg11[%shift_right_logical3A_312, %and3A_315], %add3A_13 masked %eq3A_317 : memref<32x128xf32, #tpu.memory_space<vmem>>[vector<16xi32>, vector<16xi32>], vector<16xf32>, vector<16xi1>
              %gather3A_318 = tpu.vector_load_idx %arg10[%get3A_308] : memref<4096xf32, #tpu.memory_space<vmem>>[vector<16xi32>], vector<16xf32>,
              %shift_right_logical3A_319 = arith.constant 7 : i32
              %shift_right_logical3A_320 = vector.broadcast %shift_right_logical3A_319 : i32 to vector<16xi32>
              %shift_right_logical3A_321 = arith.shrui %get3A_305, %shift_right_logical3A_320 : vector<16xi32>
              %and3A_322 = arith.constant 127 : i32
              %and3A_323 = vector.broadcast %and3A_322 : i32 to vector<16xi32>
              %and3A_324 = arith.andi %get3A_305, %and3A_323 : vector<16xi32>
              %eq3A_325 = vector.broadcast %convert_element_type3A_160 : f32 to vector<16xf32>
              %eq3A_326 = arith.cmpf oeq, %gather3A_318, %eq3A_325 : vector<16xf32>
              tpu.vector_store_idx %arg11[%shift_right_logical3A_321, %and3A_324], %add3A_13 masked %eq3A_326 : memref<32x128xf32, #tpu.memory_space<vmem>>[vector<16xi32>, vector<16xi32>], vector<16xf32>, vector<16xi1>
              %get3A_327 = arith.index_cast %scan3A_185 : i32 to index
              %get3A_328 = arith.constant 96 : index
              %get3A_329 = tpu.vector_load %arg7[%get3A_327, %get3A_328] {strides = array<i32>} : memref<16x128xi32, #tpu.memory_space<vmem>>, vector<16xi32>,
              %get3A_330 = arith.index_cast %scan3A_185 : i32 to index
              %get3A_331 = arith.constant 96 : index
              %get3A_332 = tpu.vector_load %arg8[%get3A_330, %get3A_331] {strides = array<i32>} : memref<16x128xi32, #tpu.memory_space<vmem>>, vector<16xi32>,
              %gather3A_333 = tpu.vector_load_idx %arg10[%get3A_329] : memref<4096xf32, #tpu.memory_space<vmem>>[vector<16xi32>], vector<16xf32>,
              %shift_right_logical3A_334 = arith.constant 7 : i32
              %shift_right_logical3A_335 = vector.broadcast %shift_right_logical3A_334 : i32 to vector<16xi32>
              %shift_right_logical3A_336 = arith.shrui %get3A_332, %shift_right_logical3A_335 : vector<16xi32>
              %and3A_337 = arith.constant 127 : i32
              %and3A_338 = vector.broadcast %and3A_337 : i32 to vector<16xi32>
              %and3A_339 = arith.andi %get3A_332, %and3A_338 : vector<16xi32>
              %eq3A_340 = vector.broadcast %convert_element_type3A_160 : f32 to vector<16xf32>
              %eq3A_341 = arith.cmpf oeq, %gather3A_333, %eq3A_340 : vector<16xf32>
              tpu.vector_store_idx %arg11[%shift_right_logical3A_336, %and3A_339], %add3A_13 masked %eq3A_341 : memref<32x128xf32, #tpu.memory_space<vmem>>[vector<16xi32>, vector<16xi32>], vector<16xf32>, vector<16xi1>
              %gather3A_342 = tpu.vector_load_idx %arg10[%get3A_332] : memref<4096xf32, #tpu.memory_space<vmem>>[vector<16xi32>], vector<16xf32>,
              %shift_right_logical3A_343 = arith.constant 7 : i32
              %shift_right_logical3A_344 = vector.broadcast %shift_right_logical3A_343 : i32 to vector<16xi32>
              %shift_right_logical3A_345 = arith.shrui %get3A_329, %shift_right_logical3A_344 : vector<16xi32>
              %and3A_346 = arith.constant 127 : i32
              %and3A_347 = vector.broadcast %and3A_346 : i32 to vector<16xi32>
              %and3A_348 = arith.andi %get3A_329, %and3A_347 : vector<16xi32>
              %eq3A_349 = vector.broadcast %convert_element_type3A_160 : f32 to vector<16xf32>
              %eq3A_350 = arith.cmpf oeq, %gather3A_342, %eq3A_349 : vector<16xf32>
              tpu.vector_store_idx %arg11[%shift_right_logical3A_345, %and3A_348], %add3A_13 masked %eq3A_350 : memref<32x128xf32, #tpu.memory_space<vmem>>[vector<16xi32>, vector<16xi32>], vector<16xf32>, vector<16xi1>
              %get3A_351 = arith.index_cast %scan3A_185 : i32 to index
              %get3A_352 = arith.constant 112 : index
              %get3A_353 = tpu.vector_load %arg7[%get3A_351, %get3A_352] {strides = array<i32>} : memref<16x128xi32, #tpu.memory_space<vmem>>, vector<16xi32>,
              %get3A_354 = arith.index_cast %scan3A_185 : i32 to index
              %get3A_355 = arith.constant 112 : index
              %get3A_356 = tpu.vector_load %arg8[%get3A_354, %get3A_355] {strides = array<i32>} : memref<16x128xi32, #tpu.memory_space<vmem>>, vector<16xi32>,
              %gather3A_357 = tpu.vector_load_idx %arg10[%get3A_353] : memref<4096xf32, #tpu.memory_space<vmem>>[vector<16xi32>], vector<16xf32>,
              %shift_right_logical3A_358 = arith.constant 7 : i32
              %shift_right_logical3A_359 = vector.broadcast %shift_right_logical3A_358 : i32 to vector<16xi32>
              %shift_right_logical3A_360 = arith.shrui %get3A_356, %shift_right_logical3A_359 : vector<16xi32>
              %and3A_361 = arith.constant 127 : i32
              %and3A_362 = vector.broadcast %and3A_361 : i32 to vector<16xi32>
              %and3A_363 = arith.andi %get3A_356, %and3A_362 : vector<16xi32>
              %eq3A_364 = vector.broadcast %convert_element_type3A_160 : f32 to vector<16xf32>
              %eq3A_365 = arith.cmpf oeq, %gather3A_357, %eq3A_364 : vector<16xf32>
              tpu.vector_store_idx %arg11[%shift_right_logical3A_360, %and3A_363], %add3A_13 masked %eq3A_365 : memref<32x128xf32, #tpu.memory_space<vmem>>[vector<16xi32>, vector<16xi32>], vector<16xf32>, vector<16xi1>
              %gather3A_366 = tpu.vector_load_idx %arg10[%get3A_356] : memref<4096xf32, #tpu.memory_space<vmem>>[vector<16xi32>], vector<16xf32>,
              %shift_right_logical3A_367 = arith.constant 7 : i32
              %shift_right_logical3A_368 = vector.broadcast %shift_right_logical3A_367 : i32 to vector<16xi32>
              %shift_right_logical3A_369 = arith.shrui %get3A_353, %shift_right_logical3A_368 : vector<16xi32>
              %and3A_370 = arith.constant 127 : i32
              %and3A_371 = vector.broadcast %and3A_370 : i32 to vector<16xi32>
              %and3A_372 = arith.andi %get3A_353, %and3A_371 : vector<16xi32>
              %eq3A_373 = vector.broadcast %convert_element_type3A_160 : f32 to vector<16xf32>
              %eq3A_374 = arith.cmpf oeq, %gather3A_366, %eq3A_373 : vector<16xf32>
              tpu.vector_store_idx %arg11[%shift_right_logical3A_369, %and3A_372], %add3A_13 masked %eq3A_374 : memref<32x128xf32, #tpu.memory_space<vmem>>[vector<16xi32>, vector<16xi32>], vector<16xf32>, vector<16xi1>
            }
            %scan3A_166 = arith.constant 16 : i32
            %run_scoped3A = arith.constant 0 : i32
            "tpu.region"() ({
              %run_scoped3A_185 = tpu.sem_alloc : memref<!tpu.dma_semaphore, #tpu.memory_space<semaphore_mem>>
              %dma_start3A = arith.constant 0 : i32
              %dma_start3A_186 = tpu.memref_slice %arg13[%run_scoped3A, %dma_start3A] : memref<2x32xi32, #tpu.memory_space<vmem>> -> memref<1x32xi32, #tpu.memory_space<vmem>>
              %dma_start3A_187 = tpu.memref_squeeze %dma_start3A_186 : memref<1x32xi32, #tpu.memory_space<vmem>> -> memref<32xi32, #tpu.memory_space<vmem>>
              %dma_start3A_188 = arith.constant 0 : i32
              %dma_start3A_189 = arith.constant 0 : i32
              %dma_start3A_190 = tpu.memref_slice %arg16[%dma_start3A_188, %dma_start3A_189] : memref<64x128xf32, #tpu.memory_space<vmem_shared>> -> memref<64x128xf32, #tpu.memory_space<vmem_shared>>
              tpu.enqueue_indirect_dma source(%arg11 : memref<32x128xf32, #tpu.memory_space<vmem>>) target(%dma_start3A_190 : memref<64x128xf32, #tpu.memory_space<vmem_shared>>) offsets(%dma_start3A_187 : memref<32xi32, #tpu.memory_space<vmem>>) semaphore(%run_scoped3A_185 : memref<!tpu.dma_semaphore, #tpu.memory_space<semaphore_mem>>) {add = true}
              %dma_wait3A = arith.constant 0 : i32
              %dma_wait3A_191 = tpu.memref_slice %arg13[%run_scoped3A, %dma_wait3A] : memref<2x32xi32, #tpu.memory_space<vmem>> -> memref<1x32xi32, #tpu.memory_space<vmem>>
              %dma_wait3A_192 = tpu.memref_squeeze %dma_wait3A_191 : memref<1x32xi32, #tpu.memory_space<vmem>> -> memref<32xi32, #tpu.memory_space<vmem>>
              %dma_wait3A_193 = arith.constant 0 : i32
              %dma_wait3A_194 = arith.constant 0 : i32
              %dma_wait3A_195 = tpu.memref_slice %arg16[%dma_wait3A_193, %dma_wait3A_194] : memref<64x128xf32, #tpu.memory_space<vmem_shared>> -> memref<64x128xf32, #tpu.memory_space<vmem_shared>>
              tpu.wait_indirect_dma semaphore(%run_scoped3A_185 : memref<!tpu.dma_semaphore, #tpu.memory_space<semaphore_mem>>) src(%arg11 : memref<32x128xf32, #tpu.memory_space<vmem>>) dst(%dma_wait3A_195 : memref<64x128xf32, #tpu.memory_space<vmem_shared>>)
              tpu.yield
            }) : () -> ()
            %barrier3A_167 = arith.constant 0 : index
            tpu.barrier barrier_id(%barrier3A_167)
            "tpu.region"() ({
              %run_scoped3A_185 = tpu.sem_alloc : memref<!tpu.dma_semaphore, #tpu.memory_space<semaphore_mem>>
              %dma_start3A = arith.constant 0 : i32
              %dma_start3A_186 = arith.constant 0 : i32
              %dma_start3A_187 = tpu.memref_slice %arg16[%dma_start3A, %dma_start3A_186] : memref<64x128xf32, #tpu.memory_space<vmem_shared>> -> memref<32x128xf32, #tpu.memory_space<vmem_shared>>
              %dma_start3A_188 = arith.constant 0 : i32
              %dma_start3A_189 = arith.constant 0 : i32
              %dma_start3A_190 = tpu.memref_slice %arg16[%dma_start3A_188, %dma_start3A_189] : memref<64x128xf32, #tpu.memory_space<vmem_shared>> -> memref<32x128xf32, #tpu.memory_space<vmem_shared>>
              tpu.enqueue_dma source(%dma_start3A_190 : memref<32x128xf32, #tpu.memory_space<vmem_shared>>) target(%arg12 : memref<32x128xf32, #tpu.memory_space<vmem>>) target_semaphore(%run_scoped3A_185 : memref<!tpu.dma_semaphore, #tpu.memory_space<semaphore_mem>>)
              %dma_wait3A = arith.constant 0 : i32
              %dma_wait3A_191 = arith.constant 0 : i32
              %dma_wait3A_192 = tpu.memref_slice %arg16[%dma_wait3A, %dma_wait3A_191] : memref<64x128xf32, #tpu.memory_space<vmem_shared>> -> memref<32x128xf32, #tpu.memory_space<vmem_shared>>
              %dma_wait3A_193 = arith.constant 0 : i32
              %dma_wait3A_194 = arith.constant 0 : i32
              %dma_wait3A_195 = tpu.memref_slice %arg16[%dma_wait3A_193, %dma_wait3A_194] : memref<64x128xf32, #tpu.memory_space<vmem_shared>> -> memref<32x128xf32, #tpu.memory_space<vmem_shared>>
              tpu.wait_dma2 semaphore(%run_scoped3A_185 : memref<!tpu.dma_semaphore, #tpu.memory_space<semaphore_mem>>) src(%dma_wait3A_195 : memref<32x128xf32, #tpu.memory_space<vmem_shared>>) dst(%arg12 : memref<32x128xf32, #tpu.memory_space<vmem>>)
              tpu.yield
            }) : () -> ()
            %mul3A_168 = arith.constant 2 : i32
            %mul3A_169 = arith.muli %mul3A_168, %arg1 : i32
            %add3A_170 = arith.constant 32 : i32
            %add3A_171 = arith.addi %add3A_170, %mul3A_169 : i32
            "tpu.region"() ({
              %run_scoped3A_185 = tpu.sem_alloc : memref<!tpu.dma_semaphore, #tpu.memory_space<semaphore_mem>>
              %dma_start3A = arith.constant 0 : i32
              %dma_start3A_186 = tpu.memref_slice %arg16[%add3A_171, %dma_start3A] : memref<64x128xf32, #tpu.memory_space<vmem_shared>> -> memref<2x128xf32, #tpu.memory_space<vmem_shared>>
              %dma_start3A_187 = arith.constant 0 : i32
              %dma_start3A_188 = tpu.memref_slice %arg16[%add3A_171, %dma_start3A_187] : memref<64x128xf32, #tpu.memory_space<vmem_shared>> -> memref<2x128xf32, #tpu.memory_space<vmem_shared>>
              tpu.enqueue_dma source(%arg14 : memref<2x128xf32, #tpu.memory_space<vmem>>) target(%dma_start3A_188 : memref<2x128xf32, #tpu.memory_space<vmem_shared>>) target_semaphore(%run_scoped3A_185 : memref<!tpu.dma_semaphore, #tpu.memory_space<semaphore_mem>>)
              %dma_wait3A = arith.constant 0 : i32
              %dma_wait3A_189 = tpu.memref_slice %arg16[%add3A_171, %dma_wait3A] : memref<64x128xf32, #tpu.memory_space<vmem_shared>> -> memref<2x128xf32, #tpu.memory_space<vmem_shared>>
              %dma_wait3A_190 = arith.constant 0 : i32
              %dma_wait3A_191 = tpu.memref_slice %arg16[%add3A_171, %dma_wait3A_190] : memref<64x128xf32, #tpu.memory_space<vmem_shared>> -> memref<2x128xf32, #tpu.memory_space<vmem_shared>>
              tpu.wait_dma2 semaphore(%run_scoped3A_185 : memref<!tpu.dma_semaphore, #tpu.memory_space<semaphore_mem>>) src(%arg14 : memref<2x128xf32, #tpu.memory_space<vmem>>) dst(%dma_wait3A_191 : memref<2x128xf32, #tpu.memory_space<vmem_shared>>)
              tpu.yield
            }) : () -> ()
            %add3A_172 = arith.constant 1.000000e+00 : f32
            %add3A_173 = arith.addf %convert_element_type3A_160, %add3A_172 : f32
            %scan3A_174 = arith.constant 0.000000e+00 : f32
            %scan3A_175 = arith.constant 0 : i32
            %scan3A_176 = arith.constant 256 : i32
            %scan3A_177 = arith.addi %scan3A_175, %scan3A_176 : i32
            %scan3A_178 = arith.constant 1 : i32
            %scan3A_179 = scf.for %scan3A_185 = %scan3A_175 to %scan3A_177 step %scan3A_178 iter_args(%scan3A_186 = %scan3A_174) -> (f32)  : i32 {
              %shift_right_arithmetic3A = arith.constant 3 : i32
              %shift_right_arithmetic3A_187 = arith.shrsi %scan3A_185, %shift_right_arithmetic3A : i32
              %and3A = arith.constant 7 : i32
              %and3A_188 = arith.andi %scan3A_185, %and3A : i32
              %mul3A_189 = arith.constant 16 : i32
              %mul3A_190 = arith.muli %and3A_188, %mul3A_189 : i32
              %get3A_191 = arith.index_cast %shift_right_arithmetic3A_187 : i32 to index
              %get3A_192 = arith.index_cast %mul3A_190 : i32 to index
              %get3A_193 = tpu.vector_load %arg12[%get3A_191, %get3A_192] {strides = array<i32>} : memref<32x128xf32, #tpu.memory_space<vmem>>, vector<16xf32>,
              %mul3A_194 = arith.constant 16 : i32
              %mul3A_195 = arith.muli %scan3A_185, %mul3A_194 : i32
              %get3A_196 = arith.index_cast %mul3A_195 : i32 to index
              %get3A_197 = tpu.vector_load %arg10[%get3A_196] {strides = array<i32>} : memref<4096xf32, #tpu.memory_space<vmem>>, vector<16xf32>,
              %gt3A_198 = arith.constant 0.000000e+00 : f32
              %gt3A_199 = vector.broadcast %gt3A_198 : f32 to vector<16xf32>
              %gt3A_200 = arith.cmpf ogt, %get3A_193, %gt3A_199 : vector<16xf32>
              %eq3A_201 = arith.constant 4.096000e+03 : f32
              %eq3A_202 = vector.broadcast %eq3A_201 : f32 to vector<16xf32>
              %eq3A_203 = arith.cmpf oeq, %get3A_197, %eq3A_202 : vector<16xf32>
              %and3A_204 = arith.andi %gt3A_200, %eq3A_203 : vector<16xi1>
              %broadcast_in_dim3A_205 = vector.broadcast %add3A_173 : f32 to vector<16xf32>
              %select_n3A_206 = arith.select %and3A_204, %broadcast_in_dim3A_205, %get3A_197 : vector<16xi1>, vector<16xf32>
              %mul3A_207 = arith.constant 16 : i32
              %mul3A_208 = arith.muli %scan3A_185, %mul3A_207 : i32
              %swap3A_209 = arith.index_cast %mul3A_208 : i32 to index
              %swap3A_210 = tpu.vector_load %arg10[%swap3A_209] {strides = array<i32>} : memref<4096xf32, #tpu.memory_space<vmem>>, vector<16xf32>,
              tpu.vector_store %arg10[%swap3A_209], %select_n3A_206 {strides = array<i32>} : memref<4096xf32, #tpu.memory_space<vmem>>, vector<16xf32>,
              %shift_right_arithmetic3A_211 = arith.constant 3 : i32
              %shift_right_arithmetic3A_212 = arith.shrsi %scan3A_185, %shift_right_arithmetic3A_211 : i32
              %and3A_213 = arith.constant 7 : i32
              %and3A_214 = arith.andi %scan3A_185, %and3A_213 : i32
              %mul3A_215 = arith.constant 16 : i32
              %mul3A_216 = arith.muli %and3A_214, %mul3A_215 : i32
              %swap3A_217 = arith.index_cast %shift_right_arithmetic3A_212 : i32 to index
              %swap3A_218 = arith.index_cast %mul3A_216 : i32 to index
              %swap3A_219 = tpu.vector_load %arg11[%swap3A_217, %swap3A_218] {strides = array<i32>} : memref<32x128xf32, #tpu.memory_space<vmem>>, vector<16xf32>,
              tpu.vector_store %arg11[%swap3A_217, %swap3A_218], %mul3A_3 {strides = array<i32>} : memref<32x128xf32, #tpu.memory_space<vmem>>, vector<16xf32>,
              %jit3A_220 = arith.constant 1.000000e+00 : f32
              %jit3A_221 = arith.constant 0.000000e+00 : f32
              %broadcast_in_dim3A_222 = vector.broadcast %jit3A_220 : f32 to vector<16xf32>
              %broadcast_in_dim3A_223 = vector.broadcast %jit3A_221 : f32 to vector<16xf32>
              %select_n3A_224 = arith.select %and3A_204, %broadcast_in_dim3A_222, %broadcast_in_dim3A_223 : vector<16xi1>, vector<16xf32>
              %reduce_sum3A = arith.constant true
              %reduce_sum3A_225 = vector.broadcast %reduce_sum3A : i1 to vector<16xi1>
              %reduce_sum3A_226 = tpu.scan <sum>, %select_n3A_224 masked %reduce_sum3A_225 : vector<16xf32>, vector<16xi1> -> vector<16xf32>
              %reduce_sum3A_227 = vector.extract %reduce_sum3A_226[15] : f32 from vector<16xf32>
              %add3A_228 = arith.addf %scan3A_186, %reduce_sum3A_227 : f32
              scf.yield %add3A_228 : f32
            }
            %scan3A_180 = arith.constant 256 : i32
            %barrier3A_181 = arith.constant 0 : index
            tpu.barrier barrier_id(%barrier3A_181)
            %swap3A_182 = arith.constant 0 : i32
            %swap3A_183 = arith.index_cast %swap3A_182 : i32 to index
            %swap3A_184 = memref.load %arg17[%swap3A_183] : memref<1xf32, #tpu.memory_space<smem>>
            memref.store %scan3A_179, %arg17[%swap3A_183] : memref<1xf32, #tpu.memory_space<smem>>
          } else {
          }
          %get3A_100 = arith.constant 0 : i32
          %get3A_101 = arith.index_cast %get3A_100 : i32 to index
          %get3A_102 = memref.load %arg17[%get3A_101] : memref<1xf32, #tpu.memory_space<smem>>
          %gt3A_103 = arith.constant 0.000000e+00 : f32
          %gt3A_104 = arith.cmpf ogt, %get3A_102, %gt3A_103 : f32
          %convert_element_type3A_105 = arith.extui %gt3A_104 : i1 to i32
          %cond3A_106 = arith.constant 0 : i32
          %cond3A_107 = arith.cmpi ne, %convert_element_type3A_105, %cond3A_106 : i32
          scf.if %cond3A_107 {
            %mul3A_156 = arith.constant 8 : i32
            %mul3A_157 = arith.muli %scan3A_85, %mul3A_156 : i32
            %add3A_158 = arith.constant 1 : i32
            %add3A_159 = arith.addi %mul3A_157, %add3A_158 : i32
            %convert_element_type3A_160 = arith.sitofp %add3A_159 : i32 to f32
            %scan3A_161 = arith.constant 0 : i32
            %scan3A_162 = arith.constant 0 : i32
            %scan3A_163 = arith.constant 16 : i32
            %scan3A_164 = arith.addi %scan3A_162, %scan3A_163 : i32
            %scan3A_165 = arith.constant 1 : i32
            scf.for %scan3A_185 = %scan3A_162 to %scan3A_164 step %scan3A_165  : i32 {
              %get3A_186 = arith.index_cast %scan3A_185 : i32 to index
              %get3A_187 = arith.constant 0 : index
              %get3A_188 = tpu.vector_load %arg7[%get3A_186, %get3A_187] {strides = array<i32>} : memref<16x128xi32, #tpu.memory_space<vmem>>, vector<16xi32>,
              %get3A_189 = arith.index_cast %scan3A_185 : i32 to index
              %get3A_190 = arith.constant 0 : index
              %get3A_191 = tpu.vector_load %arg8[%get3A_189, %get3A_190] {strides = array<i32>} : memref<16x128xi32, #tpu.memory_space<vmem>>, vector<16xi32>,
              %gather3A = tpu.vector_load_idx %arg10[%get3A_188] : memref<4096xf32, #tpu.memory_space<vmem>>[vector<16xi32>], vector<16xf32>,
              %shift_right_logical3A = arith.constant 7 : i32
              %shift_right_logical3A_192 = vector.broadcast %shift_right_logical3A : i32 to vector<16xi32>
              %shift_right_logical3A_193 = arith.shrui %get3A_191, %shift_right_logical3A_192 : vector<16xi32>
              %and3A = arith.constant 127 : i32
              %and3A_194 = vector.broadcast %and3A : i32 to vector<16xi32>
              %and3A_195 = arith.andi %get3A_191, %and3A_194 : vector<16xi32>
              %eq3A_196 = vector.broadcast %convert_element_type3A_160 : f32 to vector<16xf32>
              %eq3A_197 = arith.cmpf oeq, %gather3A, %eq3A_196 : vector<16xf32>
              tpu.vector_store_idx %arg11[%shift_right_logical3A_193, %and3A_195], %add3A_13 masked %eq3A_197 : memref<32x128xf32, #tpu.memory_space<vmem>>[vector<16xi32>, vector<16xi32>], vector<16xf32>, vector<16xi1>
              %gather3A_198 = tpu.vector_load_idx %arg10[%get3A_191] : memref<4096xf32, #tpu.memory_space<vmem>>[vector<16xi32>], vector<16xf32>,
              %shift_right_logical3A_199 = arith.constant 7 : i32
              %shift_right_logical3A_200 = vector.broadcast %shift_right_logical3A_199 : i32 to vector<16xi32>
              %shift_right_logical3A_201 = arith.shrui %get3A_188, %shift_right_logical3A_200 : vector<16xi32>
              %and3A_202 = arith.constant 127 : i32
              %and3A_203 = vector.broadcast %and3A_202 : i32 to vector<16xi32>
              %and3A_204 = arith.andi %get3A_188, %and3A_203 : vector<16xi32>
              %eq3A_205 = vector.broadcast %convert_element_type3A_160 : f32 to vector<16xf32>
              %eq3A_206 = arith.cmpf oeq, %gather3A_198, %eq3A_205 : vector<16xf32>
              tpu.vector_store_idx %arg11[%shift_right_logical3A_201, %and3A_204], %add3A_13 masked %eq3A_206 : memref<32x128xf32, #tpu.memory_space<vmem>>[vector<16xi32>, vector<16xi32>], vector<16xf32>, vector<16xi1>
              %get3A_207 = arith.index_cast %scan3A_185 : i32 to index
              %get3A_208 = arith.constant 16 : index
              %get3A_209 = tpu.vector_load %arg7[%get3A_207, %get3A_208] {strides = array<i32>} : memref<16x128xi32, #tpu.memory_space<vmem>>, vector<16xi32>,
              %get3A_210 = arith.index_cast %scan3A_185 : i32 to index
              %get3A_211 = arith.constant 16 : index
              %get3A_212 = tpu.vector_load %arg8[%get3A_210, %get3A_211] {strides = array<i32>} : memref<16x128xi32, #tpu.memory_space<vmem>>, vector<16xi32>,
              %gather3A_213 = tpu.vector_load_idx %arg10[%get3A_209] : memref<4096xf32, #tpu.memory_space<vmem>>[vector<16xi32>], vector<16xf32>,
              %shift_right_logical3A_214 = arith.constant 7 : i32
              %shift_right_logical3A_215 = vector.broadcast %shift_right_logical3A_214 : i32 to vector<16xi32>
              %shift_right_logical3A_216 = arith.shrui %get3A_212, %shift_right_logical3A_215 : vector<16xi32>
              %and3A_217 = arith.constant 127 : i32
              %and3A_218 = vector.broadcast %and3A_217 : i32 to vector<16xi32>
              %and3A_219 = arith.andi %get3A_212, %and3A_218 : vector<16xi32>
              %eq3A_220 = vector.broadcast %convert_element_type3A_160 : f32 to vector<16xf32>
              %eq3A_221 = arith.cmpf oeq, %gather3A_213, %eq3A_220 : vector<16xf32>
              tpu.vector_store_idx %arg11[%shift_right_logical3A_216, %and3A_219], %add3A_13 masked %eq3A_221 : memref<32x128xf32, #tpu.memory_space<vmem>>[vector<16xi32>, vector<16xi32>], vector<16xf32>, vector<16xi1>
              %gather3A_222 = tpu.vector_load_idx %arg10[%get3A_212] : memref<4096xf32, #tpu.memory_space<vmem>>[vector<16xi32>], vector<16xf32>,
              %shift_right_logical3A_223 = arith.constant 7 : i32
              %shift_right_logical3A_224 = vector.broadcast %shift_right_logical3A_223 : i32 to vector<16xi32>
              %shift_right_logical3A_225 = arith.shrui %get3A_209, %shift_right_logical3A_224 : vector<16xi32>
              %and3A_226 = arith.constant 127 : i32
              %and3A_227 = vector.broadcast %and3A_226 : i32 to vector<16xi32>
              %and3A_228 = arith.andi %get3A_209, %and3A_227 : vector<16xi32>
              %eq3A_229 = vector.broadcast %convert_element_type3A_160 : f32 to vector<16xf32>
              %eq3A_230 = arith.cmpf oeq, %gather3A_222, %eq3A_229 : vector<16xf32>
              tpu.vector_store_idx %arg11[%shift_right_logical3A_225, %and3A_228], %add3A_13 masked %eq3A_230 : memref<32x128xf32, #tpu.memory_space<vmem>>[vector<16xi32>, vector<16xi32>], vector<16xf32>, vector<16xi1>
              %get3A_231 = arith.index_cast %scan3A_185 : i32 to index
              %get3A_232 = arith.constant 32 : index
              %get3A_233 = tpu.vector_load %arg7[%get3A_231, %get3A_232] {strides = array<i32>} : memref<16x128xi32, #tpu.memory_space<vmem>>, vector<16xi32>,
              %get3A_234 = arith.index_cast %scan3A_185 : i32 to index
              %get3A_235 = arith.constant 32 : index
              %get3A_236 = tpu.vector_load %arg8[%get3A_234, %get3A_235] {strides = array<i32>} : memref<16x128xi32, #tpu.memory_space<vmem>>, vector<16xi32>,
              %gather3A_237 = tpu.vector_load_idx %arg10[%get3A_233] : memref<4096xf32, #tpu.memory_space<vmem>>[vector<16xi32>], vector<16xf32>,
              %shift_right_logical3A_238 = arith.constant 7 : i32
              %shift_right_logical3A_239 = vector.broadcast %shift_right_logical3A_238 : i32 to vector<16xi32>
              %shift_right_logical3A_240 = arith.shrui %get3A_236, %shift_right_logical3A_239 : vector<16xi32>
              %and3A_241 = arith.constant 127 : i32
              %and3A_242 = vector.broadcast %and3A_241 : i32 to vector<16xi32>
              %and3A_243 = arith.andi %get3A_236, %and3A_242 : vector<16xi32>
              %eq3A_244 = vector.broadcast %convert_element_type3A_160 : f32 to vector<16xf32>
              %eq3A_245 = arith.cmpf oeq, %gather3A_237, %eq3A_244 : vector<16xf32>
              tpu.vector_store_idx %arg11[%shift_right_logical3A_240, %and3A_243], %add3A_13 masked %eq3A_245 : memref<32x128xf32, #tpu.memory_space<vmem>>[vector<16xi32>, vector<16xi32>], vector<16xf32>, vector<16xi1>
              %gather3A_246 = tpu.vector_load_idx %arg10[%get3A_236] : memref<4096xf32, #tpu.memory_space<vmem>>[vector<16xi32>], vector<16xf32>,
              %shift_right_logical3A_247 = arith.constant 7 : i32
              %shift_right_logical3A_248 = vector.broadcast %shift_right_logical3A_247 : i32 to vector<16xi32>
              %shift_right_logical3A_249 = arith.shrui %get3A_233, %shift_right_logical3A_248 : vector<16xi32>
              %and3A_250 = arith.constant 127 : i32
              %and3A_251 = vector.broadcast %and3A_250 : i32 to vector<16xi32>
              %and3A_252 = arith.andi %get3A_233, %and3A_251 : vector<16xi32>
              %eq3A_253 = vector.broadcast %convert_element_type3A_160 : f32 to vector<16xf32>
              %eq3A_254 = arith.cmpf oeq, %gather3A_246, %eq3A_253 : vector<16xf32>
              tpu.vector_store_idx %arg11[%shift_right_logical3A_249, %and3A_252], %add3A_13 masked %eq3A_254 : memref<32x128xf32, #tpu.memory_space<vmem>>[vector<16xi32>, vector<16xi32>], vector<16xf32>, vector<16xi1>
              %get3A_255 = arith.index_cast %scan3A_185 : i32 to index
              %get3A_256 = arith.constant 48 : index
              %get3A_257 = tpu.vector_load %arg7[%get3A_255, %get3A_256] {strides = array<i32>} : memref<16x128xi32, #tpu.memory_space<vmem>>, vector<16xi32>,
              %get3A_258 = arith.index_cast %scan3A_185 : i32 to index
              %get3A_259 = arith.constant 48 : index
              %get3A_260 = tpu.vector_load %arg8[%get3A_258, %get3A_259] {strides = array<i32>} : memref<16x128xi32, #tpu.memory_space<vmem>>, vector<16xi32>,
              %gather3A_261 = tpu.vector_load_idx %arg10[%get3A_257] : memref<4096xf32, #tpu.memory_space<vmem>>[vector<16xi32>], vector<16xf32>,
              %shift_right_logical3A_262 = arith.constant 7 : i32
              %shift_right_logical3A_263 = vector.broadcast %shift_right_logical3A_262 : i32 to vector<16xi32>
              %shift_right_logical3A_264 = arith.shrui %get3A_260, %shift_right_logical3A_263 : vector<16xi32>
              %and3A_265 = arith.constant 127 : i32
              %and3A_266 = vector.broadcast %and3A_265 : i32 to vector<16xi32>
              %and3A_267 = arith.andi %get3A_260, %and3A_266 : vector<16xi32>
              %eq3A_268 = vector.broadcast %convert_element_type3A_160 : f32 to vector<16xf32>
              %eq3A_269 = arith.cmpf oeq, %gather3A_261, %eq3A_268 : vector<16xf32>
              tpu.vector_store_idx %arg11[%shift_right_logical3A_264, %and3A_267], %add3A_13 masked %eq3A_269 : memref<32x128xf32, #tpu.memory_space<vmem>>[vector<16xi32>, vector<16xi32>], vector<16xf32>, vector<16xi1>
              %gather3A_270 = tpu.vector_load_idx %arg10[%get3A_260] : memref<4096xf32, #tpu.memory_space<vmem>>[vector<16xi32>], vector<16xf32>,
              %shift_right_logical3A_271 = arith.constant 7 : i32
              %shift_right_logical3A_272 = vector.broadcast %shift_right_logical3A_271 : i32 to vector<16xi32>
              %shift_right_logical3A_273 = arith.shrui %get3A_257, %shift_right_logical3A_272 : vector<16xi32>
              %and3A_274 = arith.constant 127 : i32
              %and3A_275 = vector.broadcast %and3A_274 : i32 to vector<16xi32>
              %and3A_276 = arith.andi %get3A_257, %and3A_275 : vector<16xi32>
              %eq3A_277 = vector.broadcast %convert_element_type3A_160 : f32 to vector<16xf32>
              %eq3A_278 = arith.cmpf oeq, %gather3A_270, %eq3A_277 : vector<16xf32>
              tpu.vector_store_idx %arg11[%shift_right_logical3A_273, %and3A_276], %add3A_13 masked %eq3A_278 : memref<32x128xf32, #tpu.memory_space<vmem>>[vector<16xi32>, vector<16xi32>], vector<16xf32>, vector<16xi1>
              %get3A_279 = arith.index_cast %scan3A_185 : i32 to index
              %get3A_280 = arith.constant 64 : index
              %get3A_281 = tpu.vector_load %arg7[%get3A_279, %get3A_280] {strides = array<i32>} : memref<16x128xi32, #tpu.memory_space<vmem>>, vector<16xi32>,
              %get3A_282 = arith.index_cast %scan3A_185 : i32 to index
              %get3A_283 = arith.constant 64 : index
              %get3A_284 = tpu.vector_load %arg8[%get3A_282, %get3A_283] {strides = array<i32>} : memref<16x128xi32, #tpu.memory_space<vmem>>, vector<16xi32>,
              %gather3A_285 = tpu.vector_load_idx %arg10[%get3A_281] : memref<4096xf32, #tpu.memory_space<vmem>>[vector<16xi32>], vector<16xf32>,
              %shift_right_logical3A_286 = arith.constant 7 : i32
              %shift_right_logical3A_287 = vector.broadcast %shift_right_logical3A_286 : i32 to vector<16xi32>
              %shift_right_logical3A_288 = arith.shrui %get3A_284, %shift_right_logical3A_287 : vector<16xi32>
              %and3A_289 = arith.constant 127 : i32
              %and3A_290 = vector.broadcast %and3A_289 : i32 to vector<16xi32>
              %and3A_291 = arith.andi %get3A_284, %and3A_290 : vector<16xi32>
              %eq3A_292 = vector.broadcast %convert_element_type3A_160 : f32 to vector<16xf32>
              %eq3A_293 = arith.cmpf oeq, %gather3A_285, %eq3A_292 : vector<16xf32>
              tpu.vector_store_idx %arg11[%shift_right_logical3A_288, %and3A_291], %add3A_13 masked %eq3A_293 : memref<32x128xf32, #tpu.memory_space<vmem>>[vector<16xi32>, vector<16xi32>], vector<16xf32>, vector<16xi1>
              %gather3A_294 = tpu.vector_load_idx %arg10[%get3A_284] : memref<4096xf32, #tpu.memory_space<vmem>>[vector<16xi32>], vector<16xf32>,
              %shift_right_logical3A_295 = arith.constant 7 : i32
              %shift_right_logical3A_296 = vector.broadcast %shift_right_logical3A_295 : i32 to vector<16xi32>
              %shift_right_logical3A_297 = arith.shrui %get3A_281, %shift_right_logical3A_296 : vector<16xi32>
              %and3A_298 = arith.constant 127 : i32
              %and3A_299 = vector.broadcast %and3A_298 : i32 to vector<16xi32>
              %and3A_300 = arith.andi %get3A_281, %and3A_299 : vector<16xi32>
              %eq3A_301 = vector.broadcast %convert_element_type3A_160 : f32 to vector<16xf32>
              %eq3A_302 = arith.cmpf oeq, %gather3A_294, %eq3A_301 : vector<16xf32>
              tpu.vector_store_idx %arg11[%shift_right_logical3A_297, %and3A_300], %add3A_13 masked %eq3A_302 : memref<32x128xf32, #tpu.memory_space<vmem>>[vector<16xi32>, vector<16xi32>], vector<16xf32>, vector<16xi1>
              %get3A_303 = arith.index_cast %scan3A_185 : i32 to index
              %get3A_304 = arith.constant 80 : index
              %get3A_305 = tpu.vector_load %arg7[%get3A_303, %get3A_304] {strides = array<i32>} : memref<16x128xi32, #tpu.memory_space<vmem>>, vector<16xi32>,
              %get3A_306 = arith.index_cast %scan3A_185 : i32 to index
              %get3A_307 = arith.constant 80 : index
              %get3A_308 = tpu.vector_load %arg8[%get3A_306, %get3A_307] {strides = array<i32>} : memref<16x128xi32, #tpu.memory_space<vmem>>, vector<16xi32>,
              %gather3A_309 = tpu.vector_load_idx %arg10[%get3A_305] : memref<4096xf32, #tpu.memory_space<vmem>>[vector<16xi32>], vector<16xf32>,
              %shift_right_logical3A_310 = arith.constant 7 : i32
              %shift_right_logical3A_311 = vector.broadcast %shift_right_logical3A_310 : i32 to vector<16xi32>
              %shift_right_logical3A_312 = arith.shrui %get3A_308, %shift_right_logical3A_311 : vector<16xi32>
              %and3A_313 = arith.constant 127 : i32
              %and3A_314 = vector.broadcast %and3A_313 : i32 to vector<16xi32>
              %and3A_315 = arith.andi %get3A_308, %and3A_314 : vector<16xi32>
              %eq3A_316 = vector.broadcast %convert_element_type3A_160 : f32 to vector<16xf32>
              %eq3A_317 = arith.cmpf oeq, %gather3A_309, %eq3A_316 : vector<16xf32>
              tpu.vector_store_idx %arg11[%shift_right_logical3A_312, %and3A_315], %add3A_13 masked %eq3A_317 : memref<32x128xf32, #tpu.memory_space<vmem>>[vector<16xi32>, vector<16xi32>], vector<16xf32>, vector<16xi1>
              %gather3A_318 = tpu.vector_load_idx %arg10[%get3A_308] : memref<4096xf32, #tpu.memory_space<vmem>>[vector<16xi32>], vector<16xf32>,
              %shift_right_logical3A_319 = arith.constant 7 : i32
              %shift_right_logical3A_320 = vector.broadcast %shift_right_logical3A_319 : i32 to vector<16xi32>
              %shift_right_logical3A_321 = arith.shrui %get3A_305, %shift_right_logical3A_320 : vector<16xi32>
              %and3A_322 = arith.constant 127 : i32
              %and3A_323 = vector.broadcast %and3A_322 : i32 to vector<16xi32>
              %and3A_324 = arith.andi %get3A_305, %and3A_323 : vector<16xi32>
              %eq3A_325 = vector.broadcast %convert_element_type3A_160 : f32 to vector<16xf32>
              %eq3A_326 = arith.cmpf oeq, %gather3A_318, %eq3A_325 : vector<16xf32>
              tpu.vector_store_idx %arg11[%shift_right_logical3A_321, %and3A_324], %add3A_13 masked %eq3A_326 : memref<32x128xf32, #tpu.memory_space<vmem>>[vector<16xi32>, vector<16xi32>], vector<16xf32>, vector<16xi1>
              %get3A_327 = arith.index_cast %scan3A_185 : i32 to index
              %get3A_328 = arith.constant 96 : index
              %get3A_329 = tpu.vector_load %arg7[%get3A_327, %get3A_328] {strides = array<i32>} : memref<16x128xi32, #tpu.memory_space<vmem>>, vector<16xi32>,
              %get3A_330 = arith.index_cast %scan3A_185 : i32 to index
              %get3A_331 = arith.constant 96 : index
              %get3A_332 = tpu.vector_load %arg8[%get3A_330, %get3A_331] {strides = array<i32>} : memref<16x128xi32, #tpu.memory_space<vmem>>, vector<16xi32>,
              %gather3A_333 = tpu.vector_load_idx %arg10[%get3A_329] : memref<4096xf32, #tpu.memory_space<vmem>>[vector<16xi32>], vector<16xf32>,
              %shift_right_logical3A_334 = arith.constant 7 : i32
              %shift_right_logical3A_335 = vector.broadcast %shift_right_logical3A_334 : i32 to vector<16xi32>
              %shift_right_logical3A_336 = arith.shrui %get3A_332, %shift_right_logical3A_335 : vector<16xi32>
              %and3A_337 = arith.constant 127 : i32
              %and3A_338 = vector.broadcast %and3A_337 : i32 to vector<16xi32>
              %and3A_339 = arith.andi %get3A_332, %and3A_338 : vector<16xi32>
              %eq3A_340 = vector.broadcast %convert_element_type3A_160 : f32 to vector<16xf32>
              %eq3A_341 = arith.cmpf oeq, %gather3A_333, %eq3A_340 : vector<16xf32>
              tpu.vector_store_idx %arg11[%shift_right_logical3A_336, %and3A_339], %add3A_13 masked %eq3A_341 : memref<32x128xf32, #tpu.memory_space<vmem>>[vector<16xi32>, vector<16xi32>], vector<16xf32>, vector<16xi1>
              %gather3A_342 = tpu.vector_load_idx %arg10[%get3A_332] : memref<4096xf32, #tpu.memory_space<vmem>>[vector<16xi32>], vector<16xf32>,
              %shift_right_logical3A_343 = arith.constant 7 : i32
              %shift_right_logical3A_344 = vector.broadcast %shift_right_logical3A_343 : i32 to vector<16xi32>
              %shift_right_logical3A_345 = arith.shrui %get3A_329, %shift_right_logical3A_344 : vector<16xi32>
              %and3A_346 = arith.constant 127 : i32
              %and3A_347 = vector.broadcast %and3A_346 : i32 to vector<16xi32>
              %and3A_348 = arith.andi %get3A_329, %and3A_347 : vector<16xi32>
              %eq3A_349 = vector.broadcast %convert_element_type3A_160 : f32 to vector<16xf32>
              %eq3A_350 = arith.cmpf oeq, %gather3A_342, %eq3A_349 : vector<16xf32>
              tpu.vector_store_idx %arg11[%shift_right_logical3A_345, %and3A_348], %add3A_13 masked %eq3A_350 : memref<32x128xf32, #tpu.memory_space<vmem>>[vector<16xi32>, vector<16xi32>], vector<16xf32>, vector<16xi1>
              %get3A_351 = arith.index_cast %scan3A_185 : i32 to index
              %get3A_352 = arith.constant 112 : index
              %get3A_353 = tpu.vector_load %arg7[%get3A_351, %get3A_352] {strides = array<i32>} : memref<16x128xi32, #tpu.memory_space<vmem>>, vector<16xi32>,
              %get3A_354 = arith.index_cast %scan3A_185 : i32 to index
              %get3A_355 = arith.constant 112 : index
              %get3A_356 = tpu.vector_load %arg8[%get3A_354, %get3A_355] {strides = array<i32>} : memref<16x128xi32, #tpu.memory_space<vmem>>, vector<16xi32>,
              %gather3A_357 = tpu.vector_load_idx %arg10[%get3A_353] : memref<4096xf32, #tpu.memory_space<vmem>>[vector<16xi32>], vector<16xf32>,
              %shift_right_logical3A_358 = arith.constant 7 : i32
              %shift_right_logical3A_359 = vector.broadcast %shift_right_logical3A_358 : i32 to vector<16xi32>
              %shift_right_logical3A_360 = arith.shrui %get3A_356, %shift_right_logical3A_359 : vector<16xi32>
              %and3A_361 = arith.constant 127 : i32
              %and3A_362 = vector.broadcast %and3A_361 : i32 to vector<16xi32>
              %and3A_363 = arith.andi %get3A_356, %and3A_362 : vector<16xi32>
              %eq3A_364 = vector.broadcast %convert_element_type3A_160 : f32 to vector<16xf32>
              %eq3A_365 = arith.cmpf oeq, %gather3A_357, %eq3A_364 : vector<16xf32>
              tpu.vector_store_idx %arg11[%shift_right_logical3A_360, %and3A_363], %add3A_13 masked %eq3A_365 : memref<32x128xf32, #tpu.memory_space<vmem>>[vector<16xi32>, vector<16xi32>], vector<16xf32>, vector<16xi1>
              %gather3A_366 = tpu.vector_load_idx %arg10[%get3A_356] : memref<4096xf32, #tpu.memory_space<vmem>>[vector<16xi32>], vector<16xf32>,
              %shift_right_logical3A_367 = arith.constant 7 : i32
              %shift_right_logical3A_368 = vector.broadcast %shift_right_logical3A_367 : i32 to vector<16xi32>
              %shift_right_logical3A_369 = arith.shrui %get3A_353, %shift_right_logical3A_368 : vector<16xi32>
              %and3A_370 = arith.constant 127 : i32
              %and3A_371 = vector.broadcast %and3A_370 : i32 to vector<16xi32>
              %and3A_372 = arith.andi %get3A_353, %and3A_371 : vector<16xi32>
              %eq3A_373 = vector.broadcast %convert_element_type3A_160 : f32 to vector<16xf32>
              %eq3A_374 = arith.cmpf oeq, %gather3A_366, %eq3A_373 : vector<16xf32>
              tpu.vector_store_idx %arg11[%shift_right_logical3A_369, %and3A_372], %add3A_13 masked %eq3A_374 : memref<32x128xf32, #tpu.memory_space<vmem>>[vector<16xi32>, vector<16xi32>], vector<16xf32>, vector<16xi1>
            }
            %scan3A_166 = arith.constant 16 : i32
            %run_scoped3A = arith.constant 1 : i32
            "tpu.region"() ({
              %run_scoped3A_185 = tpu.sem_alloc : memref<!tpu.dma_semaphore, #tpu.memory_space<semaphore_mem>>
              %dma_start3A = arith.constant 0 : i32
              %dma_start3A_186 = tpu.memref_slice %arg13[%run_scoped3A, %dma_start3A] : memref<2x32xi32, #tpu.memory_space<vmem>> -> memref<1x32xi32, #tpu.memory_space<vmem>>
              %dma_start3A_187 = tpu.memref_squeeze %dma_start3A_186 : memref<1x32xi32, #tpu.memory_space<vmem>> -> memref<32xi32, #tpu.memory_space<vmem>>
              %dma_start3A_188 = arith.constant 0 : i32
              %dma_start3A_189 = arith.constant 0 : i32
              %dma_start3A_190 = tpu.memref_slice %arg16[%dma_start3A_188, %dma_start3A_189] : memref<64x128xf32, #tpu.memory_space<vmem_shared>> -> memref<64x128xf32, #tpu.memory_space<vmem_shared>>
              tpu.enqueue_indirect_dma source(%arg11 : memref<32x128xf32, #tpu.memory_space<vmem>>) target(%dma_start3A_190 : memref<64x128xf32, #tpu.memory_space<vmem_shared>>) offsets(%dma_start3A_187 : memref<32xi32, #tpu.memory_space<vmem>>) semaphore(%run_scoped3A_185 : memref<!tpu.dma_semaphore, #tpu.memory_space<semaphore_mem>>) {add = true}
              %dma_wait3A = arith.constant 0 : i32
              %dma_wait3A_191 = tpu.memref_slice %arg13[%run_scoped3A, %dma_wait3A] : memref<2x32xi32, #tpu.memory_space<vmem>> -> memref<1x32xi32, #tpu.memory_space<vmem>>
              %dma_wait3A_192 = tpu.memref_squeeze %dma_wait3A_191 : memref<1x32xi32, #tpu.memory_space<vmem>> -> memref<32xi32, #tpu.memory_space<vmem>>
              %dma_wait3A_193 = arith.constant 0 : i32
              %dma_wait3A_194 = arith.constant 0 : i32
              %dma_wait3A_195 = tpu.memref_slice %arg16[%dma_wait3A_193, %dma_wait3A_194] : memref<64x128xf32, #tpu.memory_space<vmem_shared>> -> memref<64x128xf32, #tpu.memory_space<vmem_shared>>
              tpu.wait_indirect_dma semaphore(%run_scoped3A_185 : memref<!tpu.dma_semaphore, #tpu.memory_space<semaphore_mem>>) src(%arg11 : memref<32x128xf32, #tpu.memory_space<vmem>>) dst(%dma_wait3A_195 : memref<64x128xf32, #tpu.memory_space<vmem_shared>>)
              tpu.yield
            }) : () -> ()
            %barrier3A_167 = arith.constant 0 : index
            tpu.barrier barrier_id(%barrier3A_167)
            "tpu.region"() ({
              %run_scoped3A_185 = tpu.sem_alloc : memref<!tpu.dma_semaphore, #tpu.memory_space<semaphore_mem>>
              %dma_start3A = arith.constant 32 : i32
              %dma_start3A_186 = arith.constant 0 : i32
              %dma_start3A_187 = tpu.memref_slice %arg16[%dma_start3A, %dma_start3A_186] : memref<64x128xf32, #tpu.memory_space<vmem_shared>> -> memref<32x128xf32, #tpu.memory_space<vmem_shared>>
              %dma_start3A_188 = arith.constant 32 : i32
              %dma_start3A_189 = arith.constant 0 : i32
              %dma_start3A_190 = tpu.memref_slice %arg16[%dma_start3A_188, %dma_start3A_189] : memref<64x128xf32, #tpu.memory_space<vmem_shared>> -> memref<32x128xf32, #tpu.memory_space<vmem_shared>>
              tpu.enqueue_dma source(%dma_start3A_190 : memref<32x128xf32, #tpu.memory_space<vmem_shared>>) target(%arg12 : memref<32x128xf32, #tpu.memory_space<vmem>>) target_semaphore(%run_scoped3A_185 : memref<!tpu.dma_semaphore, #tpu.memory_space<semaphore_mem>>)
              %dma_wait3A = arith.constant 32 : i32
              %dma_wait3A_191 = arith.constant 0 : i32
              %dma_wait3A_192 = tpu.memref_slice %arg16[%dma_wait3A, %dma_wait3A_191] : memref<64x128xf32, #tpu.memory_space<vmem_shared>> -> memref<32x128xf32, #tpu.memory_space<vmem_shared>>
              %dma_wait3A_193 = arith.constant 32 : i32
              %dma_wait3A_194 = arith.constant 0 : i32
              %dma_wait3A_195 = tpu.memref_slice %arg16[%dma_wait3A_193, %dma_wait3A_194] : memref<64x128xf32, #tpu.memory_space<vmem_shared>> -> memref<32x128xf32, #tpu.memory_space<vmem_shared>>
              tpu.wait_dma2 semaphore(%run_scoped3A_185 : memref<!tpu.dma_semaphore, #tpu.memory_space<semaphore_mem>>) src(%dma_wait3A_195 : memref<32x128xf32, #tpu.memory_space<vmem_shared>>) dst(%arg12 : memref<32x128xf32, #tpu.memory_space<vmem>>)
              tpu.yield
            }) : () -> ()
            %mul3A_168 = arith.constant 2 : i32
            %mul3A_169 = arith.muli %mul3A_168, %arg1 : i32
            %add3A_170 = arith.constant 0 : i32
            %add3A_171 = arith.addi %add3A_170, %mul3A_169 : i32
            "tpu.region"() ({
              %run_scoped3A_185 = tpu.sem_alloc : memref<!tpu.dma_semaphore, #tpu.memory_space<semaphore_mem>>
              %dma_start3A = arith.constant 0 : i32
              %dma_start3A_186 = tpu.memref_slice %arg16[%add3A_171, %dma_start3A] : memref<64x128xf32, #tpu.memory_space<vmem_shared>> -> memref<2x128xf32, #tpu.memory_space<vmem_shared>>
              %dma_start3A_187 = arith.constant 0 : i32
              %dma_start3A_188 = tpu.memref_slice %arg16[%add3A_171, %dma_start3A_187] : memref<64x128xf32, #tpu.memory_space<vmem_shared>> -> memref<2x128xf32, #tpu.memory_space<vmem_shared>>
              tpu.enqueue_dma source(%arg14 : memref<2x128xf32, #tpu.memory_space<vmem>>) target(%dma_start3A_188 : memref<2x128xf32, #tpu.memory_space<vmem_shared>>) target_semaphore(%run_scoped3A_185 : memref<!tpu.dma_semaphore, #tpu.memory_space<semaphore_mem>>)
              %dma_wait3A = arith.constant 0 : i32
              %dma_wait3A_189 = tpu.memref_slice %arg16[%add3A_171, %dma_wait3A] : memref<64x128xf32, #tpu.memory_space<vmem_shared>> -> memref<2x128xf32, #tpu.memory_space<vmem_shared>>
              %dma_wait3A_190 = arith.constant 0 : i32
              %dma_wait3A_191 = tpu.memref_slice %arg16[%add3A_171, %dma_wait3A_190] : memref<64x128xf32, #tpu.memory_space<vmem_shared>> -> memref<2x128xf32, #tpu.memory_space<vmem_shared>>
              tpu.wait_dma2 semaphore(%run_scoped3A_185 : memref<!tpu.dma_semaphore, #tpu.memory_space<semaphore_mem>>) src(%arg14 : memref<2x128xf32, #tpu.memory_space<vmem>>) dst(%dma_wait3A_191 : memref<2x128xf32, #tpu.memory_space<vmem_shared>>)
              tpu.yield
            }) : () -> ()
            %add3A_172 = arith.constant 1.000000e+00 : f32
            %add3A_173 = arith.addf %convert_element_type3A_160, %add3A_172 : f32
            %scan3A_174 = arith.constant 0.000000e+00 : f32
            %scan3A_175 = arith.constant 0 : i32
            %scan3A_176 = arith.constant 256 : i32
            %scan3A_177 = arith.addi %scan3A_175, %scan3A_176 : i32
            %scan3A_178 = arith.constant 1 : i32
            %scan3A_179 = scf.for %scan3A_185 = %scan3A_175 to %scan3A_177 step %scan3A_178 iter_args(%scan3A_186 = %scan3A_174) -> (f32)  : i32 {
              %shift_right_arithmetic3A = arith.constant 3 : i32
              %shift_right_arithmetic3A_187 = arith.shrsi %scan3A_185, %shift_right_arithmetic3A : i32
              %and3A = arith.constant 7 : i32
              %and3A_188 = arith.andi %scan3A_185, %and3A : i32
              %mul3A_189 = arith.constant 16 : i32
              %mul3A_190 = arith.muli %and3A_188, %mul3A_189 : i32
              %get3A_191 = arith.index_cast %shift_right_arithmetic3A_187 : i32 to index
              %get3A_192 = arith.index_cast %mul3A_190 : i32 to index
              %get3A_193 = tpu.vector_load %arg12[%get3A_191, %get3A_192] {strides = array<i32>} : memref<32x128xf32, #tpu.memory_space<vmem>>, vector<16xf32>,
              %mul3A_194 = arith.constant 16 : i32
              %mul3A_195 = arith.muli %scan3A_185, %mul3A_194 : i32
              %get3A_196 = arith.index_cast %mul3A_195 : i32 to index
              %get3A_197 = tpu.vector_load %arg10[%get3A_196] {strides = array<i32>} : memref<4096xf32, #tpu.memory_space<vmem>>, vector<16xf32>,
              %gt3A_198 = arith.constant 0.000000e+00 : f32
              %gt3A_199 = vector.broadcast %gt3A_198 : f32 to vector<16xf32>
              %gt3A_200 = arith.cmpf ogt, %get3A_193, %gt3A_199 : vector<16xf32>
              %eq3A_201 = arith.constant 4.096000e+03 : f32
              %eq3A_202 = vector.broadcast %eq3A_201 : f32 to vector<16xf32>
              %eq3A_203 = arith.cmpf oeq, %get3A_197, %eq3A_202 : vector<16xf32>
              %and3A_204 = arith.andi %gt3A_200, %eq3A_203 : vector<16xi1>
              %broadcast_in_dim3A_205 = vector.broadcast %add3A_173 : f32 to vector<16xf32>
              %select_n3A_206 = arith.select %and3A_204, %broadcast_in_dim3A_205, %get3A_197 : vector<16xi1>, vector<16xf32>
              %mul3A_207 = arith.constant 16 : i32
              %mul3A_208 = arith.muli %scan3A_185, %mul3A_207 : i32
              %swap3A_209 = arith.index_cast %mul3A_208 : i32 to index
              %swap3A_210 = tpu.vector_load %arg10[%swap3A_209] {strides = array<i32>} : memref<4096xf32, #tpu.memory_space<vmem>>, vector<16xf32>,
              tpu.vector_store %arg10[%swap3A_209], %select_n3A_206 {strides = array<i32>} : memref<4096xf32, #tpu.memory_space<vmem>>, vector<16xf32>,
              %shift_right_arithmetic3A_211 = arith.constant 3 : i32
              %shift_right_arithmetic3A_212 = arith.shrsi %scan3A_185, %shift_right_arithmetic3A_211 : i32
              %and3A_213 = arith.constant 7 : i32
              %and3A_214 = arith.andi %scan3A_185, %and3A_213 : i32
              %mul3A_215 = arith.constant 16 : i32
              %mul3A_216 = arith.muli %and3A_214, %mul3A_215 : i32
              %swap3A_217 = arith.index_cast %shift_right_arithmetic3A_212 : i32 to index
              %swap3A_218 = arith.index_cast %mul3A_216 : i32 to index
              %swap3A_219 = tpu.vector_load %arg11[%swap3A_217, %swap3A_218] {strides = array<i32>} : memref<32x128xf32, #tpu.memory_space<vmem>>, vector<16xf32>,
              tpu.vector_store %arg11[%swap3A_217, %swap3A_218], %mul3A_3 {strides = array<i32>} : memref<32x128xf32, #tpu.memory_space<vmem>>, vector<16xf32>,
              %jit3A_220 = arith.constant 1.000000e+00 : f32
              %jit3A_221 = arith.constant 0.000000e+00 : f32
              %broadcast_in_dim3A_222 = vector.broadcast %jit3A_220 : f32 to vector<16xf32>
              %broadcast_in_dim3A_223 = vector.broadcast %jit3A_221 : f32 to vector<16xf32>
              %select_n3A_224 = arith.select %and3A_204, %broadcast_in_dim3A_222, %broadcast_in_dim3A_223 : vector<16xi1>, vector<16xf32>
              %reduce_sum3A = arith.constant true
              %reduce_sum3A_225 = vector.broadcast %reduce_sum3A : i1 to vector<16xi1>
              %reduce_sum3A_226 = tpu.scan <sum>, %select_n3A_224 masked %reduce_sum3A_225 : vector<16xf32>, vector<16xi1> -> vector<16xf32>
              %reduce_sum3A_227 = vector.extract %reduce_sum3A_226[15] : f32 from vector<16xf32>
              %add3A_228 = arith.addf %scan3A_186, %reduce_sum3A_227 : f32
              scf.yield %add3A_228 : f32
            }
            %scan3A_180 = arith.constant 256 : i32
            %barrier3A_181 = arith.constant 0 : index
            tpu.barrier barrier_id(%barrier3A_181)
            %swap3A_182 = arith.constant 0 : i32
            %swap3A_183 = arith.index_cast %swap3A_182 : i32 to index
            %swap3A_184 = memref.load %arg17[%swap3A_183] : memref<1xf32, #tpu.memory_space<smem>>
            memref.store %scan3A_179, %arg17[%swap3A_183] : memref<1xf32, #tpu.memory_space<smem>>
          } else {
          }
          %get3A_108 = arith.constant 0 : i32
          %get3A_109 = arith.index_cast %get3A_108 : i32 to index
          %get3A_110 = memref.load %arg17[%get3A_109] : memref<1xf32, #tpu.memory_space<smem>>
          %gt3A_111 = arith.constant 0.000000e+00 : f32
          %gt3A_112 = arith.cmpf ogt, %get3A_110, %gt3A_111 : f32
          %convert_element_type3A_113 = arith.extui %gt3A_112 : i1 to i32
          %cond3A_114 = arith.constant 0 : i32
          %cond3A_115 = arith.cmpi ne, %convert_element_type3A_113, %cond3A_114 : i32
          scf.if %cond3A_115 {
            %mul3A_156 = arith.constant 8 : i32
            %mul3A_157 = arith.muli %scan3A_85, %mul3A_156 : i32
            %add3A_158 = arith.constant 2 : i32
            %add3A_159 = arith.addi %mul3A_157, %add3A_158 : i32
            %convert_element_type3A_160 = arith.sitofp %add3A_159 : i32 to f32
            %scan3A_161 = arith.constant 0 : i32
            %scan3A_162 = arith.constant 0 : i32
            %scan3A_163 = arith.constant 16 : i32
            %scan3A_164 = arith.addi %scan3A_162, %scan3A_163 : i32
            %scan3A_165 = arith.constant 1 : i32
            scf.for %scan3A_185 = %scan3A_162 to %scan3A_164 step %scan3A_165  : i32 {
              %get3A_186 = arith.index_cast %scan3A_185 : i32 to index
              %get3A_187 = arith.constant 0 : index
              %get3A_188 = tpu.vector_load %arg7[%get3A_186, %get3A_187] {strides = array<i32>} : memref<16x128xi32, #tpu.memory_space<vmem>>, vector<16xi32>,
              %get3A_189 = arith.index_cast %scan3A_185 : i32 to index
              %get3A_190 = arith.constant 0 : index
              %get3A_191 = tpu.vector_load %arg8[%get3A_189, %get3A_190] {strides = array<i32>} : memref<16x128xi32, #tpu.memory_space<vmem>>, vector<16xi32>,
              %gather3A = tpu.vector_load_idx %arg10[%get3A_188] : memref<4096xf32, #tpu.memory_space<vmem>>[vector<16xi32>], vector<16xf32>,
              %shift_right_logical3A = arith.constant 7 : i32
              %shift_right_logical3A_192 = vector.broadcast %shift_right_logical3A : i32 to vector<16xi32>
              %shift_right_logical3A_193 = arith.shrui %get3A_191, %shift_right_logical3A_192 : vector<16xi32>
              %and3A = arith.constant 127 : i32
              %and3A_194 = vector.broadcast %and3A : i32 to vector<16xi32>
              %and3A_195 = arith.andi %get3A_191, %and3A_194 : vector<16xi32>
              %eq3A_196 = vector.broadcast %convert_element_type3A_160 : f32 to vector<16xf32>
              %eq3A_197 = arith.cmpf oeq, %gather3A, %eq3A_196 : vector<16xf32>
              tpu.vector_store_idx %arg11[%shift_right_logical3A_193, %and3A_195], %add3A_13 masked %eq3A_197 : memref<32x128xf32, #tpu.memory_space<vmem>>[vector<16xi32>, vector<16xi32>], vector<16xf32>, vector<16xi1>
              %gather3A_198 = tpu.vector_load_idx %arg10[%get3A_191] : memref<4096xf32, #tpu.memory_space<vmem>>[vector<16xi32>], vector<16xf32>,
              %shift_right_logical3A_199 = arith.constant 7 : i32
              %shift_right_logical3A_200 = vector.broadcast %shift_right_logical3A_199 : i32 to vector<16xi32>
              %shift_right_logical3A_201 = arith.shrui %get3A_188, %shift_right_logical3A_200 : vector<16xi32>
              %and3A_202 = arith.constant 127 : i32
              %and3A_203 = vector.broadcast %and3A_202 : i32 to vector<16xi32>
              %and3A_204 = arith.andi %get3A_188, %and3A_203 : vector<16xi32>
              %eq3A_205 = vector.broadcast %convert_element_type3A_160 : f32 to vector<16xf32>
              %eq3A_206 = arith.cmpf oeq, %gather3A_198, %eq3A_205 : vector<16xf32>
              tpu.vector_store_idx %arg11[%shift_right_logical3A_201, %and3A_204], %add3A_13 masked %eq3A_206 : memref<32x128xf32, #tpu.memory_space<vmem>>[vector<16xi32>, vector<16xi32>], vector<16xf32>, vector<16xi1>
              %get3A_207 = arith.index_cast %scan3A_185 : i32 to index
              %get3A_208 = arith.constant 16 : index
              %get3A_209 = tpu.vector_load %arg7[%get3A_207, %get3A_208] {strides = array<i32>} : memref<16x128xi32, #tpu.memory_space<vmem>>, vector<16xi32>,
              %get3A_210 = arith.index_cast %scan3A_185 : i32 to index
              %get3A_211 = arith.constant 16 : index
              %get3A_212 = tpu.vector_load %arg8[%get3A_210, %get3A_211] {strides = array<i32>} : memref<16x128xi32, #tpu.memory_space<vmem>>, vector<16xi32>,
              %gather3A_213 = tpu.vector_load_idx %arg10[%get3A_209] : memref<4096xf32, #tpu.memory_space<vmem>>[vector<16xi32>], vector<16xf32>,
              %shift_right_logical3A_214 = arith.constant 7 : i32
              %shift_right_logical3A_215 = vector.broadcast %shift_right_logical3A_214 : i32 to vector<16xi32>
              %shift_right_logical3A_216 = arith.shrui %get3A_212, %shift_right_logical3A_215 : vector<16xi32>
              %and3A_217 = arith.constant 127 : i32
              %and3A_218 = vector.broadcast %and3A_217 : i32 to vector<16xi32>
              %and3A_219 = arith.andi %get3A_212, %and3A_218 : vector<16xi32>
              %eq3A_220 = vector.broadcast %convert_element_type3A_160 : f32 to vector<16xf32>
              %eq3A_221 = arith.cmpf oeq, %gather3A_213, %eq3A_220 : vector<16xf32>
              tpu.vector_store_idx %arg11[%shift_right_logical3A_216, %and3A_219], %add3A_13 masked %eq3A_221 : memref<32x128xf32, #tpu.memory_space<vmem>>[vector<16xi32>, vector<16xi32>], vector<16xf32>, vector<16xi1>
              %gather3A_222 = tpu.vector_load_idx %arg10[%get3A_212] : memref<4096xf32, #tpu.memory_space<vmem>>[vector<16xi32>], vector<16xf32>,
              %shift_right_logical3A_223 = arith.constant 7 : i32
              %shift_right_logical3A_224 = vector.broadcast %shift_right_logical3A_223 : i32 to vector<16xi32>
              %shift_right_logical3A_225 = arith.shrui %get3A_209, %shift_right_logical3A_224 : vector<16xi32>
              %and3A_226 = arith.constant 127 : i32
              %and3A_227 = vector.broadcast %and3A_226 : i32 to vector<16xi32>
              %and3A_228 = arith.andi %get3A_209, %and3A_227 : vector<16xi32>
              %eq3A_229 = vector.broadcast %convert_element_type3A_160 : f32 to vector<16xf32>
              %eq3A_230 = arith.cmpf oeq, %gather3A_222, %eq3A_229 : vector<16xf32>
              tpu.vector_store_idx %arg11[%shift_right_logical3A_225, %and3A_228], %add3A_13 masked %eq3A_230 : memref<32x128xf32, #tpu.memory_space<vmem>>[vector<16xi32>, vector<16xi32>], vector<16xf32>, vector<16xi1>
              %get3A_231 = arith.index_cast %scan3A_185 : i32 to index
              %get3A_232 = arith.constant 32 : index
              %get3A_233 = tpu.vector_load %arg7[%get3A_231, %get3A_232] {strides = array<i32>} : memref<16x128xi32, #tpu.memory_space<vmem>>, vector<16xi32>,
              %get3A_234 = arith.index_cast %scan3A_185 : i32 to index
              %get3A_235 = arith.constant 32 : index
              %get3A_236 = tpu.vector_load %arg8[%get3A_234, %get3A_235] {strides = array<i32>} : memref<16x128xi32, #tpu.memory_space<vmem>>, vector<16xi32>,
              %gather3A_237 = tpu.vector_load_idx %arg10[%get3A_233] : memref<4096xf32, #tpu.memory_space<vmem>>[vector<16xi32>], vector<16xf32>,
              %shift_right_logical3A_238 = arith.constant 7 : i32
              %shift_right_logical3A_239 = vector.broadcast %shift_right_logical3A_238 : i32 to vector<16xi32>
              %shift_right_logical3A_240 = arith.shrui %get3A_236, %shift_right_logical3A_239 : vector<16xi32>
              %and3A_241 = arith.constant 127 : i32
              %and3A_242 = vector.broadcast %and3A_241 : i32 to vector<16xi32>
              %and3A_243 = arith.andi %get3A_236, %and3A_242 : vector<16xi32>
              %eq3A_244 = vector.broadcast %convert_element_type3A_160 : f32 to vector<16xf32>
              %eq3A_245 = arith.cmpf oeq, %gather3A_237, %eq3A_244 : vector<16xf32>
              tpu.vector_store_idx %arg11[%shift_right_logical3A_240, %and3A_243], %add3A_13 masked %eq3A_245 : memref<32x128xf32, #tpu.memory_space<vmem>>[vector<16xi32>, vector<16xi32>], vector<16xf32>, vector<16xi1>
              %gather3A_246 = tpu.vector_load_idx %arg10[%get3A_236] : memref<4096xf32, #tpu.memory_space<vmem>>[vector<16xi32>], vector<16xf32>,
              %shift_right_logical3A_247 = arith.constant 7 : i32
              %shift_right_logical3A_248 = vector.broadcast %shift_right_logical3A_247 : i32 to vector<16xi32>
              %shift_right_logical3A_249 = arith.shrui %get3A_233, %shift_right_logical3A_248 : vector<16xi32>
              %and3A_250 = arith.constant 127 : i32
              %and3A_251 = vector.broadcast %and3A_250 : i32 to vector<16xi32>
              %and3A_252 = arith.andi %get3A_233, %and3A_251 : vector<16xi32>
              %eq3A_253 = vector.broadcast %convert_element_type3A_160 : f32 to vector<16xf32>
              %eq3A_254 = arith.cmpf oeq, %gather3A_246, %eq3A_253 : vector<16xf32>
              tpu.vector_store_idx %arg11[%shift_right_logical3A_249, %and3A_252], %add3A_13 masked %eq3A_254 : memref<32x128xf32, #tpu.memory_space<vmem>>[vector<16xi32>, vector<16xi32>], vector<16xf32>, vector<16xi1>
              %get3A_255 = arith.index_cast %scan3A_185 : i32 to index
              %get3A_256 = arith.constant 48 : index
              %get3A_257 = tpu.vector_load %arg7[%get3A_255, %get3A_256] {strides = array<i32>} : memref<16x128xi32, #tpu.memory_space<vmem>>, vector<16xi32>,
              %get3A_258 = arith.index_cast %scan3A_185 : i32 to index
              %get3A_259 = arith.constant 48 : index
              %get3A_260 = tpu.vector_load %arg8[%get3A_258, %get3A_259] {strides = array<i32>} : memref<16x128xi32, #tpu.memory_space<vmem>>, vector<16xi32>,
              %gather3A_261 = tpu.vector_load_idx %arg10[%get3A_257] : memref<4096xf32, #tpu.memory_space<vmem>>[vector<16xi32>], vector<16xf32>,
              %shift_right_logical3A_262 = arith.constant 7 : i32
              %shift_right_logical3A_263 = vector.broadcast %shift_right_logical3A_262 : i32 to vector<16xi32>
              %shift_right_logical3A_264 = arith.shrui %get3A_260, %shift_right_logical3A_263 : vector<16xi32>
              %and3A_265 = arith.constant 127 : i32
              %and3A_266 = vector.broadcast %and3A_265 : i32 to vector<16xi32>
              %and3A_267 = arith.andi %get3A_260, %and3A_266 : vector<16xi32>
              %eq3A_268 = vector.broadcast %convert_element_type3A_160 : f32 to vector<16xf32>
              %eq3A_269 = arith.cmpf oeq, %gather3A_261, %eq3A_268 : vector<16xf32>
              tpu.vector_store_idx %arg11[%shift_right_logical3A_264, %and3A_267], %add3A_13 masked %eq3A_269 : memref<32x128xf32, #tpu.memory_space<vmem>>[vector<16xi32>, vector<16xi32>], vector<16xf32>, vector<16xi1>
              %gather3A_270 = tpu.vector_load_idx %arg10[%get3A_260] : memref<4096xf32, #tpu.memory_space<vmem>>[vector<16xi32>], vector<16xf32>,
              %shift_right_logical3A_271 = arith.constant 7 : i32
              %shift_right_logical3A_272 = vector.broadcast %shift_right_logical3A_271 : i32 to vector<16xi32>
              %shift_right_logical3A_273 = arith.shrui %get3A_257, %shift_right_logical3A_272 : vector<16xi32>
              %and3A_274 = arith.constant 127 : i32
              %and3A_275 = vector.broadcast %and3A_274 : i32 to vector<16xi32>
              %and3A_276 = arith.andi %get3A_257, %and3A_275 : vector<16xi32>
              %eq3A_277 = vector.broadcast %convert_element_type3A_160 : f32 to vector<16xf32>
              %eq3A_278 = arith.cmpf oeq, %gather3A_270, %eq3A_277 : vector<16xf32>
              tpu.vector_store_idx %arg11[%shift_right_logical3A_273, %and3A_276], %add3A_13 masked %eq3A_278 : memref<32x128xf32, #tpu.memory_space<vmem>>[vector<16xi32>, vector<16xi32>], vector<16xf32>, vector<16xi1>
              %get3A_279 = arith.index_cast %scan3A_185 : i32 to index
              %get3A_280 = arith.constant 64 : index
              %get3A_281 = tpu.vector_load %arg7[%get3A_279, %get3A_280] {strides = array<i32>} : memref<16x128xi32, #tpu.memory_space<vmem>>, vector<16xi32>,
              %get3A_282 = arith.index_cast %scan3A_185 : i32 to index
              %get3A_283 = arith.constant 64 : index
              %get3A_284 = tpu.vector_load %arg8[%get3A_282, %get3A_283] {strides = array<i32>} : memref<16x128xi32, #tpu.memory_space<vmem>>, vector<16xi32>,
              %gather3A_285 = tpu.vector_load_idx %arg10[%get3A_281] : memref<4096xf32, #tpu.memory_space<vmem>>[vector<16xi32>], vector<16xf32>,
              %shift_right_logical3A_286 = arith.constant 7 : i32
              %shift_right_logical3A_287 = vector.broadcast %shift_right_logical3A_286 : i32 to vector<16xi32>
              %shift_right_logical3A_288 = arith.shrui %get3A_284, %shift_right_logical3A_287 : vector<16xi32>
              %and3A_289 = arith.constant 127 : i32
              %and3A_290 = vector.broadcast %and3A_289 : i32 to vector<16xi32>
              %and3A_291 = arith.andi %get3A_284, %and3A_290 : vector<16xi32>
              %eq3A_292 = vector.broadcast %convert_element_type3A_160 : f32 to vector<16xf32>
              %eq3A_293 = arith.cmpf oeq, %gather3A_285, %eq3A_292 : vector<16xf32>
              tpu.vector_store_idx %arg11[%shift_right_logical3A_288, %and3A_291], %add3A_13 masked %eq3A_293 : memref<32x128xf32, #tpu.memory_space<vmem>>[vector<16xi32>, vector<16xi32>], vector<16xf32>, vector<16xi1>
              %gather3A_294 = tpu.vector_load_idx %arg10[%get3A_284] : memref<4096xf32, #tpu.memory_space<vmem>>[vector<16xi32>], vector<16xf32>,
              %shift_right_logical3A_295 = arith.constant 7 : i32
              %shift_right_logical3A_296 = vector.broadcast %shift_right_logical3A_295 : i32 to vector<16xi32>
              %shift_right_logical3A_297 = arith.shrui %get3A_281, %shift_right_logical3A_296 : vector<16xi32>
              %and3A_298 = arith.constant 127 : i32
              %and3A_299 = vector.broadcast %and3A_298 : i32 to vector<16xi32>
              %and3A_300 = arith.andi %get3A_281, %and3A_299 : vector<16xi32>
              %eq3A_301 = vector.broadcast %convert_element_type3A_160 : f32 to vector<16xf32>
              %eq3A_302 = arith.cmpf oeq, %gather3A_294, %eq3A_301 : vector<16xf32>
              tpu.vector_store_idx %arg11[%shift_right_logical3A_297, %and3A_300], %add3A_13 masked %eq3A_302 : memref<32x128xf32, #tpu.memory_space<vmem>>[vector<16xi32>, vector<16xi32>], vector<16xf32>, vector<16xi1>
              %get3A_303 = arith.index_cast %scan3A_185 : i32 to index
              %get3A_304 = arith.constant 80 : index
              %get3A_305 = tpu.vector_load %arg7[%get3A_303, %get3A_304] {strides = array<i32>} : memref<16x128xi32, #tpu.memory_space<vmem>>, vector<16xi32>,
              %get3A_306 = arith.index_cast %scan3A_185 : i32 to index
              %get3A_307 = arith.constant 80 : index
              %get3A_308 = tpu.vector_load %arg8[%get3A_306, %get3A_307] {strides = array<i32>} : memref<16x128xi32, #tpu.memory_space<vmem>>, vector<16xi32>,
              %gather3A_309 = tpu.vector_load_idx %arg10[%get3A_305] : memref<4096xf32, #tpu.memory_space<vmem>>[vector<16xi32>], vector<16xf32>,
              %shift_right_logical3A_310 = arith.constant 7 : i32
              %shift_right_logical3A_311 = vector.broadcast %shift_right_logical3A_310 : i32 to vector<16xi32>
              %shift_right_logical3A_312 = arith.shrui %get3A_308, %shift_right_logical3A_311 : vector<16xi32>
              %and3A_313 = arith.constant 127 : i32
              %and3A_314 = vector.broadcast %and3A_313 : i32 to vector<16xi32>
              %and3A_315 = arith.andi %get3A_308, %and3A_314 : vector<16xi32>
              %eq3A_316 = vector.broadcast %convert_element_type3A_160 : f32 to vector<16xf32>
              %eq3A_317 = arith.cmpf oeq, %gather3A_309, %eq3A_316 : vector<16xf32>
              tpu.vector_store_idx %arg11[%shift_right_logical3A_312, %and3A_315], %add3A_13 masked %eq3A_317 : memref<32x128xf32, #tpu.memory_space<vmem>>[vector<16xi32>, vector<16xi32>], vector<16xf32>, vector<16xi1>
              %gather3A_318 = tpu.vector_load_idx %arg10[%get3A_308] : memref<4096xf32, #tpu.memory_space<vmem>>[vector<16xi32>], vector<16xf32>,
              %shift_right_logical3A_319 = arith.constant 7 : i32
              %shift_right_logical3A_320 = vector.broadcast %shift_right_logical3A_319 : i32 to vector<16xi32>
              %shift_right_logical3A_321 = arith.shrui %get3A_305, %shift_right_logical3A_320 : vector<16xi32>
              %and3A_322 = arith.constant 127 : i32
              %and3A_323 = vector.broadcast %and3A_322 : i32 to vector<16xi32>
              %and3A_324 = arith.andi %get3A_305, %and3A_323 : vector<16xi32>
              %eq3A_325 = vector.broadcast %convert_element_type3A_160 : f32 to vector<16xf32>
              %eq3A_326 = arith.cmpf oeq, %gather3A_318, %eq3A_325 : vector<16xf32>
              tpu.vector_store_idx %arg11[%shift_right_logical3A_321, %and3A_324], %add3A_13 masked %eq3A_326 : memref<32x128xf32, #tpu.memory_space<vmem>>[vector<16xi32>, vector<16xi32>], vector<16xf32>, vector<16xi1>
              %get3A_327 = arith.index_cast %scan3A_185 : i32 to index
              %get3A_328 = arith.constant 96 : index
              %get3A_329 = tpu.vector_load %arg7[%get3A_327, %get3A_328] {strides = array<i32>} : memref<16x128xi32, #tpu.memory_space<vmem>>, vector<16xi32>,
              %get3A_330 = arith.index_cast %scan3A_185 : i32 to index
              %get3A_331 = arith.constant 96 : index
              %get3A_332 = tpu.vector_load %arg8[%get3A_330, %get3A_331] {strides = array<i32>} : memref<16x128xi32, #tpu.memory_space<vmem>>, vector<16xi32>,
              %gather3A_333 = tpu.vector_load_idx %arg10[%get3A_329] : memref<4096xf32, #tpu.memory_space<vmem>>[vector<16xi32>], vector<16xf32>,
              %shift_right_logical3A_334 = arith.constant 7 : i32
              %shift_right_logical3A_335 = vector.broadcast %shift_right_logical3A_334 : i32 to vector<16xi32>
              %shift_right_logical3A_336 = arith.shrui %get3A_332, %shift_right_logical3A_335 : vector<16xi32>
              %and3A_337 = arith.constant 127 : i32
              %and3A_338 = vector.broadcast %and3A_337 : i32 to vector<16xi32>
              %and3A_339 = arith.andi %get3A_332, %and3A_338 : vector<16xi32>
              %eq3A_340 = vector.broadcast %convert_element_type3A_160 : f32 to vector<16xf32>
              %eq3A_341 = arith.cmpf oeq, %gather3A_333, %eq3A_340 : vector<16xf32>
              tpu.vector_store_idx %arg11[%shift_right_logical3A_336, %and3A_339], %add3A_13 masked %eq3A_341 : memref<32x128xf32, #tpu.memory_space<vmem>>[vector<16xi32>, vector<16xi32>], vector<16xf32>, vector<16xi1>
              %gather3A_342 = tpu.vector_load_idx %arg10[%get3A_332] : memref<4096xf32, #tpu.memory_space<vmem>>[vector<16xi32>], vector<16xf32>,
              %shift_right_logical3A_343 = arith.constant 7 : i32
              %shift_right_logical3A_344 = vector.broadcast %shift_right_logical3A_343 : i32 to vector<16xi32>
              %shift_right_logical3A_345 = arith.shrui %get3A_329, %shift_right_logical3A_344 : vector<16xi32>
              %and3A_346 = arith.constant 127 : i32
              %and3A_347 = vector.broadcast %and3A_346 : i32 to vector<16xi32>
              %and3A_348 = arith.andi %get3A_329, %and3A_347 : vector<16xi32>
              %eq3A_349 = vector.broadcast %convert_element_type3A_160 : f32 to vector<16xf32>
              %eq3A_350 = arith.cmpf oeq, %gather3A_342, %eq3A_349 : vector<16xf32>
              tpu.vector_store_idx %arg11[%shift_right_logical3A_345, %and3A_348], %add3A_13 masked %eq3A_350 : memref<32x128xf32, #tpu.memory_space<vmem>>[vector<16xi32>, vector<16xi32>], vector<16xf32>, vector<16xi1>
              %get3A_351 = arith.index_cast %scan3A_185 : i32 to index
              %get3A_352 = arith.constant 112 : index
              %get3A_353 = tpu.vector_load %arg7[%get3A_351, %get3A_352] {strides = array<i32>} : memref<16x128xi32, #tpu.memory_space<vmem>>, vector<16xi32>,
              %get3A_354 = arith.index_cast %scan3A_185 : i32 to index
              %get3A_355 = arith.constant 112 : index
              %get3A_356 = tpu.vector_load %arg8[%get3A_354, %get3A_355] {strides = array<i32>} : memref<16x128xi32, #tpu.memory_space<vmem>>, vector<16xi32>,
              %gather3A_357 = tpu.vector_load_idx %arg10[%get3A_353] : memref<4096xf32, #tpu.memory_space<vmem>>[vector<16xi32>], vector<16xf32>,
              %shift_right_logical3A_358 = arith.constant 7 : i32
              %shift_right_logical3A_359 = vector.broadcast %shift_right_logical3A_358 : i32 to vector<16xi32>
              %shift_right_logical3A_360 = arith.shrui %get3A_356, %shift_right_logical3A_359 : vector<16xi32>
              %and3A_361 = arith.constant 127 : i32
              %and3A_362 = vector.broadcast %and3A_361 : i32 to vector<16xi32>
              %and3A_363 = arith.andi %get3A_356, %and3A_362 : vector<16xi32>
              %eq3A_364 = vector.broadcast %convert_element_type3A_160 : f32 to vector<16xf32>
              %eq3A_365 = arith.cmpf oeq, %gather3A_357, %eq3A_364 : vector<16xf32>
              tpu.vector_store_idx %arg11[%shift_right_logical3A_360, %and3A_363], %add3A_13 masked %eq3A_365 : memref<32x128xf32, #tpu.memory_space<vmem>>[vector<16xi32>, vector<16xi32>], vector<16xf32>, vector<16xi1>
              %gather3A_366 = tpu.vector_load_idx %arg10[%get3A_356] : memref<4096xf32, #tpu.memory_space<vmem>>[vector<16xi32>], vector<16xf32>,
              %shift_right_logical3A_367 = arith.constant 7 : i32
              %shift_right_logical3A_368 = vector.broadcast %shift_right_logical3A_367 : i32 to vector<16xi32>
              %shift_right_logical3A_369 = arith.shrui %get3A_353, %shift_right_logical3A_368 : vector<16xi32>
              %and3A_370 = arith.constant 127 : i32
              %and3A_371 = vector.broadcast %and3A_370 : i32 to vector<16xi32>
              %and3A_372 = arith.andi %get3A_353, %and3A_371 : vector<16xi32>
              %eq3A_373 = vector.broadcast %convert_element_type3A_160 : f32 to vector<16xf32>
              %eq3A_374 = arith.cmpf oeq, %gather3A_366, %eq3A_373 : vector<16xf32>
              tpu.vector_store_idx %arg11[%shift_right_logical3A_369, %and3A_372], %add3A_13 masked %eq3A_374 : memref<32x128xf32, #tpu.memory_space<vmem>>[vector<16xi32>, vector<16xi32>], vector<16xf32>, vector<16xi1>
            }
            %scan3A_166 = arith.constant 16 : i32
            %run_scoped3A = arith.constant 0 : i32
            "tpu.region"() ({
              %run_scoped3A_185 = tpu.sem_alloc : memref<!tpu.dma_semaphore, #tpu.memory_space<semaphore_mem>>
              %dma_start3A = arith.constant 0 : i32
              %dma_start3A_186 = tpu.memref_slice %arg13[%run_scoped3A, %dma_start3A] : memref<2x32xi32, #tpu.memory_space<vmem>> -> memref<1x32xi32, #tpu.memory_space<vmem>>
              %dma_start3A_187 = tpu.memref_squeeze %dma_start3A_186 : memref<1x32xi32, #tpu.memory_space<vmem>> -> memref<32xi32, #tpu.memory_space<vmem>>
              %dma_start3A_188 = arith.constant 0 : i32
              %dma_start3A_189 = arith.constant 0 : i32
              %dma_start3A_190 = tpu.memref_slice %arg16[%dma_start3A_188, %dma_start3A_189] : memref<64x128xf32, #tpu.memory_space<vmem_shared>> -> memref<64x128xf32, #tpu.memory_space<vmem_shared>>
              tpu.enqueue_indirect_dma source(%arg11 : memref<32x128xf32, #tpu.memory_space<vmem>>) target(%dma_start3A_190 : memref<64x128xf32, #tpu.memory_space<vmem_shared>>) offsets(%dma_start3A_187 : memref<32xi32, #tpu.memory_space<vmem>>) semaphore(%run_scoped3A_185 : memref<!tpu.dma_semaphore, #tpu.memory_space<semaphore_mem>>) {add = true}
              %dma_wait3A = arith.constant 0 : i32
              %dma_wait3A_191 = tpu.memref_slice %arg13[%run_scoped3A, %dma_wait3A] : memref<2x32xi32, #tpu.memory_space<vmem>> -> memref<1x32xi32, #tpu.memory_space<vmem>>
              %dma_wait3A_192 = tpu.memref_squeeze %dma_wait3A_191 : memref<1x32xi32, #tpu.memory_space<vmem>> -> memref<32xi32, #tpu.memory_space<vmem>>
              %dma_wait3A_193 = arith.constant 0 : i32
              %dma_wait3A_194 = arith.constant 0 : i32
              %dma_wait3A_195 = tpu.memref_slice %arg16[%dma_wait3A_193, %dma_wait3A_194] : memref<64x128xf32, #tpu.memory_space<vmem_shared>> -> memref<64x128xf32, #tpu.memory_space<vmem_shared>>
              tpu.wait_indirect_dma semaphore(%run_scoped3A_185 : memref<!tpu.dma_semaphore, #tpu.memory_space<semaphore_mem>>) src(%arg11 : memref<32x128xf32, #tpu.memory_space<vmem>>) dst(%dma_wait3A_195 : memref<64x128xf32, #tpu.memory_space<vmem_shared>>)
              tpu.yield
            }) : () -> ()
            %barrier3A_167 = arith.constant 0 : index
            tpu.barrier barrier_id(%barrier3A_167)
            "tpu.region"() ({
              %run_scoped3A_185 = tpu.sem_alloc : memref<!tpu.dma_semaphore, #tpu.memory_space<semaphore_mem>>
              %dma_start3A = arith.constant 0 : i32
              %dma_start3A_186 = arith.constant 0 : i32
              %dma_start3A_187 = tpu.memref_slice %arg16[%dma_start3A, %dma_start3A_186] : memref<64x128xf32, #tpu.memory_space<vmem_shared>> -> memref<32x128xf32, #tpu.memory_space<vmem_shared>>
              %dma_start3A_188 = arith.constant 0 : i32
              %dma_start3A_189 = arith.constant 0 : i32
              %dma_start3A_190 = tpu.memref_slice %arg16[%dma_start3A_188, %dma_start3A_189] : memref<64x128xf32, #tpu.memory_space<vmem_shared>> -> memref<32x128xf32, #tpu.memory_space<vmem_shared>>
              tpu.enqueue_dma source(%dma_start3A_190 : memref<32x128xf32, #tpu.memory_space<vmem_shared>>) target(%arg12 : memref<32x128xf32, #tpu.memory_space<vmem>>) target_semaphore(%run_scoped3A_185 : memref<!tpu.dma_semaphore, #tpu.memory_space<semaphore_mem>>)
              %dma_wait3A = arith.constant 0 : i32
              %dma_wait3A_191 = arith.constant 0 : i32
              %dma_wait3A_192 = tpu.memref_slice %arg16[%dma_wait3A, %dma_wait3A_191] : memref<64x128xf32, #tpu.memory_space<vmem_shared>> -> memref<32x128xf32, #tpu.memory_space<vmem_shared>>
              %dma_wait3A_193 = arith.constant 0 : i32
              %dma_wait3A_194 = arith.constant 0 : i32
              %dma_wait3A_195 = tpu.memref_slice %arg16[%dma_wait3A_193, %dma_wait3A_194] : memref<64x128xf32, #tpu.memory_space<vmem_shared>> -> memref<32x128xf32, #tpu.memory_space<vmem_shared>>
              tpu.wait_dma2 semaphore(%run_scoped3A_185 : memref<!tpu.dma_semaphore, #tpu.memory_space<semaphore_mem>>) src(%dma_wait3A_195 : memref<32x128xf32, #tpu.memory_space<vmem_shared>>) dst(%arg12 : memref<32x128xf32, #tpu.memory_space<vmem>>)
              tpu.yield
            }) : () -> ()
            %mul3A_168 = arith.constant 2 : i32
            %mul3A_169 = arith.muli %mul3A_168, %arg1 : i32
            %add3A_170 = arith.constant 32 : i32
            %add3A_171 = arith.addi %add3A_170, %mul3A_169 : i32
            "tpu.region"() ({
              %run_scoped3A_185 = tpu.sem_alloc : memref<!tpu.dma_semaphore, #tpu.memory_space<semaphore_mem>>
              %dma_start3A = arith.constant 0 : i32
              %dma_start3A_186 = tpu.memref_slice %arg16[%add3A_171, %dma_start3A] : memref<64x128xf32, #tpu.memory_space<vmem_shared>> -> memref<2x128xf32, #tpu.memory_space<vmem_shared>>
              %dma_start3A_187 = arith.constant 0 : i32
              %dma_start3A_188 = tpu.memref_slice %arg16[%add3A_171, %dma_start3A_187] : memref<64x128xf32, #tpu.memory_space<vmem_shared>> -> memref<2x128xf32, #tpu.memory_space<vmem_shared>>
              tpu.enqueue_dma source(%arg14 : memref<2x128xf32, #tpu.memory_space<vmem>>) target(%dma_start3A_188 : memref<2x128xf32, #tpu.memory_space<vmem_shared>>) target_semaphore(%run_scoped3A_185 : memref<!tpu.dma_semaphore, #tpu.memory_space<semaphore_mem>>)
              %dma_wait3A = arith.constant 0 : i32
              %dma_wait3A_189 = tpu.memref_slice %arg16[%add3A_171, %dma_wait3A] : memref<64x128xf32, #tpu.memory_space<vmem_shared>> -> memref<2x128xf32, #tpu.memory_space<vmem_shared>>
              %dma_wait3A_190 = arith.constant 0 : i32
              %dma_wait3A_191 = tpu.memref_slice %arg16[%add3A_171, %dma_wait3A_190] : memref<64x128xf32, #tpu.memory_space<vmem_shared>> -> memref<2x128xf32, #tpu.memory_space<vmem_shared>>
              tpu.wait_dma2 semaphore(%run_scoped3A_185 : memref<!tpu.dma_semaphore, #tpu.memory_space<semaphore_mem>>) src(%arg14 : memref<2x128xf32, #tpu.memory_space<vmem>>) dst(%dma_wait3A_191 : memref<2x128xf32, #tpu.memory_space<vmem_shared>>)
              tpu.yield
            }) : () -> ()
            %add3A_172 = arith.constant 1.000000e+00 : f32
            %add3A_173 = arith.addf %convert_element_type3A_160, %add3A_172 : f32
            %scan3A_174 = arith.constant 0.000000e+00 : f32
            %scan3A_175 = arith.constant 0 : i32
            %scan3A_176 = arith.constant 256 : i32
            %scan3A_177 = arith.addi %scan3A_175, %scan3A_176 : i32
            %scan3A_178 = arith.constant 1 : i32
            %scan3A_179 = scf.for %scan3A_185 = %scan3A_175 to %scan3A_177 step %scan3A_178 iter_args(%scan3A_186 = %scan3A_174) -> (f32)  : i32 {
              %shift_right_arithmetic3A = arith.constant 3 : i32
              %shift_right_arithmetic3A_187 = arith.shrsi %scan3A_185, %shift_right_arithmetic3A : i32
              %and3A = arith.constant 7 : i32
              %and3A_188 = arith.andi %scan3A_185, %and3A : i32
              %mul3A_189 = arith.constant 16 : i32
              %mul3A_190 = arith.muli %and3A_188, %mul3A_189 : i32
              %get3A_191 = arith.index_cast %shift_right_arithmetic3A_187 : i32 to index
              %get3A_192 = arith.index_cast %mul3A_190 : i32 to index
              %get3A_193 = tpu.vector_load %arg12[%get3A_191, %get3A_192] {strides = array<i32>} : memref<32x128xf32, #tpu.memory_space<vmem>>, vector<16xf32>,
              %mul3A_194 = arith.constant 16 : i32
              %mul3A_195 = arith.muli %scan3A_185, %mul3A_194 : i32
              %get3A_196 = arith.index_cast %mul3A_195 : i32 to index
              %get3A_197 = tpu.vector_load %arg10[%get3A_196] {strides = array<i32>} : memref<4096xf32, #tpu.memory_space<vmem>>, vector<16xf32>,
              %gt3A_198 = arith.constant 0.000000e+00 : f32
              %gt3A_199 = vector.broadcast %gt3A_198 : f32 to vector<16xf32>
              %gt3A_200 = arith.cmpf ogt, %get3A_193, %gt3A_199 : vector<16xf32>
              %eq3A_201 = arith.constant 4.096000e+03 : f32
              %eq3A_202 = vector.broadcast %eq3A_201 : f32 to vector<16xf32>
              %eq3A_203 = arith.cmpf oeq, %get3A_197, %eq3A_202 : vector<16xf32>
              %and3A_204 = arith.andi %gt3A_200, %eq3A_203 : vector<16xi1>
              %broadcast_in_dim3A_205 = vector.broadcast %add3A_173 : f32 to vector<16xf32>
              %select_n3A_206 = arith.select %and3A_204, %broadcast_in_dim3A_205, %get3A_197 : vector<16xi1>, vector<16xf32>
              %mul3A_207 = arith.constant 16 : i32
              %mul3A_208 = arith.muli %scan3A_185, %mul3A_207 : i32
              %swap3A_209 = arith.index_cast %mul3A_208 : i32 to index
              %swap3A_210 = tpu.vector_load %arg10[%swap3A_209] {strides = array<i32>} : memref<4096xf32, #tpu.memory_space<vmem>>, vector<16xf32>,
              tpu.vector_store %arg10[%swap3A_209], %select_n3A_206 {strides = array<i32>} : memref<4096xf32, #tpu.memory_space<vmem>>, vector<16xf32>,
              %shift_right_arithmetic3A_211 = arith.constant 3 : i32
              %shift_right_arithmetic3A_212 = arith.shrsi %scan3A_185, %shift_right_arithmetic3A_211 : i32
              %and3A_213 = arith.constant 7 : i32
              %and3A_214 = arith.andi %scan3A_185, %and3A_213 : i32
              %mul3A_215 = arith.constant 16 : i32
              %mul3A_216 = arith.muli %and3A_214, %mul3A_215 : i32
              %swap3A_217 = arith.index_cast %shift_right_arithmetic3A_212 : i32 to index
              %swap3A_218 = arith.index_cast %mul3A_216 : i32 to index
              %swap3A_219 = tpu.vector_load %arg11[%swap3A_217, %swap3A_218] {strides = array<i32>} : memref<32x128xf32, #tpu.memory_space<vmem>>, vector<16xf32>,
              tpu.vector_store %arg11[%swap3A_217, %swap3A_218], %mul3A_3 {strides = array<i32>} : memref<32x128xf32, #tpu.memory_space<vmem>>, vector<16xf32>,
              %jit3A_220 = arith.constant 1.000000e+00 : f32
              %jit3A_221 = arith.constant 0.000000e+00 : f32
              %broadcast_in_dim3A_222 = vector.broadcast %jit3A_220 : f32 to vector<16xf32>
              %broadcast_in_dim3A_223 = vector.broadcast %jit3A_221 : f32 to vector<16xf32>
              %select_n3A_224 = arith.select %and3A_204, %broadcast_in_dim3A_222, %broadcast_in_dim3A_223 : vector<16xi1>, vector<16xf32>
              %reduce_sum3A = arith.constant true
              %reduce_sum3A_225 = vector.broadcast %reduce_sum3A : i1 to vector<16xi1>
              %reduce_sum3A_226 = tpu.scan <sum>, %select_n3A_224 masked %reduce_sum3A_225 : vector<16xf32>, vector<16xi1> -> vector<16xf32>
              %reduce_sum3A_227 = vector.extract %reduce_sum3A_226[15] : f32 from vector<16xf32>
              %add3A_228 = arith.addf %scan3A_186, %reduce_sum3A_227 : f32
              scf.yield %add3A_228 : f32
            }
            %scan3A_180 = arith.constant 256 : i32
            %barrier3A_181 = arith.constant 0 : index
            tpu.barrier barrier_id(%barrier3A_181)
            %swap3A_182 = arith.constant 0 : i32
            %swap3A_183 = arith.index_cast %swap3A_182 : i32 to index
            %swap3A_184 = memref.load %arg17[%swap3A_183] : memref<1xf32, #tpu.memory_space<smem>>
            memref.store %scan3A_179, %arg17[%swap3A_183] : memref<1xf32, #tpu.memory_space<smem>>
          } else {
          }
          %get3A_116 = arith.constant 0 : i32
          %get3A_117 = arith.index_cast %get3A_116 : i32 to index
          %get3A_118 = memref.load %arg17[%get3A_117] : memref<1xf32, #tpu.memory_space<smem>>
          %gt3A_119 = arith.constant 0.000000e+00 : f32
          %gt3A_120 = arith.cmpf ogt, %get3A_118, %gt3A_119 : f32
          %convert_element_type3A_121 = arith.extui %gt3A_120 : i1 to i32
          %cond3A_122 = arith.constant 0 : i32
          %cond3A_123 = arith.cmpi ne, %convert_element_type3A_121, %cond3A_122 : i32
          scf.if %cond3A_123 {
            %mul3A_156 = arith.constant 8 : i32
            %mul3A_157 = arith.muli %scan3A_85, %mul3A_156 : i32
            %add3A_158 = arith.constant 3 : i32
            %add3A_159 = arith.addi %mul3A_157, %add3A_158 : i32
            %convert_element_type3A_160 = arith.sitofp %add3A_159 : i32 to f32
            %scan3A_161 = arith.constant 0 : i32
            %scan3A_162 = arith.constant 0 : i32
            %scan3A_163 = arith.constant 16 : i32
            %scan3A_164 = arith.addi %scan3A_162, %scan3A_163 : i32
            %scan3A_165 = arith.constant 1 : i32
            scf.for %scan3A_185 = %scan3A_162 to %scan3A_164 step %scan3A_165  : i32 {
              %get3A_186 = arith.index_cast %scan3A_185 : i32 to index
              %get3A_187 = arith.constant 0 : index
              %get3A_188 = tpu.vector_load %arg7[%get3A_186, %get3A_187] {strides = array<i32>} : memref<16x128xi32, #tpu.memory_space<vmem>>, vector<16xi32>,
              %get3A_189 = arith.index_cast %scan3A_185 : i32 to index
              %get3A_190 = arith.constant 0 : index
              %get3A_191 = tpu.vector_load %arg8[%get3A_189, %get3A_190] {strides = array<i32>} : memref<16x128xi32, #tpu.memory_space<vmem>>, vector<16xi32>,
              %gather3A = tpu.vector_load_idx %arg10[%get3A_188] : memref<4096xf32, #tpu.memory_space<vmem>>[vector<16xi32>], vector<16xf32>,
              %shift_right_logical3A = arith.constant 7 : i32
              %shift_right_logical3A_192 = vector.broadcast %shift_right_logical3A : i32 to vector<16xi32>
              %shift_right_logical3A_193 = arith.shrui %get3A_191, %shift_right_logical3A_192 : vector<16xi32>
              %and3A = arith.constant 127 : i32
              %and3A_194 = vector.broadcast %and3A : i32 to vector<16xi32>
              %and3A_195 = arith.andi %get3A_191, %and3A_194 : vector<16xi32>
              %eq3A_196 = vector.broadcast %convert_element_type3A_160 : f32 to vector<16xf32>
              %eq3A_197 = arith.cmpf oeq, %gather3A, %eq3A_196 : vector<16xf32>
              tpu.vector_store_idx %arg11[%shift_right_logical3A_193, %and3A_195], %add3A_13 masked %eq3A_197 : memref<32x128xf32, #tpu.memory_space<vmem>>[vector<16xi32>, vector<16xi32>], vector<16xf32>, vector<16xi1>
              %gather3A_198 = tpu.vector_load_idx %arg10[%get3A_191] : memref<4096xf32, #tpu.memory_space<vmem>>[vector<16xi32>], vector<16xf32>,
              %shift_right_logical3A_199 = arith.constant 7 : i32
              %shift_right_logical3A_200 = vector.broadcast %shift_right_logical3A_199 : i32 to vector<16xi32>
              %shift_right_logical3A_201 = arith.shrui %get3A_188, %shift_right_logical3A_200 : vector<16xi32>
              %and3A_202 = arith.constant 127 : i32
              %and3A_203 = vector.broadcast %and3A_202 : i32 to vector<16xi32>
              %and3A_204 = arith.andi %get3A_188, %and3A_203 : vector<16xi32>
              %eq3A_205 = vector.broadcast %convert_element_type3A_160 : f32 to vector<16xf32>
              %eq3A_206 = arith.cmpf oeq, %gather3A_198, %eq3A_205 : vector<16xf32>
              tpu.vector_store_idx %arg11[%shift_right_logical3A_201, %and3A_204], %add3A_13 masked %eq3A_206 : memref<32x128xf32, #tpu.memory_space<vmem>>[vector<16xi32>, vector<16xi32>], vector<16xf32>, vector<16xi1>
              %get3A_207 = arith.index_cast %scan3A_185 : i32 to index
              %get3A_208 = arith.constant 16 : index
              %get3A_209 = tpu.vector_load %arg7[%get3A_207, %get3A_208] {strides = array<i32>} : memref<16x128xi32, #tpu.memory_space<vmem>>, vector<16xi32>,
              %get3A_210 = arith.index_cast %scan3A_185 : i32 to index
              %get3A_211 = arith.constant 16 : index
              %get3A_212 = tpu.vector_load %arg8[%get3A_210, %get3A_211] {strides = array<i32>} : memref<16x128xi32, #tpu.memory_space<vmem>>, vector<16xi32>,
              %gather3A_213 = tpu.vector_load_idx %arg10[%get3A_209] : memref<4096xf32, #tpu.memory_space<vmem>>[vector<16xi32>], vector<16xf32>,
              %shift_right_logical3A_214 = arith.constant 7 : i32
              %shift_right_logical3A_215 = vector.broadcast %shift_right_logical3A_214 : i32 to vector<16xi32>
              %shift_right_logical3A_216 = arith.shrui %get3A_212, %shift_right_logical3A_215 : vector<16xi32>
              %and3A_217 = arith.constant 127 : i32
              %and3A_218 = vector.broadcast %and3A_217 : i32 to vector<16xi32>
              %and3A_219 = arith.andi %get3A_212, %and3A_218 : vector<16xi32>
              %eq3A_220 = vector.broadcast %convert_element_type3A_160 : f32 to vector<16xf32>
              %eq3A_221 = arith.cmpf oeq, %gather3A_213, %eq3A_220 : vector<16xf32>
              tpu.vector_store_idx %arg11[%shift_right_logical3A_216, %and3A_219], %add3A_13 masked %eq3A_221 : memref<32x128xf32, #tpu.memory_space<vmem>>[vector<16xi32>, vector<16xi32>], vector<16xf32>, vector<16xi1>
              %gather3A_222 = tpu.vector_load_idx %arg10[%get3A_212] : memref<4096xf32, #tpu.memory_space<vmem>>[vector<16xi32>], vector<16xf32>,
              %shift_right_logical3A_223 = arith.constant 7 : i32
              %shift_right_logical3A_224 = vector.broadcast %shift_right_logical3A_223 : i32 to vector<16xi32>
              %shift_right_logical3A_225 = arith.shrui %get3A_209, %shift_right_logical3A_224 : vector<16xi32>
              %and3A_226 = arith.constant 127 : i32
              %and3A_227 = vector.broadcast %and3A_226 : i32 to vector<16xi32>
              %and3A_228 = arith.andi %get3A_209, %and3A_227 : vector<16xi32>
              %eq3A_229 = vector.broadcast %convert_element_type3A_160 : f32 to vector<16xf32>
              %eq3A_230 = arith.cmpf oeq, %gather3A_222, %eq3A_229 : vector<16xf32>
              tpu.vector_store_idx %arg11[%shift_right_logical3A_225, %and3A_228], %add3A_13 masked %eq3A_230 : memref<32x128xf32, #tpu.memory_space<vmem>>[vector<16xi32>, vector<16xi32>], vector<16xf32>, vector<16xi1>
              %get3A_231 = arith.index_cast %scan3A_185 : i32 to index
              %get3A_232 = arith.constant 32 : index
              %get3A_233 = tpu.vector_load %arg7[%get3A_231, %get3A_232] {strides = array<i32>} : memref<16x128xi32, #tpu.memory_space<vmem>>, vector<16xi32>,
              %get3A_234 = arith.index_cast %scan3A_185 : i32 to index
              %get3A_235 = arith.constant 32 : index
              %get3A_236 = tpu.vector_load %arg8[%get3A_234, %get3A_235] {strides = array<i32>} : memref<16x128xi32, #tpu.memory_space<vmem>>, vector<16xi32>,
              %gather3A_237 = tpu.vector_load_idx %arg10[%get3A_233] : memref<4096xf32, #tpu.memory_space<vmem>>[vector<16xi32>], vector<16xf32>,
              %shift_right_logical3A_238 = arith.constant 7 : i32
              %shift_right_logical3A_239 = vector.broadcast %shift_right_logical3A_238 : i32 to vector<16xi32>
              %shift_right_logical3A_240 = arith.shrui %get3A_236, %shift_right_logical3A_239 : vector<16xi32>
              %and3A_241 = arith.constant 127 : i32
              %and3A_242 = vector.broadcast %and3A_241 : i32 to vector<16xi32>
              %and3A_243 = arith.andi %get3A_236, %and3A_242 : vector<16xi32>
              %eq3A_244 = vector.broadcast %convert_element_type3A_160 : f32 to vector<16xf32>
              %eq3A_245 = arith.cmpf oeq, %gather3A_237, %eq3A_244 : vector<16xf32>
              tpu.vector_store_idx %arg11[%shift_right_logical3A_240, %and3A_243], %add3A_13 masked %eq3A_245 : memref<32x128xf32, #tpu.memory_space<vmem>>[vector<16xi32>, vector<16xi32>], vector<16xf32>, vector<16xi1>
              %gather3A_246 = tpu.vector_load_idx %arg10[%get3A_236] : memref<4096xf32, #tpu.memory_space<vmem>>[vector<16xi32>], vector<16xf32>,
              %shift_right_logical3A_247 = arith.constant 7 : i32
              %shift_right_logical3A_248 = vector.broadcast %shift_right_logical3A_247 : i32 to vector<16xi32>
              %shift_right_logical3A_249 = arith.shrui %get3A_233, %shift_right_logical3A_248 : vector<16xi32>
              %and3A_250 = arith.constant 127 : i32
              %and3A_251 = vector.broadcast %and3A_250 : i32 to vector<16xi32>
              %and3A_252 = arith.andi %get3A_233, %and3A_251 : vector<16xi32>
              %eq3A_253 = vector.broadcast %convert_element_type3A_160 : f32 to vector<16xf32>
              %eq3A_254 = arith.cmpf oeq, %gather3A_246, %eq3A_253 : vector<16xf32>
              tpu.vector_store_idx %arg11[%shift_right_logical3A_249, %and3A_252], %add3A_13 masked %eq3A_254 : memref<32x128xf32, #tpu.memory_space<vmem>>[vector<16xi32>, vector<16xi32>], vector<16xf32>, vector<16xi1>
              %get3A_255 = arith.index_cast %scan3A_185 : i32 to index
              %get3A_256 = arith.constant 48 : index
              %get3A_257 = tpu.vector_load %arg7[%get3A_255, %get3A_256] {strides = array<i32>} : memref<16x128xi32, #tpu.memory_space<vmem>>, vector<16xi32>,
              %get3A_258 = arith.index_cast %scan3A_185 : i32 to index
              %get3A_259 = arith.constant 48 : index
              %get3A_260 = tpu.vector_load %arg8[%get3A_258, %get3A_259] {strides = array<i32>} : memref<16x128xi32, #tpu.memory_space<vmem>>, vector<16xi32>,
              %gather3A_261 = tpu.vector_load_idx %arg10[%get3A_257] : memref<4096xf32, #tpu.memory_space<vmem>>[vector<16xi32>], vector<16xf32>,
              %shift_right_logical3A_262 = arith.constant 7 : i32
              %shift_right_logical3A_263 = vector.broadcast %shift_right_logical3A_262 : i32 to vector<16xi32>
              %shift_right_logical3A_264 = arith.shrui %get3A_260, %shift_right_logical3A_263 : vector<16xi32>
              %and3A_265 = arith.constant 127 : i32
              %and3A_266 = vector.broadcast %and3A_265 : i32 to vector<16xi32>
              %and3A_267 = arith.andi %get3A_260, %and3A_266 : vector<16xi32>
              %eq3A_268 = vector.broadcast %convert_element_type3A_160 : f32 to vector<16xf32>
              %eq3A_269 = arith.cmpf oeq, %gather3A_261, %eq3A_268 : vector<16xf32>
              tpu.vector_store_idx %arg11[%shift_right_logical3A_264, %and3A_267], %add3A_13 masked %eq3A_269 : memref<32x128xf32, #tpu.memory_space<vmem>>[vector<16xi32>, vector<16xi32>], vector<16xf32>, vector<16xi1>
              %gather3A_270 = tpu.vector_load_idx %arg10[%get3A_260] : memref<4096xf32, #tpu.memory_space<vmem>>[vector<16xi32>], vector<16xf32>,
              %shift_right_logical3A_271 = arith.constant 7 : i32
              %shift_right_logical3A_272 = vector.broadcast %shift_right_logical3A_271 : i32 to vector<16xi32>
              %shift_right_logical3A_273 = arith.shrui %get3A_257, %shift_right_logical3A_272 : vector<16xi32>
              %and3A_274 = arith.constant 127 : i32
              %and3A_275 = vector.broadcast %and3A_274 : i32 to vector<16xi32>
              %and3A_276 = arith.andi %get3A_257, %and3A_275 : vector<16xi32>
              %eq3A_277 = vector.broadcast %convert_element_type3A_160 : f32 to vector<16xf32>
              %eq3A_278 = arith.cmpf oeq, %gather3A_270, %eq3A_277 : vector<16xf32>
              tpu.vector_store_idx %arg11[%shift_right_logical3A_273, %and3A_276], %add3A_13 masked %eq3A_278 : memref<32x128xf32, #tpu.memory_space<vmem>>[vector<16xi32>, vector<16xi32>], vector<16xf32>, vector<16xi1>
              %get3A_279 = arith.index_cast %scan3A_185 : i32 to index
              %get3A_280 = arith.constant 64 : index
              %get3A_281 = tpu.vector_load %arg7[%get3A_279, %get3A_280] {strides = array<i32>} : memref<16x128xi32, #tpu.memory_space<vmem>>, vector<16xi32>,
              %get3A_282 = arith.index_cast %scan3A_185 : i32 to index
              %get3A_283 = arith.constant 64 : index
              %get3A_284 = tpu.vector_load %arg8[%get3A_282, %get3A_283] {strides = array<i32>} : memref<16x128xi32, #tpu.memory_space<vmem>>, vector<16xi32>,
              %gather3A_285 = tpu.vector_load_idx %arg10[%get3A_281] : memref<4096xf32, #tpu.memory_space<vmem>>[vector<16xi32>], vector<16xf32>,
              %shift_right_logical3A_286 = arith.constant 7 : i32
              %shift_right_logical3A_287 = vector.broadcast %shift_right_logical3A_286 : i32 to vector<16xi32>
              %shift_right_logical3A_288 = arith.shrui %get3A_284, %shift_right_logical3A_287 : vector<16xi32>
              %and3A_289 = arith.constant 127 : i32
              %and3A_290 = vector.broadcast %and3A_289 : i32 to vector<16xi32>
              %and3A_291 = arith.andi %get3A_284, %and3A_290 : vector<16xi32>
              %eq3A_292 = vector.broadcast %convert_element_type3A_160 : f32 to vector<16xf32>
              %eq3A_293 = arith.cmpf oeq, %gather3A_285, %eq3A_292 : vector<16xf32>
              tpu.vector_store_idx %arg11[%shift_right_logical3A_288, %and3A_291], %add3A_13 masked %eq3A_293 : memref<32x128xf32, #tpu.memory_space<vmem>>[vector<16xi32>, vector<16xi32>], vector<16xf32>, vector<16xi1>
              %gather3A_294 = tpu.vector_load_idx %arg10[%get3A_284] : memref<4096xf32, #tpu.memory_space<vmem>>[vector<16xi32>], vector<16xf32>,
              %shift_right_logical3A_295 = arith.constant 7 : i32
              %shift_right_logical3A_296 = vector.broadcast %shift_right_logical3A_295 : i32 to vector<16xi32>
              %shift_right_logical3A_297 = arith.shrui %get3A_281, %shift_right_logical3A_296 : vector<16xi32>
              %and3A_298 = arith.constant 127 : i32
              %and3A_299 = vector.broadcast %and3A_298 : i32 to vector<16xi32>
              %and3A_300 = arith.andi %get3A_281, %and3A_299 : vector<16xi32>
              %eq3A_301 = vector.broadcast %convert_element_type3A_160 : f32 to vector<16xf32>
              %eq3A_302 = arith.cmpf oeq, %gather3A_294, %eq3A_301 : vector<16xf32>
              tpu.vector_store_idx %arg11[%shift_right_logical3A_297, %and3A_300], %add3A_13 masked %eq3A_302 : memref<32x128xf32, #tpu.memory_space<vmem>>[vector<16xi32>, vector<16xi32>], vector<16xf32>, vector<16xi1>
              %get3A_303 = arith.index_cast %scan3A_185 : i32 to index
              %get3A_304 = arith.constant 80 : index
              %get3A_305 = tpu.vector_load %arg7[%get3A_303, %get3A_304] {strides = array<i32>} : memref<16x128xi32, #tpu.memory_space<vmem>>, vector<16xi32>,
              %get3A_306 = arith.index_cast %scan3A_185 : i32 to index
              %get3A_307 = arith.constant 80 : index
              %get3A_308 = tpu.vector_load %arg8[%get3A_306, %get3A_307] {strides = array<i32>} : memref<16x128xi32, #tpu.memory_space<vmem>>, vector<16xi32>,
              %gather3A_309 = tpu.vector_load_idx %arg10[%get3A_305] : memref<4096xf32, #tpu.memory_space<vmem>>[vector<16xi32>], vector<16xf32>,
              %shift_right_logical3A_310 = arith.constant 7 : i32
              %shift_right_logical3A_311 = vector.broadcast %shift_right_logical3A_310 : i32 to vector<16xi32>
              %shift_right_logical3A_312 = arith.shrui %get3A_308, %shift_right_logical3A_311 : vector<16xi32>
              %and3A_313 = arith.constant 127 : i32
              %and3A_314 = vector.broadcast %and3A_313 : i32 to vector<16xi32>
              %and3A_315 = arith.andi %get3A_308, %and3A_314 : vector<16xi32>
              %eq3A_316 = vector.broadcast %convert_element_type3A_160 : f32 to vector<16xf32>
              %eq3A_317 = arith.cmpf oeq, %gather3A_309, %eq3A_316 : vector<16xf32>
              tpu.vector_store_idx %arg11[%shift_right_logical3A_312, %and3A_315], %add3A_13 masked %eq3A_317 : memref<32x128xf32, #tpu.memory_space<vmem>>[vector<16xi32>, vector<16xi32>], vector<16xf32>, vector<16xi1>
              %gather3A_318 = tpu.vector_load_idx %arg10[%get3A_308] : memref<4096xf32, #tpu.memory_space<vmem>>[vector<16xi32>], vector<16xf32>,
              %shift_right_logical3A_319 = arith.constant 7 : i32
              %shift_right_logical3A_320 = vector.broadcast %shift_right_logical3A_319 : i32 to vector<16xi32>
              %shift_right_logical3A_321 = arith.shrui %get3A_305, %shift_right_logical3A_320 : vector<16xi32>
              %and3A_322 = arith.constant 127 : i32
              %and3A_323 = vector.broadcast %and3A_322 : i32 to vector<16xi32>
              %and3A_324 = arith.andi %get3A_305, %and3A_323 : vector<16xi32>
              %eq3A_325 = vector.broadcast %convert_element_type3A_160 : f32 to vector<16xf32>
              %eq3A_326 = arith.cmpf oeq, %gather3A_318, %eq3A_325 : vector<16xf32>
              tpu.vector_store_idx %arg11[%shift_right_logical3A_321, %and3A_324], %add3A_13 masked %eq3A_326 : memref<32x128xf32, #tpu.memory_space<vmem>>[vector<16xi32>, vector<16xi32>], vector<16xf32>, vector<16xi1>
              %get3A_327 = arith.index_cast %scan3A_185 : i32 to index
              %get3A_328 = arith.constant 96 : index
              %get3A_329 = tpu.vector_load %arg7[%get3A_327, %get3A_328] {strides = array<i32>} : memref<16x128xi32, #tpu.memory_space<vmem>>, vector<16xi32>,
              %get3A_330 = arith.index_cast %scan3A_185 : i32 to index
              %get3A_331 = arith.constant 96 : index
              %get3A_332 = tpu.vector_load %arg8[%get3A_330, %get3A_331] {strides = array<i32>} : memref<16x128xi32, #tpu.memory_space<vmem>>, vector<16xi32>,
              %gather3A_333 = tpu.vector_load_idx %arg10[%get3A_329] : memref<4096xf32, #tpu.memory_space<vmem>>[vector<16xi32>], vector<16xf32>,
              %shift_right_logical3A_334 = arith.constant 7 : i32
              %shift_right_logical3A_335 = vector.broadcast %shift_right_logical3A_334 : i32 to vector<16xi32>
              %shift_right_logical3A_336 = arith.shrui %get3A_332, %shift_right_logical3A_335 : vector<16xi32>
              %and3A_337 = arith.constant 127 : i32
              %and3A_338 = vector.broadcast %and3A_337 : i32 to vector<16xi32>
              %and3A_339 = arith.andi %get3A_332, %and3A_338 : vector<16xi32>
              %eq3A_340 = vector.broadcast %convert_element_type3A_160 : f32 to vector<16xf32>
              %eq3A_341 = arith.cmpf oeq, %gather3A_333, %eq3A_340 : vector<16xf32>
              tpu.vector_store_idx %arg11[%shift_right_logical3A_336, %and3A_339], %add3A_13 masked %eq3A_341 : memref<32x128xf32, #tpu.memory_space<vmem>>[vector<16xi32>, vector<16xi32>], vector<16xf32>, vector<16xi1>
              %gather3A_342 = tpu.vector_load_idx %arg10[%get3A_332] : memref<4096xf32, #tpu.memory_space<vmem>>[vector<16xi32>], vector<16xf32>,
              %shift_right_logical3A_343 = arith.constant 7 : i32
              %shift_right_logical3A_344 = vector.broadcast %shift_right_logical3A_343 : i32 to vector<16xi32>
              %shift_right_logical3A_345 = arith.shrui %get3A_329, %shift_right_logical3A_344 : vector<16xi32>
              %and3A_346 = arith.constant 127 : i32
              %and3A_347 = vector.broadcast %and3A_346 : i32 to vector<16xi32>
              %and3A_348 = arith.andi %get3A_329, %and3A_347 : vector<16xi32>
              %eq3A_349 = vector.broadcast %convert_element_type3A_160 : f32 to vector<16xf32>
              %eq3A_350 = arith.cmpf oeq, %gather3A_342, %eq3A_349 : vector<16xf32>
              tpu.vector_store_idx %arg11[%shift_right_logical3A_345, %and3A_348], %add3A_13 masked %eq3A_350 : memref<32x128xf32, #tpu.memory_space<vmem>>[vector<16xi32>, vector<16xi32>], vector<16xf32>, vector<16xi1>
              %get3A_351 = arith.index_cast %scan3A_185 : i32 to index
              %get3A_352 = arith.constant 112 : index
              %get3A_353 = tpu.vector_load %arg7[%get3A_351, %get3A_352] {strides = array<i32>} : memref<16x128xi32, #tpu.memory_space<vmem>>, vector<16xi32>,
              %get3A_354 = arith.index_cast %scan3A_185 : i32 to index
              %get3A_355 = arith.constant 112 : index
              %get3A_356 = tpu.vector_load %arg8[%get3A_354, %get3A_355] {strides = array<i32>} : memref<16x128xi32, #tpu.memory_space<vmem>>, vector<16xi32>,
              %gather3A_357 = tpu.vector_load_idx %arg10[%get3A_353] : memref<4096xf32, #tpu.memory_space<vmem>>[vector<16xi32>], vector<16xf32>,
              %shift_right_logical3A_358 = arith.constant 7 : i32
              %shift_right_logical3A_359 = vector.broadcast %shift_right_logical3A_358 : i32 to vector<16xi32>
              %shift_right_logical3A_360 = arith.shrui %get3A_356, %shift_right_logical3A_359 : vector<16xi32>
              %and3A_361 = arith.constant 127 : i32
              %and3A_362 = vector.broadcast %and3A_361 : i32 to vector<16xi32>
              %and3A_363 = arith.andi %get3A_356, %and3A_362 : vector<16xi32>
              %eq3A_364 = vector.broadcast %convert_element_type3A_160 : f32 to vector<16xf32>
              %eq3A_365 = arith.cmpf oeq, %gather3A_357, %eq3A_364 : vector<16xf32>
              tpu.vector_store_idx %arg11[%shift_right_logical3A_360, %and3A_363], %add3A_13 masked %eq3A_365 : memref<32x128xf32, #tpu.memory_space<vmem>>[vector<16xi32>, vector<16xi32>], vector<16xf32>, vector<16xi1>
              %gather3A_366 = tpu.vector_load_idx %arg10[%get3A_356] : memref<4096xf32, #tpu.memory_space<vmem>>[vector<16xi32>], vector<16xf32>,
              %shift_right_logical3A_367 = arith.constant 7 : i32
              %shift_right_logical3A_368 = vector.broadcast %shift_right_logical3A_367 : i32 to vector<16xi32>
              %shift_right_logical3A_369 = arith.shrui %get3A_353, %shift_right_logical3A_368 : vector<16xi32>
              %and3A_370 = arith.constant 127 : i32
              %and3A_371 = vector.broadcast %and3A_370 : i32 to vector<16xi32>
              %and3A_372 = arith.andi %get3A_353, %and3A_371 : vector<16xi32>
              %eq3A_373 = vector.broadcast %convert_element_type3A_160 : f32 to vector<16xf32>
              %eq3A_374 = arith.cmpf oeq, %gather3A_366, %eq3A_373 : vector<16xf32>
              tpu.vector_store_idx %arg11[%shift_right_logical3A_369, %and3A_372], %add3A_13 masked %eq3A_374 : memref<32x128xf32, #tpu.memory_space<vmem>>[vector<16xi32>, vector<16xi32>], vector<16xf32>, vector<16xi1>
            }
            %scan3A_166 = arith.constant 16 : i32
            %run_scoped3A = arith.constant 1 : i32
            "tpu.region"() ({
              %run_scoped3A_185 = tpu.sem_alloc : memref<!tpu.dma_semaphore, #tpu.memory_space<semaphore_mem>>
              %dma_start3A = arith.constant 0 : i32
              %dma_start3A_186 = tpu.memref_slice %arg13[%run_scoped3A, %dma_start3A] : memref<2x32xi32, #tpu.memory_space<vmem>> -> memref<1x32xi32, #tpu.memory_space<vmem>>
              %dma_start3A_187 = tpu.memref_squeeze %dma_start3A_186 : memref<1x32xi32, #tpu.memory_space<vmem>> -> memref<32xi32, #tpu.memory_space<vmem>>
              %dma_start3A_188 = arith.constant 0 : i32
              %dma_start3A_189 = arith.constant 0 : i32
              %dma_start3A_190 = tpu.memref_slice %arg16[%dma_start3A_188, %dma_start3A_189] : memref<64x128xf32, #tpu.memory_space<vmem_shared>> -> memref<64x128xf32, #tpu.memory_space<vmem_shared>>
              tpu.enqueue_indirect_dma source(%arg11 : memref<32x128xf32, #tpu.memory_space<vmem>>) target(%dma_start3A_190 : memref<64x128xf32, #tpu.memory_space<vmem_shared>>) offsets(%dma_start3A_187 : memref<32xi32, #tpu.memory_space<vmem>>) semaphore(%run_scoped3A_185 : memref<!tpu.dma_semaphore, #tpu.memory_space<semaphore_mem>>) {add = true}
              %dma_wait3A = arith.constant 0 : i32
              %dma_wait3A_191 = tpu.memref_slice %arg13[%run_scoped3A, %dma_wait3A] : memref<2x32xi32, #tpu.memory_space<vmem>> -> memref<1x32xi32, #tpu.memory_space<vmem>>
              %dma_wait3A_192 = tpu.memref_squeeze %dma_wait3A_191 : memref<1x32xi32, #tpu.memory_space<vmem>> -> memref<32xi32, #tpu.memory_space<vmem>>
              %dma_wait3A_193 = arith.constant 0 : i32
              %dma_wait3A_194 = arith.constant 0 : i32
              %dma_wait3A_195 = tpu.memref_slice %arg16[%dma_wait3A_193, %dma_wait3A_194] : memref<64x128xf32, #tpu.memory_space<vmem_shared>> -> memref<64x128xf32, #tpu.memory_space<vmem_shared>>
              tpu.wait_indirect_dma semaphore(%run_scoped3A_185 : memref<!tpu.dma_semaphore, #tpu.memory_space<semaphore_mem>>) src(%arg11 : memref<32x128xf32, #tpu.memory_space<vmem>>) dst(%dma_wait3A_195 : memref<64x128xf32, #tpu.memory_space<vmem_shared>>)
              tpu.yield
            }) : () -> ()
            %barrier3A_167 = arith.constant 0 : index
            tpu.barrier barrier_id(%barrier3A_167)
            "tpu.region"() ({
              %run_scoped3A_185 = tpu.sem_alloc : memref<!tpu.dma_semaphore, #tpu.memory_space<semaphore_mem>>
              %dma_start3A = arith.constant 32 : i32
              %dma_start3A_186 = arith.constant 0 : i32
              %dma_start3A_187 = tpu.memref_slice %arg16[%dma_start3A, %dma_start3A_186] : memref<64x128xf32, #tpu.memory_space<vmem_shared>> -> memref<32x128xf32, #tpu.memory_space<vmem_shared>>
              %dma_start3A_188 = arith.constant 32 : i32
              %dma_start3A_189 = arith.constant 0 : i32
              %dma_start3A_190 = tpu.memref_slice %arg16[%dma_start3A_188, %dma_start3A_189] : memref<64x128xf32, #tpu.memory_space<vmem_shared>> -> memref<32x128xf32, #tpu.memory_space<vmem_shared>>
              tpu.enqueue_dma source(%dma_start3A_190 : memref<32x128xf32, #tpu.memory_space<vmem_shared>>) target(%arg12 : memref<32x128xf32, #tpu.memory_space<vmem>>) target_semaphore(%run_scoped3A_185 : memref<!tpu.dma_semaphore, #tpu.memory_space<semaphore_mem>>)
              %dma_wait3A = arith.constant 32 : i32
              %dma_wait3A_191 = arith.constant 0 : i32
              %dma_wait3A_192 = tpu.memref_slice %arg16[%dma_wait3A, %dma_wait3A_191] : memref<64x128xf32, #tpu.memory_space<vmem_shared>> -> memref<32x128xf32, #tpu.memory_space<vmem_shared>>
              %dma_wait3A_193 = arith.constant 32 : i32
              %dma_wait3A_194 = arith.constant 0 : i32
              %dma_wait3A_195 = tpu.memref_slice %arg16[%dma_wait3A_193, %dma_wait3A_194] : memref<64x128xf32, #tpu.memory_space<vmem_shared>> -> memref<32x128xf32, #tpu.memory_space<vmem_shared>>
              tpu.wait_dma2 semaphore(%run_scoped3A_185 : memref<!tpu.dma_semaphore, #tpu.memory_space<semaphore_mem>>) src(%dma_wait3A_195 : memref<32x128xf32, #tpu.memory_space<vmem_shared>>) dst(%arg12 : memref<32x128xf32, #tpu.memory_space<vmem>>)
              tpu.yield
            }) : () -> ()
            %mul3A_168 = arith.constant 2 : i32
            %mul3A_169 = arith.muli %mul3A_168, %arg1 : i32
            %add3A_170 = arith.constant 0 : i32
            %add3A_171 = arith.addi %add3A_170, %mul3A_169 : i32
            "tpu.region"() ({
              %run_scoped3A_185 = tpu.sem_alloc : memref<!tpu.dma_semaphore, #tpu.memory_space<semaphore_mem>>
              %dma_start3A = arith.constant 0 : i32
              %dma_start3A_186 = tpu.memref_slice %arg16[%add3A_171, %dma_start3A] : memref<64x128xf32, #tpu.memory_space<vmem_shared>> -> memref<2x128xf32, #tpu.memory_space<vmem_shared>>
              %dma_start3A_187 = arith.constant 0 : i32
              %dma_start3A_188 = tpu.memref_slice %arg16[%add3A_171, %dma_start3A_187] : memref<64x128xf32, #tpu.memory_space<vmem_shared>> -> memref<2x128xf32, #tpu.memory_space<vmem_shared>>
              tpu.enqueue_dma source(%arg14 : memref<2x128xf32, #tpu.memory_space<vmem>>) target(%dma_start3A_188 : memref<2x128xf32, #tpu.memory_space<vmem_shared>>) target_semaphore(%run_scoped3A_185 : memref<!tpu.dma_semaphore, #tpu.memory_space<semaphore_mem>>)
              %dma_wait3A = arith.constant 0 : i32
              %dma_wait3A_189 = tpu.memref_slice %arg16[%add3A_171, %dma_wait3A] : memref<64x128xf32, #tpu.memory_space<vmem_shared>> -> memref<2x128xf32, #tpu.memory_space<vmem_shared>>
              %dma_wait3A_190 = arith.constant 0 : i32
              %dma_wait3A_191 = tpu.memref_slice %arg16[%add3A_171, %dma_wait3A_190] : memref<64x128xf32, #tpu.memory_space<vmem_shared>> -> memref<2x128xf32, #tpu.memory_space<vmem_shared>>
              tpu.wait_dma2 semaphore(%run_scoped3A_185 : memref<!tpu.dma_semaphore, #tpu.memory_space<semaphore_mem>>) src(%arg14 : memref<2x128xf32, #tpu.memory_space<vmem>>) dst(%dma_wait3A_191 : memref<2x128xf32, #tpu.memory_space<vmem_shared>>)
              tpu.yield
            }) : () -> ()
            %add3A_172 = arith.constant 1.000000e+00 : f32
            %add3A_173 = arith.addf %convert_element_type3A_160, %add3A_172 : f32
            %scan3A_174 = arith.constant 0.000000e+00 : f32
            %scan3A_175 = arith.constant 0 : i32
            %scan3A_176 = arith.constant 256 : i32
            %scan3A_177 = arith.addi %scan3A_175, %scan3A_176 : i32
            %scan3A_178 = arith.constant 1 : i32
            %scan3A_179 = scf.for %scan3A_185 = %scan3A_175 to %scan3A_177 step %scan3A_178 iter_args(%scan3A_186 = %scan3A_174) -> (f32)  : i32 {
              %shift_right_arithmetic3A = arith.constant 3 : i32
              %shift_right_arithmetic3A_187 = arith.shrsi %scan3A_185, %shift_right_arithmetic3A : i32
              %and3A = arith.constant 7 : i32
              %and3A_188 = arith.andi %scan3A_185, %and3A : i32
              %mul3A_189 = arith.constant 16 : i32
              %mul3A_190 = arith.muli %and3A_188, %mul3A_189 : i32
              %get3A_191 = arith.index_cast %shift_right_arithmetic3A_187 : i32 to index
              %get3A_192 = arith.index_cast %mul3A_190 : i32 to index
              %get3A_193 = tpu.vector_load %arg12[%get3A_191, %get3A_192] {strides = array<i32>} : memref<32x128xf32, #tpu.memory_space<vmem>>, vector<16xf32>,
              %mul3A_194 = arith.constant 16 : i32
              %mul3A_195 = arith.muli %scan3A_185, %mul3A_194 : i32
              %get3A_196 = arith.index_cast %mul3A_195 : i32 to index
              %get3A_197 = tpu.vector_load %arg10[%get3A_196] {strides = array<i32>} : memref<4096xf32, #tpu.memory_space<vmem>>, vector<16xf32>,
              %gt3A_198 = arith.constant 0.000000e+00 : f32
              %gt3A_199 = vector.broadcast %gt3A_198 : f32 to vector<16xf32>
              %gt3A_200 = arith.cmpf ogt, %get3A_193, %gt3A_199 : vector<16xf32>
              %eq3A_201 = arith.constant 4.096000e+03 : f32
              %eq3A_202 = vector.broadcast %eq3A_201 : f32 to vector<16xf32>
              %eq3A_203 = arith.cmpf oeq, %get3A_197, %eq3A_202 : vector<16xf32>
              %and3A_204 = arith.andi %gt3A_200, %eq3A_203 : vector<16xi1>
              %broadcast_in_dim3A_205 = vector.broadcast %add3A_173 : f32 to vector<16xf32>
              %select_n3A_206 = arith.select %and3A_204, %broadcast_in_dim3A_205, %get3A_197 : vector<16xi1>, vector<16xf32>
              %mul3A_207 = arith.constant 16 : i32
              %mul3A_208 = arith.muli %scan3A_185, %mul3A_207 : i32
              %swap3A_209 = arith.index_cast %mul3A_208 : i32 to index
              %swap3A_210 = tpu.vector_load %arg10[%swap3A_209] {strides = array<i32>} : memref<4096xf32, #tpu.memory_space<vmem>>, vector<16xf32>,
              tpu.vector_store %arg10[%swap3A_209], %select_n3A_206 {strides = array<i32>} : memref<4096xf32, #tpu.memory_space<vmem>>, vector<16xf32>,
              %shift_right_arithmetic3A_211 = arith.constant 3 : i32
              %shift_right_arithmetic3A_212 = arith.shrsi %scan3A_185, %shift_right_arithmetic3A_211 : i32
              %and3A_213 = arith.constant 7 : i32
              %and3A_214 = arith.andi %scan3A_185, %and3A_213 : i32
              %mul3A_215 = arith.constant 16 : i32
              %mul3A_216 = arith.muli %and3A_214, %mul3A_215 : i32
              %swap3A_217 = arith.index_cast %shift_right_arithmetic3A_212 : i32 to index
              %swap3A_218 = arith.index_cast %mul3A_216 : i32 to index
              %swap3A_219 = tpu.vector_load %arg11[%swap3A_217, %swap3A_218] {strides = array<i32>} : memref<32x128xf32, #tpu.memory_space<vmem>>, vector<16xf32>,
              tpu.vector_store %arg11[%swap3A_217, %swap3A_218], %mul3A_3 {strides = array<i32>} : memref<32x128xf32, #tpu.memory_space<vmem>>, vector<16xf32>,
              %jit3A_220 = arith.constant 1.000000e+00 : f32
              %jit3A_221 = arith.constant 0.000000e+00 : f32
              %broadcast_in_dim3A_222 = vector.broadcast %jit3A_220 : f32 to vector<16xf32>
              %broadcast_in_dim3A_223 = vector.broadcast %jit3A_221 : f32 to vector<16xf32>
              %select_n3A_224 = arith.select %and3A_204, %broadcast_in_dim3A_222, %broadcast_in_dim3A_223 : vector<16xi1>, vector<16xf32>
              %reduce_sum3A = arith.constant true
              %reduce_sum3A_225 = vector.broadcast %reduce_sum3A : i1 to vector<16xi1>
              %reduce_sum3A_226 = tpu.scan <sum>, %select_n3A_224 masked %reduce_sum3A_225 : vector<16xf32>, vector<16xi1> -> vector<16xf32>
              %reduce_sum3A_227 = vector.extract %reduce_sum3A_226[15] : f32 from vector<16xf32>
              %add3A_228 = arith.addf %scan3A_186, %reduce_sum3A_227 : f32
              scf.yield %add3A_228 : f32
            }
            %scan3A_180 = arith.constant 256 : i32
            %barrier3A_181 = arith.constant 0 : index
            tpu.barrier barrier_id(%barrier3A_181)
            %swap3A_182 = arith.constant 0 : i32
            %swap3A_183 = arith.index_cast %swap3A_182 : i32 to index
            %swap3A_184 = memref.load %arg17[%swap3A_183] : memref<1xf32, #tpu.memory_space<smem>>
            memref.store %scan3A_179, %arg17[%swap3A_183] : memref<1xf32, #tpu.memory_space<smem>>
          } else {
          }
          %get3A_124 = arith.constant 0 : i32
          %get3A_125 = arith.index_cast %get3A_124 : i32 to index
          %get3A_126 = memref.load %arg17[%get3A_125] : memref<1xf32, #tpu.memory_space<smem>>
          %gt3A_127 = arith.constant 0.000000e+00 : f32
          %gt3A_128 = arith.cmpf ogt, %get3A_126, %gt3A_127 : f32
          %convert_element_type3A_129 = arith.extui %gt3A_128 : i1 to i32
          %cond3A_130 = arith.constant 0 : i32
          %cond3A_131 = arith.cmpi ne, %convert_element_type3A_129, %cond3A_130 : i32
          scf.if %cond3A_131 {
            %mul3A_156 = arith.constant 8 : i32
            %mul3A_157 = arith.muli %scan3A_85, %mul3A_156 : i32
            %add3A_158 = arith.constant 4 : i32
            %add3A_159 = arith.addi %mul3A_157, %add3A_158 : i32
            %convert_element_type3A_160 = arith.sitofp %add3A_159 : i32 to f32
            %scan3A_161 = arith.constant 0 : i32
            %scan3A_162 = arith.constant 0 : i32
            %scan3A_163 = arith.constant 16 : i32
            %scan3A_164 = arith.addi %scan3A_162, %scan3A_163 : i32
            %scan3A_165 = arith.constant 1 : i32
            scf.for %scan3A_185 = %scan3A_162 to %scan3A_164 step %scan3A_165  : i32 {
              %get3A_186 = arith.index_cast %scan3A_185 : i32 to index
              %get3A_187 = arith.constant 0 : index
              %get3A_188 = tpu.vector_load %arg7[%get3A_186, %get3A_187] {strides = array<i32>} : memref<16x128xi32, #tpu.memory_space<vmem>>, vector<16xi32>,
              %get3A_189 = arith.index_cast %scan3A_185 : i32 to index
              %get3A_190 = arith.constant 0 : index
              %get3A_191 = tpu.vector_load %arg8[%get3A_189, %get3A_190] {strides = array<i32>} : memref<16x128xi32, #tpu.memory_space<vmem>>, vector<16xi32>,
              %gather3A = tpu.vector_load_idx %arg10[%get3A_188] : memref<4096xf32, #tpu.memory_space<vmem>>[vector<16xi32>], vector<16xf32>,
              %shift_right_logical3A = arith.constant 7 : i32
              %shift_right_logical3A_192 = vector.broadcast %shift_right_logical3A : i32 to vector<16xi32>
              %shift_right_logical3A_193 = arith.shrui %get3A_191, %shift_right_logical3A_192 : vector<16xi32>
              %and3A = arith.constant 127 : i32
              %and3A_194 = vector.broadcast %and3A : i32 to vector<16xi32>
              %and3A_195 = arith.andi %get3A_191, %and3A_194 : vector<16xi32>
              %eq3A_196 = vector.broadcast %convert_element_type3A_160 : f32 to vector<16xf32>
              %eq3A_197 = arith.cmpf oeq, %gather3A, %eq3A_196 : vector<16xf32>
              tpu.vector_store_idx %arg11[%shift_right_logical3A_193, %and3A_195], %add3A_13 masked %eq3A_197 : memref<32x128xf32, #tpu.memory_space<vmem>>[vector<16xi32>, vector<16xi32>], vector<16xf32>, vector<16xi1>
              %gather3A_198 = tpu.vector_load_idx %arg10[%get3A_191] : memref<4096xf32, #tpu.memory_space<vmem>>[vector<16xi32>], vector<16xf32>,
              %shift_right_logical3A_199 = arith.constant 7 : i32
              %shift_right_logical3A_200 = vector.broadcast %shift_right_logical3A_199 : i32 to vector<16xi32>
              %shift_right_logical3A_201 = arith.shrui %get3A_188, %shift_right_logical3A_200 : vector<16xi32>
              %and3A_202 = arith.constant 127 : i32
              %and3A_203 = vector.broadcast %and3A_202 : i32 to vector<16xi32>
              %and3A_204 = arith.andi %get3A_188, %and3A_203 : vector<16xi32>
              %eq3A_205 = vector.broadcast %convert_element_type3A_160 : f32 to vector<16xf32>
              %eq3A_206 = arith.cmpf oeq, %gather3A_198, %eq3A_205 : vector<16xf32>
              tpu.vector_store_idx %arg11[%shift_right_logical3A_201, %and3A_204], %add3A_13 masked %eq3A_206 : memref<32x128xf32, #tpu.memory_space<vmem>>[vector<16xi32>, vector<16xi32>], vector<16xf32>, vector<16xi1>
              %get3A_207 = arith.index_cast %scan3A_185 : i32 to index
              %get3A_208 = arith.constant 16 : index
              %get3A_209 = tpu.vector_load %arg7[%get3A_207, %get3A_208] {strides = array<i32>} : memref<16x128xi32, #tpu.memory_space<vmem>>, vector<16xi32>,
              %get3A_210 = arith.index_cast %scan3A_185 : i32 to index
              %get3A_211 = arith.constant 16 : index
              %get3A_212 = tpu.vector_load %arg8[%get3A_210, %get3A_211] {strides = array<i32>} : memref<16x128xi32, #tpu.memory_space<vmem>>, vector<16xi32>,
              %gather3A_213 = tpu.vector_load_idx %arg10[%get3A_209] : memref<4096xf32, #tpu.memory_space<vmem>>[vector<16xi32>], vector<16xf32>,
              %shift_right_logical3A_214 = arith.constant 7 : i32
              %shift_right_logical3A_215 = vector.broadcast %shift_right_logical3A_214 : i32 to vector<16xi32>
              %shift_right_logical3A_216 = arith.shrui %get3A_212, %shift_right_logical3A_215 : vector<16xi32>
              %and3A_217 = arith.constant 127 : i32
              %and3A_218 = vector.broadcast %and3A_217 : i32 to vector<16xi32>
              %and3A_219 = arith.andi %get3A_212, %and3A_218 : vector<16xi32>
              %eq3A_220 = vector.broadcast %convert_element_type3A_160 : f32 to vector<16xf32>
              %eq3A_221 = arith.cmpf oeq, %gather3A_213, %eq3A_220 : vector<16xf32>
              tpu.vector_store_idx %arg11[%shift_right_logical3A_216, %and3A_219], %add3A_13 masked %eq3A_221 : memref<32x128xf32, #tpu.memory_space<vmem>>[vector<16xi32>, vector<16xi32>], vector<16xf32>, vector<16xi1>
              %gather3A_222 = tpu.vector_load_idx %arg10[%get3A_212] : memref<4096xf32, #tpu.memory_space<vmem>>[vector<16xi32>], vector<16xf32>,
              %shift_right_logical3A_223 = arith.constant 7 : i32
              %shift_right_logical3A_224 = vector.broadcast %shift_right_logical3A_223 : i32 to vector<16xi32>
              %shift_right_logical3A_225 = arith.shrui %get3A_209, %shift_right_logical3A_224 : vector<16xi32>
              %and3A_226 = arith.constant 127 : i32
              %and3A_227 = vector.broadcast %and3A_226 : i32 to vector<16xi32>
              %and3A_228 = arith.andi %get3A_209, %and3A_227 : vector<16xi32>
              %eq3A_229 = vector.broadcast %convert_element_type3A_160 : f32 to vector<16xf32>
              %eq3A_230 = arith.cmpf oeq, %gather3A_222, %eq3A_229 : vector<16xf32>
              tpu.vector_store_idx %arg11[%shift_right_logical3A_225, %and3A_228], %add3A_13 masked %eq3A_230 : memref<32x128xf32, #tpu.memory_space<vmem>>[vector<16xi32>, vector<16xi32>], vector<16xf32>, vector<16xi1>
              %get3A_231 = arith.index_cast %scan3A_185 : i32 to index
              %get3A_232 = arith.constant 32 : index
              %get3A_233 = tpu.vector_load %arg7[%get3A_231, %get3A_232] {strides = array<i32>} : memref<16x128xi32, #tpu.memory_space<vmem>>, vector<16xi32>,
              %get3A_234 = arith.index_cast %scan3A_185 : i32 to index
              %get3A_235 = arith.constant 32 : index
              %get3A_236 = tpu.vector_load %arg8[%get3A_234, %get3A_235] {strides = array<i32>} : memref<16x128xi32, #tpu.memory_space<vmem>>, vector<16xi32>,
              %gather3A_237 = tpu.vector_load_idx %arg10[%get3A_233] : memref<4096xf32, #tpu.memory_space<vmem>>[vector<16xi32>], vector<16xf32>,
              %shift_right_logical3A_238 = arith.constant 7 : i32
              %shift_right_logical3A_239 = vector.broadcast %shift_right_logical3A_238 : i32 to vector<16xi32>
              %shift_right_logical3A_240 = arith.shrui %get3A_236, %shift_right_logical3A_239 : vector<16xi32>
              %and3A_241 = arith.constant 127 : i32
              %and3A_242 = vector.broadcast %and3A_241 : i32 to vector<16xi32>
              %and3A_243 = arith.andi %get3A_236, %and3A_242 : vector<16xi32>
              %eq3A_244 = vector.broadcast %convert_element_type3A_160 : f32 to vector<16xf32>
              %eq3A_245 = arith.cmpf oeq, %gather3A_237, %eq3A_244 : vector<16xf32>
              tpu.vector_store_idx %arg11[%shift_right_logical3A_240, %and3A_243], %add3A_13 masked %eq3A_245 : memref<32x128xf32, #tpu.memory_space<vmem>>[vector<16xi32>, vector<16xi32>], vector<16xf32>, vector<16xi1>
              %gather3A_246 = tpu.vector_load_idx %arg10[%get3A_236] : memref<4096xf32, #tpu.memory_space<vmem>>[vector<16xi32>], vector<16xf32>,
              %shift_right_logical3A_247 = arith.constant 7 : i32
              %shift_right_logical3A_248 = vector.broadcast %shift_right_logical3A_247 : i32 to vector<16xi32>
              %shift_right_logical3A_249 = arith.shrui %get3A_233, %shift_right_logical3A_248 : vector<16xi32>
              %and3A_250 = arith.constant 127 : i32
              %and3A_251 = vector.broadcast %and3A_250 : i32 to vector<16xi32>
              %and3A_252 = arith.andi %get3A_233, %and3A_251 : vector<16xi32>
              %eq3A_253 = vector.broadcast %convert_element_type3A_160 : f32 to vector<16xf32>
              %eq3A_254 = arith.cmpf oeq, %gather3A_246, %eq3A_253 : vector<16xf32>
              tpu.vector_store_idx %arg11[%shift_right_logical3A_249, %and3A_252], %add3A_13 masked %eq3A_254 : memref<32x128xf32, #tpu.memory_space<vmem>>[vector<16xi32>, vector<16xi32>], vector<16xf32>, vector<16xi1>
              %get3A_255 = arith.index_cast %scan3A_185 : i32 to index
              %get3A_256 = arith.constant 48 : index
              %get3A_257 = tpu.vector_load %arg7[%get3A_255, %get3A_256] {strides = array<i32>} : memref<16x128xi32, #tpu.memory_space<vmem>>, vector<16xi32>,
              %get3A_258 = arith.index_cast %scan3A_185 : i32 to index
              %get3A_259 = arith.constant 48 : index
              %get3A_260 = tpu.vector_load %arg8[%get3A_258, %get3A_259] {strides = array<i32>} : memref<16x128xi32, #tpu.memory_space<vmem>>, vector<16xi32>,
              %gather3A_261 = tpu.vector_load_idx %arg10[%get3A_257] : memref<4096xf32, #tpu.memory_space<vmem>>[vector<16xi32>], vector<16xf32>,
              %shift_right_logical3A_262 = arith.constant 7 : i32
              %shift_right_logical3A_263 = vector.broadcast %shift_right_logical3A_262 : i32 to vector<16xi32>
              %shift_right_logical3A_264 = arith.shrui %get3A_260, %shift_right_logical3A_263 : vector<16xi32>
              %and3A_265 = arith.constant 127 : i32
              %and3A_266 = vector.broadcast %and3A_265 : i32 to vector<16xi32>
              %and3A_267 = arith.andi %get3A_260, %and3A_266 : vector<16xi32>
              %eq3A_268 = vector.broadcast %convert_element_type3A_160 : f32 to vector<16xf32>
              %eq3A_269 = arith.cmpf oeq, %gather3A_261, %eq3A_268 : vector<16xf32>
              tpu.vector_store_idx %arg11[%shift_right_logical3A_264, %and3A_267], %add3A_13 masked %eq3A_269 : memref<32x128xf32, #tpu.memory_space<vmem>>[vector<16xi32>, vector<16xi32>], vector<16xf32>, vector<16xi1>
              %gather3A_270 = tpu.vector_load_idx %arg10[%get3A_260] : memref<4096xf32, #tpu.memory_space<vmem>>[vector<16xi32>], vector<16xf32>,
              %shift_right_logical3A_271 = arith.constant 7 : i32
              %shift_right_logical3A_272 = vector.broadcast %shift_right_logical3A_271 : i32 to vector<16xi32>
              %shift_right_logical3A_273 = arith.shrui %get3A_257, %shift_right_logical3A_272 : vector<16xi32>
              %and3A_274 = arith.constant 127 : i32
              %and3A_275 = vector.broadcast %and3A_274 : i32 to vector<16xi32>
              %and3A_276 = arith.andi %get3A_257, %and3A_275 : vector<16xi32>
              %eq3A_277 = vector.broadcast %convert_element_type3A_160 : f32 to vector<16xf32>
              %eq3A_278 = arith.cmpf oeq, %gather3A_270, %eq3A_277 : vector<16xf32>
              tpu.vector_store_idx %arg11[%shift_right_logical3A_273, %and3A_276], %add3A_13 masked %eq3A_278 : memref<32x128xf32, #tpu.memory_space<vmem>>[vector<16xi32>, vector<16xi32>], vector<16xf32>, vector<16xi1>
              %get3A_279 = arith.index_cast %scan3A_185 : i32 to index
              %get3A_280 = arith.constant 64 : index
              %get3A_281 = tpu.vector_load %arg7[%get3A_279, %get3A_280] {strides = array<i32>} : memref<16x128xi32, #tpu.memory_space<vmem>>, vector<16xi32>,
              %get3A_282 = arith.index_cast %scan3A_185 : i32 to index
              %get3A_283 = arith.constant 64 : index
              %get3A_284 = tpu.vector_load %arg8[%get3A_282, %get3A_283] {strides = array<i32>} : memref<16x128xi32, #tpu.memory_space<vmem>>, vector<16xi32>,
              %gather3A_285 = tpu.vector_load_idx %arg10[%get3A_281] : memref<4096xf32, #tpu.memory_space<vmem>>[vector<16xi32>], vector<16xf32>,
              %shift_right_logical3A_286 = arith.constant 7 : i32
              %shift_right_logical3A_287 = vector.broadcast %shift_right_logical3A_286 : i32 to vector<16xi32>
              %shift_right_logical3A_288 = arith.shrui %get3A_284, %shift_right_logical3A_287 : vector<16xi32>
              %and3A_289 = arith.constant 127 : i32
              %and3A_290 = vector.broadcast %and3A_289 : i32 to vector<16xi32>
              %and3A_291 = arith.andi %get3A_284, %and3A_290 : vector<16xi32>
              %eq3A_292 = vector.broadcast %convert_element_type3A_160 : f32 to vector<16xf32>
              %eq3A_293 = arith.cmpf oeq, %gather3A_285, %eq3A_292 : vector<16xf32>
              tpu.vector_store_idx %arg11[%shift_right_logical3A_288, %and3A_291], %add3A_13 masked %eq3A_293 : memref<32x128xf32, #tpu.memory_space<vmem>>[vector<16xi32>, vector<16xi32>], vector<16xf32>, vector<16xi1>
              %gather3A_294 = tpu.vector_load_idx %arg10[%get3A_284] : memref<4096xf32, #tpu.memory_space<vmem>>[vector<16xi32>], vector<16xf32>,
              %shift_right_logical3A_295 = arith.constant 7 : i32
              %shift_right_logical3A_296 = vector.broadcast %shift_right_logical3A_295 : i32 to vector<16xi32>
              %shift_right_logical3A_297 = arith.shrui %get3A_281, %shift_right_logical3A_296 : vector<16xi32>
              %and3A_298 = arith.constant 127 : i32
              %and3A_299 = vector.broadcast %and3A_298 : i32 to vector<16xi32>
              %and3A_300 = arith.andi %get3A_281, %and3A_299 : vector<16xi32>
              %eq3A_301 = vector.broadcast %convert_element_type3A_160 : f32 to vector<16xf32>
              %eq3A_302 = arith.cmpf oeq, %gather3A_294, %eq3A_301 : vector<16xf32>
              tpu.vector_store_idx %arg11[%shift_right_logical3A_297, %and3A_300], %add3A_13 masked %eq3A_302 : memref<32x128xf32, #tpu.memory_space<vmem>>[vector<16xi32>, vector<16xi32>], vector<16xf32>, vector<16xi1>
              %get3A_303 = arith.index_cast %scan3A_185 : i32 to index
              %get3A_304 = arith.constant 80 : index
              %get3A_305 = tpu.vector_load %arg7[%get3A_303, %get3A_304] {strides = array<i32>} : memref<16x128xi32, #tpu.memory_space<vmem>>, vector<16xi32>,
              %get3A_306 = arith.index_cast %scan3A_185 : i32 to index
              %get3A_307 = arith.constant 80 : index
              %get3A_308 = tpu.vector_load %arg8[%get3A_306, %get3A_307] {strides = array<i32>} : memref<16x128xi32, #tpu.memory_space<vmem>>, vector<16xi32>,
              %gather3A_309 = tpu.vector_load_idx %arg10[%get3A_305] : memref<4096xf32, #tpu.memory_space<vmem>>[vector<16xi32>], vector<16xf32>,
              %shift_right_logical3A_310 = arith.constant 7 : i32
              %shift_right_logical3A_311 = vector.broadcast %shift_right_logical3A_310 : i32 to vector<16xi32>
              %shift_right_logical3A_312 = arith.shrui %get3A_308, %shift_right_logical3A_311 : vector<16xi32>
              %and3A_313 = arith.constant 127 : i32
              %and3A_314 = vector.broadcast %and3A_313 : i32 to vector<16xi32>
              %and3A_315 = arith.andi %get3A_308, %and3A_314 : vector<16xi32>
              %eq3A_316 = vector.broadcast %convert_element_type3A_160 : f32 to vector<16xf32>
              %eq3A_317 = arith.cmpf oeq, %gather3A_309, %eq3A_316 : vector<16xf32>
              tpu.vector_store_idx %arg11[%shift_right_logical3A_312, %and3A_315], %add3A_13 masked %eq3A_317 : memref<32x128xf32, #tpu.memory_space<vmem>>[vector<16xi32>, vector<16xi32>], vector<16xf32>, vector<16xi1>
              %gather3A_318 = tpu.vector_load_idx %arg10[%get3A_308] : memref<4096xf32, #tpu.memory_space<vmem>>[vector<16xi32>], vector<16xf32>,
              %shift_right_logical3A_319 = arith.constant 7 : i32
              %shift_right_logical3A_320 = vector.broadcast %shift_right_logical3A_319 : i32 to vector<16xi32>
              %shift_right_logical3A_321 = arith.shrui %get3A_305, %shift_right_logical3A_320 : vector<16xi32>
              %and3A_322 = arith.constant 127 : i32
              %and3A_323 = vector.broadcast %and3A_322 : i32 to vector<16xi32>
              %and3A_324 = arith.andi %get3A_305, %and3A_323 : vector<16xi32>
              %eq3A_325 = vector.broadcast %convert_element_type3A_160 : f32 to vector<16xf32>
              %eq3A_326 = arith.cmpf oeq, %gather3A_318, %eq3A_325 : vector<16xf32>
              tpu.vector_store_idx %arg11[%shift_right_logical3A_321, %and3A_324], %add3A_13 masked %eq3A_326 : memref<32x128xf32, #tpu.memory_space<vmem>>[vector<16xi32>, vector<16xi32>], vector<16xf32>, vector<16xi1>
              %get3A_327 = arith.index_cast %scan3A_185 : i32 to index
              %get3A_328 = arith.constant 96 : index
              %get3A_329 = tpu.vector_load %arg7[%get3A_327, %get3A_328] {strides = array<i32>} : memref<16x128xi32, #tpu.memory_space<vmem>>, vector<16xi32>,
              %get3A_330 = arith.index_cast %scan3A_185 : i32 to index
              %get3A_331 = arith.constant 96 : index
              %get3A_332 = tpu.vector_load %arg8[%get3A_330, %get3A_331] {strides = array<i32>} : memref<16x128xi32, #tpu.memory_space<vmem>>, vector<16xi32>,
              %gather3A_333 = tpu.vector_load_idx %arg10[%get3A_329] : memref<4096xf32, #tpu.memory_space<vmem>>[vector<16xi32>], vector<16xf32>,
              %shift_right_logical3A_334 = arith.constant 7 : i32
              %shift_right_logical3A_335 = vector.broadcast %shift_right_logical3A_334 : i32 to vector<16xi32>
              %shift_right_logical3A_336 = arith.shrui %get3A_332, %shift_right_logical3A_335 : vector<16xi32>
              %and3A_337 = arith.constant 127 : i32
              %and3A_338 = vector.broadcast %and3A_337 : i32 to vector<16xi32>
              %and3A_339 = arith.andi %get3A_332, %and3A_338 : vector<16xi32>
              %eq3A_340 = vector.broadcast %convert_element_type3A_160 : f32 to vector<16xf32>
              %eq3A_341 = arith.cmpf oeq, %gather3A_333, %eq3A_340 : vector<16xf32>
              tpu.vector_store_idx %arg11[%shift_right_logical3A_336, %and3A_339], %add3A_13 masked %eq3A_341 : memref<32x128xf32, #tpu.memory_space<vmem>>[vector<16xi32>, vector<16xi32>], vector<16xf32>, vector<16xi1>
              %gather3A_342 = tpu.vector_load_idx %arg10[%get3A_332] : memref<4096xf32, #tpu.memory_space<vmem>>[vector<16xi32>], vector<16xf32>,
              %shift_right_logical3A_343 = arith.constant 7 : i32
              %shift_right_logical3A_344 = vector.broadcast %shift_right_logical3A_343 : i32 to vector<16xi32>
              %shift_right_logical3A_345 = arith.shrui %get3A_329, %shift_right_logical3A_344 : vector<16xi32>
              %and3A_346 = arith.constant 127 : i32
              %and3A_347 = vector.broadcast %and3A_346 : i32 to vector<16xi32>
              %and3A_348 = arith.andi %get3A_329, %and3A_347 : vector<16xi32>
              %eq3A_349 = vector.broadcast %convert_element_type3A_160 : f32 to vector<16xf32>
              %eq3A_350 = arith.cmpf oeq, %gather3A_342, %eq3A_349 : vector<16xf32>
              tpu.vector_store_idx %arg11[%shift_right_logical3A_345, %and3A_348], %add3A_13 masked %eq3A_350 : memref<32x128xf32, #tpu.memory_space<vmem>>[vector<16xi32>, vector<16xi32>], vector<16xf32>, vector<16xi1>
              %get3A_351 = arith.index_cast %scan3A_185 : i32 to index
              %get3A_352 = arith.constant 112 : index
              %get3A_353 = tpu.vector_load %arg7[%get3A_351, %get3A_352] {strides = array<i32>} : memref<16x128xi32, #tpu.memory_space<vmem>>, vector<16xi32>,
              %get3A_354 = arith.index_cast %scan3A_185 : i32 to index
              %get3A_355 = arith.constant 112 : index
              %get3A_356 = tpu.vector_load %arg8[%get3A_354, %get3A_355] {strides = array<i32>} : memref<16x128xi32, #tpu.memory_space<vmem>>, vector<16xi32>,
              %gather3A_357 = tpu.vector_load_idx %arg10[%get3A_353] : memref<4096xf32, #tpu.memory_space<vmem>>[vector<16xi32>], vector<16xf32>,
              %shift_right_logical3A_358 = arith.constant 7 : i32
              %shift_right_logical3A_359 = vector.broadcast %shift_right_logical3A_358 : i32 to vector<16xi32>
              %shift_right_logical3A_360 = arith.shrui %get3A_356, %shift_right_logical3A_359 : vector<16xi32>
              %and3A_361 = arith.constant 127 : i32
              %and3A_362 = vector.broadcast %and3A_361 : i32 to vector<16xi32>
              %and3A_363 = arith.andi %get3A_356, %and3A_362 : vector<16xi32>
              %eq3A_364 = vector.broadcast %convert_element_type3A_160 : f32 to vector<16xf32>
              %eq3A_365 = arith.cmpf oeq, %gather3A_357, %eq3A_364 : vector<16xf32>
              tpu.vector_store_idx %arg11[%shift_right_logical3A_360, %and3A_363], %add3A_13 masked %eq3A_365 : memref<32x128xf32, #tpu.memory_space<vmem>>[vector<16xi32>, vector<16xi32>], vector<16xf32>, vector<16xi1>
              %gather3A_366 = tpu.vector_load_idx %arg10[%get3A_356] : memref<4096xf32, #tpu.memory_space<vmem>>[vector<16xi32>], vector<16xf32>,
              %shift_right_logical3A_367 = arith.constant 7 : i32
              %shift_right_logical3A_368 = vector.broadcast %shift_right_logical3A_367 : i32 to vector<16xi32>
              %shift_right_logical3A_369 = arith.shrui %get3A_353, %shift_right_logical3A_368 : vector<16xi32>
              %and3A_370 = arith.constant 127 : i32
              %and3A_371 = vector.broadcast %and3A_370 : i32 to vector<16xi32>
              %and3A_372 = arith.andi %get3A_353, %and3A_371 : vector<16xi32>
              %eq3A_373 = vector.broadcast %convert_element_type3A_160 : f32 to vector<16xf32>
              %eq3A_374 = arith.cmpf oeq, %gather3A_366, %eq3A_373 : vector<16xf32>
              tpu.vector_store_idx %arg11[%shift_right_logical3A_369, %and3A_372], %add3A_13 masked %eq3A_374 : memref<32x128xf32, #tpu.memory_space<vmem>>[vector<16xi32>, vector<16xi32>], vector<16xf32>, vector<16xi1>
            }
            %scan3A_166 = arith.constant 16 : i32
            %run_scoped3A = arith.constant 0 : i32
            "tpu.region"() ({
              %run_scoped3A_185 = tpu.sem_alloc : memref<!tpu.dma_semaphore, #tpu.memory_space<semaphore_mem>>
              %dma_start3A = arith.constant 0 : i32
              %dma_start3A_186 = tpu.memref_slice %arg13[%run_scoped3A, %dma_start3A] : memref<2x32xi32, #tpu.memory_space<vmem>> -> memref<1x32xi32, #tpu.memory_space<vmem>>
              %dma_start3A_187 = tpu.memref_squeeze %dma_start3A_186 : memref<1x32xi32, #tpu.memory_space<vmem>> -> memref<32xi32, #tpu.memory_space<vmem>>
              %dma_start3A_188 = arith.constant 0 : i32
              %dma_start3A_189 = arith.constant 0 : i32
              %dma_start3A_190 = tpu.memref_slice %arg16[%dma_start3A_188, %dma_start3A_189] : memref<64x128xf32, #tpu.memory_space<vmem_shared>> -> memref<64x128xf32, #tpu.memory_space<vmem_shared>>
              tpu.enqueue_indirect_dma source(%arg11 : memref<32x128xf32, #tpu.memory_space<vmem>>) target(%dma_start3A_190 : memref<64x128xf32, #tpu.memory_space<vmem_shared>>) offsets(%dma_start3A_187 : memref<32xi32, #tpu.memory_space<vmem>>) semaphore(%run_scoped3A_185 : memref<!tpu.dma_semaphore, #tpu.memory_space<semaphore_mem>>) {add = true}
              %dma_wait3A = arith.constant 0 : i32
              %dma_wait3A_191 = tpu.memref_slice %arg13[%run_scoped3A, %dma_wait3A] : memref<2x32xi32, #tpu.memory_space<vmem>> -> memref<1x32xi32, #tpu.memory_space<vmem>>
              %dma_wait3A_192 = tpu.memref_squeeze %dma_wait3A_191 : memref<1x32xi32, #tpu.memory_space<vmem>> -> memref<32xi32, #tpu.memory_space<vmem>>
              %dma_wait3A_193 = arith.constant 0 : i32
              %dma_wait3A_194 = arith.constant 0 : i32
              %dma_wait3A_195 = tpu.memref_slice %arg16[%dma_wait3A_193, %dma_wait3A_194] : memref<64x128xf32, #tpu.memory_space<vmem_shared>> -> memref<64x128xf32, #tpu.memory_space<vmem_shared>>
              tpu.wait_indirect_dma semaphore(%run_scoped3A_185 : memref<!tpu.dma_semaphore, #tpu.memory_space<semaphore_mem>>) src(%arg11 : memref<32x128xf32, #tpu.memory_space<vmem>>) dst(%dma_wait3A_195 : memref<64x128xf32, #tpu.memory_space<vmem_shared>>)
              tpu.yield
            }) : () -> ()
            %barrier3A_167 = arith.constant 0 : index
            tpu.barrier barrier_id(%barrier3A_167)
            "tpu.region"() ({
              %run_scoped3A_185 = tpu.sem_alloc : memref<!tpu.dma_semaphore, #tpu.memory_space<semaphore_mem>>
              %dma_start3A = arith.constant 0 : i32
              %dma_start3A_186 = arith.constant 0 : i32
              %dma_start3A_187 = tpu.memref_slice %arg16[%dma_start3A, %dma_start3A_186] : memref<64x128xf32, #tpu.memory_space<vmem_shared>> -> memref<32x128xf32, #tpu.memory_space<vmem_shared>>
              %dma_start3A_188 = arith.constant 0 : i32
              %dma_start3A_189 = arith.constant 0 : i32
              %dma_start3A_190 = tpu.memref_slice %arg16[%dma_start3A_188, %dma_start3A_189] : memref<64x128xf32, #tpu.memory_space<vmem_shared>> -> memref<32x128xf32, #tpu.memory_space<vmem_shared>>
              tpu.enqueue_dma source(%dma_start3A_190 : memref<32x128xf32, #tpu.memory_space<vmem_shared>>) target(%arg12 : memref<32x128xf32, #tpu.memory_space<vmem>>) target_semaphore(%run_scoped3A_185 : memref<!tpu.dma_semaphore, #tpu.memory_space<semaphore_mem>>)
              %dma_wait3A = arith.constant 0 : i32
              %dma_wait3A_191 = arith.constant 0 : i32
              %dma_wait3A_192 = tpu.memref_slice %arg16[%dma_wait3A, %dma_wait3A_191] : memref<64x128xf32, #tpu.memory_space<vmem_shared>> -> memref<32x128xf32, #tpu.memory_space<vmem_shared>>
              %dma_wait3A_193 = arith.constant 0 : i32
              %dma_wait3A_194 = arith.constant 0 : i32
              %dma_wait3A_195 = tpu.memref_slice %arg16[%dma_wait3A_193, %dma_wait3A_194] : memref<64x128xf32, #tpu.memory_space<vmem_shared>> -> memref<32x128xf32, #tpu.memory_space<vmem_shared>>
              tpu.wait_dma2 semaphore(%run_scoped3A_185 : memref<!tpu.dma_semaphore, #tpu.memory_space<semaphore_mem>>) src(%dma_wait3A_195 : memref<32x128xf32, #tpu.memory_space<vmem_shared>>) dst(%arg12 : memref<32x128xf32, #tpu.memory_space<vmem>>)
              tpu.yield
            }) : () -> ()
            %mul3A_168 = arith.constant 2 : i32
            %mul3A_169 = arith.muli %mul3A_168, %arg1 : i32
            %add3A_170 = arith.constant 32 : i32
            %add3A_171 = arith.addi %add3A_170, %mul3A_169 : i32
            "tpu.region"() ({
              %run_scoped3A_185 = tpu.sem_alloc : memref<!tpu.dma_semaphore, #tpu.memory_space<semaphore_mem>>
              %dma_start3A = arith.constant 0 : i32
              %dma_start3A_186 = tpu.memref_slice %arg16[%add3A_171, %dma_start3A] : memref<64x128xf32, #tpu.memory_space<vmem_shared>> -> memref<2x128xf32, #tpu.memory_space<vmem_shared>>
              %dma_start3A_187 = arith.constant 0 : i32
              %dma_start3A_188 = tpu.memref_slice %arg16[%add3A_171, %dma_start3A_187] : memref<64x128xf32, #tpu.memory_space<vmem_shared>> -> memref<2x128xf32, #tpu.memory_space<vmem_shared>>
              tpu.enqueue_dma source(%arg14 : memref<2x128xf32, #tpu.memory_space<vmem>>) target(%dma_start3A_188 : memref<2x128xf32, #tpu.memory_space<vmem_shared>>) target_semaphore(%run_scoped3A_185 : memref<!tpu.dma_semaphore, #tpu.memory_space<semaphore_mem>>)
              %dma_wait3A = arith.constant 0 : i32
              %dma_wait3A_189 = tpu.memref_slice %arg16[%add3A_171, %dma_wait3A] : memref<64x128xf32, #tpu.memory_space<vmem_shared>> -> memref<2x128xf32, #tpu.memory_space<vmem_shared>>
              %dma_wait3A_190 = arith.constant 0 : i32
              %dma_wait3A_191 = tpu.memref_slice %arg16[%add3A_171, %dma_wait3A_190] : memref<64x128xf32, #tpu.memory_space<vmem_shared>> -> memref<2x128xf32, #tpu.memory_space<vmem_shared>>
              tpu.wait_dma2 semaphore(%run_scoped3A_185 : memref<!tpu.dma_semaphore, #tpu.memory_space<semaphore_mem>>) src(%arg14 : memref<2x128xf32, #tpu.memory_space<vmem>>) dst(%dma_wait3A_191 : memref<2x128xf32, #tpu.memory_space<vmem_shared>>)
              tpu.yield
            }) : () -> ()
            %add3A_172 = arith.constant 1.000000e+00 : f32
            %add3A_173 = arith.addf %convert_element_type3A_160, %add3A_172 : f32
            %scan3A_174 = arith.constant 0.000000e+00 : f32
            %scan3A_175 = arith.constant 0 : i32
            %scan3A_176 = arith.constant 256 : i32
            %scan3A_177 = arith.addi %scan3A_175, %scan3A_176 : i32
            %scan3A_178 = arith.constant 1 : i32
            %scan3A_179 = scf.for %scan3A_185 = %scan3A_175 to %scan3A_177 step %scan3A_178 iter_args(%scan3A_186 = %scan3A_174) -> (f32)  : i32 {
              %shift_right_arithmetic3A = arith.constant 3 : i32
              %shift_right_arithmetic3A_187 = arith.shrsi %scan3A_185, %shift_right_arithmetic3A : i32
              %and3A = arith.constant 7 : i32
              %and3A_188 = arith.andi %scan3A_185, %and3A : i32
              %mul3A_189 = arith.constant 16 : i32
              %mul3A_190 = arith.muli %and3A_188, %mul3A_189 : i32
              %get3A_191 = arith.index_cast %shift_right_arithmetic3A_187 : i32 to index
              %get3A_192 = arith.index_cast %mul3A_190 : i32 to index
              %get3A_193 = tpu.vector_load %arg12[%get3A_191, %get3A_192] {strides = array<i32>} : memref<32x128xf32, #tpu.memory_space<vmem>>, vector<16xf32>,
              %mul3A_194 = arith.constant 16 : i32
              %mul3A_195 = arith.muli %scan3A_185, %mul3A_194 : i32
              %get3A_196 = arith.index_cast %mul3A_195 : i32 to index
              %get3A_197 = tpu.vector_load %arg10[%get3A_196] {strides = array<i32>} : memref<4096xf32, #tpu.memory_space<vmem>>, vector<16xf32>,
              %gt3A_198 = arith.constant 0.000000e+00 : f32
              %gt3A_199 = vector.broadcast %gt3A_198 : f32 to vector<16xf32>
              %gt3A_200 = arith.cmpf ogt, %get3A_193, %gt3A_199 : vector<16xf32>
              %eq3A_201 = arith.constant 4.096000e+03 : f32
              %eq3A_202 = vector.broadcast %eq3A_201 : f32 to vector<16xf32>
              %eq3A_203 = arith.cmpf oeq, %get3A_197, %eq3A_202 : vector<16xf32>
              %and3A_204 = arith.andi %gt3A_200, %eq3A_203 : vector<16xi1>
              %broadcast_in_dim3A_205 = vector.broadcast %add3A_173 : f32 to vector<16xf32>
              %select_n3A_206 = arith.select %and3A_204, %broadcast_in_dim3A_205, %get3A_197 : vector<16xi1>, vector<16xf32>
              %mul3A_207 = arith.constant 16 : i32
              %mul3A_208 = arith.muli %scan3A_185, %mul3A_207 : i32
              %swap3A_209 = arith.index_cast %mul3A_208 : i32 to index
              %swap3A_210 = tpu.vector_load %arg10[%swap3A_209] {strides = array<i32>} : memref<4096xf32, #tpu.memory_space<vmem>>, vector<16xf32>,
              tpu.vector_store %arg10[%swap3A_209], %select_n3A_206 {strides = array<i32>} : memref<4096xf32, #tpu.memory_space<vmem>>, vector<16xf32>,
              %shift_right_arithmetic3A_211 = arith.constant 3 : i32
              %shift_right_arithmetic3A_212 = arith.shrsi %scan3A_185, %shift_right_arithmetic3A_211 : i32
              %and3A_213 = arith.constant 7 : i32
              %and3A_214 = arith.andi %scan3A_185, %and3A_213 : i32
              %mul3A_215 = arith.constant 16 : i32
              %mul3A_216 = arith.muli %and3A_214, %mul3A_215 : i32
              %swap3A_217 = arith.index_cast %shift_right_arithmetic3A_212 : i32 to index
              %swap3A_218 = arith.index_cast %mul3A_216 : i32 to index
              %swap3A_219 = tpu.vector_load %arg11[%swap3A_217, %swap3A_218] {strides = array<i32>} : memref<32x128xf32, #tpu.memory_space<vmem>>, vector<16xf32>,
              tpu.vector_store %arg11[%swap3A_217, %swap3A_218], %mul3A_3 {strides = array<i32>} : memref<32x128xf32, #tpu.memory_space<vmem>>, vector<16xf32>,
              %jit3A_220 = arith.constant 1.000000e+00 : f32
              %jit3A_221 = arith.constant 0.000000e+00 : f32
              %broadcast_in_dim3A_222 = vector.broadcast %jit3A_220 : f32 to vector<16xf32>
              %broadcast_in_dim3A_223 = vector.broadcast %jit3A_221 : f32 to vector<16xf32>
              %select_n3A_224 = arith.select %and3A_204, %broadcast_in_dim3A_222, %broadcast_in_dim3A_223 : vector<16xi1>, vector<16xf32>
              %reduce_sum3A = arith.constant true
              %reduce_sum3A_225 = vector.broadcast %reduce_sum3A : i1 to vector<16xi1>
              %reduce_sum3A_226 = tpu.scan <sum>, %select_n3A_224 masked %reduce_sum3A_225 : vector<16xf32>, vector<16xi1> -> vector<16xf32>
              %reduce_sum3A_227 = vector.extract %reduce_sum3A_226[15] : f32 from vector<16xf32>
              %add3A_228 = arith.addf %scan3A_186, %reduce_sum3A_227 : f32
              scf.yield %add3A_228 : f32
            }
            %scan3A_180 = arith.constant 256 : i32
            %barrier3A_181 = arith.constant 0 : index
            tpu.barrier barrier_id(%barrier3A_181)
            %swap3A_182 = arith.constant 0 : i32
            %swap3A_183 = arith.index_cast %swap3A_182 : i32 to index
            %swap3A_184 = memref.load %arg17[%swap3A_183] : memref<1xf32, #tpu.memory_space<smem>>
            memref.store %scan3A_179, %arg17[%swap3A_183] : memref<1xf32, #tpu.memory_space<smem>>
          } else {
          }
          %get3A_132 = arith.constant 0 : i32
          %get3A_133 = arith.index_cast %get3A_132 : i32 to index
          %get3A_134 = memref.load %arg17[%get3A_133] : memref<1xf32, #tpu.memory_space<smem>>
          %gt3A_135 = arith.constant 0.000000e+00 : f32
          %gt3A_136 = arith.cmpf ogt, %get3A_134, %gt3A_135 : f32
          %convert_element_type3A_137 = arith.extui %gt3A_136 : i1 to i32
          %cond3A_138 = arith.constant 0 : i32
          %cond3A_139 = arith.cmpi ne, %convert_element_type3A_137, %cond3A_138 : i32
          scf.if %cond3A_139 {
            %mul3A_156 = arith.constant 8 : i32
            %mul3A_157 = arith.muli %scan3A_85, %mul3A_156 : i32
            %add3A_158 = arith.constant 5 : i32
            %add3A_159 = arith.addi %mul3A_157, %add3A_158 : i32
            %convert_element_type3A_160 = arith.sitofp %add3A_159 : i32 to f32
            %scan3A_161 = arith.constant 0 : i32
            %scan3A_162 = arith.constant 0 : i32
            %scan3A_163 = arith.constant 16 : i32
            %scan3A_164 = arith.addi %scan3A_162, %scan3A_163 : i32
            %scan3A_165 = arith.constant 1 : i32
            scf.for %scan3A_185 = %scan3A_162 to %scan3A_164 step %scan3A_165  : i32 {
              %get3A_186 = arith.index_cast %scan3A_185 : i32 to index
              %get3A_187 = arith.constant 0 : index
              %get3A_188 = tpu.vector_load %arg7[%get3A_186, %get3A_187] {strides = array<i32>} : memref<16x128xi32, #tpu.memory_space<vmem>>, vector<16xi32>,
              %get3A_189 = arith.index_cast %scan3A_185 : i32 to index
              %get3A_190 = arith.constant 0 : index
              %get3A_191 = tpu.vector_load %arg8[%get3A_189, %get3A_190] {strides = array<i32>} : memref<16x128xi32, #tpu.memory_space<vmem>>, vector<16xi32>,
              %gather3A = tpu.vector_load_idx %arg10[%get3A_188] : memref<4096xf32, #tpu.memory_space<vmem>>[vector<16xi32>], vector<16xf32>,
              %shift_right_logical3A = arith.constant 7 : i32
              %shift_right_logical3A_192 = vector.broadcast %shift_right_logical3A : i32 to vector<16xi32>
              %shift_right_logical3A_193 = arith.shrui %get3A_191, %shift_right_logical3A_192 : vector<16xi32>
              %and3A = arith.constant 127 : i32
              %and3A_194 = vector.broadcast %and3A : i32 to vector<16xi32>
              %and3A_195 = arith.andi %get3A_191, %and3A_194 : vector<16xi32>
              %eq3A_196 = vector.broadcast %convert_element_type3A_160 : f32 to vector<16xf32>
              %eq3A_197 = arith.cmpf oeq, %gather3A, %eq3A_196 : vector<16xf32>
              tpu.vector_store_idx %arg11[%shift_right_logical3A_193, %and3A_195], %add3A_13 masked %eq3A_197 : memref<32x128xf32, #tpu.memory_space<vmem>>[vector<16xi32>, vector<16xi32>], vector<16xf32>, vector<16xi1>
              %gather3A_198 = tpu.vector_load_idx %arg10[%get3A_191] : memref<4096xf32, #tpu.memory_space<vmem>>[vector<16xi32>], vector<16xf32>,
              %shift_right_logical3A_199 = arith.constant 7 : i32
              %shift_right_logical3A_200 = vector.broadcast %shift_right_logical3A_199 : i32 to vector<16xi32>
              %shift_right_logical3A_201 = arith.shrui %get3A_188, %shift_right_logical3A_200 : vector<16xi32>
              %and3A_202 = arith.constant 127 : i32
              %and3A_203 = vector.broadcast %and3A_202 : i32 to vector<16xi32>
              %and3A_204 = arith.andi %get3A_188, %and3A_203 : vector<16xi32>
              %eq3A_205 = vector.broadcast %convert_element_type3A_160 : f32 to vector<16xf32>
              %eq3A_206 = arith.cmpf oeq, %gather3A_198, %eq3A_205 : vector<16xf32>
              tpu.vector_store_idx %arg11[%shift_right_logical3A_201, %and3A_204], %add3A_13 masked %eq3A_206 : memref<32x128xf32, #tpu.memory_space<vmem>>[vector<16xi32>, vector<16xi32>], vector<16xf32>, vector<16xi1>
              %get3A_207 = arith.index_cast %scan3A_185 : i32 to index
              %get3A_208 = arith.constant 16 : index
              %get3A_209 = tpu.vector_load %arg7[%get3A_207, %get3A_208] {strides = array<i32>} : memref<16x128xi32, #tpu.memory_space<vmem>>, vector<16xi32>,
              %get3A_210 = arith.index_cast %scan3A_185 : i32 to index
              %get3A_211 = arith.constant 16 : index
              %get3A_212 = tpu.vector_load %arg8[%get3A_210, %get3A_211] {strides = array<i32>} : memref<16x128xi32, #tpu.memory_space<vmem>>, vector<16xi32>,
              %gather3A_213 = tpu.vector_load_idx %arg10[%get3A_209] : memref<4096xf32, #tpu.memory_space<vmem>>[vector<16xi32>], vector<16xf32>,
              %shift_right_logical3A_214 = arith.constant 7 : i32
              %shift_right_logical3A_215 = vector.broadcast %shift_right_logical3A_214 : i32 to vector<16xi32>
              %shift_right_logical3A_216 = arith.shrui %get3A_212, %shift_right_logical3A_215 : vector<16xi32>
              %and3A_217 = arith.constant 127 : i32
              %and3A_218 = vector.broadcast %and3A_217 : i32 to vector<16xi32>
              %and3A_219 = arith.andi %get3A_212, %and3A_218 : vector<16xi32>
              %eq3A_220 = vector.broadcast %convert_element_type3A_160 : f32 to vector<16xf32>
              %eq3A_221 = arith.cmpf oeq, %gather3A_213, %eq3A_220 : vector<16xf32>
              tpu.vector_store_idx %arg11[%shift_right_logical3A_216, %and3A_219], %add3A_13 masked %eq3A_221 : memref<32x128xf32, #tpu.memory_space<vmem>>[vector<16xi32>, vector<16xi32>], vector<16xf32>, vector<16xi1>
              %gather3A_222 = tpu.vector_load_idx %arg10[%get3A_212] : memref<4096xf32, #tpu.memory_space<vmem>>[vector<16xi32>], vector<16xf32>,
              %shift_right_logical3A_223 = arith.constant 7 : i32
              %shift_right_logical3A_224 = vector.broadcast %shift_right_logical3A_223 : i32 to vector<16xi32>
              %shift_right_logical3A_225 = arith.shrui %get3A_209, %shift_right_logical3A_224 : vector<16xi32>
              %and3A_226 = arith.constant 127 : i32
              %and3A_227 = vector.broadcast %and3A_226 : i32 to vector<16xi32>
              %and3A_228 = arith.andi %get3A_209, %and3A_227 : vector<16xi32>
              %eq3A_229 = vector.broadcast %convert_element_type3A_160 : f32 to vector<16xf32>
              %eq3A_230 = arith.cmpf oeq, %gather3A_222, %eq3A_229 : vector<16xf32>
              tpu.vector_store_idx %arg11[%shift_right_logical3A_225, %and3A_228], %add3A_13 masked %eq3A_230 : memref<32x128xf32, #tpu.memory_space<vmem>>[vector<16xi32>, vector<16xi32>], vector<16xf32>, vector<16xi1>
              %get3A_231 = arith.index_cast %scan3A_185 : i32 to index
              %get3A_232 = arith.constant 32 : index
              %get3A_233 = tpu.vector_load %arg7[%get3A_231, %get3A_232] {strides = array<i32>} : memref<16x128xi32, #tpu.memory_space<vmem>>, vector<16xi32>,
              %get3A_234 = arith.index_cast %scan3A_185 : i32 to index
              %get3A_235 = arith.constant 32 : index
              %get3A_236 = tpu.vector_load %arg8[%get3A_234, %get3A_235] {strides = array<i32>} : memref<16x128xi32, #tpu.memory_space<vmem>>, vector<16xi32>,
              %gather3A_237 = tpu.vector_load_idx %arg10[%get3A_233] : memref<4096xf32, #tpu.memory_space<vmem>>[vector<16xi32>], vector<16xf32>,
              %shift_right_logical3A_238 = arith.constant 7 : i32
              %shift_right_logical3A_239 = vector.broadcast %shift_right_logical3A_238 : i32 to vector<16xi32>
              %shift_right_logical3A_240 = arith.shrui %get3A_236, %shift_right_logical3A_239 : vector<16xi32>
              %and3A_241 = arith.constant 127 : i32
              %and3A_242 = vector.broadcast %and3A_241 : i32 to vector<16xi32>
              %and3A_243 = arith.andi %get3A_236, %and3A_242 : vector<16xi32>
              %eq3A_244 = vector.broadcast %convert_element_type3A_160 : f32 to vector<16xf32>
              %eq3A_245 = arith.cmpf oeq, %gather3A_237, %eq3A_244 : vector<16xf32>
              tpu.vector_store_idx %arg11[%shift_right_logical3A_240, %and3A_243], %add3A_13 masked %eq3A_245 : memref<32x128xf32, #tpu.memory_space<vmem>>[vector<16xi32>, vector<16xi32>], vector<16xf32>, vector<16xi1>
              %gather3A_246 = tpu.vector_load_idx %arg10[%get3A_236] : memref<4096xf32, #tpu.memory_space<vmem>>[vector<16xi32>], vector<16xf32>,
              %shift_right_logical3A_247 = arith.constant 7 : i32
              %shift_right_logical3A_248 = vector.broadcast %shift_right_logical3A_247 : i32 to vector<16xi32>
              %shift_right_logical3A_249 = arith.shrui %get3A_233, %shift_right_logical3A_248 : vector<16xi32>
              %and3A_250 = arith.constant 127 : i32
              %and3A_251 = vector.broadcast %and3A_250 : i32 to vector<16xi32>
              %and3A_252 = arith.andi %get3A_233, %and3A_251 : vector<16xi32>
              %eq3A_253 = vector.broadcast %convert_element_type3A_160 : f32 to vector<16xf32>
              %eq3A_254 = arith.cmpf oeq, %gather3A_246, %eq3A_253 : vector<16xf32>
              tpu.vector_store_idx %arg11[%shift_right_logical3A_249, %and3A_252], %add3A_13 masked %eq3A_254 : memref<32x128xf32, #tpu.memory_space<vmem>>[vector<16xi32>, vector<16xi32>], vector<16xf32>, vector<16xi1>
              %get3A_255 = arith.index_cast %scan3A_185 : i32 to index
              %get3A_256 = arith.constant 48 : index
              %get3A_257 = tpu.vector_load %arg7[%get3A_255, %get3A_256] {strides = array<i32>} : memref<16x128xi32, #tpu.memory_space<vmem>>, vector<16xi32>,
              %get3A_258 = arith.index_cast %scan3A_185 : i32 to index
              %get3A_259 = arith.constant 48 : index
              %get3A_260 = tpu.vector_load %arg8[%get3A_258, %get3A_259] {strides = array<i32>} : memref<16x128xi32, #tpu.memory_space<vmem>>, vector<16xi32>,
              %gather3A_261 = tpu.vector_load_idx %arg10[%get3A_257] : memref<4096xf32, #tpu.memory_space<vmem>>[vector<16xi32>], vector<16xf32>,
              %shift_right_logical3A_262 = arith.constant 7 : i32
              %shift_right_logical3A_263 = vector.broadcast %shift_right_logical3A_262 : i32 to vector<16xi32>
              %shift_right_logical3A_264 = arith.shrui %get3A_260, %shift_right_logical3A_263 : vector<16xi32>
              %and3A_265 = arith.constant 127 : i32
              %and3A_266 = vector.broadcast %and3A_265 : i32 to vector<16xi32>
              %and3A_267 = arith.andi %get3A_260, %and3A_266 : vector<16xi32>
              %eq3A_268 = vector.broadcast %convert_element_type3A_160 : f32 to vector<16xf32>
              %eq3A_269 = arith.cmpf oeq, %gather3A_261, %eq3A_268 : vector<16xf32>
              tpu.vector_store_idx %arg11[%shift_right_logical3A_264, %and3A_267], %add3A_13 masked %eq3A_269 : memref<32x128xf32, #tpu.memory_space<vmem>>[vector<16xi32>, vector<16xi32>], vector<16xf32>, vector<16xi1>
              %gather3A_270 = tpu.vector_load_idx %arg10[%get3A_260] : memref<4096xf32, #tpu.memory_space<vmem>>[vector<16xi32>], vector<16xf32>,
              %shift_right_logical3A_271 = arith.constant 7 : i32
              %shift_right_logical3A_272 = vector.broadcast %shift_right_logical3A_271 : i32 to vector<16xi32>
              %shift_right_logical3A_273 = arith.shrui %get3A_257, %shift_right_logical3A_272 : vector<16xi32>
              %and3A_274 = arith.constant 127 : i32
              %and3A_275 = vector.broadcast %and3A_274 : i32 to vector<16xi32>
              %and3A_276 = arith.andi %get3A_257, %and3A_275 : vector<16xi32>
              %eq3A_277 = vector.broadcast %convert_element_type3A_160 : f32 to vector<16xf32>
              %eq3A_278 = arith.cmpf oeq, %gather3A_270, %eq3A_277 : vector<16xf32>
              tpu.vector_store_idx %arg11[%shift_right_logical3A_273, %and3A_276], %add3A_13 masked %eq3A_278 : memref<32x128xf32, #tpu.memory_space<vmem>>[vector<16xi32>, vector<16xi32>], vector<16xf32>, vector<16xi1>
              %get3A_279 = arith.index_cast %scan3A_185 : i32 to index
              %get3A_280 = arith.constant 64 : index
              %get3A_281 = tpu.vector_load %arg7[%get3A_279, %get3A_280] {strides = array<i32>} : memref<16x128xi32, #tpu.memory_space<vmem>>, vector<16xi32>,
              %get3A_282 = arith.index_cast %scan3A_185 : i32 to index
              %get3A_283 = arith.constant 64 : index
              %get3A_284 = tpu.vector_load %arg8[%get3A_282, %get3A_283] {strides = array<i32>} : memref<16x128xi32, #tpu.memory_space<vmem>>, vector<16xi32>,
              %gather3A_285 = tpu.vector_load_idx %arg10[%get3A_281] : memref<4096xf32, #tpu.memory_space<vmem>>[vector<16xi32>], vector<16xf32>,
              %shift_right_logical3A_286 = arith.constant 7 : i32
              %shift_right_logical3A_287 = vector.broadcast %shift_right_logical3A_286 : i32 to vector<16xi32>
              %shift_right_logical3A_288 = arith.shrui %get3A_284, %shift_right_logical3A_287 : vector<16xi32>
              %and3A_289 = arith.constant 127 : i32
              %and3A_290 = vector.broadcast %and3A_289 : i32 to vector<16xi32>
              %and3A_291 = arith.andi %get3A_284, %and3A_290 : vector<16xi32>
              %eq3A_292 = vector.broadcast %convert_element_type3A_160 : f32 to vector<16xf32>
              %eq3A_293 = arith.cmpf oeq, %gather3A_285, %eq3A_292 : vector<16xf32>
              tpu.vector_store_idx %arg11[%shift_right_logical3A_288, %and3A_291], %add3A_13 masked %eq3A_293 : memref<32x128xf32, #tpu.memory_space<vmem>>[vector<16xi32>, vector<16xi32>], vector<16xf32>, vector<16xi1>
              %gather3A_294 = tpu.vector_load_idx %arg10[%get3A_284] : memref<4096xf32, #tpu.memory_space<vmem>>[vector<16xi32>], vector<16xf32>,
              %shift_right_logical3A_295 = arith.constant 7 : i32
              %shift_right_logical3A_296 = vector.broadcast %shift_right_logical3A_295 : i32 to vector<16xi32>
              %shift_right_logical3A_297 = arith.shrui %get3A_281, %shift_right_logical3A_296 : vector<16xi32>
              %and3A_298 = arith.constant 127 : i32
              %and3A_299 = vector.broadcast %and3A_298 : i32 to vector<16xi32>
              %and3A_300 = arith.andi %get3A_281, %and3A_299 : vector<16xi32>
              %eq3A_301 = vector.broadcast %convert_element_type3A_160 : f32 to vector<16xf32>
              %eq3A_302 = arith.cmpf oeq, %gather3A_294, %eq3A_301 : vector<16xf32>
              tpu.vector_store_idx %arg11[%shift_right_logical3A_297, %and3A_300], %add3A_13 masked %eq3A_302 : memref<32x128xf32, #tpu.memory_space<vmem>>[vector<16xi32>, vector<16xi32>], vector<16xf32>, vector<16xi1>
              %get3A_303 = arith.index_cast %scan3A_185 : i32 to index
              %get3A_304 = arith.constant 80 : index
              %get3A_305 = tpu.vector_load %arg7[%get3A_303, %get3A_304] {strides = array<i32>} : memref<16x128xi32, #tpu.memory_space<vmem>>, vector<16xi32>,
              %get3A_306 = arith.index_cast %scan3A_185 : i32 to index
              %get3A_307 = arith.constant 80 : index
              %get3A_308 = tpu.vector_load %arg8[%get3A_306, %get3A_307] {strides = array<i32>} : memref<16x128xi32, #tpu.memory_space<vmem>>, vector<16xi32>,
              %gather3A_309 = tpu.vector_load_idx %arg10[%get3A_305] : memref<4096xf32, #tpu.memory_space<vmem>>[vector<16xi32>], vector<16xf32>,
              %shift_right_logical3A_310 = arith.constant 7 : i32
              %shift_right_logical3A_311 = vector.broadcast %shift_right_logical3A_310 : i32 to vector<16xi32>
              %shift_right_logical3A_312 = arith.shrui %get3A_308, %shift_right_logical3A_311 : vector<16xi32>
              %and3A_313 = arith.constant 127 : i32
              %and3A_314 = vector.broadcast %and3A_313 : i32 to vector<16xi32>
              %and3A_315 = arith.andi %get3A_308, %and3A_314 : vector<16xi32>
              %eq3A_316 = vector.broadcast %convert_element_type3A_160 : f32 to vector<16xf32>
              %eq3A_317 = arith.cmpf oeq, %gather3A_309, %eq3A_316 : vector<16xf32>
              tpu.vector_store_idx %arg11[%shift_right_logical3A_312, %and3A_315], %add3A_13 masked %eq3A_317 : memref<32x128xf32, #tpu.memory_space<vmem>>[vector<16xi32>, vector<16xi32>], vector<16xf32>, vector<16xi1>
              %gather3A_318 = tpu.vector_load_idx %arg10[%get3A_308] : memref<4096xf32, #tpu.memory_space<vmem>>[vector<16xi32>], vector<16xf32>,
              %shift_right_logical3A_319 = arith.constant 7 : i32
              %shift_right_logical3A_320 = vector.broadcast %shift_right_logical3A_319 : i32 to vector<16xi32>
              %shift_right_logical3A_321 = arith.shrui %get3A_305, %shift_right_logical3A_320 : vector<16xi32>
              %and3A_322 = arith.constant 127 : i32
              %and3A_323 = vector.broadcast %and3A_322 : i32 to vector<16xi32>
              %and3A_324 = arith.andi %get3A_305, %and3A_323 : vector<16xi32>
              %eq3A_325 = vector.broadcast %convert_element_type3A_160 : f32 to vector<16xf32>
              %eq3A_326 = arith.cmpf oeq, %gather3A_318, %eq3A_325 : vector<16xf32>
              tpu.vector_store_idx %arg11[%shift_right_logical3A_321, %and3A_324], %add3A_13 masked %eq3A_326 : memref<32x128xf32, #tpu.memory_space<vmem>>[vector<16xi32>, vector<16xi32>], vector<16xf32>, vector<16xi1>
              %get3A_327 = arith.index_cast %scan3A_185 : i32 to index
              %get3A_328 = arith.constant 96 : index
              %get3A_329 = tpu.vector_load %arg7[%get3A_327, %get3A_328] {strides = array<i32>} : memref<16x128xi32, #tpu.memory_space<vmem>>, vector<16xi32>,
              %get3A_330 = arith.index_cast %scan3A_185 : i32 to index
              %get3A_331 = arith.constant 96 : index
              %get3A_332 = tpu.vector_load %arg8[%get3A_330, %get3A_331] {strides = array<i32>} : memref<16x128xi32, #tpu.memory_space<vmem>>, vector<16xi32>,
              %gather3A_333 = tpu.vector_load_idx %arg10[%get3A_329] : memref<4096xf32, #tpu.memory_space<vmem>>[vector<16xi32>], vector<16xf32>,
              %shift_right_logical3A_334 = arith.constant 7 : i32
              %shift_right_logical3A_335 = vector.broadcast %shift_right_logical3A_334 : i32 to vector<16xi32>
              %shift_right_logical3A_336 = arith.shrui %get3A_332, %shift_right_logical3A_335 : vector<16xi32>
              %and3A_337 = arith.constant 127 : i32
              %and3A_338 = vector.broadcast %and3A_337 : i32 to vector<16xi32>
              %and3A_339 = arith.andi %get3A_332, %and3A_338 : vector<16xi32>
              %eq3A_340 = vector.broadcast %convert_element_type3A_160 : f32 to vector<16xf32>
              %eq3A_341 = arith.cmpf oeq, %gather3A_333, %eq3A_340 : vector<16xf32>
              tpu.vector_store_idx %arg11[%shift_right_logical3A_336, %and3A_339], %add3A_13 masked %eq3A_341 : memref<32x128xf32, #tpu.memory_space<vmem>>[vector<16xi32>, vector<16xi32>], vector<16xf32>, vector<16xi1>
              %gather3A_342 = tpu.vector_load_idx %arg10[%get3A_332] : memref<4096xf32, #tpu.memory_space<vmem>>[vector<16xi32>], vector<16xf32>,
              %shift_right_logical3A_343 = arith.constant 7 : i32
              %shift_right_logical3A_344 = vector.broadcast %shift_right_logical3A_343 : i32 to vector<16xi32>
              %shift_right_logical3A_345 = arith.shrui %get3A_329, %shift_right_logical3A_344 : vector<16xi32>
              %and3A_346 = arith.constant 127 : i32
              %and3A_347 = vector.broadcast %and3A_346 : i32 to vector<16xi32>
              %and3A_348 = arith.andi %get3A_329, %and3A_347 : vector<16xi32>
              %eq3A_349 = vector.broadcast %convert_element_type3A_160 : f32 to vector<16xf32>
              %eq3A_350 = arith.cmpf oeq, %gather3A_342, %eq3A_349 : vector<16xf32>
              tpu.vector_store_idx %arg11[%shift_right_logical3A_345, %and3A_348], %add3A_13 masked %eq3A_350 : memref<32x128xf32, #tpu.memory_space<vmem>>[vector<16xi32>, vector<16xi32>], vector<16xf32>, vector<16xi1>
              %get3A_351 = arith.index_cast %scan3A_185 : i32 to index
              %get3A_352 = arith.constant 112 : index
              %get3A_353 = tpu.vector_load %arg7[%get3A_351, %get3A_352] {strides = array<i32>} : memref<16x128xi32, #tpu.memory_space<vmem>>, vector<16xi32>,
              %get3A_354 = arith.index_cast %scan3A_185 : i32 to index
              %get3A_355 = arith.constant 112 : index
              %get3A_356 = tpu.vector_load %arg8[%get3A_354, %get3A_355] {strides = array<i32>} : memref<16x128xi32, #tpu.memory_space<vmem>>, vector<16xi32>,
              %gather3A_357 = tpu.vector_load_idx %arg10[%get3A_353] : memref<4096xf32, #tpu.memory_space<vmem>>[vector<16xi32>], vector<16xf32>,
              %shift_right_logical3A_358 = arith.constant 7 : i32
              %shift_right_logical3A_359 = vector.broadcast %shift_right_logical3A_358 : i32 to vector<16xi32>
              %shift_right_logical3A_360 = arith.shrui %get3A_356, %shift_right_logical3A_359 : vector<16xi32>
              %and3A_361 = arith.constant 127 : i32
              %and3A_362 = vector.broadcast %and3A_361 : i32 to vector<16xi32>
              %and3A_363 = arith.andi %get3A_356, %and3A_362 : vector<16xi32>
              %eq3A_364 = vector.broadcast %convert_element_type3A_160 : f32 to vector<16xf32>
              %eq3A_365 = arith.cmpf oeq, %gather3A_357, %eq3A_364 : vector<16xf32>
              tpu.vector_store_idx %arg11[%shift_right_logical3A_360, %and3A_363], %add3A_13 masked %eq3A_365 : memref<32x128xf32, #tpu.memory_space<vmem>>[vector<16xi32>, vector<16xi32>], vector<16xf32>, vector<16xi1>
              %gather3A_366 = tpu.vector_load_idx %arg10[%get3A_356] : memref<4096xf32, #tpu.memory_space<vmem>>[vector<16xi32>], vector<16xf32>,
              %shift_right_logical3A_367 = arith.constant 7 : i32
              %shift_right_logical3A_368 = vector.broadcast %shift_right_logical3A_367 : i32 to vector<16xi32>
              %shift_right_logical3A_369 = arith.shrui %get3A_353, %shift_right_logical3A_368 : vector<16xi32>
              %and3A_370 = arith.constant 127 : i32
              %and3A_371 = vector.broadcast %and3A_370 : i32 to vector<16xi32>
              %and3A_372 = arith.andi %get3A_353, %and3A_371 : vector<16xi32>
              %eq3A_373 = vector.broadcast %convert_element_type3A_160 : f32 to vector<16xf32>
              %eq3A_374 = arith.cmpf oeq, %gather3A_366, %eq3A_373 : vector<16xf32>
              tpu.vector_store_idx %arg11[%shift_right_logical3A_369, %and3A_372], %add3A_13 masked %eq3A_374 : memref<32x128xf32, #tpu.memory_space<vmem>>[vector<16xi32>, vector<16xi32>], vector<16xf32>, vector<16xi1>
            }
            %scan3A_166 = arith.constant 16 : i32
            %run_scoped3A = arith.constant 1 : i32
            "tpu.region"() ({
              %run_scoped3A_185 = tpu.sem_alloc : memref<!tpu.dma_semaphore, #tpu.memory_space<semaphore_mem>>
              %dma_start3A = arith.constant 0 : i32
              %dma_start3A_186 = tpu.memref_slice %arg13[%run_scoped3A, %dma_start3A] : memref<2x32xi32, #tpu.memory_space<vmem>> -> memref<1x32xi32, #tpu.memory_space<vmem>>
              %dma_start3A_187 = tpu.memref_squeeze %dma_start3A_186 : memref<1x32xi32, #tpu.memory_space<vmem>> -> memref<32xi32, #tpu.memory_space<vmem>>
              %dma_start3A_188 = arith.constant 0 : i32
              %dma_start3A_189 = arith.constant 0 : i32
              %dma_start3A_190 = tpu.memref_slice %arg16[%dma_start3A_188, %dma_start3A_189] : memref<64x128xf32, #tpu.memory_space<vmem_shared>> -> memref<64x128xf32, #tpu.memory_space<vmem_shared>>
              tpu.enqueue_indirect_dma source(%arg11 : memref<32x128xf32, #tpu.memory_space<vmem>>) target(%dma_start3A_190 : memref<64x128xf32, #tpu.memory_space<vmem_shared>>) offsets(%dma_start3A_187 : memref<32xi32, #tpu.memory_space<vmem>>) semaphore(%run_scoped3A_185 : memref<!tpu.dma_semaphore, #tpu.memory_space<semaphore_mem>>) {add = true}
              %dma_wait3A = arith.constant 0 : i32
              %dma_wait3A_191 = tpu.memref_slice %arg13[%run_scoped3A, %dma_wait3A] : memref<2x32xi32, #tpu.memory_space<vmem>> -> memref<1x32xi32, #tpu.memory_space<vmem>>
              %dma_wait3A_192 = tpu.memref_squeeze %dma_wait3A_191 : memref<1x32xi32, #tpu.memory_space<vmem>> -> memref<32xi32, #tpu.memory_space<vmem>>
              %dma_wait3A_193 = arith.constant 0 : i32
              %dma_wait3A_194 = arith.constant 0 : i32
              %dma_wait3A_195 = tpu.memref_slice %arg16[%dma_wait3A_193, %dma_wait3A_194] : memref<64x128xf32, #tpu.memory_space<vmem_shared>> -> memref<64x128xf32, #tpu.memory_space<vmem_shared>>
              tpu.wait_indirect_dma semaphore(%run_scoped3A_185 : memref<!tpu.dma_semaphore, #tpu.memory_space<semaphore_mem>>) src(%arg11 : memref<32x128xf32, #tpu.memory_space<vmem>>) dst(%dma_wait3A_195 : memref<64x128xf32, #tpu.memory_space<vmem_shared>>)
              tpu.yield
            }) : () -> ()
            %barrier3A_167 = arith.constant 0 : index
            tpu.barrier barrier_id(%barrier3A_167)
            "tpu.region"() ({
              %run_scoped3A_185 = tpu.sem_alloc : memref<!tpu.dma_semaphore, #tpu.memory_space<semaphore_mem>>
              %dma_start3A = arith.constant 32 : i32
              %dma_start3A_186 = arith.constant 0 : i32
              %dma_start3A_187 = tpu.memref_slice %arg16[%dma_start3A, %dma_start3A_186] : memref<64x128xf32, #tpu.memory_space<vmem_shared>> -> memref<32x128xf32, #tpu.memory_space<vmem_shared>>
              %dma_start3A_188 = arith.constant 32 : i32
              %dma_start3A_189 = arith.constant 0 : i32
              %dma_start3A_190 = tpu.memref_slice %arg16[%dma_start3A_188, %dma_start3A_189] : memref<64x128xf32, #tpu.memory_space<vmem_shared>> -> memref<32x128xf32, #tpu.memory_space<vmem_shared>>
              tpu.enqueue_dma source(%dma_start3A_190 : memref<32x128xf32, #tpu.memory_space<vmem_shared>>) target(%arg12 : memref<32x128xf32, #tpu.memory_space<vmem>>) target_semaphore(%run_scoped3A_185 : memref<!tpu.dma_semaphore, #tpu.memory_space<semaphore_mem>>)
              %dma_wait3A = arith.constant 32 : i32
              %dma_wait3A_191 = arith.constant 0 : i32
              %dma_wait3A_192 = tpu.memref_slice %arg16[%dma_wait3A, %dma_wait3A_191] : memref<64x128xf32, #tpu.memory_space<vmem_shared>> -> memref<32x128xf32, #tpu.memory_space<vmem_shared>>
              %dma_wait3A_193 = arith.constant 32 : i32
              %dma_wait3A_194 = arith.constant 0 : i32
              %dma_wait3A_195 = tpu.memref_slice %arg16[%dma_wait3A_193, %dma_wait3A_194] : memref<64x128xf32, #tpu.memory_space<vmem_shared>> -> memref<32x128xf32, #tpu.memory_space<vmem_shared>>
              tpu.wait_dma2 semaphore(%run_scoped3A_185 : memref<!tpu.dma_semaphore, #tpu.memory_space<semaphore_mem>>) src(%dma_wait3A_195 : memref<32x128xf32, #tpu.memory_space<vmem_shared>>) dst(%arg12 : memref<32x128xf32, #tpu.memory_space<vmem>>)
              tpu.yield
            }) : () -> ()
            %mul3A_168 = arith.constant 2 : i32
            %mul3A_169 = arith.muli %mul3A_168, %arg1 : i32
            %add3A_170 = arith.constant 0 : i32
            %add3A_171 = arith.addi %add3A_170, %mul3A_169 : i32
            "tpu.region"() ({
              %run_scoped3A_185 = tpu.sem_alloc : memref<!tpu.dma_semaphore, #tpu.memory_space<semaphore_mem>>
              %dma_start3A = arith.constant 0 : i32
              %dma_start3A_186 = tpu.memref_slice %arg16[%add3A_171, %dma_start3A] : memref<64x128xf32, #tpu.memory_space<vmem_shared>> -> memref<2x128xf32, #tpu.memory_space<vmem_shared>>
              %dma_start3A_187 = arith.constant 0 : i32
              %dma_start3A_188 = tpu.memref_slice %arg16[%add3A_171, %dma_start3A_187] : memref<64x128xf32, #tpu.memory_space<vmem_shared>> -> memref<2x128xf32, #tpu.memory_space<vmem_shared>>
              tpu.enqueue_dma source(%arg14 : memref<2x128xf32, #tpu.memory_space<vmem>>) target(%dma_start3A_188 : memref<2x128xf32, #tpu.memory_space<vmem_shared>>) target_semaphore(%run_scoped3A_185 : memref<!tpu.dma_semaphore, #tpu.memory_space<semaphore_mem>>)
              %dma_wait3A = arith.constant 0 : i32
              %dma_wait3A_189 = tpu.memref_slice %arg16[%add3A_171, %dma_wait3A] : memref<64x128xf32, #tpu.memory_space<vmem_shared>> -> memref<2x128xf32, #tpu.memory_space<vmem_shared>>
              %dma_wait3A_190 = arith.constant 0 : i32
              %dma_wait3A_191 = tpu.memref_slice %arg16[%add3A_171, %dma_wait3A_190] : memref<64x128xf32, #tpu.memory_space<vmem_shared>> -> memref<2x128xf32, #tpu.memory_space<vmem_shared>>
              tpu.wait_dma2 semaphore(%run_scoped3A_185 : memref<!tpu.dma_semaphore, #tpu.memory_space<semaphore_mem>>) src(%arg14 : memref<2x128xf32, #tpu.memory_space<vmem>>) dst(%dma_wait3A_191 : memref<2x128xf32, #tpu.memory_space<vmem_shared>>)
              tpu.yield
            }) : () -> ()
            %add3A_172 = arith.constant 1.000000e+00 : f32
            %add3A_173 = arith.addf %convert_element_type3A_160, %add3A_172 : f32
            %scan3A_174 = arith.constant 0.000000e+00 : f32
            %scan3A_175 = arith.constant 0 : i32
            %scan3A_176 = arith.constant 256 : i32
            %scan3A_177 = arith.addi %scan3A_175, %scan3A_176 : i32
            %scan3A_178 = arith.constant 1 : i32
            %scan3A_179 = scf.for %scan3A_185 = %scan3A_175 to %scan3A_177 step %scan3A_178 iter_args(%scan3A_186 = %scan3A_174) -> (f32)  : i32 {
              %shift_right_arithmetic3A = arith.constant 3 : i32
              %shift_right_arithmetic3A_187 = arith.shrsi %scan3A_185, %shift_right_arithmetic3A : i32
              %and3A = arith.constant 7 : i32
              %and3A_188 = arith.andi %scan3A_185, %and3A : i32
              %mul3A_189 = arith.constant 16 : i32
              %mul3A_190 = arith.muli %and3A_188, %mul3A_189 : i32
              %get3A_191 = arith.index_cast %shift_right_arithmetic3A_187 : i32 to index
              %get3A_192 = arith.index_cast %mul3A_190 : i32 to index
              %get3A_193 = tpu.vector_load %arg12[%get3A_191, %get3A_192] {strides = array<i32>} : memref<32x128xf32, #tpu.memory_space<vmem>>, vector<16xf32>,
              %mul3A_194 = arith.constant 16 : i32
              %mul3A_195 = arith.muli %scan3A_185, %mul3A_194 : i32
              %get3A_196 = arith.index_cast %mul3A_195 : i32 to index
              %get3A_197 = tpu.vector_load %arg10[%get3A_196] {strides = array<i32>} : memref<4096xf32, #tpu.memory_space<vmem>>, vector<16xf32>,
              %gt3A_198 = arith.constant 0.000000e+00 : f32
              %gt3A_199 = vector.broadcast %gt3A_198 : f32 to vector<16xf32>
              %gt3A_200 = arith.cmpf ogt, %get3A_193, %gt3A_199 : vector<16xf32>
              %eq3A_201 = arith.constant 4.096000e+03 : f32
              %eq3A_202 = vector.broadcast %eq3A_201 : f32 to vector<16xf32>
              %eq3A_203 = arith.cmpf oeq, %get3A_197, %eq3A_202 : vector<16xf32>
              %and3A_204 = arith.andi %gt3A_200, %eq3A_203 : vector<16xi1>
              %broadcast_in_dim3A_205 = vector.broadcast %add3A_173 : f32 to vector<16xf32>
              %select_n3A_206 = arith.select %and3A_204, %broadcast_in_dim3A_205, %get3A_197 : vector<16xi1>, vector<16xf32>
              %mul3A_207 = arith.constant 16 : i32
              %mul3A_208 = arith.muli %scan3A_185, %mul3A_207 : i32
              %swap3A_209 = arith.index_cast %mul3A_208 : i32 to index
              %swap3A_210 = tpu.vector_load %arg10[%swap3A_209] {strides = array<i32>} : memref<4096xf32, #tpu.memory_space<vmem>>, vector<16xf32>,
              tpu.vector_store %arg10[%swap3A_209], %select_n3A_206 {strides = array<i32>} : memref<4096xf32, #tpu.memory_space<vmem>>, vector<16xf32>,
              %shift_right_arithmetic3A_211 = arith.constant 3 : i32
              %shift_right_arithmetic3A_212 = arith.shrsi %scan3A_185, %shift_right_arithmetic3A_211 : i32
              %and3A_213 = arith.constant 7 : i32
              %and3A_214 = arith.andi %scan3A_185, %and3A_213 : i32
              %mul3A_215 = arith.constant 16 : i32
              %mul3A_216 = arith.muli %and3A_214, %mul3A_215 : i32
              %swap3A_217 = arith.index_cast %shift_right_arithmetic3A_212 : i32 to index
              %swap3A_218 = arith.index_cast %mul3A_216 : i32 to index
              %swap3A_219 = tpu.vector_load %arg11[%swap3A_217, %swap3A_218] {strides = array<i32>} : memref<32x128xf32, #tpu.memory_space<vmem>>, vector<16xf32>,
              tpu.vector_store %arg11[%swap3A_217, %swap3A_218], %mul3A_3 {strides = array<i32>} : memref<32x128xf32, #tpu.memory_space<vmem>>, vector<16xf32>,
              %jit3A_220 = arith.constant 1.000000e+00 : f32
              %jit3A_221 = arith.constant 0.000000e+00 : f32
              %broadcast_in_dim3A_222 = vector.broadcast %jit3A_220 : f32 to vector<16xf32>
              %broadcast_in_dim3A_223 = vector.broadcast %jit3A_221 : f32 to vector<16xf32>
              %select_n3A_224 = arith.select %and3A_204, %broadcast_in_dim3A_222, %broadcast_in_dim3A_223 : vector<16xi1>, vector<16xf32>
              %reduce_sum3A = arith.constant true
              %reduce_sum3A_225 = vector.broadcast %reduce_sum3A : i1 to vector<16xi1>
              %reduce_sum3A_226 = tpu.scan <sum>, %select_n3A_224 masked %reduce_sum3A_225 : vector<16xf32>, vector<16xi1> -> vector<16xf32>
              %reduce_sum3A_227 = vector.extract %reduce_sum3A_226[15] : f32 from vector<16xf32>
              %add3A_228 = arith.addf %scan3A_186, %reduce_sum3A_227 : f32
              scf.yield %add3A_228 : f32
            }
            %scan3A_180 = arith.constant 256 : i32
            %barrier3A_181 = arith.constant 0 : index
            tpu.barrier barrier_id(%barrier3A_181)
            %swap3A_182 = arith.constant 0 : i32
            %swap3A_183 = arith.index_cast %swap3A_182 : i32 to index
            %swap3A_184 = memref.load %arg17[%swap3A_183] : memref<1xf32, #tpu.memory_space<smem>>
            memref.store %scan3A_179, %arg17[%swap3A_183] : memref<1xf32, #tpu.memory_space<smem>>
          } else {
          }
          %get3A_140 = arith.constant 0 : i32
          %get3A_141 = arith.index_cast %get3A_140 : i32 to index
          %get3A_142 = memref.load %arg17[%get3A_141] : memref<1xf32, #tpu.memory_space<smem>>
          %gt3A_143 = arith.constant 0.000000e+00 : f32
          %gt3A_144 = arith.cmpf ogt, %get3A_142, %gt3A_143 : f32
          %convert_element_type3A_145 = arith.extui %gt3A_144 : i1 to i32
          %cond3A_146 = arith.constant 0 : i32
          %cond3A_147 = arith.cmpi ne, %convert_element_type3A_145, %cond3A_146 : i32
          scf.if %cond3A_147 {
            %mul3A_156 = arith.constant 8 : i32
            %mul3A_157 = arith.muli %scan3A_85, %mul3A_156 : i32
            %add3A_158 = arith.constant 6 : i32
            %add3A_159 = arith.addi %mul3A_157, %add3A_158 : i32
            %convert_element_type3A_160 = arith.sitofp %add3A_159 : i32 to f32
            %scan3A_161 = arith.constant 0 : i32
            %scan3A_162 = arith.constant 0 : i32
            %scan3A_163 = arith.constant 16 : i32
            %scan3A_164 = arith.addi %scan3A_162, %scan3A_163 : i32
            %scan3A_165 = arith.constant 1 : i32
            scf.for %scan3A_185 = %scan3A_162 to %scan3A_164 step %scan3A_165  : i32 {
              %get3A_186 = arith.index_cast %scan3A_185 : i32 to index
              %get3A_187 = arith.constant 0 : index
              %get3A_188 = tpu.vector_load %arg7[%get3A_186, %get3A_187] {strides = array<i32>} : memref<16x128xi32, #tpu.memory_space<vmem>>, vector<16xi32>,
              %get3A_189 = arith.index_cast %scan3A_185 : i32 to index
              %get3A_190 = arith.constant 0 : index
              %get3A_191 = tpu.vector_load %arg8[%get3A_189, %get3A_190] {strides = array<i32>} : memref<16x128xi32, #tpu.memory_space<vmem>>, vector<16xi32>,
              %gather3A = tpu.vector_load_idx %arg10[%get3A_188] : memref<4096xf32, #tpu.memory_space<vmem>>[vector<16xi32>], vector<16xf32>,
              %shift_right_logical3A = arith.constant 7 : i32
              %shift_right_logical3A_192 = vector.broadcast %shift_right_logical3A : i32 to vector<16xi32>
              %shift_right_logical3A_193 = arith.shrui %get3A_191, %shift_right_logical3A_192 : vector<16xi32>
              %and3A = arith.constant 127 : i32
              %and3A_194 = vector.broadcast %and3A : i32 to vector<16xi32>
              %and3A_195 = arith.andi %get3A_191, %and3A_194 : vector<16xi32>
              %eq3A_196 = vector.broadcast %convert_element_type3A_160 : f32 to vector<16xf32>
              %eq3A_197 = arith.cmpf oeq, %gather3A, %eq3A_196 : vector<16xf32>
              tpu.vector_store_idx %arg11[%shift_right_logical3A_193, %and3A_195], %add3A_13 masked %eq3A_197 : memref<32x128xf32, #tpu.memory_space<vmem>>[vector<16xi32>, vector<16xi32>], vector<16xf32>, vector<16xi1>
              %gather3A_198 = tpu.vector_load_idx %arg10[%get3A_191] : memref<4096xf32, #tpu.memory_space<vmem>>[vector<16xi32>], vector<16xf32>,
              %shift_right_logical3A_199 = arith.constant 7 : i32
              %shift_right_logical3A_200 = vector.broadcast %shift_right_logical3A_199 : i32 to vector<16xi32>
              %shift_right_logical3A_201 = arith.shrui %get3A_188, %shift_right_logical3A_200 : vector<16xi32>
              %and3A_202 = arith.constant 127 : i32
              %and3A_203 = vector.broadcast %and3A_202 : i32 to vector<16xi32>
              %and3A_204 = arith.andi %get3A_188, %and3A_203 : vector<16xi32>
              %eq3A_205 = vector.broadcast %convert_element_type3A_160 : f32 to vector<16xf32>
              %eq3A_206 = arith.cmpf oeq, %gather3A_198, %eq3A_205 : vector<16xf32>
              tpu.vector_store_idx %arg11[%shift_right_logical3A_201, %and3A_204], %add3A_13 masked %eq3A_206 : memref<32x128xf32, #tpu.memory_space<vmem>>[vector<16xi32>, vector<16xi32>], vector<16xf32>, vector<16xi1>
              %get3A_207 = arith.index_cast %scan3A_185 : i32 to index
              %get3A_208 = arith.constant 16 : index
              %get3A_209 = tpu.vector_load %arg7[%get3A_207, %get3A_208] {strides = array<i32>} : memref<16x128xi32, #tpu.memory_space<vmem>>, vector<16xi32>,
              %get3A_210 = arith.index_cast %scan3A_185 : i32 to index
              %get3A_211 = arith.constant 16 : index
              %get3A_212 = tpu.vector_load %arg8[%get3A_210, %get3A_211] {strides = array<i32>} : memref<16x128xi32, #tpu.memory_space<vmem>>, vector<16xi32>,
              %gather3A_213 = tpu.vector_load_idx %arg10[%get3A_209] : memref<4096xf32, #tpu.memory_space<vmem>>[vector<16xi32>], vector<16xf32>,
              %shift_right_logical3A_214 = arith.constant 7 : i32
              %shift_right_logical3A_215 = vector.broadcast %shift_right_logical3A_214 : i32 to vector<16xi32>
              %shift_right_logical3A_216 = arith.shrui %get3A_212, %shift_right_logical3A_215 : vector<16xi32>
              %and3A_217 = arith.constant 127 : i32
              %and3A_218 = vector.broadcast %and3A_217 : i32 to vector<16xi32>
              %and3A_219 = arith.andi %get3A_212, %and3A_218 : vector<16xi32>
              %eq3A_220 = vector.broadcast %convert_element_type3A_160 : f32 to vector<16xf32>
              %eq3A_221 = arith.cmpf oeq, %gather3A_213, %eq3A_220 : vector<16xf32>
              tpu.vector_store_idx %arg11[%shift_right_logical3A_216, %and3A_219], %add3A_13 masked %eq3A_221 : memref<32x128xf32, #tpu.memory_space<vmem>>[vector<16xi32>, vector<16xi32>], vector<16xf32>, vector<16xi1>
              %gather3A_222 = tpu.vector_load_idx %arg10[%get3A_212] : memref<4096xf32, #tpu.memory_space<vmem>>[vector<16xi32>], vector<16xf32>,
              %shift_right_logical3A_223 = arith.constant 7 : i32
              %shift_right_logical3A_224 = vector.broadcast %shift_right_logical3A_223 : i32 to vector<16xi32>
              %shift_right_logical3A_225 = arith.shrui %get3A_209, %shift_right_logical3A_224 : vector<16xi32>
              %and3A_226 = arith.constant 127 : i32
              %and3A_227 = vector.broadcast %and3A_226 : i32 to vector<16xi32>
              %and3A_228 = arith.andi %get3A_209, %and3A_227 : vector<16xi32>
              %eq3A_229 = vector.broadcast %convert_element_type3A_160 : f32 to vector<16xf32>
              %eq3A_230 = arith.cmpf oeq, %gather3A_222, %eq3A_229 : vector<16xf32>
              tpu.vector_store_idx %arg11[%shift_right_logical3A_225, %and3A_228], %add3A_13 masked %eq3A_230 : memref<32x128xf32, #tpu.memory_space<vmem>>[vector<16xi32>, vector<16xi32>], vector<16xf32>, vector<16xi1>
              %get3A_231 = arith.index_cast %scan3A_185 : i32 to index
              %get3A_232 = arith.constant 32 : index
              %get3A_233 = tpu.vector_load %arg7[%get3A_231, %get3A_232] {strides = array<i32>} : memref<16x128xi32, #tpu.memory_space<vmem>>, vector<16xi32>,
              %get3A_234 = arith.index_cast %scan3A_185 : i32 to index
              %get3A_235 = arith.constant 32 : index
              %get3A_236 = tpu.vector_load %arg8[%get3A_234, %get3A_235] {strides = array<i32>} : memref<16x128xi32, #tpu.memory_space<vmem>>, vector<16xi32>,
              %gather3A_237 = tpu.vector_load_idx %arg10[%get3A_233] : memref<4096xf32, #tpu.memory_space<vmem>>[vector<16xi32>], vector<16xf32>,
              %shift_right_logical3A_238 = arith.constant 7 : i32
              %shift_right_logical3A_239 = vector.broadcast %shift_right_logical3A_238 : i32 to vector<16xi32>
              %shift_right_logical3A_240 = arith.shrui %get3A_236, %shift_right_logical3A_239 : vector<16xi32>
              %and3A_241 = arith.constant 127 : i32
              %and3A_242 = vector.broadcast %and3A_241 : i32 to vector<16xi32>
              %and3A_243 = arith.andi %get3A_236, %and3A_242 : vector<16xi32>
              %eq3A_244 = vector.broadcast %convert_element_type3A_160 : f32 to vector<16xf32>
              %eq3A_245 = arith.cmpf oeq, %gather3A_237, %eq3A_244 : vector<16xf32>
              tpu.vector_store_idx %arg11[%shift_right_logical3A_240, %and3A_243], %add3A_13 masked %eq3A_245 : memref<32x128xf32, #tpu.memory_space<vmem>>[vector<16xi32>, vector<16xi32>], vector<16xf32>, vector<16xi1>
              %gather3A_246 = tpu.vector_load_idx %arg10[%get3A_236] : memref<4096xf32, #tpu.memory_space<vmem>>[vector<16xi32>], vector<16xf32>,
              %shift_right_logical3A_247 = arith.constant 7 : i32
              %shift_right_logical3A_248 = vector.broadcast %shift_right_logical3A_247 : i32 to vector<16xi32>
              %shift_right_logical3A_249 = arith.shrui %get3A_233, %shift_right_logical3A_248 : vector<16xi32>
              %and3A_250 = arith.constant 127 : i32
              %and3A_251 = vector.broadcast %and3A_250 : i32 to vector<16xi32>
              %and3A_252 = arith.andi %get3A_233, %and3A_251 : vector<16xi32>
              %eq3A_253 = vector.broadcast %convert_element_type3A_160 : f32 to vector<16xf32>
              %eq3A_254 = arith.cmpf oeq, %gather3A_246, %eq3A_253 : vector<16xf32>
              tpu.vector_store_idx %arg11[%shift_right_logical3A_249, %and3A_252], %add3A_13 masked %eq3A_254 : memref<32x128xf32, #tpu.memory_space<vmem>>[vector<16xi32>, vector<16xi32>], vector<16xf32>, vector<16xi1>
              %get3A_255 = arith.index_cast %scan3A_185 : i32 to index
              %get3A_256 = arith.constant 48 : index
              %get3A_257 = tpu.vector_load %arg7[%get3A_255, %get3A_256] {strides = array<i32>} : memref<16x128xi32, #tpu.memory_space<vmem>>, vector<16xi32>,
              %get3A_258 = arith.index_cast %scan3A_185 : i32 to index
              %get3A_259 = arith.constant 48 : index
              %get3A_260 = tpu.vector_load %arg8[%get3A_258, %get3A_259] {strides = array<i32>} : memref<16x128xi32, #tpu.memory_space<vmem>>, vector<16xi32>,
              %gather3A_261 = tpu.vector_load_idx %arg10[%get3A_257] : memref<4096xf32, #tpu.memory_space<vmem>>[vector<16xi32>], vector<16xf32>,
              %shift_right_logical3A_262 = arith.constant 7 : i32
              %shift_right_logical3A_263 = vector.broadcast %shift_right_logical3A_262 : i32 to vector<16xi32>
              %shift_right_logical3A_264 = arith.shrui %get3A_260, %shift_right_logical3A_263 : vector<16xi32>
              %and3A_265 = arith.constant 127 : i32
              %and3A_266 = vector.broadcast %and3A_265 : i32 to vector<16xi32>
              %and3A_267 = arith.andi %get3A_260, %and3A_266 : vector<16xi32>
              %eq3A_268 = vector.broadcast %convert_element_type3A_160 : f32 to vector<16xf32>
              %eq3A_269 = arith.cmpf oeq, %gather3A_261, %eq3A_268 : vector<16xf32>
              tpu.vector_store_idx %arg11[%shift_right_logical3A_264, %and3A_267], %add3A_13 masked %eq3A_269 : memref<32x128xf32, #tpu.memory_space<vmem>>[vector<16xi32>, vector<16xi32>], vector<16xf32>, vector<16xi1>
              %gather3A_270 = tpu.vector_load_idx %arg10[%get3A_260] : memref<4096xf32, #tpu.memory_space<vmem>>[vector<16xi32>], vector<16xf32>,
              %shift_right_logical3A_271 = arith.constant 7 : i32
              %shift_right_logical3A_272 = vector.broadcast %shift_right_logical3A_271 : i32 to vector<16xi32>
              %shift_right_logical3A_273 = arith.shrui %get3A_257, %shift_right_logical3A_272 : vector<16xi32>
              %and3A_274 = arith.constant 127 : i32
              %and3A_275 = vector.broadcast %and3A_274 : i32 to vector<16xi32>
              %and3A_276 = arith.andi %get3A_257, %and3A_275 : vector<16xi32>
              %eq3A_277 = vector.broadcast %convert_element_type3A_160 : f32 to vector<16xf32>
              %eq3A_278 = arith.cmpf oeq, %gather3A_270, %eq3A_277 : vector<16xf32>
              tpu.vector_store_idx %arg11[%shift_right_logical3A_273, %and3A_276], %add3A_13 masked %eq3A_278 : memref<32x128xf32, #tpu.memory_space<vmem>>[vector<16xi32>, vector<16xi32>], vector<16xf32>, vector<16xi1>
              %get3A_279 = arith.index_cast %scan3A_185 : i32 to index
              %get3A_280 = arith.constant 64 : index
              %get3A_281 = tpu.vector_load %arg7[%get3A_279, %get3A_280] {strides = array<i32>} : memref<16x128xi32, #tpu.memory_space<vmem>>, vector<16xi32>,
              %get3A_282 = arith.index_cast %scan3A_185 : i32 to index
              %get3A_283 = arith.constant 64 : index
              %get3A_284 = tpu.vector_load %arg8[%get3A_282, %get3A_283] {strides = array<i32>} : memref<16x128xi32, #tpu.memory_space<vmem>>, vector<16xi32>,
              %gather3A_285 = tpu.vector_load_idx %arg10[%get3A_281] : memref<4096xf32, #tpu.memory_space<vmem>>[vector<16xi32>], vector<16xf32>,
              %shift_right_logical3A_286 = arith.constant 7 : i32
              %shift_right_logical3A_287 = vector.broadcast %shift_right_logical3A_286 : i32 to vector<16xi32>
              %shift_right_logical3A_288 = arith.shrui %get3A_284, %shift_right_logical3A_287 : vector<16xi32>
              %and3A_289 = arith.constant 127 : i32
              %and3A_290 = vector.broadcast %and3A_289 : i32 to vector<16xi32>
              %and3A_291 = arith.andi %get3A_284, %and3A_290 : vector<16xi32>
              %eq3A_292 = vector.broadcast %convert_element_type3A_160 : f32 to vector<16xf32>
              %eq3A_293 = arith.cmpf oeq, %gather3A_285, %eq3A_292 : vector<16xf32>
              tpu.vector_store_idx %arg11[%shift_right_logical3A_288, %and3A_291], %add3A_13 masked %eq3A_293 : memref<32x128xf32, #tpu.memory_space<vmem>>[vector<16xi32>, vector<16xi32>], vector<16xf32>, vector<16xi1>
              %gather3A_294 = tpu.vector_load_idx %arg10[%get3A_284] : memref<4096xf32, #tpu.memory_space<vmem>>[vector<16xi32>], vector<16xf32>,
              %shift_right_logical3A_295 = arith.constant 7 : i32
              %shift_right_logical3A_296 = vector.broadcast %shift_right_logical3A_295 : i32 to vector<16xi32>
              %shift_right_logical3A_297 = arith.shrui %get3A_281, %shift_right_logical3A_296 : vector<16xi32>
              %and3A_298 = arith.constant 127 : i32
              %and3A_299 = vector.broadcast %and3A_298 : i32 to vector<16xi32>
              %and3A_300 = arith.andi %get3A_281, %and3A_299 : vector<16xi32>
              %eq3A_301 = vector.broadcast %convert_element_type3A_160 : f32 to vector<16xf32>
              %eq3A_302 = arith.cmpf oeq, %gather3A_294, %eq3A_301 : vector<16xf32>
              tpu.vector_store_idx %arg11[%shift_right_logical3A_297, %and3A_300], %add3A_13 masked %eq3A_302 : memref<32x128xf32, #tpu.memory_space<vmem>>[vector<16xi32>, vector<16xi32>], vector<16xf32>, vector<16xi1>
              %get3A_303 = arith.index_cast %scan3A_185 : i32 to index
              %get3A_304 = arith.constant 80 : index
              %get3A_305 = tpu.vector_load %arg7[%get3A_303, %get3A_304] {strides = array<i32>} : memref<16x128xi32, #tpu.memory_space<vmem>>, vector<16xi32>,
              %get3A_306 = arith.index_cast %scan3A_185 : i32 to index
              %get3A_307 = arith.constant 80 : index
              %get3A_308 = tpu.vector_load %arg8[%get3A_306, %get3A_307] {strides = array<i32>} : memref<16x128xi32, #tpu.memory_space<vmem>>, vector<16xi32>,
              %gather3A_309 = tpu.vector_load_idx %arg10[%get3A_305] : memref<4096xf32, #tpu.memory_space<vmem>>[vector<16xi32>], vector<16xf32>,
              %shift_right_logical3A_310 = arith.constant 7 : i32
              %shift_right_logical3A_311 = vector.broadcast %shift_right_logical3A_310 : i32 to vector<16xi32>
              %shift_right_logical3A_312 = arith.shrui %get3A_308, %shift_right_logical3A_311 : vector<16xi32>
              %and3A_313 = arith.constant 127 : i32
              %and3A_314 = vector.broadcast %and3A_313 : i32 to vector<16xi32>
              %and3A_315 = arith.andi %get3A_308, %and3A_314 : vector<16xi32>
              %eq3A_316 = vector.broadcast %convert_element_type3A_160 : f32 to vector<16xf32>
              %eq3A_317 = arith.cmpf oeq, %gather3A_309, %eq3A_316 : vector<16xf32>
              tpu.vector_store_idx %arg11[%shift_right_logical3A_312, %and3A_315], %add3A_13 masked %eq3A_317 : memref<32x128xf32, #tpu.memory_space<vmem>>[vector<16xi32>, vector<16xi32>], vector<16xf32>, vector<16xi1>
              %gather3A_318 = tpu.vector_load_idx %arg10[%get3A_308] : memref<4096xf32, #tpu.memory_space<vmem>>[vector<16xi32>], vector<16xf32>,
              %shift_right_logical3A_319 = arith.constant 7 : i32
              %shift_right_logical3A_320 = vector.broadcast %shift_right_logical3A_319 : i32 to vector<16xi32>
              %shift_right_logical3A_321 = arith.shrui %get3A_305, %shift_right_logical3A_320 : vector<16xi32>
              %and3A_322 = arith.constant 127 : i32
              %and3A_323 = vector.broadcast %and3A_322 : i32 to vector<16xi32>
              %and3A_324 = arith.andi %get3A_305, %and3A_323 : vector<16xi32>
              %eq3A_325 = vector.broadcast %convert_element_type3A_160 : f32 to vector<16xf32>
              %eq3A_326 = arith.cmpf oeq, %gather3A_318, %eq3A_325 : vector<16xf32>
              tpu.vector_store_idx %arg11[%shift_right_logical3A_321, %and3A_324], %add3A_13 masked %eq3A_326 : memref<32x128xf32, #tpu.memory_space<vmem>>[vector<16xi32>, vector<16xi32>], vector<16xf32>, vector<16xi1>
              %get3A_327 = arith.index_cast %scan3A_185 : i32 to index
              %get3A_328 = arith.constant 96 : index
              %get3A_329 = tpu.vector_load %arg7[%get3A_327, %get3A_328] {strides = array<i32>} : memref<16x128xi32, #tpu.memory_space<vmem>>, vector<16xi32>,
              %get3A_330 = arith.index_cast %scan3A_185 : i32 to index
              %get3A_331 = arith.constant 96 : index
              %get3A_332 = tpu.vector_load %arg8[%get3A_330, %get3A_331] {strides = array<i32>} : memref<16x128xi32, #tpu.memory_space<vmem>>, vector<16xi32>,
              %gather3A_333 = tpu.vector_load_idx %arg10[%get3A_329] : memref<4096xf32, #tpu.memory_space<vmem>>[vector<16xi32>], vector<16xf32>,
              %shift_right_logical3A_334 = arith.constant 7 : i32
              %shift_right_logical3A_335 = vector.broadcast %shift_right_logical3A_334 : i32 to vector<16xi32>
              %shift_right_logical3A_336 = arith.shrui %get3A_332, %shift_right_logical3A_335 : vector<16xi32>
              %and3A_337 = arith.constant 127 : i32
              %and3A_338 = vector.broadcast %and3A_337 : i32 to vector<16xi32>
              %and3A_339 = arith.andi %get3A_332, %and3A_338 : vector<16xi32>
              %eq3A_340 = vector.broadcast %convert_element_type3A_160 : f32 to vector<16xf32>
              %eq3A_341 = arith.cmpf oeq, %gather3A_333, %eq3A_340 : vector<16xf32>
              tpu.vector_store_idx %arg11[%shift_right_logical3A_336, %and3A_339], %add3A_13 masked %eq3A_341 : memref<32x128xf32, #tpu.memory_space<vmem>>[vector<16xi32>, vector<16xi32>], vector<16xf32>, vector<16xi1>
              %gather3A_342 = tpu.vector_load_idx %arg10[%get3A_332] : memref<4096xf32, #tpu.memory_space<vmem>>[vector<16xi32>], vector<16xf32>,
              %shift_right_logical3A_343 = arith.constant 7 : i32
              %shift_right_logical3A_344 = vector.broadcast %shift_right_logical3A_343 : i32 to vector<16xi32>
              %shift_right_logical3A_345 = arith.shrui %get3A_329, %shift_right_logical3A_344 : vector<16xi32>
              %and3A_346 = arith.constant 127 : i32
              %and3A_347 = vector.broadcast %and3A_346 : i32 to vector<16xi32>
              %and3A_348 = arith.andi %get3A_329, %and3A_347 : vector<16xi32>
              %eq3A_349 = vector.broadcast %convert_element_type3A_160 : f32 to vector<16xf32>
              %eq3A_350 = arith.cmpf oeq, %gather3A_342, %eq3A_349 : vector<16xf32>
              tpu.vector_store_idx %arg11[%shift_right_logical3A_345, %and3A_348], %add3A_13 masked %eq3A_350 : memref<32x128xf32, #tpu.memory_space<vmem>>[vector<16xi32>, vector<16xi32>], vector<16xf32>, vector<16xi1>
              %get3A_351 = arith.index_cast %scan3A_185 : i32 to index
              %get3A_352 = arith.constant 112 : index
              %get3A_353 = tpu.vector_load %arg7[%get3A_351, %get3A_352] {strides = array<i32>} : memref<16x128xi32, #tpu.memory_space<vmem>>, vector<16xi32>,
              %get3A_354 = arith.index_cast %scan3A_185 : i32 to index
              %get3A_355 = arith.constant 112 : index
              %get3A_356 = tpu.vector_load %arg8[%get3A_354, %get3A_355] {strides = array<i32>} : memref<16x128xi32, #tpu.memory_space<vmem>>, vector<16xi32>,
              %gather3A_357 = tpu.vector_load_idx %arg10[%get3A_353] : memref<4096xf32, #tpu.memory_space<vmem>>[vector<16xi32>], vector<16xf32>,
              %shift_right_logical3A_358 = arith.constant 7 : i32
              %shift_right_logical3A_359 = vector.broadcast %shift_right_logical3A_358 : i32 to vector<16xi32>
              %shift_right_logical3A_360 = arith.shrui %get3A_356, %shift_right_logical3A_359 : vector<16xi32>
              %and3A_361 = arith.constant 127 : i32
              %and3A_362 = vector.broadcast %and3A_361 : i32 to vector<16xi32>
              %and3A_363 = arith.andi %get3A_356, %and3A_362 : vector<16xi32>
              %eq3A_364 = vector.broadcast %convert_element_type3A_160 : f32 to vector<16xf32>
              %eq3A_365 = arith.cmpf oeq, %gather3A_357, %eq3A_364 : vector<16xf32>
              tpu.vector_store_idx %arg11[%shift_right_logical3A_360, %and3A_363], %add3A_13 masked %eq3A_365 : memref<32x128xf32, #tpu.memory_space<vmem>>[vector<16xi32>, vector<16xi32>], vector<16xf32>, vector<16xi1>
              %gather3A_366 = tpu.vector_load_idx %arg10[%get3A_356] : memref<4096xf32, #tpu.memory_space<vmem>>[vector<16xi32>], vector<16xf32>,
              %shift_right_logical3A_367 = arith.constant 7 : i32
              %shift_right_logical3A_368 = vector.broadcast %shift_right_logical3A_367 : i32 to vector<16xi32>
              %shift_right_logical3A_369 = arith.shrui %get3A_353, %shift_right_logical3A_368 : vector<16xi32>
              %and3A_370 = arith.constant 127 : i32
              %and3A_371 = vector.broadcast %and3A_370 : i32 to vector<16xi32>
              %and3A_372 = arith.andi %get3A_353, %and3A_371 : vector<16xi32>
              %eq3A_373 = vector.broadcast %convert_element_type3A_160 : f32 to vector<16xf32>
              %eq3A_374 = arith.cmpf oeq, %gather3A_366, %eq3A_373 : vector<16xf32>
              tpu.vector_store_idx %arg11[%shift_right_logical3A_369, %and3A_372], %add3A_13 masked %eq3A_374 : memref<32x128xf32, #tpu.memory_space<vmem>>[vector<16xi32>, vector<16xi32>], vector<16xf32>, vector<16xi1>
            }
            %scan3A_166 = arith.constant 16 : i32
            %run_scoped3A = arith.constant 0 : i32
            "tpu.region"() ({
              %run_scoped3A_185 = tpu.sem_alloc : memref<!tpu.dma_semaphore, #tpu.memory_space<semaphore_mem>>
              %dma_start3A = arith.constant 0 : i32
              %dma_start3A_186 = tpu.memref_slice %arg13[%run_scoped3A, %dma_start3A] : memref<2x32xi32, #tpu.memory_space<vmem>> -> memref<1x32xi32, #tpu.memory_space<vmem>>
              %dma_start3A_187 = tpu.memref_squeeze %dma_start3A_186 : memref<1x32xi32, #tpu.memory_space<vmem>> -> memref<32xi32, #tpu.memory_space<vmem>>
              %dma_start3A_188 = arith.constant 0 : i32
              %dma_start3A_189 = arith.constant 0 : i32
              %dma_start3A_190 = tpu.memref_slice %arg16[%dma_start3A_188, %dma_start3A_189] : memref<64x128xf32, #tpu.memory_space<vmem_shared>> -> memref<64x128xf32, #tpu.memory_space<vmem_shared>>
              tpu.enqueue_indirect_dma source(%arg11 : memref<32x128xf32, #tpu.memory_space<vmem>>) target(%dma_start3A_190 : memref<64x128xf32, #tpu.memory_space<vmem_shared>>) offsets(%dma_start3A_187 : memref<32xi32, #tpu.memory_space<vmem>>) semaphore(%run_scoped3A_185 : memref<!tpu.dma_semaphore, #tpu.memory_space<semaphore_mem>>) {add = true}
              %dma_wait3A = arith.constant 0 : i32
              %dma_wait3A_191 = tpu.memref_slice %arg13[%run_scoped3A, %dma_wait3A] : memref<2x32xi32, #tpu.memory_space<vmem>> -> memref<1x32xi32, #tpu.memory_space<vmem>>
              %dma_wait3A_192 = tpu.memref_squeeze %dma_wait3A_191 : memref<1x32xi32, #tpu.memory_space<vmem>> -> memref<32xi32, #tpu.memory_space<vmem>>
              %dma_wait3A_193 = arith.constant 0 : i32
              %dma_wait3A_194 = arith.constant 0 : i32
              %dma_wait3A_195 = tpu.memref_slice %arg16[%dma_wait3A_193, %dma_wait3A_194] : memref<64x128xf32, #tpu.memory_space<vmem_shared>> -> memref<64x128xf32, #tpu.memory_space<vmem_shared>>
              tpu.wait_indirect_dma semaphore(%run_scoped3A_185 : memref<!tpu.dma_semaphore, #tpu.memory_space<semaphore_mem>>) src(%arg11 : memref<32x128xf32, #tpu.memory_space<vmem>>) dst(%dma_wait3A_195 : memref<64x128xf32, #tpu.memory_space<vmem_shared>>)
              tpu.yield
            }) : () -> ()
            %barrier3A_167 = arith.constant 0 : index
            tpu.barrier barrier_id(%barrier3A_167)
            "tpu.region"() ({
              %run_scoped3A_185 = tpu.sem_alloc : memref<!tpu.dma_semaphore, #tpu.memory_space<semaphore_mem>>
              %dma_start3A = arith.constant 0 : i32
              %dma_start3A_186 = arith.constant 0 : i32
              %dma_start3A_187 = tpu.memref_slice %arg16[%dma_start3A, %dma_start3A_186] : memref<64x128xf32, #tpu.memory_space<vmem_shared>> -> memref<32x128xf32, #tpu.memory_space<vmem_shared>>
              %dma_start3A_188 = arith.constant 0 : i32
              %dma_start3A_189 = arith.constant 0 : i32
              %dma_start3A_190 = tpu.memref_slice %arg16[%dma_start3A_188, %dma_start3A_189] : memref<64x128xf32, #tpu.memory_space<vmem_shared>> -> memref<32x128xf32, #tpu.memory_space<vmem_shared>>
              tpu.enqueue_dma source(%dma_start3A_190 : memref<32x128xf32, #tpu.memory_space<vmem_shared>>) target(%arg12 : memref<32x128xf32, #tpu.memory_space<vmem>>) target_semaphore(%run_scoped3A_185 : memref<!tpu.dma_semaphore, #tpu.memory_space<semaphore_mem>>)
              %dma_wait3A = arith.constant 0 : i32
              %dma_wait3A_191 = arith.constant 0 : i32
              %dma_wait3A_192 = tpu.memref_slice %arg16[%dma_wait3A, %dma_wait3A_191] : memref<64x128xf32, #tpu.memory_space<vmem_shared>> -> memref<32x128xf32, #tpu.memory_space<vmem_shared>>
              %dma_wait3A_193 = arith.constant 0 : i32
              %dma_wait3A_194 = arith.constant 0 : i32
              %dma_wait3A_195 = tpu.memref_slice %arg16[%dma_wait3A_193, %dma_wait3A_194] : memref<64x128xf32, #tpu.memory_space<vmem_shared>> -> memref<32x128xf32, #tpu.memory_space<vmem_shared>>
              tpu.wait_dma2 semaphore(%run_scoped3A_185 : memref<!tpu.dma_semaphore, #tpu.memory_space<semaphore_mem>>) src(%dma_wait3A_195 : memref<32x128xf32, #tpu.memory_space<vmem_shared>>) dst(%arg12 : memref<32x128xf32, #tpu.memory_space<vmem>>)
              tpu.yield
            }) : () -> ()
            %mul3A_168 = arith.constant 2 : i32
            %mul3A_169 = arith.muli %mul3A_168, %arg1 : i32
            %add3A_170 = arith.constant 32 : i32
            %add3A_171 = arith.addi %add3A_170, %mul3A_169 : i32
            "tpu.region"() ({
              %run_scoped3A_185 = tpu.sem_alloc : memref<!tpu.dma_semaphore, #tpu.memory_space<semaphore_mem>>
              %dma_start3A = arith.constant 0 : i32
              %dma_start3A_186 = tpu.memref_slice %arg16[%add3A_171, %dma_start3A] : memref<64x128xf32, #tpu.memory_space<vmem_shared>> -> memref<2x128xf32, #tpu.memory_space<vmem_shared>>
              %dma_start3A_187 = arith.constant 0 : i32
              %dma_start3A_188 = tpu.memref_slice %arg16[%add3A_171, %dma_start3A_187] : memref<64x128xf32, #tpu.memory_space<vmem_shared>> -> memref<2x128xf32, #tpu.memory_space<vmem_shared>>
              tpu.enqueue_dma source(%arg14 : memref<2x128xf32, #tpu.memory_space<vmem>>) target(%dma_start3A_188 : memref<2x128xf32, #tpu.memory_space<vmem_shared>>) target_semaphore(%run_scoped3A_185 : memref<!tpu.dma_semaphore, #tpu.memory_space<semaphore_mem>>)
              %dma_wait3A = arith.constant 0 : i32
              %dma_wait3A_189 = tpu.memref_slice %arg16[%add3A_171, %dma_wait3A] : memref<64x128xf32, #tpu.memory_space<vmem_shared>> -> memref<2x128xf32, #tpu.memory_space<vmem_shared>>
              %dma_wait3A_190 = arith.constant 0 : i32
              %dma_wait3A_191 = tpu.memref_slice %arg16[%add3A_171, %dma_wait3A_190] : memref<64x128xf32, #tpu.memory_space<vmem_shared>> -> memref<2x128xf32, #tpu.memory_space<vmem_shared>>
              tpu.wait_dma2 semaphore(%run_scoped3A_185 : memref<!tpu.dma_semaphore, #tpu.memory_space<semaphore_mem>>) src(%arg14 : memref<2x128xf32, #tpu.memory_space<vmem>>) dst(%dma_wait3A_191 : memref<2x128xf32, #tpu.memory_space<vmem_shared>>)
              tpu.yield
            }) : () -> ()
            %add3A_172 = arith.constant 1.000000e+00 : f32
            %add3A_173 = arith.addf %convert_element_type3A_160, %add3A_172 : f32
            %scan3A_174 = arith.constant 0.000000e+00 : f32
            %scan3A_175 = arith.constant 0 : i32
            %scan3A_176 = arith.constant 256 : i32
            %scan3A_177 = arith.addi %scan3A_175, %scan3A_176 : i32
            %scan3A_178 = arith.constant 1 : i32
            %scan3A_179 = scf.for %scan3A_185 = %scan3A_175 to %scan3A_177 step %scan3A_178 iter_args(%scan3A_186 = %scan3A_174) -> (f32)  : i32 {
              %shift_right_arithmetic3A = arith.constant 3 : i32
              %shift_right_arithmetic3A_187 = arith.shrsi %scan3A_185, %shift_right_arithmetic3A : i32
              %and3A = arith.constant 7 : i32
              %and3A_188 = arith.andi %scan3A_185, %and3A : i32
              %mul3A_189 = arith.constant 16 : i32
              %mul3A_190 = arith.muli %and3A_188, %mul3A_189 : i32
              %get3A_191 = arith.index_cast %shift_right_arithmetic3A_187 : i32 to index
              %get3A_192 = arith.index_cast %mul3A_190 : i32 to index
              %get3A_193 = tpu.vector_load %arg12[%get3A_191, %get3A_192] {strides = array<i32>} : memref<32x128xf32, #tpu.memory_space<vmem>>, vector<16xf32>,
              %mul3A_194 = arith.constant 16 : i32
              %mul3A_195 = arith.muli %scan3A_185, %mul3A_194 : i32
              %get3A_196 = arith.index_cast %mul3A_195 : i32 to index
              %get3A_197 = tpu.vector_load %arg10[%get3A_196] {strides = array<i32>} : memref<4096xf32, #tpu.memory_space<vmem>>, vector<16xf32>,
              %gt3A_198 = arith.constant 0.000000e+00 : f32
              %gt3A_199 = vector.broadcast %gt3A_198 : f32 to vector<16xf32>
              %gt3A_200 = arith.cmpf ogt, %get3A_193, %gt3A_199 : vector<16xf32>
              %eq3A_201 = arith.constant 4.096000e+03 : f32
              %eq3A_202 = vector.broadcast %eq3A_201 : f32 to vector<16xf32>
              %eq3A_203 = arith.cmpf oeq, %get3A_197, %eq3A_202 : vector<16xf32>
              %and3A_204 = arith.andi %gt3A_200, %eq3A_203 : vector<16xi1>
              %broadcast_in_dim3A_205 = vector.broadcast %add3A_173 : f32 to vector<16xf32>
              %select_n3A_206 = arith.select %and3A_204, %broadcast_in_dim3A_205, %get3A_197 : vector<16xi1>, vector<16xf32>
              %mul3A_207 = arith.constant 16 : i32
              %mul3A_208 = arith.muli %scan3A_185, %mul3A_207 : i32
              %swap3A_209 = arith.index_cast %mul3A_208 : i32 to index
              %swap3A_210 = tpu.vector_load %arg10[%swap3A_209] {strides = array<i32>} : memref<4096xf32, #tpu.memory_space<vmem>>, vector<16xf32>,
              tpu.vector_store %arg10[%swap3A_209], %select_n3A_206 {strides = array<i32>} : memref<4096xf32, #tpu.memory_space<vmem>>, vector<16xf32>,
              %shift_right_arithmetic3A_211 = arith.constant 3 : i32
              %shift_right_arithmetic3A_212 = arith.shrsi %scan3A_185, %shift_right_arithmetic3A_211 : i32
              %and3A_213 = arith.constant 7 : i32
              %and3A_214 = arith.andi %scan3A_185, %and3A_213 : i32
              %mul3A_215 = arith.constant 16 : i32
              %mul3A_216 = arith.muli %and3A_214, %mul3A_215 : i32
              %swap3A_217 = arith.index_cast %shift_right_arithmetic3A_212 : i32 to index
              %swap3A_218 = arith.index_cast %mul3A_216 : i32 to index
              %swap3A_219 = tpu.vector_load %arg11[%swap3A_217, %swap3A_218] {strides = array<i32>} : memref<32x128xf32, #tpu.memory_space<vmem>>, vector<16xf32>,
              tpu.vector_store %arg11[%swap3A_217, %swap3A_218], %mul3A_3 {strides = array<i32>} : memref<32x128xf32, #tpu.memory_space<vmem>>, vector<16xf32>,
              %jit3A_220 = arith.constant 1.000000e+00 : f32
              %jit3A_221 = arith.constant 0.000000e+00 : f32
              %broadcast_in_dim3A_222 = vector.broadcast %jit3A_220 : f32 to vector<16xf32>
              %broadcast_in_dim3A_223 = vector.broadcast %jit3A_221 : f32 to vector<16xf32>
              %select_n3A_224 = arith.select %and3A_204, %broadcast_in_dim3A_222, %broadcast_in_dim3A_223 : vector<16xi1>, vector<16xf32>
              %reduce_sum3A = arith.constant true
              %reduce_sum3A_225 = vector.broadcast %reduce_sum3A : i1 to vector<16xi1>
              %reduce_sum3A_226 = tpu.scan <sum>, %select_n3A_224 masked %reduce_sum3A_225 : vector<16xf32>, vector<16xi1> -> vector<16xf32>
              %reduce_sum3A_227 = vector.extract %reduce_sum3A_226[15] : f32 from vector<16xf32>
              %add3A_228 = arith.addf %scan3A_186, %reduce_sum3A_227 : f32
              scf.yield %add3A_228 : f32
            }
            %scan3A_180 = arith.constant 256 : i32
            %barrier3A_181 = arith.constant 0 : index
            tpu.barrier barrier_id(%barrier3A_181)
            %swap3A_182 = arith.constant 0 : i32
            %swap3A_183 = arith.index_cast %swap3A_182 : i32 to index
            %swap3A_184 = memref.load %arg17[%swap3A_183] : memref<1xf32, #tpu.memory_space<smem>>
            memref.store %scan3A_179, %arg17[%swap3A_183] : memref<1xf32, #tpu.memory_space<smem>>
          } else {
          }
          %get3A_148 = arith.constant 0 : i32
          %get3A_149 = arith.index_cast %get3A_148 : i32 to index
          %get3A_150 = memref.load %arg17[%get3A_149] : memref<1xf32, #tpu.memory_space<smem>>
          %gt3A_151 = arith.constant 0.000000e+00 : f32
          %gt3A_152 = arith.cmpf ogt, %get3A_150, %gt3A_151 : f32
          %convert_element_type3A_153 = arith.extui %gt3A_152 : i1 to i32
          %cond3A_154 = arith.constant 0 : i32
          %cond3A_155 = arith.cmpi ne, %convert_element_type3A_153, %cond3A_154 : i32
          scf.if %cond3A_155 {
            %mul3A_156 = arith.constant 8 : i32
            %mul3A_157 = arith.muli %scan3A_85, %mul3A_156 : i32
            %add3A_158 = arith.constant 7 : i32
            %add3A_159 = arith.addi %mul3A_157, %add3A_158 : i32
            %convert_element_type3A_160 = arith.sitofp %add3A_159 : i32 to f32
            %scan3A_161 = arith.constant 0 : i32
            %scan3A_162 = arith.constant 0 : i32
            %scan3A_163 = arith.constant 16 : i32
            %scan3A_164 = arith.addi %scan3A_162, %scan3A_163 : i32
            %scan3A_165 = arith.constant 1 : i32
            scf.for %scan3A_185 = %scan3A_162 to %scan3A_164 step %scan3A_165  : i32 {
              %get3A_186 = arith.index_cast %scan3A_185 : i32 to index
              %get3A_187 = arith.constant 0 : index
              %get3A_188 = tpu.vector_load %arg7[%get3A_186, %get3A_187] {strides = array<i32>} : memref<16x128xi32, #tpu.memory_space<vmem>>, vector<16xi32>,
              %get3A_189 = arith.index_cast %scan3A_185 : i32 to index
              %get3A_190 = arith.constant 0 : index
              %get3A_191 = tpu.vector_load %arg8[%get3A_189, %get3A_190] {strides = array<i32>} : memref<16x128xi32, #tpu.memory_space<vmem>>, vector<16xi32>,
              %gather3A = tpu.vector_load_idx %arg10[%get3A_188] : memref<4096xf32, #tpu.memory_space<vmem>>[vector<16xi32>], vector<16xf32>,
              %shift_right_logical3A = arith.constant 7 : i32
              %shift_right_logical3A_192 = vector.broadcast %shift_right_logical3A : i32 to vector<16xi32>
              %shift_right_logical3A_193 = arith.shrui %get3A_191, %shift_right_logical3A_192 : vector<16xi32>
              %and3A = arith.constant 127 : i32
              %and3A_194 = vector.broadcast %and3A : i32 to vector<16xi32>
              %and3A_195 = arith.andi %get3A_191, %and3A_194 : vector<16xi32>
              %eq3A_196 = vector.broadcast %convert_element_type3A_160 : f32 to vector<16xf32>
              %eq3A_197 = arith.cmpf oeq, %gather3A, %eq3A_196 : vector<16xf32>
              tpu.vector_store_idx %arg11[%shift_right_logical3A_193, %and3A_195], %add3A_13 masked %eq3A_197 : memref<32x128xf32, #tpu.memory_space<vmem>>[vector<16xi32>, vector<16xi32>], vector<16xf32>, vector<16xi1>
              %gather3A_198 = tpu.vector_load_idx %arg10[%get3A_191] : memref<4096xf32, #tpu.memory_space<vmem>>[vector<16xi32>], vector<16xf32>,
              %shift_right_logical3A_199 = arith.constant 7 : i32
              %shift_right_logical3A_200 = vector.broadcast %shift_right_logical3A_199 : i32 to vector<16xi32>
              %shift_right_logical3A_201 = arith.shrui %get3A_188, %shift_right_logical3A_200 : vector<16xi32>
              %and3A_202 = arith.constant 127 : i32
              %and3A_203 = vector.broadcast %and3A_202 : i32 to vector<16xi32>
              %and3A_204 = arith.andi %get3A_188, %and3A_203 : vector<16xi32>
              %eq3A_205 = vector.broadcast %convert_element_type3A_160 : f32 to vector<16xf32>
              %eq3A_206 = arith.cmpf oeq, %gather3A_198, %eq3A_205 : vector<16xf32>
              tpu.vector_store_idx %arg11[%shift_right_logical3A_201, %and3A_204], %add3A_13 masked %eq3A_206 : memref<32x128xf32, #tpu.memory_space<vmem>>[vector<16xi32>, vector<16xi32>], vector<16xf32>, vector<16xi1>
              %get3A_207 = arith.index_cast %scan3A_185 : i32 to index
              %get3A_208 = arith.constant 16 : index
              %get3A_209 = tpu.vector_load %arg7[%get3A_207, %get3A_208] {strides = array<i32>} : memref<16x128xi32, #tpu.memory_space<vmem>>, vector<16xi32>,
              %get3A_210 = arith.index_cast %scan3A_185 : i32 to index
              %get3A_211 = arith.constant 16 : index
              %get3A_212 = tpu.vector_load %arg8[%get3A_210, %get3A_211] {strides = array<i32>} : memref<16x128xi32, #tpu.memory_space<vmem>>, vector<16xi32>,
              %gather3A_213 = tpu.vector_load_idx %arg10[%get3A_209] : memref<4096xf32, #tpu.memory_space<vmem>>[vector<16xi32>], vector<16xf32>,
              %shift_right_logical3A_214 = arith.constant 7 : i32
              %shift_right_logical3A_215 = vector.broadcast %shift_right_logical3A_214 : i32 to vector<16xi32>
              %shift_right_logical3A_216 = arith.shrui %get3A_212, %shift_right_logical3A_215 : vector<16xi32>
              %and3A_217 = arith.constant 127 : i32
              %and3A_218 = vector.broadcast %and3A_217 : i32 to vector<16xi32>
              %and3A_219 = arith.andi %get3A_212, %and3A_218 : vector<16xi32>
              %eq3A_220 = vector.broadcast %convert_element_type3A_160 : f32 to vector<16xf32>
              %eq3A_221 = arith.cmpf oeq, %gather3A_213, %eq3A_220 : vector<16xf32>
              tpu.vector_store_idx %arg11[%shift_right_logical3A_216, %and3A_219], %add3A_13 masked %eq3A_221 : memref<32x128xf32, #tpu.memory_space<vmem>>[vector<16xi32>, vector<16xi32>], vector<16xf32>, vector<16xi1>
              %gather3A_222 = tpu.vector_load_idx %arg10[%get3A_212] : memref<4096xf32, #tpu.memory_space<vmem>>[vector<16xi32>], vector<16xf32>,
              %shift_right_logical3A_223 = arith.constant 7 : i32
              %shift_right_logical3A_224 = vector.broadcast %shift_right_logical3A_223 : i32 to vector<16xi32>
              %shift_right_logical3A_225 = arith.shrui %get3A_209, %shift_right_logical3A_224 : vector<16xi32>
              %and3A_226 = arith.constant 127 : i32
              %and3A_227 = vector.broadcast %and3A_226 : i32 to vector<16xi32>
              %and3A_228 = arith.andi %get3A_209, %and3A_227 : vector<16xi32>
              %eq3A_229 = vector.broadcast %convert_element_type3A_160 : f32 to vector<16xf32>
              %eq3A_230 = arith.cmpf oeq, %gather3A_222, %eq3A_229 : vector<16xf32>
              tpu.vector_store_idx %arg11[%shift_right_logical3A_225, %and3A_228], %add3A_13 masked %eq3A_230 : memref<32x128xf32, #tpu.memory_space<vmem>>[vector<16xi32>, vector<16xi32>], vector<16xf32>, vector<16xi1>
              %get3A_231 = arith.index_cast %scan3A_185 : i32 to index
              %get3A_232 = arith.constant 32 : index
              %get3A_233 = tpu.vector_load %arg7[%get3A_231, %get3A_232] {strides = array<i32>} : memref<16x128xi32, #tpu.memory_space<vmem>>, vector<16xi32>,
              %get3A_234 = arith.index_cast %scan3A_185 : i32 to index
              %get3A_235 = arith.constant 32 : index
              %get3A_236 = tpu.vector_load %arg8[%get3A_234, %get3A_235] {strides = array<i32>} : memref<16x128xi32, #tpu.memory_space<vmem>>, vector<16xi32>,
              %gather3A_237 = tpu.vector_load_idx %arg10[%get3A_233] : memref<4096xf32, #tpu.memory_space<vmem>>[vector<16xi32>], vector<16xf32>,
              %shift_right_logical3A_238 = arith.constant 7 : i32
              %shift_right_logical3A_239 = vector.broadcast %shift_right_logical3A_238 : i32 to vector<16xi32>
              %shift_right_logical3A_240 = arith.shrui %get3A_236, %shift_right_logical3A_239 : vector<16xi32>
              %and3A_241 = arith.constant 127 : i32
              %and3A_242 = vector.broadcast %and3A_241 : i32 to vector<16xi32>
              %and3A_243 = arith.andi %get3A_236, %and3A_242 : vector<16xi32>
              %eq3A_244 = vector.broadcast %convert_element_type3A_160 : f32 to vector<16xf32>
              %eq3A_245 = arith.cmpf oeq, %gather3A_237, %eq3A_244 : vector<16xf32>
              tpu.vector_store_idx %arg11[%shift_right_logical3A_240, %and3A_243], %add3A_13 masked %eq3A_245 : memref<32x128xf32, #tpu.memory_space<vmem>>[vector<16xi32>, vector<16xi32>], vector<16xf32>, vector<16xi1>
              %gather3A_246 = tpu.vector_load_idx %arg10[%get3A_236] : memref<4096xf32, #tpu.memory_space<vmem>>[vector<16xi32>], vector<16xf32>,
              %shift_right_logical3A_247 = arith.constant 7 : i32
              %shift_right_logical3A_248 = vector.broadcast %shift_right_logical3A_247 : i32 to vector<16xi32>
              %shift_right_logical3A_249 = arith.shrui %get3A_233, %shift_right_logical3A_248 : vector<16xi32>
              %and3A_250 = arith.constant 127 : i32
              %and3A_251 = vector.broadcast %and3A_250 : i32 to vector<16xi32>
              %and3A_252 = arith.andi %get3A_233, %and3A_251 : vector<16xi32>
              %eq3A_253 = vector.broadcast %convert_element_type3A_160 : f32 to vector<16xf32>
              %eq3A_254 = arith.cmpf oeq, %gather3A_246, %eq3A_253 : vector<16xf32>
              tpu.vector_store_idx %arg11[%shift_right_logical3A_249, %and3A_252], %add3A_13 masked %eq3A_254 : memref<32x128xf32, #tpu.memory_space<vmem>>[vector<16xi32>, vector<16xi32>], vector<16xf32>, vector<16xi1>
              %get3A_255 = arith.index_cast %scan3A_185 : i32 to index
              %get3A_256 = arith.constant 48 : index
              %get3A_257 = tpu.vector_load %arg7[%get3A_255, %get3A_256] {strides = array<i32>} : memref<16x128xi32, #tpu.memory_space<vmem>>, vector<16xi32>,
              %get3A_258 = arith.index_cast %scan3A_185 : i32 to index
              %get3A_259 = arith.constant 48 : index
              %get3A_260 = tpu.vector_load %arg8[%get3A_258, %get3A_259] {strides = array<i32>} : memref<16x128xi32, #tpu.memory_space<vmem>>, vector<16xi32>,
              %gather3A_261 = tpu.vector_load_idx %arg10[%get3A_257] : memref<4096xf32, #tpu.memory_space<vmem>>[vector<16xi32>], vector<16xf32>,
              %shift_right_logical3A_262 = arith.constant 7 : i32
              %shift_right_logical3A_263 = vector.broadcast %shift_right_logical3A_262 : i32 to vector<16xi32>
              %shift_right_logical3A_264 = arith.shrui %get3A_260, %shift_right_logical3A_263 : vector<16xi32>
              %and3A_265 = arith.constant 127 : i32
              %and3A_266 = vector.broadcast %and3A_265 : i32 to vector<16xi32>
              %and3A_267 = arith.andi %get3A_260, %and3A_266 : vector<16xi32>
              %eq3A_268 = vector.broadcast %convert_element_type3A_160 : f32 to vector<16xf32>
              %eq3A_269 = arith.cmpf oeq, %gather3A_261, %eq3A_268 : vector<16xf32>
              tpu.vector_store_idx %arg11[%shift_right_logical3A_264, %and3A_267], %add3A_13 masked %eq3A_269 : memref<32x128xf32, #tpu.memory_space<vmem>>[vector<16xi32>, vector<16xi32>], vector<16xf32>, vector<16xi1>
              %gather3A_270 = tpu.vector_load_idx %arg10[%get3A_260] : memref<4096xf32, #tpu.memory_space<vmem>>[vector<16xi32>], vector<16xf32>,
              %shift_right_logical3A_271 = arith.constant 7 : i32
              %shift_right_logical3A_272 = vector.broadcast %shift_right_logical3A_271 : i32 to vector<16xi32>
              %shift_right_logical3A_273 = arith.shrui %get3A_257, %shift_right_logical3A_272 : vector<16xi32>
              %and3A_274 = arith.constant 127 : i32
              %and3A_275 = vector.broadcast %and3A_274 : i32 to vector<16xi32>
              %and3A_276 = arith.andi %get3A_257, %and3A_275 : vector<16xi32>
              %eq3A_277 = vector.broadcast %convert_element_type3A_160 : f32 to vector<16xf32>
              %eq3A_278 = arith.cmpf oeq, %gather3A_270, %eq3A_277 : vector<16xf32>
              tpu.vector_store_idx %arg11[%shift_right_logical3A_273, %and3A_276], %add3A_13 masked %eq3A_278 : memref<32x128xf32, #tpu.memory_space<vmem>>[vector<16xi32>, vector<16xi32>], vector<16xf32>, vector<16xi1>
              %get3A_279 = arith.index_cast %scan3A_185 : i32 to index
              %get3A_280 = arith.constant 64 : index
              %get3A_281 = tpu.vector_load %arg7[%get3A_279, %get3A_280] {strides = array<i32>} : memref<16x128xi32, #tpu.memory_space<vmem>>, vector<16xi32>,
              %get3A_282 = arith.index_cast %scan3A_185 : i32 to index
              %get3A_283 = arith.constant 64 : index
              %get3A_284 = tpu.vector_load %arg8[%get3A_282, %get3A_283] {strides = array<i32>} : memref<16x128xi32, #tpu.memory_space<vmem>>, vector<16xi32>,
              %gather3A_285 = tpu.vector_load_idx %arg10[%get3A_281] : memref<4096xf32, #tpu.memory_space<vmem>>[vector<16xi32>], vector<16xf32>,
              %shift_right_logical3A_286 = arith.constant 7 : i32
              %shift_right_logical3A_287 = vector.broadcast %shift_right_logical3A_286 : i32 to vector<16xi32>
              %shift_right_logical3A_288 = arith.shrui %get3A_284, %shift_right_logical3A_287 : vector<16xi32>
              %and3A_289 = arith.constant 127 : i32
              %and3A_290 = vector.broadcast %and3A_289 : i32 to vector<16xi32>
              %and3A_291 = arith.andi %get3A_284, %and3A_290 : vector<16xi32>
              %eq3A_292 = vector.broadcast %convert_element_type3A_160 : f32 to vector<16xf32>
              %eq3A_293 = arith.cmpf oeq, %gather3A_285, %eq3A_292 : vector<16xf32>
              tpu.vector_store_idx %arg11[%shift_right_logical3A_288, %and3A_291], %add3A_13 masked %eq3A_293 : memref<32x128xf32, #tpu.memory_space<vmem>>[vector<16xi32>, vector<16xi32>], vector<16xf32>, vector<16xi1>
              %gather3A_294 = tpu.vector_load_idx %arg10[%get3A_284] : memref<4096xf32, #tpu.memory_space<vmem>>[vector<16xi32>], vector<16xf32>,
              %shift_right_logical3A_295 = arith.constant 7 : i32
              %shift_right_logical3A_296 = vector.broadcast %shift_right_logical3A_295 : i32 to vector<16xi32>
              %shift_right_logical3A_297 = arith.shrui %get3A_281, %shift_right_logical3A_296 : vector<16xi32>
              %and3A_298 = arith.constant 127 : i32
              %and3A_299 = vector.broadcast %and3A_298 : i32 to vector<16xi32>
              %and3A_300 = arith.andi %get3A_281, %and3A_299 : vector<16xi32>
              %eq3A_301 = vector.broadcast %convert_element_type3A_160 : f32 to vector<16xf32>
              %eq3A_302 = arith.cmpf oeq, %gather3A_294, %eq3A_301 : vector<16xf32>
              tpu.vector_store_idx %arg11[%shift_right_logical3A_297, %and3A_300], %add3A_13 masked %eq3A_302 : memref<32x128xf32, #tpu.memory_space<vmem>>[vector<16xi32>, vector<16xi32>], vector<16xf32>, vector<16xi1>
              %get3A_303 = arith.index_cast %scan3A_185 : i32 to index
              %get3A_304 = arith.constant 80 : index
              %get3A_305 = tpu.vector_load %arg7[%get3A_303, %get3A_304] {strides = array<i32>} : memref<16x128xi32, #tpu.memory_space<vmem>>, vector<16xi32>,
              %get3A_306 = arith.index_cast %scan3A_185 : i32 to index
              %get3A_307 = arith.constant 80 : index
              %get3A_308 = tpu.vector_load %arg8[%get3A_306, %get3A_307] {strides = array<i32>} : memref<16x128xi32, #tpu.memory_space<vmem>>, vector<16xi32>,
              %gather3A_309 = tpu.vector_load_idx %arg10[%get3A_305] : memref<4096xf32, #tpu.memory_space<vmem>>[vector<16xi32>], vector<16xf32>,
              %shift_right_logical3A_310 = arith.constant 7 : i32
              %shift_right_logical3A_311 = vector.broadcast %shift_right_logical3A_310 : i32 to vector<16xi32>
              %shift_right_logical3A_312 = arith.shrui %get3A_308, %shift_right_logical3A_311 : vector<16xi32>
              %and3A_313 = arith.constant 127 : i32
              %and3A_314 = vector.broadcast %and3A_313 : i32 to vector<16xi32>
              %and3A_315 = arith.andi %get3A_308, %and3A_314 : vector<16xi32>
              %eq3A_316 = vector.broadcast %convert_element_type3A_160 : f32 to vector<16xf32>
              %eq3A_317 = arith.cmpf oeq, %gather3A_309, %eq3A_316 : vector<16xf32>
              tpu.vector_store_idx %arg11[%shift_right_logical3A_312, %and3A_315], %add3A_13 masked %eq3A_317 : memref<32x128xf32, #tpu.memory_space<vmem>>[vector<16xi32>, vector<16xi32>], vector<16xf32>, vector<16xi1>
              %gather3A_318 = tpu.vector_load_idx %arg10[%get3A_308] : memref<4096xf32, #tpu.memory_space<vmem>>[vector<16xi32>], vector<16xf32>,
              %shift_right_logical3A_319 = arith.constant 7 : i32
              %shift_right_logical3A_320 = vector.broadcast %shift_right_logical3A_319 : i32 to vector<16xi32>
              %shift_right_logical3A_321 = arith.shrui %get3A_305, %shift_right_logical3A_320 : vector<16xi32>
              %and3A_322 = arith.constant 127 : i32
              %and3A_323 = vector.broadcast %and3A_322 : i32 to vector<16xi32>
              %and3A_324 = arith.andi %get3A_305, %and3A_323 : vector<16xi32>
              %eq3A_325 = vector.broadcast %convert_element_type3A_160 : f32 to vector<16xf32>
              %eq3A_326 = arith.cmpf oeq, %gather3A_318, %eq3A_325 : vector<16xf32>
              tpu.vector_store_idx %arg11[%shift_right_logical3A_321, %and3A_324], %add3A_13 masked %eq3A_326 : memref<32x128xf32, #tpu.memory_space<vmem>>[vector<16xi32>, vector<16xi32>], vector<16xf32>, vector<16xi1>
              %get3A_327 = arith.index_cast %scan3A_185 : i32 to index
              %get3A_328 = arith.constant 96 : index
              %get3A_329 = tpu.vector_load %arg7[%get3A_327, %get3A_328] {strides = array<i32>} : memref<16x128xi32, #tpu.memory_space<vmem>>, vector<16xi32>,
              %get3A_330 = arith.index_cast %scan3A_185 : i32 to index
              %get3A_331 = arith.constant 96 : index
              %get3A_332 = tpu.vector_load %arg8[%get3A_330, %get3A_331] {strides = array<i32>} : memref<16x128xi32, #tpu.memory_space<vmem>>, vector<16xi32>,
              %gather3A_333 = tpu.vector_load_idx %arg10[%get3A_329] : memref<4096xf32, #tpu.memory_space<vmem>>[vector<16xi32>], vector<16xf32>,
              %shift_right_logical3A_334 = arith.constant 7 : i32
              %shift_right_logical3A_335 = vector.broadcast %shift_right_logical3A_334 : i32 to vector<16xi32>
              %shift_right_logical3A_336 = arith.shrui %get3A_332, %shift_right_logical3A_335 : vector<16xi32>
              %and3A_337 = arith.constant 127 : i32
              %and3A_338 = vector.broadcast %and3A_337 : i32 to vector<16xi32>
              %and3A_339 = arith.andi %get3A_332, %and3A_338 : vector<16xi32>
              %eq3A_340 = vector.broadcast %convert_element_type3A_160 : f32 to vector<16xf32>
              %eq3A_341 = arith.cmpf oeq, %gather3A_333, %eq3A_340 : vector<16xf32>
              tpu.vector_store_idx %arg11[%shift_right_logical3A_336, %and3A_339], %add3A_13 masked %eq3A_341 : memref<32x128xf32, #tpu.memory_space<vmem>>[vector<16xi32>, vector<16xi32>], vector<16xf32>, vector<16xi1>
              %gather3A_342 = tpu.vector_load_idx %arg10[%get3A_332] : memref<4096xf32, #tpu.memory_space<vmem>>[vector<16xi32>], vector<16xf32>,
              %shift_right_logical3A_343 = arith.constant 7 : i32
              %shift_right_logical3A_344 = vector.broadcast %shift_right_logical3A_343 : i32 to vector<16xi32>
              %shift_right_logical3A_345 = arith.shrui %get3A_329, %shift_right_logical3A_344 : vector<16xi32>
              %and3A_346 = arith.constant 127 : i32
              %and3A_347 = vector.broadcast %and3A_346 : i32 to vector<16xi32>
              %and3A_348 = arith.andi %get3A_329, %and3A_347 : vector<16xi32>
              %eq3A_349 = vector.broadcast %convert_element_type3A_160 : f32 to vector<16xf32>
              %eq3A_350 = arith.cmpf oeq, %gather3A_342, %eq3A_349 : vector<16xf32>
              tpu.vector_store_idx %arg11[%shift_right_logical3A_345, %and3A_348], %add3A_13 masked %eq3A_350 : memref<32x128xf32, #tpu.memory_space<vmem>>[vector<16xi32>, vector<16xi32>], vector<16xf32>, vector<16xi1>
              %get3A_351 = arith.index_cast %scan3A_185 : i32 to index
              %get3A_352 = arith.constant 112 : index
              %get3A_353 = tpu.vector_load %arg7[%get3A_351, %get3A_352] {strides = array<i32>} : memref<16x128xi32, #tpu.memory_space<vmem>>, vector<16xi32>,
              %get3A_354 = arith.index_cast %scan3A_185 : i32 to index
              %get3A_355 = arith.constant 112 : index
              %get3A_356 = tpu.vector_load %arg8[%get3A_354, %get3A_355] {strides = array<i32>} : memref<16x128xi32, #tpu.memory_space<vmem>>, vector<16xi32>,
              %gather3A_357 = tpu.vector_load_idx %arg10[%get3A_353] : memref<4096xf32, #tpu.memory_space<vmem>>[vector<16xi32>], vector<16xf32>,
              %shift_right_logical3A_358 = arith.constant 7 : i32
              %shift_right_logical3A_359 = vector.broadcast %shift_right_logical3A_358 : i32 to vector<16xi32>
              %shift_right_logical3A_360 = arith.shrui %get3A_356, %shift_right_logical3A_359 : vector<16xi32>
              %and3A_361 = arith.constant 127 : i32
              %and3A_362 = vector.broadcast %and3A_361 : i32 to vector<16xi32>
              %and3A_363 = arith.andi %get3A_356, %and3A_362 : vector<16xi32>
              %eq3A_364 = vector.broadcast %convert_element_type3A_160 : f32 to vector<16xf32>
              %eq3A_365 = arith.cmpf oeq, %gather3A_357, %eq3A_364 : vector<16xf32>
              tpu.vector_store_idx %arg11[%shift_right_logical3A_360, %and3A_363], %add3A_13 masked %eq3A_365 : memref<32x128xf32, #tpu.memory_space<vmem>>[vector<16xi32>, vector<16xi32>], vector<16xf32>, vector<16xi1>
              %gather3A_366 = tpu.vector_load_idx %arg10[%get3A_356] : memref<4096xf32, #tpu.memory_space<vmem>>[vector<16xi32>], vector<16xf32>,
              %shift_right_logical3A_367 = arith.constant 7 : i32
              %shift_right_logical3A_368 = vector.broadcast %shift_right_logical3A_367 : i32 to vector<16xi32>
              %shift_right_logical3A_369 = arith.shrui %get3A_353, %shift_right_logical3A_368 : vector<16xi32>
              %and3A_370 = arith.constant 127 : i32
              %and3A_371 = vector.broadcast %and3A_370 : i32 to vector<16xi32>
              %and3A_372 = arith.andi %get3A_353, %and3A_371 : vector<16xi32>
              %eq3A_373 = vector.broadcast %convert_element_type3A_160 : f32 to vector<16xf32>
              %eq3A_374 = arith.cmpf oeq, %gather3A_366, %eq3A_373 : vector<16xf32>
              tpu.vector_store_idx %arg11[%shift_right_logical3A_369, %and3A_372], %add3A_13 masked %eq3A_374 : memref<32x128xf32, #tpu.memory_space<vmem>>[vector<16xi32>, vector<16xi32>], vector<16xf32>, vector<16xi1>
            }
            %scan3A_166 = arith.constant 16 : i32
            %run_scoped3A = arith.constant 1 : i32
            "tpu.region"() ({
              %run_scoped3A_185 = tpu.sem_alloc : memref<!tpu.dma_semaphore, #tpu.memory_space<semaphore_mem>>
              %dma_start3A = arith.constant 0 : i32
              %dma_start3A_186 = tpu.memref_slice %arg13[%run_scoped3A, %dma_start3A] : memref<2x32xi32, #tpu.memory_space<vmem>> -> memref<1x32xi32, #tpu.memory_space<vmem>>
              %dma_start3A_187 = tpu.memref_squeeze %dma_start3A_186 : memref<1x32xi32, #tpu.memory_space<vmem>> -> memref<32xi32, #tpu.memory_space<vmem>>
              %dma_start3A_188 = arith.constant 0 : i32
              %dma_start3A_189 = arith.constant 0 : i32
              %dma_start3A_190 = tpu.memref_slice %arg16[%dma_start3A_188, %dma_start3A_189] : memref<64x128xf32, #tpu.memory_space<vmem_shared>> -> memref<64x128xf32, #tpu.memory_space<vmem_shared>>
              tpu.enqueue_indirect_dma source(%arg11 : memref<32x128xf32, #tpu.memory_space<vmem>>) target(%dma_start3A_190 : memref<64x128xf32, #tpu.memory_space<vmem_shared>>) offsets(%dma_start3A_187 : memref<32xi32, #tpu.memory_space<vmem>>) semaphore(%run_scoped3A_185 : memref<!tpu.dma_semaphore, #tpu.memory_space<semaphore_mem>>) {add = true}
              %dma_wait3A = arith.constant 0 : i32
              %dma_wait3A_191 = tpu.memref_slice %arg13[%run_scoped3A, %dma_wait3A] : memref<2x32xi32, #tpu.memory_space<vmem>> -> memref<1x32xi32, #tpu.memory_space<vmem>>
              %dma_wait3A_192 = tpu.memref_squeeze %dma_wait3A_191 : memref<1x32xi32, #tpu.memory_space<vmem>> -> memref<32xi32, #tpu.memory_space<vmem>>
              %dma_wait3A_193 = arith.constant 0 : i32
              %dma_wait3A_194 = arith.constant 0 : i32
              %dma_wait3A_195 = tpu.memref_slice %arg16[%dma_wait3A_193, %dma_wait3A_194] : memref<64x128xf32, #tpu.memory_space<vmem_shared>> -> memref<64x128xf32, #tpu.memory_space<vmem_shared>>
              tpu.wait_indirect_dma semaphore(%run_scoped3A_185 : memref<!tpu.dma_semaphore, #tpu.memory_space<semaphore_mem>>) src(%arg11 : memref<32x128xf32, #tpu.memory_space<vmem>>) dst(%dma_wait3A_195 : memref<64x128xf32, #tpu.memory_space<vmem_shared>>)
              tpu.yield
            }) : () -> ()
            %barrier3A_167 = arith.constant 0 : index
            tpu.barrier barrier_id(%barrier3A_167)
            "tpu.region"() ({
              %run_scoped3A_185 = tpu.sem_alloc : memref<!tpu.dma_semaphore, #tpu.memory_space<semaphore_mem>>
              %dma_start3A = arith.constant 32 : i32
              %dma_start3A_186 = arith.constant 0 : i32
              %dma_start3A_187 = tpu.memref_slice %arg16[%dma_start3A, %dma_start3A_186] : memref<64x128xf32, #tpu.memory_space<vmem_shared>> -> memref<32x128xf32, #tpu.memory_space<vmem_shared>>
              %dma_start3A_188 = arith.constant 32 : i32
              %dma_start3A_189 = arith.constant 0 : i32
              %dma_start3A_190 = tpu.memref_slice %arg16[%dma_start3A_188, %dma_start3A_189] : memref<64x128xf32, #tpu.memory_space<vmem_shared>> -> memref<32x128xf32, #tpu.memory_space<vmem_shared>>
              tpu.enqueue_dma source(%dma_start3A_190 : memref<32x128xf32, #tpu.memory_space<vmem_shared>>) target(%arg12 : memref<32x128xf32, #tpu.memory_space<vmem>>) target_semaphore(%run_scoped3A_185 : memref<!tpu.dma_semaphore, #tpu.memory_space<semaphore_mem>>)
              %dma_wait3A = arith.constant 32 : i32
              %dma_wait3A_191 = arith.constant 0 : i32
              %dma_wait3A_192 = tpu.memref_slice %arg16[%dma_wait3A, %dma_wait3A_191] : memref<64x128xf32, #tpu.memory_space<vmem_shared>> -> memref<32x128xf32, #tpu.memory_space<vmem_shared>>
              %dma_wait3A_193 = arith.constant 32 : i32
              %dma_wait3A_194 = arith.constant 0 : i32
              %dma_wait3A_195 = tpu.memref_slice %arg16[%dma_wait3A_193, %dma_wait3A_194] : memref<64x128xf32, #tpu.memory_space<vmem_shared>> -> memref<32x128xf32, #tpu.memory_space<vmem_shared>>
              tpu.wait_dma2 semaphore(%run_scoped3A_185 : memref<!tpu.dma_semaphore, #tpu.memory_space<semaphore_mem>>) src(%dma_wait3A_195 : memref<32x128xf32, #tpu.memory_space<vmem_shared>>) dst(%arg12 : memref<32x128xf32, #tpu.memory_space<vmem>>)
              tpu.yield
            }) : () -> ()
            %mul3A_168 = arith.constant 2 : i32
            %mul3A_169 = arith.muli %mul3A_168, %arg1 : i32
            %add3A_170 = arith.constant 0 : i32
            %add3A_171 = arith.addi %add3A_170, %mul3A_169 : i32
            "tpu.region"() ({
              %run_scoped3A_185 = tpu.sem_alloc : memref<!tpu.dma_semaphore, #tpu.memory_space<semaphore_mem>>
              %dma_start3A = arith.constant 0 : i32
              %dma_start3A_186 = tpu.memref_slice %arg16[%add3A_171, %dma_start3A] : memref<64x128xf32, #tpu.memory_space<vmem_shared>> -> memref<2x128xf32, #tpu.memory_space<vmem_shared>>
              %dma_start3A_187 = arith.constant 0 : i32
              %dma_start3A_188 = tpu.memref_slice %arg16[%add3A_171, %dma_start3A_187] : memref<64x128xf32, #tpu.memory_space<vmem_shared>> -> memref<2x128xf32, #tpu.memory_space<vmem_shared>>
              tpu.enqueue_dma source(%arg14 : memref<2x128xf32, #tpu.memory_space<vmem>>) target(%dma_start3A_188 : memref<2x128xf32, #tpu.memory_space<vmem_shared>>) target_semaphore(%run_scoped3A_185 : memref<!tpu.dma_semaphore, #tpu.memory_space<semaphore_mem>>)
              %dma_wait3A = arith.constant 0 : i32
              %dma_wait3A_189 = tpu.memref_slice %arg16[%add3A_171, %dma_wait3A] : memref<64x128xf32, #tpu.memory_space<vmem_shared>> -> memref<2x128xf32, #tpu.memory_space<vmem_shared>>
              %dma_wait3A_190 = arith.constant 0 : i32
              %dma_wait3A_191 = tpu.memref_slice %arg16[%add3A_171, %dma_wait3A_190] : memref<64x128xf32, #tpu.memory_space<vmem_shared>> -> memref<2x128xf32, #tpu.memory_space<vmem_shared>>
              tpu.wait_dma2 semaphore(%run_scoped3A_185 : memref<!tpu.dma_semaphore, #tpu.memory_space<semaphore_mem>>) src(%arg14 : memref<2x128xf32, #tpu.memory_space<vmem>>) dst(%dma_wait3A_191 : memref<2x128xf32, #tpu.memory_space<vmem_shared>>)
              tpu.yield
            }) : () -> ()
            %add3A_172 = arith.constant 1.000000e+00 : f32
            %add3A_173 = arith.addf %convert_element_type3A_160, %add3A_172 : f32
            %scan3A_174 = arith.constant 0.000000e+00 : f32
            %scan3A_175 = arith.constant 0 : i32
            %scan3A_176 = arith.constant 256 : i32
            %scan3A_177 = arith.addi %scan3A_175, %scan3A_176 : i32
            %scan3A_178 = arith.constant 1 : i32
            %scan3A_179 = scf.for %scan3A_185 = %scan3A_175 to %scan3A_177 step %scan3A_178 iter_args(%scan3A_186 = %scan3A_174) -> (f32)  : i32 {
              %shift_right_arithmetic3A = arith.constant 3 : i32
              %shift_right_arithmetic3A_187 = arith.shrsi %scan3A_185, %shift_right_arithmetic3A : i32
              %and3A = arith.constant 7 : i32
              %and3A_188 = arith.andi %scan3A_185, %and3A : i32
              %mul3A_189 = arith.constant 16 : i32
              %mul3A_190 = arith.muli %and3A_188, %mul3A_189 : i32
              %get3A_191 = arith.index_cast %shift_right_arithmetic3A_187 : i32 to index
              %get3A_192 = arith.index_cast %mul3A_190 : i32 to index
              %get3A_193 = tpu.vector_load %arg12[%get3A_191, %get3A_192] {strides = array<i32>} : memref<32x128xf32, #tpu.memory_space<vmem>>, vector<16xf32>,
              %mul3A_194 = arith.constant 16 : i32
              %mul3A_195 = arith.muli %scan3A_185, %mul3A_194 : i32
              %get3A_196 = arith.index_cast %mul3A_195 : i32 to index
              %get3A_197 = tpu.vector_load %arg10[%get3A_196] {strides = array<i32>} : memref<4096xf32, #tpu.memory_space<vmem>>, vector<16xf32>,
              %gt3A_198 = arith.constant 0.000000e+00 : f32
              %gt3A_199 = vector.broadcast %gt3A_198 : f32 to vector<16xf32>
              %gt3A_200 = arith.cmpf ogt, %get3A_193, %gt3A_199 : vector<16xf32>
              %eq3A_201 = arith.constant 4.096000e+03 : f32
              %eq3A_202 = vector.broadcast %eq3A_201 : f32 to vector<16xf32>
              %eq3A_203 = arith.cmpf oeq, %get3A_197, %eq3A_202 : vector<16xf32>
              %and3A_204 = arith.andi %gt3A_200, %eq3A_203 : vector<16xi1>
              %broadcast_in_dim3A_205 = vector.broadcast %add3A_173 : f32 to vector<16xf32>
              %select_n3A_206 = arith.select %and3A_204, %broadcast_in_dim3A_205, %get3A_197 : vector<16xi1>, vector<16xf32>
              %mul3A_207 = arith.constant 16 : i32
              %mul3A_208 = arith.muli %scan3A_185, %mul3A_207 : i32
              %swap3A_209 = arith.index_cast %mul3A_208 : i32 to index
              %swap3A_210 = tpu.vector_load %arg10[%swap3A_209] {strides = array<i32>} : memref<4096xf32, #tpu.memory_space<vmem>>, vector<16xf32>,
              tpu.vector_store %arg10[%swap3A_209], %select_n3A_206 {strides = array<i32>} : memref<4096xf32, #tpu.memory_space<vmem>>, vector<16xf32>,
              %shift_right_arithmetic3A_211 = arith.constant 3 : i32
              %shift_right_arithmetic3A_212 = arith.shrsi %scan3A_185, %shift_right_arithmetic3A_211 : i32
              %and3A_213 = arith.constant 7 : i32
              %and3A_214 = arith.andi %scan3A_185, %and3A_213 : i32
              %mul3A_215 = arith.constant 16 : i32
              %mul3A_216 = arith.muli %and3A_214, %mul3A_215 : i32
              %swap3A_217 = arith.index_cast %shift_right_arithmetic3A_212 : i32 to index
              %swap3A_218 = arith.index_cast %mul3A_216 : i32 to index
              %swap3A_219 = tpu.vector_load %arg11[%swap3A_217, %swap3A_218] {strides = array<i32>} : memref<32x128xf32, #tpu.memory_space<vmem>>, vector<16xf32>,
              tpu.vector_store %arg11[%swap3A_217, %swap3A_218], %mul3A_3 {strides = array<i32>} : memref<32x128xf32, #tpu.memory_space<vmem>>, vector<16xf32>,
              %jit3A_220 = arith.constant 1.000000e+00 : f32
              %jit3A_221 = arith.constant 0.000000e+00 : f32
              %broadcast_in_dim3A_222 = vector.broadcast %jit3A_220 : f32 to vector<16xf32>
              %broadcast_in_dim3A_223 = vector.broadcast %jit3A_221 : f32 to vector<16xf32>
              %select_n3A_224 = arith.select %and3A_204, %broadcast_in_dim3A_222, %broadcast_in_dim3A_223 : vector<16xi1>, vector<16xf32>
              %reduce_sum3A = arith.constant true
              %reduce_sum3A_225 = vector.broadcast %reduce_sum3A : i1 to vector<16xi1>
              %reduce_sum3A_226 = tpu.scan <sum>, %select_n3A_224 masked %reduce_sum3A_225 : vector<16xf32>, vector<16xi1> -> vector<16xf32>
              %reduce_sum3A_227 = vector.extract %reduce_sum3A_226[15] : f32 from vector<16xf32>
              %add3A_228 = arith.addf %scan3A_186, %reduce_sum3A_227 : f32
              scf.yield %add3A_228 : f32
            }
            %scan3A_180 = arith.constant 256 : i32
            %barrier3A_181 = arith.constant 0 : index
            tpu.barrier barrier_id(%barrier3A_181)
            %swap3A_182 = arith.constant 0 : i32
            %swap3A_183 = arith.index_cast %swap3A_182 : i32 to index
            %swap3A_184 = memref.load %arg17[%swap3A_183] : memref<1xf32, #tpu.memory_space<smem>>
            memref.store %scan3A_179, %arg17[%swap3A_183] : memref<1xf32, #tpu.memory_space<smem>>
          } else {
          }
        } else {
        }
      }
      %scan3A_80 = arith.constant 512 : i32
      %mul3A_81 = arith.constant 256 : i32
      %mul3A_82 = arith.muli %arg1, %mul3A_81 : i32
      %mul3A_83 = arith.constant 256 : i32
      %mul3A_84 = arith.muli %arg1, %mul3A_83 : i32
      "tpu.region"() ({
        %run_scoped3A = tpu.sem_alloc : memref<!tpu.dma_semaphore, #tpu.memory_space<semaphore_mem>>
        %dma_start3A = tpu.memref_slice %arg10[%mul3A_82] : memref<4096xf32, #tpu.memory_space<vmem>> -> memref<256xf32, #tpu.memory_space<vmem>>
        %dma_start3A_85 = tpu.memref_slice %arg6[%mul3A_84] : memref<4096xf32, #tpu.memory_space<hbm>> -> memref<256xf32, #tpu.memory_space<hbm>>
        %dma_start3A_86 = tpu.memref_slice %arg6[%mul3A_84] : memref<4096xf32, #tpu.memory_space<hbm>> -> memref<256xf32, #tpu.memory_space<hbm>>
        %dma_start3A_87 = tpu.memref_slice %arg10[%mul3A_82] : memref<4096xf32, #tpu.memory_space<vmem>> -> memref<256xf32, #tpu.memory_space<vmem>>
        tpu.enqueue_dma source(%dma_start3A_87 : memref<256xf32, #tpu.memory_space<vmem>>) target(%dma_start3A_86 : memref<256xf32, #tpu.memory_space<hbm>>) target_semaphore(%run_scoped3A : memref<!tpu.dma_semaphore, #tpu.memory_space<semaphore_mem>>)
        %dma_wait3A = tpu.memref_slice %arg10[%mul3A_82] : memref<4096xf32, #tpu.memory_space<vmem>> -> memref<256xf32, #tpu.memory_space<vmem>>
        %dma_wait3A_88 = tpu.memref_slice %arg6[%mul3A_84] : memref<4096xf32, #tpu.memory_space<hbm>> -> memref<256xf32, #tpu.memory_space<hbm>>
        %dma_wait3A_89 = tpu.memref_slice %arg6[%mul3A_84] : memref<4096xf32, #tpu.memory_space<hbm>> -> memref<256xf32, #tpu.memory_space<hbm>>
        %dma_wait3A_90 = tpu.memref_slice %arg10[%mul3A_82] : memref<4096xf32, #tpu.memory_space<vmem>> -> memref<256xf32, #tpu.memory_space<vmem>>
        tpu.wait_dma2 semaphore(%run_scoped3A : memref<!tpu.dma_semaphore, #tpu.memory_space<semaphore_mem>>) src(%dma_wait3A_90 : memref<256xf32, #tpu.memory_space<vmem>>) dst(%dma_wait3A_89 : memref<256xf32, #tpu.memory_space<hbm>>)
        tpu.yield
      }) : () -> ()
    } else {
    }
    return
  }
}

</mosaic_0001>

<sc_bundles>
// kernel: _sc_call.3.cloned.1.call-start
scs
__scs_entry_jumppad:
0x0: {  	(pc) =	sbr.rel $0x88, $3  }
0x1: {  	(tag) =	ssettag $0x0;
	lr =	simm.s32 $0x1  }
0x2: {  	[smem:$0x3F9E] =	sst lr;
	_ =	strace $0xD0000000  }
0x3: {  	_ = 	snop  }
0x4: {  	_ = 	snop  }
0x5: {  	_ = 	snop  }
0x6: {  	_ = 	snop  }
0x7: {  	_ = 	snop  }
__scs_overlays_trampoline_lowered:
0x8: {  	[smem:$0x3FAD] =	sst s0  }
0x9: {  	[smem:$0x3FAE] =	sst s1  }
0xa: {  	[smem:$0x3FAF] =	sst s2  }
0xb: {  	[smem:$0x3FB0] =	sst s3  }
0xc: {  	[smem:$0x3FB1] =	sst s4  }
0xd: {  	[smem:$0x3FB2] =	sst s5  }
0xe: {  	[smem:$0x3FB3] =	sst s6  }
0xf: {  	[smem:$0x3FB4] =	sst s7  }
0x10: {  	[smem:$0x3FB5] =	sst s8  }
0x11: {  	[smem:$0x3FB6] =	sst s9;
	s0 =	simm.s32 @!p0 $0x0  }
0x12: {  	s1 =	sld [smem:$0x3F9C];
	s0 =	simm.s32 @p0 $0x1  }
0x13: {  	[smem:$0x3FB7] =	sst s0;
	s0 =	simm.s32 @!p1 $0x0  }
0x14: {  	s2 =	sld [smem:$0x3F9B];
	s0 =	simm.s32 @p1 $0x1  }
0x15: {  	[smem:$0x3FB8] =	sst s0;
	s0 =	simm.s32 @!p2 $0x0  }
0x16: {  	s3 =	sld [smem:$0x3FDB];
	s0 =	simm.s32 @p2 $0x1  }
0x17: {  	s4 =	simm.s32 $0x1BF5;
	[smem:$0x3FBA] =	sst s0  }
0x18: {  	s0 =	sld [smem:$0x3F9D];
	_ =	swait.ge [sflag:s4], $0x0  }
0x19: {  	s7 =	sld [smem:$0x3F9E]  }
0x1a: {  	s8 =	sadd.s32 $0xFFFFE003, lr  }
0x1b: {  	s9 =	sadd.s32 $0xFFFFFEF7, lr;
	s5 =	simm.s32 $0xFFFFFFFF;
	p2 =	slt.u32 s8, $0xFFFFF086  }
0x1c: {  	p1 =	slt.u32 s9, $0xF7A;
	s5 =	simm.s32 @!p2 $0x0  }
0x1d: {  	s5 =	simm.s32 @p1 $0x1;
	p0 =	seq.s32 s7, s2  }
0x1e: {  	s7 =	smul.u32 @!p0 $0xF7A, s2;
	p2 =	seq.s32 @!p0 s5, $0x0  }
0x1f: {  	s9 =	smul.u32 $0xF7A, s1;
	s8 =	simm.s32 @!p0 $0x1BF5;
	p2 =	por !p2, p0  }
0x20: {  	[sflag:s8] =	ssyncset.s32 @!p0 $0xFFFFF086;
	s6 =	sadd.s32 @!p0 s3, s7;
	s7 =	simm.s32 @!p0 $0x108  }
0x21: {  	s3 =	sadd.s32 s3, s9;
	s6 =	sadd.s32 @!p0 $0x88, s6;
	s7 =	simm.s32 @p2 $0x1082  }
0x22: {  	[simem:s7], [sflag:s8] =	dma.local @!p0 [hbm:s6], $0xF7A  }
0x23: {  	s9 =	sor.u32 $0xD0000000, s2;
	s6 =	simm.s32 $0x108;
	_ =	swait.ge @!p0 [sflag:s8], $0x0  }
0x24: {  	s3 =	sadd.s32 $0x88, s3;
	s6 =	simm.s32 @!p1 $0x1082;
	[sflag:s4] =	ssyncset.s32 $0xFFFFF086  }
0x25: {  	[simem:s6], [sflag:s4] =	dma.local [hbm:s3], $0xF7A  }
0x26: {  	[smem:$0x3F9E] =	sst s1;
	(tag) =	ssettag s2;
	_ =	strace s9  }
0x27: {  	s1 =	sld [smem:$0x3FAE]  }
0x28: {  	s2 =	sld [smem:$0x3FAF]  }
0x29: {  	s4 =	sld [smem:$0x3FB1]  }
0x2a: {  	p0 =	seq.s32 s5, $0x0;
	s5 =	sld [smem:$0x3FB2]  }
0x2b: {  	s6 =	sld [smem:$0x3FB3]  }
0x2c: {  	s7 =	sld [smem:$0x3FB4]  }
0x2d: {  	s3 =	simm.s32 $0x108;
	s8 =	sld [smem:$0x3FB5]  }
0x2e: {  	s3 =	simm.s32 @!p0 $0x1082;
	s9 =	sld [smem:$0x3FB6]  }
0x2f: {  	lr =	sadd.s32 s0, s3;
	s0 =	sld [smem:$0x3FAD]  }
0x30: {  	s3 =	sld [smem:$0x3FB0]  }
0x31: {  	[smem:$0x3FB9] =	sst s10  }
0x32: {  	s10 =	sld [smem:$0x3FB7];
	_ =	sdelay $0x3  }
0x33: {  	p0 =	seq.s32 s10, $0x1;
	s10 =	sld [smem:$0x3FB9];
	_ =	sdelay $0x3  }
0x34: {  	[smem:$0x3FB9] =	sst s10  }
0x35: {  	s10 =	sld [smem:$0x3FB8];
	_ =	sdelay $0x3  }
0x36: {  	p1 =	seq.s32 s10, $0x1;
	s10 =	sld [smem:$0x3FB9];
	_ =	sdelay $0x3  }
0x37: {  	[smem:$0x3FB9] =	sst s10  }
0x38: {  	s10 =	sld [smem:$0x3FBA]  }
0x39: {  	_ = 	snop;
	(pc) =	sbr.ind lr, $3  }
0x3a: {  	_ = 	snop  }
0x3b: {  	_ = 	snop  }
0x3c: {  	p2 =	seq.s32 s10, $0x1;
	s10 =	sld [smem:$0x3FB9]  }
0x3d: {  	_ =	shalt  }
0x3e: {  	_ =	shalt  }
0x3f: {  	_ =	shalt  }
0x40: {  	_ =	shalt  }
0x41: {  	_ =	shalt  }
0x42: {  	_ =	shalt  }
0x43: {  	_ =	shalt  }
0x44: {  	_ =	shalt  }
0x45: {  	_ =	shalt  }
0x46: {  	_ =	shalt  }
0x47: {  	_ =	shalt  }
0x48: {  	_ =	shalt  }
0x49: {  	_ =	shalt  }
0x4a: {  	_ =	shalt  }
0x4b: {  	_ =	shalt  }
0x4c: {  	_ =	shalt  }
0x4d: {  	_ =	shalt  }
0x4e: {  	_ =	shalt  }
0x4f: {  	_ =	shalt  }
0x50: {  	_ =	shalt  }
0x51: {  	_ =	shalt  }
0x52: {  	_ =	shalt  }
0x53: {  	_ =	shalt  }
0x54: {  	_ =	shalt  }
0x55: {  	_ =	shalt  }
0x56: {  	_ =	shalt  }
0x57: {  	_ =	shalt  }
0x58: {  	_ =	shalt  }
0x59: {  	_ =	shalt  }
0x5a: {  	_ =	shalt  }
0x5b: {  	_ =	shalt  }
0x5c: {  	_ =	shalt  }
0x5d: {  	_ =	shalt  }
0x5e: {  	_ =	shalt  }
0x5f: {  	_ =	shalt  }
0x60: {  	_ =	shalt  }
0x61: {  	_ =	shalt  }
0x62: {  	_ =	shalt  }
0x63: {  	_ =	shalt  }
0x64: {  	_ =	shalt  }
0x65: {  	_ =	shalt  }
0x66: {  	_ =	shalt  }
0x67: {  	_ =	shalt  }
0x68: {  	_ =	shalt  }
0x69: {  	_ =	shalt  }
0x6a: {  	_ =	shalt  }
0x6b: {  	_ =	shalt  }
0x6c: {  	_ =	shalt  }
0x6d: {  	_ =	shalt  }
0x6e: {  	_ =	shalt  }
0x6f: {  	_ =	shalt  }
0x70: {  	_ =	shalt  }
0x71: {  	_ =	shalt  }
0x72: {  	_ =	shalt  }
0x73: {  	_ =	shalt  }
0x74: {  	_ =	shalt  }
0x75: {  	_ =	shalt  }
0x76: {  	_ =	shalt  }
0x77: {  	_ =	shalt  }
0x78: {  	_ =	shalt  }
0x79: {  	_ =	shalt  }
0x7a: {  	_ =	shalt  }
0x7b: {  	_ =	shalt  }
0x7c: {  	_ =	shalt  }
0x7d: {  	_ =	shalt  }
0x7e: {  	_ =	shalt  }
0x7f: {  	_ =	shalt  }
0x80: {  	_ =	shalt  }
0x81: {  	_ =	shalt  }
0x82: {  	_ =	shalt  }
0x83: {  	_ =	shalt  }
0x84: {  	_ =	shalt  }
0x85: {  	_ =	shalt  }
0x86: {  	_ =	shalt  }
0x87: {  	_ =	shalt  }
.Lfunc_end0:
.L_simem_size_0:
called_computation_lowered:
.L_overlay_start_0:
0x88: {  	s2 =	sld [smem:$0x3FD9]  }
0x89: {  	s3 =	sld [smem:$0x3FFE];
	_ =	sdelay $0x1  }
0x8a: {  	s1 =	srdreg.scid  }
0x8b: {  	s0 =	sand.u32 $0x1, s1  }
0x8c: {  	s15 =	sshll.u32 s0, $0xA;
	s2 =	sadd.s32 s3, s2  }
0x8d: {  	s2 =	sadd.s32 s2, s15  }
0x8e: {  	[smem:$0x3FC5] =	sst s2  }
0x8f: {  	_ = 	snop  }
0x90: {  	s2 =	sld [smem:$0x3FD0]  }
0x91: {  	s16 =	sld [smem:$0x3FC9]  }
0x92: {  	s4 =	sld [smem:$0x3FC8]  }
0x93: {  	s6 =	simm.s32 $0xA;
	s7 =	simm.s32 $0x10;
	s5 =	sld [smem:$0x3FC7]  }
0x94: {  	[smem:s7], [sflag:s6] =	dma.local [hbm:s2], $0x1  }
0x95: {  	_ =	swait.eq [sflag:s6], $0x1  }
0x96: {  	[sflag:s6] =	ssyncset.done $0x0  }
0x97: {  	s17 =	sld [smem:$0x10];
	[sflag:s6] =	ssyncadd.s32 $0xFFFFFFFF  }
0x98: {  	s18 =	sld [smem:$0x11];
	(tm) =	ssettm $0x1  }
0x99: {  	s19 =	sld [smem:$0x3FFB];
	_ =	sdelay $0x3  }
0x9a: {  	_ =	strace s19  }
0x9b: {  	s7 =	sld [smem:$0x3FFC];
	_ =	sdelay $0x3  }
0x9c: {  	_ =	strace s7  }
0x9d: {  	s7 =	sld [smem:$0x3FFD];
	_ =	sdelay $0x3  }
0x9e: {  	_ =	strace s7  }
0x9f: {  	_ =	strace $0x8FFFFFFF  }
0xa0: {  	s20 =	sld [smem:$0x3FDB];
	_ =	sdelay $0x1  }
0xa1: {  	s8 =	simm.s32 $_scs_section_size  }
0xa2: {  	s9 =	simm.s32 $_size__tile_overlayer_lowered;
	s10 =	simm.s32 $_tile_overlayer_lowered  }
0xa3: {  	s23 =	simm.s32 $0x1BFF;
	s22 =	sshll.u32 s10, $0x1;
	s7 =	sadd.s32 s8, s20  }
0xa4: {  	s11 =	simm.s32 $0x0;
	s21 =	sshll.u32 s9, $0x1;
	s9 =	sadd.s32 s22, s7  }
0xa5: {  	[timem:s11], [sflag:s23] =	dma.local [hbm:s9], s21  }
0xa6: {  	_ =	swait.ge [sflag:s23], s21  }
0xa7: {  	s8 =	ssub.s32 $0x0, s21;
	[sflag:s23] =	ssyncset.done $0x0  }
0xa8: {  	[sflag:s23] =	ssyncadd.s32 s8;
	_ =	sdelay $0x1  }
0xa9: {  	s24 =	simm.s32 $0x1B8B  }
0xaa: {  	_ =	swait.ge [sflag:s24], $0x1  }
0xab: {  	[sflag:s24] =	ssyncset.done $0x0  }
0xac: {  	s25 =	simm.s32 $0x1B8E;
	[sflag:s24] =	ssyncadd.s32 $0xFFFFFFFF  }
0xad: {  	s26 =	simm.s32 $execute0_lowered;
	[smem:$0x3FD2] =	sst s25  }
0xae: {  	s8 =	sshll.u32 s26, $0x1;
	_ =	strace $0x80000046;
	[dreg:$0x1] =	wrdreg $0xFFFFFFFF  }
0xaf: {  	s28 =	simm.s32 $_size_execute0_lowered;
	s7 =	sadd.s32 s7, s8;
	[dreg:$0x0] =	wrdreg $0x0  }
0xb0: {  	s8 =	sshll.u32 s28, $0x1;
	[dreg:$0x2] =	wrdreg s7  }
0xb1: {  	[dreg:$0x3] =	wrdreg s8  }
0xb2: {  	[dreg:$0x4] =	wrdreg $0xC0  }
0xb3: {  	_ =	task [dreg:s11], $0x5FFFF  }
0xb4: {  	[dreg:$0x1] =	wrdreg $0xFFFFFFFF  }
0xb5: {  	[dreg:$0x0] =	wrdreg $0x60  }
0xb6: {  	[dreg:$0x2] =	wrdreg s16  }
0xb7: {  	[dreg:$0x3] =	wrdreg s4  }
0xb8: {  	[dreg:$0x4] =	wrdreg s5  }
0xb9: {  	[dreg:$0x5] =	wrdreg s17  }
0xba: {  	[dreg:$0x6] =	wrdreg s18  }
0xbb: {  	[dreg:$0x7] =	wrdreg $0xC2000  }
0xbc: {  	[dreg:$0x8] =	wrdreg $0x142000  }
0xbd: {  	[dreg:$0x9] =	wrdreg $0x9  }
0xbe: {  	_ =	task.clear_ibuf [dreg:s11], $0xAFFFF;
	_ =	strace $0x90000046  }
0xbf: {  	s29 =	simm.s32 $0x9;
	_ =	strace $0x80000048  }
0xc0: {  	_ =	swait.ge [sflag:s29], $0x1  }
0xc1: {  	[sflag:s29] =	ssyncadd.s32 $0xFFFFFFFF  }
0xc2: {  	_ =	strace $0x90000048  }
0xc3: {  	_ =	sfence  }
0xc4: {  	s30 =	sld [smem:$0x0];
	_ =	sdelay $0x2  }
0xc5: {  	s31 =	sshll.u32 s1, $0xD;
	s1 =	sshrl.u32 s1, $0x2  }
0xc6: {  	s3 =	sand.u32 $0x4000, s31;
	s1 =	sadd.s32 s1, s30  }
0xc7: {  	s0 =	sor.u32 s3, s0;
	s1 =	sshll.u32 s1, $0x11  }
0xc8: {  	s0 =	sor.u32 s1, s0  }
0xc9: {  	s0 =	sadd.s32 $0x8F2B, s0  }
0xca: {  	[sflag:s0] =	ssyncadd.remote.s32 $0x1  }
0xcb: {  	_ =	sfence.sel $0xFFFF  }
0xcc: {  	[dreg:$0x0] =	wrdreg $0xFFFFFFFF;
	(pc) =	sbr.abs _section_cstart, $3  }
0xcd: {  	[dreg:$0x1] =	wrdreg $0xFFFFFFFF  }
0xce: {  	_ =	task.clear_ibuf [dreg:s11], $0x2FFFF;
	_ =	strace $0x9FFFFFFF  }
0xcf: {  	(tm) =	ssettm $0x7FFFFFFF  }
tec
execute0_lowered:
.L_overlay_start_1:
0x0: {  	(tag) =	ssettag $0x1  }
0x1: {  	s0 =	rddreg [dreg:$0x0]  }
0x2: {  	s1 =	rddreg [dreg:$0x1]  }
0x3: {  	s4 =	rddreg [dreg:$0x2]  }
0x4: {  	s6 =	rddreg [dreg:$0x3]  }
0x5: {  	s11 =	rddreg [dreg:$0x4]  }
0x6: {  	s2 =	rddreg [dreg:$0x5]  }
0x7: {  	s3 =	rddreg [dreg:$0x6]  }
0x8: {  	s7 =	srdreg.scid;
	s5 =	simm.s32 $0x0;
	s12 =	stileid.u32  }
0x9: {  	s17 =	simm.s32 $0x2;
	s19 =	simm.s32 $0x1000;
	s20 =	simm.s32 $0x80  }
0xa: {  	s21 =	simm.s32 $0x1;
	s22 =	simm.s32 $0x5000;
	s28 =	simm.s32 $0x9000  }
0xb: {  	s29 =	simm.s32 $0xA000;
	s30 =	simm.s32 $0x20;
	s31 =	simm.s32 $0xC000  }
0xc: {  	s9 =	sand.u32 $0x1, s7;
	[smem:$0x7FF] =	sst s5;
	s13 =	sshll.u32 s12, $0x8  }
0xd: {  	s10 =	sadd.s32 $0x1000, s3;
	s23 =	sshll.u32 s12, $0x5;
	s24 =	sshll.u32 s12, $0xF  }
0xe: {  	s25 =	sshll.u32 s12, $0xC;
	s7 =	ssub.s32 $0x2, s9;
	_ =	strace $0x80000047  }
0xf: {  	s15 =	sadd.s32 s4, s13;
	p0 =	seq.s32 s9, $0x1;
	s26 =	sor.u32 $0x9000, s13  }
0x10: {  	s4 =	sadd.s32 s24, s2;
	s24 =	simm.s32 $0x0;
	[dreg:$0xc] =	wrdreg s26  }
0x11: {  	s8 =	sshrl.u32 s7, $0x1;
	[dreg:$0xb] =	wrdreg s4;
	s4 =	sadd.s32 $0x4000, s4  }
0x12: {  	[dreg:$0x9] =	wrdreg s15;
	s14 =	ssub.s32 s7, s8;
	s8 =	sadd.s32 s1, s13  }
.Ltmp0:
0x13: {  	s1 =	sadd.s32 s11, s23;
	[dreg:$0xd] =	wrdreg s4;
	(pc) =	sbr.rel .LBB2_1-.Ltmp0, $4  }
0x14: {  	s7 =	sadd.s32 s13, s3;
	s13 =	simm.s32 $0x800;
	[dreg:$0xa] =	wrdreg s1  }
0x15: {  	v0 =	vimm.f32 $4.096000000e+03;
	vm0 =	vcmask $0x300;
	v1 =	vlaneseq.u32;
	s23 =	simm.s32 $0xC080;
	s1 =	sadd.s32 s6, s25;
	[dreg:$0x8] =	wrdreg s8  }
0x16: {  	v2 =	vimm.f32 $0.0e+00;
	v7 =	vimm.f32 $1.000000000e+00;
	v3 =	vsel vm0, $0x0, v0;
	s9 =	sadd.s32 $0x1000, s7;
	s12 =	smax.u32 s14, $0x1;
	[dreg:$0xe] =	wrdreg s1  }
0x17: {  	v4 =	vor.u32 $0x10, v1;
	v5 =	vor.u32 $0x20, v1;
	v6 =	vor.u32 $0x30, v1;
	s25 =	simm.s32 $0xC100;
	s1 =	simm.s32 $0xB000;
	[dreg:$0xf] =	wrdreg s12  }
.LBB2_47:
0x18: {  	s4 =	rddreg [dreg:$0xa]  }
0x19: {  	s6 =	rddreg [dreg:$0xc]  }
0x1a: {  	[hbm4b:s4+s5] =	stream.linear.scatter [tilespmem:s6], [sflag:$0x2], $0x100, $0x38;
	[tilespmem:$0x14400] =	vst v63  }
0x1b: {  	_ =	swait.ge [sflag:s17], $0x100  }
0x1c: {  	s8 =	rddreg [dreg:$0x8]  }
0x1d: {  	[sflag:s17] =	ssyncset.done $0x0;
	s15 =	rddreg [dreg:$0x9]  }
0x1e: {  	s13 =	simm.s32 $0x800;
	s12 =	rddreg [dreg:$0xf];
	[sflag:s17] =	ssyncadd.s32 $0xFFFFFF00  }
.LBB2_48:
0x1f: {  	s24 =	sadd.s32 $0x1, s24  }
0x20: {  	p1 =	sne.s32 s24, s12  }
.Ltmp1:
0x21: {  	_ = 	snop;
	(pc) =	sbr.rel @!p1 .LBB2_49-.Ltmp1, $1  }
0x22: {  	_ =	sdelay $0x3  }
.LBB2_1:
0x23: {  	[tilespmem:s5], [sflag:$0x2] =	stream.linear.gather [hbm4b:s8+s5], $0x800, $0x38;
	[tilespmem:$0x14400] =	vst v63  }
0x24: {  	_ =	swait.ge [sflag:s17], $0x800  }
0x25: {  	[sflag:s17] =	ssyncset.done $0x0  }
.Ltmp2:
0x26: {  	[sflag:s17] =	ssyncadd.s32 $0xFFFFF800;
	(pc) =	sbr.rel @!p0 .LBB2_5-.Ltmp2, $4  }
0x27: {  	[tilespmem:s13], [sflag:$0x2] =	stream.linear.gather [hbm4b:s15+s5], $0x800, $0x38;
	[tilespmem:$0x14400] =	vst v63  }
0x28: {  	_ =	swait.ge [sflag:s17], $0x800  }
0x29: {  	[sflag:s17] =	ssyncset.done $0x0  }
0x2a: {  	[sflag:s17] =	ssyncadd.s32 $0xFFFFF800  }
0x2b: {  	s4 =	simm.s32 $0x10;
	s6 =	sand.u32 $0x3FF0, s5  }
.LBB2_3:
0x2c: {  	p1 =	sne.s32 s4, $0x3FF0;
	[tilespmem:s6+$0x1000] =	vst v2;
	s6 =	smov.u32 s4;
	s4 =	sadd.s32 $0x10, s4  }
.Ltmp3:
0x2d: {  	(pc) =	sbr.rel @p1 .LBB2_3-.Ltmp3, $2  }
0x2e: {  	_ =	sdelay $0x2  }
0x2f: {  	s6 =	sand.u32 $0x3FF0, s6  }
0x30: {  	[tilespmem:s6+$0x1000] =	vst v2;
	s6 =	rddreg [dreg:$0xb]  }
0x31: {  	[spmem:s6] =	stream.linear.scatter [tilespmem:s19], [sflag:$0x2], $0x4000, $0x38;
	[tilespmem:$0x14400] =	vst v63  }
0x32: {  	_ =	swait.ge [sflag:s17], $0x4000  }
0x33: {  	[sflag:s17] =	ssyncset.done $0x0  }
0x34: {  	s4 =	rddreg [dreg:$0xd];
	[sflag:s17] =	ssyncadd.s32 $0xFFFFC000  }
0x35: {  	[spmem:s4] =	stream.linear.scatter [tilespmem:s19], [sflag:$0x2], $0x4000, $0x38;
	[tilespmem:$0x14400] =	vst v63  }
0x36: {  	_ =	swait.ge [sflag:s17], $0x4000  }
0x37: {  	[sflag:s17] =	ssyncset.done $0x0  }
0x38: {  	[sflag:s17] =	ssyncadd.s32 $0xFFFFC000  }
0x39: {  	[bflag:$0x0] =	sbarrier.arrive $0xFFFF  }
0x3a: {  	[tilespmem:s19], [sflag:$0x1] =	stream.indirect.gather [hbm4b:s0+s20], $0x80, s5, s20, $0xb8;
	[tilespmem:$0x14400] =	vst v63  }
0x3b: {  	_ =	swait.ge [sflag:s21], $0x4000  }
0x3c: {  	[sflag:s21] =	ssyncset.done $0x0  }
0x3d: {  	[sflag:s21] =	ssyncadd.s32 $0xFFFFC000  }
0x3e: {  	[tilespmem:s22], [sflag:$0x1] =	stream.indirect.gather [hbm4b:s0+s20], $0x80, s20, s20, $0xb8;
	[tilespmem:$0x14400] =	vst v63  }
0x3f: {  	_ = 	snop  }
0x40: {  	[spmem:s2] =	stream.indirect.scatter.add.f32 [tilespmem:s19], [sflag:$0x2], $0x80, s13, s20, $0xb8;
	[tilespmem:$0x14400] =	vst v63  }
0x41: {  	_ =	swait.ge [sflag:s17], $0x4000  }
0x42: {  	[sflag:s17] =	ssyncset.done $0x0  }
0x43: {  	[sflag:s17] =	ssyncadd.s32 $0xFFFFC000  }
0x44: {  	_ =	swait.ge [sflag:s21], $0x4000  }
0x45: {  	[sflag:s21] =	ssyncset.done $0x0  }
0x46: {  	s11 =	simm.s32 $0x100;
	[sflag:s21] =	ssyncadd.s32 $0xFFFFC000  }
0x47: {  	[tilespmem:s19], [sflag:$0x1] =	stream.indirect.gather [hbm4b:s0+s20], $0x80, s11, s20, $0xb8;
	[tilespmem:$0x14400] =	vst v63  }
0x48: {  	s14 =	simm.s32 $0x880  }
0x49: {  	[spmem:s2] =	stream.indirect.scatter.add.f32 [tilespmem:s22], [sflag:$0x2], $0x80, s14, s20, $0xb8;
	[tilespmem:$0x14400] =	vst v63  }
0x4a: {  	_ =	swait.ge [sflag:s17], $0x4000  }
0x4b: {  	[sflag:s17] =	ssyncset.done $0x0  }
0x4c: {  	[sflag:s17] =	ssyncadd.s32 $0xFFFFC000  }
0x4d: {  	_ =	swait.ge [sflag:s21], $0x4000  }
0x4e: {  	[sflag:s21] =	ssyncset.done $0x0  }
0x4f: {  	s16 =	simm.s32 $0x180;
	[sflag:s21] =	ssyncadd.s32 $0xFFFFC000  }
0x50: {  	[tilespmem:s22], [sflag:$0x1] =	stream.indirect.gather [hbm4b:s0+s20], $0x80, s16, s20, $0xb8;
	[tilespmem:$0x14400] =	vst v63  }
0x51: {  	s18 =	simm.s32 $0x900  }
0x52: {  	[spmem:s2] =	stream.indirect.scatter.add.f32 [tilespmem:s19], [sflag:$0x2], $0x80, s18, s20, $0xb8;
	[tilespmem:$0x14400] =	vst v63  }
0x53: {  	_ =	swait.ge [sflag:s17], $0x4000  }
0x54: {  	[sflag:s17] =	ssyncset.done $0x0  }
0x55: {  	[sflag:s17] =	ssyncadd.s32 $0xFFFFC000  }
0x56: {  	_ =	swait.ge [sflag:s21], $0x4000  }
0x57: {  	[sflag:s21] =	ssyncset.done $0x0  }
0x58: {  	s26 =	simm.s32 $0x200;
	[sflag:s21] =	ssyncadd.s32 $0xFFFFC000  }
0x59: {  	[tilespmem:s19], [sflag:$0x1] =	stream.indirect.gather [hbm4b:s0+s20], $0x80, s26, s20, $0xb8;
	[tilespmem:$0x14400] =	vst v63  }
0x5a: {  	s11 =	simm.s32 $0x980  }
0x5b: {  	[spmem:s2] =	stream.indirect.scatter.add.f32 [tilespmem:s22], [sflag:$0x2], $0x80, s11, s20, $0xb8;
	[tilespmem:$0x14400] =	vst v63  }
0x5c: {  	_ =	swait.ge [sflag:s17], $0x4000  }
0x5d: {  	[sflag:s17] =	ssyncset.done $0x0  }
0x5e: {  	[sflag:s17] =	ssyncadd.s32 $0xFFFFC000  }
0x5f: {  	_ =	swait.ge [sflag:s21], $0x4000  }
0x60: {  	[sflag:s21] =	ssyncset.done $0x0  }
0x61: {  	s14 =	simm.s32 $0x280;
	[sflag:s21] =	ssyncadd.s32 $0xFFFFC000  }
0x62: {  	[tilespmem:s22], [sflag:$0x1] =	stream.indirect.gather [hbm4b:s0+s20], $0x80, s14, s20, $0xb8;
	[tilespmem:$0x14400] =	vst v63  }
0x63: {  	s16 =	simm.s32 $0xA00  }
0x64: {  	[spmem:s2] =	stream.indirect.scatter.add.f32 [tilespmem:s19], [sflag:$0x2], $0x80, s16, s20, $0xb8;
	[tilespmem:$0x14400] =	vst v63  }
0x65: {  	_ =	swait.ge [sflag:s17], $0x4000  }
0x66: {  	[sflag:s17] =	ssyncset.done $0x0  }
0x67: {  	[sflag:s17] =	ssyncadd.s32 $0xFFFFC000  }
0x68: {  	_ =	swait.ge [sflag:s21], $0x4000  }
0x69: {  	[sflag:s21] =	ssyncset.done $0x0  }
0x6a: {  	s18 =	simm.s32 $0x300;
	[sflag:s21] =	ssyncadd.s32 $0xFFFFC000  }
0x6b: {  	[tilespmem:s19], [sflag:$0x1] =	stream.indirect.gather [hbm4b:s0+s20], $0x80, s18, s20, $0xb8;
	[tilespmem:$0x14400] =	vst v63  }
0x6c: {  	s26 =	simm.s32 $0xA80  }
0x6d: {  	[spmem:s2] =	stream.indirect.scatter.add.f32 [tilespmem:s22], [sflag:$0x2], $0x80, s26, s20, $0xb8;
	[tilespmem:$0x14400] =	vst v63  }
0x6e: {  	_ =	swait.ge [sflag:s17], $0x4000  }
0x6f: {  	[sflag:s17] =	ssyncset.done $0x0  }
0x70: {  	[sflag:s17] =	ssyncadd.s32 $0xFFFFC000  }
0x71: {  	_ =	swait.ge [sflag:s21], $0x4000  }
0x72: {  	[sflag:s21] =	ssyncset.done $0x0  }
0x73: {  	s11 =	simm.s32 $0x380;
	[sflag:s21] =	ssyncadd.s32 $0xFFFFC000  }
0x74: {  	[tilespmem:s22], [sflag:$0x1] =	stream.indirect.gather [hbm4b:s0+s20], $0x80, s11, s20, $0xb8;
	[tilespmem:$0x14400] =	vst v63  }
0x75: {  	s14 =	simm.s32 $0xB00  }
0x76: {  	[spmem:s2] =	stream.indirect.scatter.add.f32 [tilespmem:s19], [sflag:$0x2], $0x80, s14, s20, $0xb8;
	[tilespmem:$0x14400] =	vst v63  }
0x77: {  	_ =	swait.ge [sflag:s17], $0x4000  }
0x78: {  	[sflag:s17] =	ssyncset.done $0x0  }
0x79: {  	[sflag:s17] =	ssyncadd.s32 $0xFFFFC000  }
0x7a: {  	_ =	swait.ge [sflag:s21], $0x4000  }
0x7b: {  	[sflag:s21] =	ssyncset.done $0x0  }
0x7c: {  	s16 =	simm.s32 $0x400;
	[sflag:s21] =	ssyncadd.s32 $0xFFFFC000  }
0x7d: {  	[tilespmem:s19], [sflag:$0x1] =	stream.indirect.gather [hbm4b:s0+s20], $0x80, s16, s20, $0xb8;
	[tilespmem:$0x14400] =	vst v63  }
0x7e: {  	s18 =	simm.s32 $0xB80  }
0x7f: {  	[spmem:s2] =	stream.indirect.scatter.add.f32 [tilespmem:s22], [sflag:$0x2], $0x80, s18, s20, $0xb8;
	[tilespmem:$0x14400] =	vst v63  }
0x80: {  	_ =	swait.ge [sflag:s17], $0x4000  }
0x81: {  	[sflag:s17] =	ssyncset.done $0x0  }
0x82: {  	[sflag:s17] =	ssyncadd.s32 $0xFFFFC000  }
0x83: {  	_ =	swait.ge [sflag:s21], $0x4000  }
0x84: {  	[sflag:s21] =	ssyncset.done $0x0  }
0x85: {  	s26 =	simm.s32 $0x480;
	[sflag:s21] =	ssyncadd.s32 $0xFFFFC000  }
0x86: {  	[tilespmem:s22], [sflag:$0x1] =	stream.indirect.gather [hbm4b:s0+s20], $0x80, s26, s20, $0xb8;
	[tilespmem:$0x14400] =	vst v63  }
0x87: {  	s11 =	simm.s32 $0xC00  }
0x88: {  	[spmem:s2] =	stream.indirect.scatter.add.f32 [tilespmem:s19], [sflag:$0x2], $0x80, s11, s20, $0xb8;
	[tilespmem:$0x14400] =	vst v63  }
0x89: {  	_ =	swait.ge [sflag:s17], $0x4000  }
0x8a: {  	[sflag:s17] =	ssyncset.done $0x0  }
0x8b: {  	[sflag:s17] =	ssyncadd.s32 $0xFFFFC000  }
0x8c: {  	_ =	swait.ge [sflag:s21], $0x4000  }
0x8d: {  	[sflag:s21] =	ssyncset.done $0x0  }
0x8e: {  	s14 =	simm.s32 $0x500;
	[sflag:s21] =	ssyncadd.s32 $0xFFFFC000  }
0x8f: {  	[tilespmem:s19], [sflag:$0x1] =	stream.indirect.gather [hbm4b:s0+s20], $0x80, s14, s20, $0xb8;
	[tilespmem:$0x14400] =	vst v63  }
0x90: {  	s16 =	simm.s32 $0xC80  }
0x91: {  	[spmem:s2] =	stream.indirect.scatter.add.f32 [tilespmem:s22], [sflag:$0x2], $0x80, s16, s20, $0xb8;
	[tilespmem:$0x14400] =	vst v63  }
0x92: {  	_ =	swait.ge [sflag:s17], $0x4000  }
0x93: {  	[sflag:s17] =	ssyncset.done $0x0  }
0x94: {  	[sflag:s17] =	ssyncadd.s32 $0xFFFFC000  }
0x95: {  	_ =	swait.ge [sflag:s21], $0x4000  }
0x96: {  	[sflag:s21] =	ssyncset.done $0x0  }
0x97: {  	s18 =	simm.s32 $0x580;
	[sflag:s21] =	ssyncadd.s32 $0xFFFFC000  }
0x98: {  	[tilespmem:s22], [sflag:$0x1] =	stream.indirect.gather [hbm4b:s0+s20], $0x80, s18, s20, $0xb8;
	[tilespmem:$0x14400] =	vst v63  }
0x99: {  	s26 =	simm.s32 $0xD00  }
0x9a: {  	[spmem:s2] =	stream.indirect.scatter.add.f32 [tilespmem:s19], [sflag:$0x2], $0x80, s26, s20, $0xb8;
	[tilespmem:$0x14400] =	vst v63  }
0x9b: {  	_ =	swait.ge [sflag:s17], $0x4000  }
0x9c: {  	[sflag:s17] =	ssyncset.done $0x0  }
0x9d: {  	[sflag:s17] =	ssyncadd.s32 $0xFFFFC000  }
0x9e: {  	_ =	swait.ge [sflag:s21], $0x4000  }
0x9f: {  	[sflag:s21] =	ssyncset.done $0x0  }
0xa0: {  	s11 =	simm.s32 $0x600;
	[sflag:s21] =	ssyncadd.s32 $0xFFFFC000  }
0xa1: {  	[tilespmem:s19], [sflag:$0x1] =	stream.indirect.gather [hbm4b:s0+s20], $0x80, s11, s20, $0xb8;
	[tilespmem:$0x14400] =	vst v63  }
0xa2: {  	s14 =	simm.s32 $0xD80  }
0xa3: {  	[spmem:s2] =	stream.indirect.scatter.add.f32 [tilespmem:s22], [sflag:$0x2], $0x80, s14, s20, $0xb8;
	[tilespmem:$0x14400] =	vst v63  }
0xa4: {  	_ =	swait.ge [sflag:s17], $0x4000  }
0xa5: {  	[sflag:s17] =	ssyncset.done $0x0  }
0xa6: {  	[sflag:s17] =	ssyncadd.s32 $0xFFFFC000  }
0xa7: {  	_ =	swait.ge [sflag:s21], $0x4000  }
0xa8: {  	[sflag:s21] =	ssyncset.done $0x0  }
0xa9: {  	s16 =	simm.s32 $0x680;
	[sflag:s21] =	ssyncadd.s32 $0xFFFFC000  }
0xaa: {  	[tilespmem:s22], [sflag:$0x1] =	stream.indirect.gather [hbm4b:s0+s20], $0x80, s16, s20, $0xb8;
	[tilespmem:$0x14400] =	vst v63  }
0xab: {  	s18 =	simm.s32 $0xE00  }
0xac: {  	[spmem:s2] =	stream.indirect.scatter.add.f32 [tilespmem:s19], [sflag:$0x2], $0x80, s18, s20, $0xb8;
	[tilespmem:$0x14400] =	vst v63  }
0xad: {  	_ =	swait.ge [sflag:s17], $0x4000  }
0xae: {  	[sflag:s17] =	ssyncset.done $0x0  }
0xaf: {  	[sflag:s17] =	ssyncadd.s32 $0xFFFFC000  }
0xb0: {  	_ =	swait.ge [sflag:s21], $0x4000  }
0xb1: {  	[sflag:s21] =	ssyncset.done $0x0  }
0xb2: {  	s26 =	simm.s32 $0x700;
	[sflag:s21] =	ssyncadd.s32 $0xFFFFC000  }
0xb3: {  	[tilespmem:s19], [sflag:$0x1] =	stream.indirect.gather [hbm4b:s0+s20], $0x80, s26, s20, $0xb8;
	[tilespmem:$0x14400] =	vst v63  }
0xb4: {  	s11 =	simm.s32 $0xE80  }
0xb5: {  	[spmem:s2] =	stream.indirect.scatter.add.f32 [tilespmem:s22], [sflag:$0x2], $0x80, s11, s20, $0xb8;
	[tilespmem:$0x14400] =	vst v63  }
0xb6: {  	_ =	swait.ge [sflag:s17], $0x4000  }
0xb7: {  	[sflag:s17] =	ssyncset.done $0x0  }
0xb8: {  	[sflag:s17] =	ssyncadd.s32 $0xFFFFC000  }
0xb9: {  	_ =	swait.ge [sflag:s21], $0x4000  }
0xba: {  	[sflag:s21] =	ssyncset.done $0x0  }
0xbb: {  	s14 =	simm.s32 $0x780;
	[sflag:s21] =	ssyncadd.s32 $0xFFFFC000  }
0xbc: {  	[tilespmem:s22], [sflag:$0x1] =	stream.indirect.gather [hbm4b:s0+s20], $0x80, s14, s20, $0xb8;
	[tilespmem:$0x14400] =	vst v63  }
0xbd: {  	s16 =	simm.s32 $0xF00  }
0xbe: {  	[spmem:s2] =	stream.indirect.scatter.add.f32 [tilespmem:s19], [sflag:$0x2], $0x80, s16, s20, $0xb8;
	[tilespmem:$0x14400] =	vst v63  }
0xbf: {  	_ =	swait.ge [sflag:s17], $0x4000  }
0xc0: {  	[sflag:s17] =	ssyncset.done $0x0  }
0xc1: {  	[sflag:s17] =	ssyncadd.s32 $0xFFFFC000  }
0xc2: {  	_ =	swait.ge [sflag:s21], $0x4000  }
0xc3: {  	[sflag:s21] =	ssyncset.done $0x0  }
0xc4: {  	s18 =	simm.s32 $0xF80;
	[sflag:s21] =	ssyncadd.s32 $0xFFFFC000  }
0xc5: {  	[spmem:s2] =	stream.indirect.scatter.add.f32 [tilespmem:s22], [sflag:$0x2], $0x80, s18, s20, $0xb8;
	[tilespmem:$0x14400] =	vst v63  }
0xc6: {  	_ =	swait.ge [sflag:s17], $0x4000  }
0xc7: {  	[sflag:s17] =	ssyncset.done $0x0  }
0xc8: {  	s26 =	stileid.u32;
	[sflag:s17] =	ssyncadd.s32 $0xFFFFC000  }
0xc9: {  	s6 =	sshrl.u32 s6, $0x3;
	s4 =	sshll.u32 s26, $0x6;
	[bflag:$0x0] =	sbarrier.arrive $0xFFFF  }
.Ltmp4:
0xca: {  	s4 =	sor.u32 $0x1C02, s4;
	s11 =	rddreg [dreg:$0xe];
	(pc) =	sbr.rel .LBB2_48-.Ltmp4, $4  }
0xcb: {  	[hbm:s11], [sflag:s4] =	dma.local [spmem:s6], $0x1000  }
0xcc: {  	_ =	swait.ge [sflag:s17], $0x1000  }
0xcd: {  	[sflag:s17] =	ssyncset.done $0x0  }
0xce: {  	[sflag:s17] =	ssyncadd.s32 $0xFFFFF000  }
.LBB2_5:
0xcf: {  	s4 =	simm.s32 $0x40;
	s6 =	simm.s32 $0x0  }
.LBB2_6:
0xd0: {  	p1 =	sne.s32 s4, $0x3FC0;
	[tilespmem:s6+$0x9000] =	vst v0;
	s6 =	smov.u32 s4;
	s4 =	sadd.s32 $0x40, s4  }
.Ltmp5:
0xd1: {  	(pc) =	sbr.rel @p1 .LBB2_6-.Ltmp5, $2  }
0xd2: {  	_ =	sdelay $0x2  }
0xd3: {  	s6 =	sshra.s32 s6, $0x2  }
0xd4: {  	[tilespmem:s6+$0x9000] =	vst v0;
	s26 =	simm.s32 $0x0  }
0xd5: {  	s4 =	simm.s32 $0x10;
	[tilespmem:$0x9000] =	vst v3;
	s6 =	sand.u32 $0xFF0, s26  }
.LBB2_8:
0xd6: {  	p1 =	sne.s32 s4, $0xFF0;
	[tilespmem:s6+$0xA000] =	vst v2;
	s6 =	smov.u32 s4;
	s4 =	sadd.s32 $0x10, s4  }
.Ltmp6:
0xd7: {  	(pc) =	sbr.rel @p1 .LBB2_8-.Ltmp6, $2  }
0xd8: {  	_ =	sdelay $0x2  }
0xd9: {  	s6 =	sand.u32 $0xFF0, s6  }
0xda: {  	[tilespmem:s6+$0xA000] =	vst v2  }
0xdb: {  	[tilespmem:$0xC100] =	vst v2  }
0xdc: {  	[tilespmem:$0xC110] =	vst v2  }
0xdd: {  	[tilespmem:$0xC120] =	vst v2  }
0xde: {  	[tilespmem:$0xC130] =	vst v2  }
0xdf: {  	[tilespmem:$0xC140] =	vst v2  }
0xe0: {  	[tilespmem:$0xC150] =	vst v2  }
0xe1: {  	[tilespmem:$0xC160] =	vst v2  }
0xe2: {  	[tilespmem:$0xC170] =	vst v2  }
0xe3: {  	[tilespmem:$0xC180] =	vst v2  }
0xe4: {  	[tilespmem:$0xC190] =	vst v2  }
0xe5: {  	[tilespmem:$0xC1A0] =	vst v2  }
0xe6: {  	[tilespmem:$0xC1B0] =	vst v2  }
0xe7: {  	[tilespmem:$0xC1C0] =	vst v2  }
0xe8: {  	[tilespmem:$0xC1D0] =	vst v2  }
0xe9: {  	[tilespmem:$0xC1E0] =	vst v2  }
0xea: {  	[tilespmem:$0xC1F0] =	vst v2  }
0xeb: {  	[tilespmem:$0xC000] =	vst v1  }
0xec: {  	[tilespmem:$0xC010] =	vst v4  }
0xed: {  	[tilespmem:$0xC080] =	vst v5  }
0xee: {  	[tilespmem:$0xC090] =	vst v6  }
0xef: {  	[spmem:s7] =	stream.linear.scatter [tilespmem:s25], [sflag:$0x2], $0x100, $0x38;
	[tilespmem:$0x14400] =	vst v63  }
0xf0: {  	_ =	swait.ge [sflag:s17], $0x100  }
0xf1: {  	[sflag:s17] =	ssyncset.done $0x0  }
0xf2: {  	[sflag:s17] =	ssyncadd.s32 $0xFFFFFF00  }
0xf3: {  	[spmem:s9] =	stream.linear.scatter [tilespmem:s25], [sflag:$0x2], $0x100, $0x38;
	[tilespmem:$0x14400] =	vst v63  }
0xf4: {  	_ =	swait.ge [sflag:s17], $0x100  }
.Ltmp7:
0xf5: {  	[sflag:s17] =	ssyncset.done $0x0;
	(pc) =	sbr.rel .LBB2_10-.Ltmp7, $4  }
0xf6: {  	s4 =	simm.s32 $0x3F800000;
	[sflag:s17] =	ssyncadd.s32 $0xFFFFFF00  }
0xf7: {  	[smem:$0x0] =	sst s4  }
0xf8: {  	[bflag:$0x0] =	sbarrier.arrive $0xFFFF  }
0xf9: {  	s26 =	simm.s32 $0x0  }
.LBB2_46:
0xfa: {  	s26 =	sadd.s32 $0x1, s26  }
0xfb: {  	p1 =	sne.s32 s26, $0x200  }
.Ltmp8:
0xfc: {  	_ = 	snop;
	(pc) =	sbr.rel @!p1 .LBB2_47-.Ltmp8, $1  }
0xfd: {  	_ =	sdelay $0x3  }
.LBB2_10:
0xfe: {  	s4 =	sld [smem:$0x0];
	_ =	sdelay $0x2  }
0xff: {  	p1 =	sgt.f32 s4, $0.0e+00  }
.Ltmp9:
0x100: {  	_ = 	snop;
	(pc) =	sbr.rel @!p1 .LBB2_46-.Ltmp9, $1  }
0x101: {  	_ =	sdelay $0x3  }
0x102: {  	s4 =	sshll.u32 s26, $0x3  }
0x103: {  	s6 =	scvt.s32.f32 s4;
	_ =	sdelay $0x1  }
0x104: {  	s11 =	simm.s32 $0x0;
	v8 =	vmov s6  }
.LBB2_12:
0x105: {  	s6 =	sshra.s32 s11, $0x2  }
0x106: {  	v9 =	vld [tilespmem:s6+$0x0];
	_ =	sdelay $0x7  }
0x107: {  	v10 =	vld.idx.msk [tilespmem:v9+s28+$0x0], $0xffff;
	_ =	sdelay $0x2  }
0x108: {  	v11 =	vld [tilespmem:s6+$0x800];
	_ =	sdelay $0x1  }
0x109: {  	vm0 =	veq.f32 v10, v8;
	_ =	sdelay $0x5  }
0x10a: {  	[tilespmem:v11+s29+$0x0] =	vst.idx.msk vm0, v7  }
0x10b: {  	v10 =	vld.idx.msk [tilespmem:v11+s28+$0x0], $0xffff;
	_ =	sdelay $0x4  }
0x10c: {  	vm13 =	veq.f32 v10, v8;
	_ =	sdelay $0x5  }
0x10d: {  	[tilespmem:v9+s29+$0x0] =	vst.idx.msk vm13, v7  }
0x10e: {  	v9 =	vld [tilespmem:s6+$0x10];
	_ =	sdelay $0x7  }
0x10f: {  	v10 =	vld.idx.msk [tilespmem:v9+s28+$0x0], $0xffff;
	_ =	sdelay $0x2  }
0x110: {  	v11 =	vld [tilespmem:s6+$0x810];
	_ =	sdelay $0x1  }
0x111: {  	vm14 =	veq.f32 v10, v8;
	_ =	sdelay $0x5  }
0x112: {  	[tilespmem:v11+s29+$0x0] =	vst.idx.msk vm14, v7  }
0x113: {  	v10 =	vld.idx.msk [tilespmem:v11+s28+$0x0], $0xffff;
	_ =	sdelay $0x4  }
0x114: {  	vm15 =	veq.f32 v10, v8;
	_ =	sdelay $0x5  }
0x115: {  	[tilespmem:v9+s29+$0x0] =	vst.idx.msk vm15, v7  }
0x116: {  	v9 =	vld [tilespmem:s6+$0x20];
	_ =	sdelay $0x7  }
0x117: {  	v10 =	vld.idx.msk [tilespmem:v9+s28+$0x0], $0xffff;
	_ =	sdelay $0x2  }
0x118: {  	v11 =	vld [tilespmem:s6+$0x820];
	_ =	sdelay $0x1  }
0x119: {  	vm4 =	veq.f32 v10, v8;
	_ =	sdelay $0x5  }
0x11a: {  	[tilespmem:v11+s29+$0x0] =	vst.idx.msk vm4, v7  }
0x11b: {  	v10 =	vld.idx.msk [tilespmem:v11+s28+$0x0], $0xffff;
	_ =	sdelay $0x4  }
0x11c: {  	vm5 =	veq.f32 v10, v8;
	_ =	sdelay $0x5  }
0x11d: {  	[tilespmem:v9+s29+$0x0] =	vst.idx.msk vm5, v7  }
0x11e: {  	v9 =	vld [tilespmem:s6+$0x30];
	_ =	sdelay $0x7  }
0x11f: {  	v10 =	vld.idx.msk [tilespmem:v9+s28+$0x0], $0xffff;
	_ =	sdelay $0x2  }
0x120: {  	v11 =	vld [tilespmem:s6+$0x830];
	_ =	sdelay $0x1  }
0x121: {  	vm6 =	veq.f32 v10, v8;
	_ =	sdelay $0x5  }
0x122: {  	[tilespmem:v11+s29+$0x0] =	vst.idx.msk vm6, v7  }
0x123: {  	v10 =	vld.idx.msk [tilespmem:v11+s28+$0x0], $0xffff;
	_ =	sdelay $0x4  }
0x124: {  	vm7 =	veq.f32 v10, v8;
	_ =	sdelay $0x5  }
0x125: {  	[tilespmem:v9+s29+$0x0] =	vst.idx.msk vm7, v7  }
0x126: {  	v9 =	vld [tilespmem:s6+$0x40];
	_ =	sdelay $0x7  }
0x127: {  	v10 =	vld.idx.msk [tilespmem:v9+s28+$0x0], $0xffff;
	_ =	sdelay $0x2  }
0x128: {  	v11 =	vld [tilespmem:s6+$0x840];
	_ =	sdelay $0x1  }
0x129: {  	vm8 =	veq.f32 v10, v8;
	_ =	sdelay $0x5  }
0x12a: {  	[tilespmem:v11+s29+$0x0] =	vst.idx.msk vm8, v7  }
0x12b: {  	v10 =	vld.idx.msk [tilespmem:v11+s28+$0x0], $0xffff;
	_ =	sdelay $0x4  }
0x12c: {  	vm9 =	veq.f32 v10, v8;
	_ =	sdelay $0x5  }
0x12d: {  	[tilespmem:v9+s29+$0x0] =	vst.idx.msk vm9, v7  }
0x12e: {  	v9 =	vld [tilespmem:s6+$0x50];
	_ =	sdelay $0x7  }
0x12f: {  	v10 =	vld.idx.msk [tilespmem:v9+s28+$0x0], $0xffff;
	_ =	sdelay $0x2  }
0x130: {  	v11 =	vld [tilespmem:s6+$0x850];
	_ =	sdelay $0x1  }
0x131: {  	vm10 =	veq.f32 v10, v8;
	_ =	sdelay $0x5  }
0x132: {  	[tilespmem:v11+s29+$0x0] =	vst.idx.msk vm10, v7  }
0x133: {  	v10 =	vld.idx.msk [tilespmem:v11+s28+$0x0], $0xffff;
	_ =	sdelay $0x4  }
0x134: {  	vm11 =	veq.f32 v10, v8;
	_ =	sdelay $0x5  }
0x135: {  	[tilespmem:v9+s29+$0x0] =	vst.idx.msk vm11, v7  }
0x136: {  	v9 =	vld [tilespmem:s6+$0x60];
	_ =	sdelay $0x7  }
0x137: {  	v10 =	vld.idx.msk [tilespmem:v9+s28+$0x0], $0xffff;
	_ =	sdelay $0x2  }
0x138: {  	v11 =	vld [tilespmem:s6+$0x860];
	_ =	sdelay $0x1  }
0x139: {  	vm12 =	veq.f32 v10, v8;
	_ =	sdelay $0x5  }
0x13a: {  	[tilespmem:v11+s29+$0x0] =	vst.idx.msk vm12, v7  }
0x13b: {  	v10 =	vld.idx.msk [tilespmem:v11+s28+$0x0], $0xffff;
	_ =	sdelay $0x4  }
0x13c: {  	vm13 =	veq.f32 v10, v8;
	_ =	sdelay $0x5  }
0x13d: {  	[tilespmem:v9+s29+$0x0] =	vst.idx.msk vm13, v7  }
0x13e: {  	v9 =	vld [tilespmem:s6+$0x70];
	_ =	sdelay $0x7  }
0x13f: {  	v10 =	vld.idx.msk [tilespmem:v9+s28+$0x0], $0xffff;
	_ =	sdelay $0x2  }
0x140: {  	v11 =	vld [tilespmem:s6+$0x870];
	_ =	sdelay $0x1  }
0x141: {  	vm14 =	veq.f32 v10, v8;
	_ =	sdelay $0x5  }
0x142: {  	[tilespmem:v11+s29+$0x0] =	vst.idx.msk vm14, v7  }
0x143: {  	v10 =	vld.idx.msk [tilespmem:v11+s28+$0x0], $0xffff;
	_ =	sdelay $0x4  }
0x144: {  	vm15 =	veq.f32 v10, v8  }
0x145: {  	p1 =	sne.s32 s11, $0x1E00  }
.Ltmp10:
0x146: {  	_ = 	snop;
	(pc) =	sbr.rel @p1 .LBB2_12-.Ltmp10, $2  }
0x147: {  	_ =	sdelay $0x2  }
0x148: {  	s11 =	sadd.s32 $0x200, s11;
	[tilespmem:v9+s29+$0x0] =	vst.idx.msk vm15, v7  }
0x149: {  	[spmem:s3] =	stream.indirect.scatter.add.f32 [tilespmem:s29], [sflag:$0x2], $0x80, s31, s30, $0xb8;
	[tilespmem:$0x14400] =	vst v63  }
0x14a: {  	_ =	swait.ge [sflag:s17], $0x1000  }
0x14b: {  	[sflag:s17] =	ssyncset.done $0x0  }
0x14c: {  	[sflag:s17] =	ssyncadd.s32 $0xFFFFF000  }
0x14d: {  	[bflag:$0x0] =	sbarrier.arrive $0xFFFF  }
0x14e: {  	[tilespmem:s1], [sflag:$0x2] =	stream.linear.gather [spmem:s3], $0x1000, $0x38;
	[tilespmem:$0x14400] =	vst v63  }
0x14f: {  	_ =	swait.ge [sflag:s17], $0x1000  }
0x150: {  	[sflag:s17] =	ssyncset.done $0x0  }
0x151: {  	[sflag:s17] =	ssyncadd.s32 $0xFFFFF000  }
0x152: {  	[spmem:s9] =	stream.linear.scatter [tilespmem:s25], [sflag:$0x2], $0x100, $0x38;
	[tilespmem:$0x14400] =	vst v63  }
0x153: {  	_ =	swait.ge [sflag:s17], $0x100  }
0x154: {  	[sflag:s17] =	ssyncset.done $0x0  }
0x155: {  	s6 =	simm.s32 $0x0;
	[sflag:s17] =	ssyncadd.s32 $0xFFFFFF00  }
0x156: {  	v8 =	vld [tilespmem:s6+$0xB000]  }
0x157: {  	v9 =	vld [tilespmem:s6+$0x9000];
	_ =	sdelay $0x2  }
0x158: {  	s11 =	sor.u32 $0x1, s4  }
0x159: {  	s11 =	scvt.s32.f32 s11  }
0x15a: {  	s18 =	simm.s32 $0x10;
	[tilespmem:s6+$0xA000] =	vst v2;
	vm0 =	vgt.f32 v8, $0.0e+00;
	vm1 =	veq.f32 v9, $4.096000000e+03  }
0x15b: {  	v10 =	vld [tilespmem:s18+$0xB000];
	v8 =	vmov s11;
	vm0 =	vmand vm0, vm1  }
0x15c: {  	v9 =	vsel vm0, v8, v9  }
0x15d: {  	v11 =	vsel vm0, $0x3F800000, v2;
	[tilespmem:s6+$0x9000] =	vst v9  }
0x15e: {  	(xrf2) =	vadd.scan.msk.f32 $0xffff, v11;
	v9 =	vld [tilespmem:s18+$0x9000]  }
0x15f: {  	s8 =	simm.s32 $0x20;
	[tilespmem:s18+$0xA000] =	vst v2  }
0x160: {  	vm12 =	vgt.f32 v10, $0.0e+00;
	v10 =	vld [tilespmem:s8+$0xB000];
	_ =	sdelay $0x2  }
0x161: {  	vm13 =	veq.f32 v9, $4.096000000e+03  }
0x162: {  	vm0 =	vmand vm12, vm13  }
0x163: {  	vm14 =	vgt.f32 v10, $0.0e+00;
	v9 =	vsel vm0, v8, v9;
	v10 =	vsel vm0, $0x3F800000, v2  }
0x164: {  	[tilespmem:s18+$0x9000] =	vst v9  }
0x165: {  	(xrf2) =	vadd.scan.msk.f32 $0xffff, v10;
	v9 =	vld [tilespmem:s8+$0x9000]  }
0x166: {  	v10, _, _ =	vpop (xrf2)  }
0x167: {  	(v2sf) =	vpush v10, $0xF;
	_ =	sdelay $0x2  }
0x168: {  	vm2 =	veq.f32 v9, $4.096000000e+03  }
0x169: {  	vm15 =	vmand vm14, vm2  }
0x16a: {  	v12 =	vsel vm15, $0x3F800000, v2  }
0x16b: {  	s14 =	simm.s32 $0x30;
	s15 =	simm.s32 $0x140;
	s13 =	simm.s32 $0x180;
	[tilespmem:s8+$0xA000] =	vst v2;
	v11 =	vsel vm15, v8, v9;
	(xrf2) =	vadd.scan.msk.f32 $0xffff, v12  }
0x16c: {  	s11 =	simm.f32 $0.0e+00;
	s6 =	simm.s32 $0x1C0;
	s18 =	simm.s32 $0x100;
	v9 =	vld [tilespmem:s14+$0xB000];
	[tilespmem:s8+$0x9000] =	vst v11  }
.LBB2_14:
0x16d: {  	p1 =	sne.s32 s6, $0x3FC0;
	v10 =	vld [tilespmem:s14+$0x9000];
	[tilespmem:s14+$0xA000] =	vst v2;
	v11, _, _ =	vpop (xrf2);
	s8 =	smov.u32 s15;
	s15 =	smov.u32 s13  }
0x16e: {  	s13 =	smov.u32 s6;
	(v2sf) =	vpush v11, $0xF;
	_ =	sdelay $0x2  }
.Ltmp11:
0x16f: {  	(pc) =	sbr.rel @p1 .LBB2_14-.Ltmp11, $4  }
0x170: {  	vm0 =	vgt.f32 v9, $0.0e+00;
	vm1 =	veq.f32 v10, $4.096000000e+03  }
0x171: {  	vm0 =	vmand vm0, vm1  }
0x172: {  	s16 =	sshra.s32 s18, $0x2;
	s18 =	smov.u32 s8;
	v10 =	vsel vm0, v8, v10;
	v11 =	vsel vm0, $0x3F800000, v2;
	s12 =	spop (v2sf)  }
0x173: {  	s6 =	sadd.s32 $0x40, s6;
	v9 =	vld [tilespmem:s16+$0xB000];
	[tilespmem:s14+$0x9000] =	vst v10;
	(xrf2) =	vadd.scan.msk.f32 $0xffff, v11;
	s11 =	sadd.f32 s12, s11;
	s14 =	smov.u32 s16  }
0x174: {  	v10 =	vld [tilespmem:s14+$0x9000];
	_ =	sdelay $0x4  }
0x175: {  	vm0 =	vgt.f32 v9, $0.0e+00;
	vm1 =	veq.f32 v10, $4.096000000e+03  }
0x176: {  	vm0 =	vmand vm0, vm1  }
0x177: {  	[tilespmem:s14+$0xA000] =	vst v2;
	s6 =	sshra.s32 s18, $0x2;
	v9 =	vsel vm0, v8, v10  }
0x178: {  	v10 =	vld [tilespmem:s6+$0xB000];
	[tilespmem:s14+$0x9000] =	vst v9  }
0x179: {  	v9 =	vld [tilespmem:s6+$0x9000];
	_ =	sdelay $0x4  }
0x17a: {  	vm12 =	vgt.f32 v10, $0.0e+00;
	vm2 =	veq.f32 v9, $4.096000000e+03  }
0x17b: {  	vm1 =	vmand vm12, vm2  }
0x17c: {  	s8 =	sshra.s32 s15, $0x2;
	[tilespmem:s6+$0xA000] =	vst v2;
	v9 =	vsel vm1, v8, v9  }
0x17d: {  	v10 =	vld [tilespmem:s8+$0xB000];
	[tilespmem:s6+$0x9000] =	vst v9  }
0x17e: {  	v9 =	vld [tilespmem:s8+$0x9000];
	_ =	sdelay $0x4  }
0x17f: {  	vm13 =	vgt.f32 v10, $0.0e+00;
	vm3 =	veq.f32 v9, $4.096000000e+03  }
0x180: {  	vm2 =	vmand vm13, vm3  }
0x181: {  	s12 =	sshra.s32 s13, $0x2;
	[tilespmem:s8+$0xA000] =	vst v2;
	v9 =	vsel vm2, v8, v9  }
0x182: {  	v10 =	vld [tilespmem:s12+$0xB000];
	[tilespmem:s8+$0x9000] =	vst v9  }
0x183: {  	v9 =	vld [tilespmem:s12+$0x9000]  }
0x184: {  	v11 =	vsel vm0, $0x3F800000, v2  }
0x185: {  	(xrf2) =	vadd.scan.msk.f32 $0xffff, v11  }
0x186: {  	v11 =	vsel vm1, $0x3F800000, v2  }
0x187: {  	(xrf2) =	vadd.scan.msk.f32 $0xffff, v11  }
0x188: {  	vm14 =	vgt.f32 v10, $0.0e+00;
	v11 =	vsel vm2, $0x3F800000, v2;
	vm15 =	veq.f32 v9, $4.096000000e+03  }
0x189: {  	(xrf2) =	vadd.scan.msk.f32 $0xffff, v11;
	vm0 =	vmand vm14, vm15  }
0x18a: {  	v10 =	vsel vm0, $0x3F800000, v2  }
0x18b: {  	v11, _, _ =	vpop (xrf2);
	(xrf2) =	vadd.scan.msk.f32 $0xffff, v10  }
0x18c: {  	(v2sf) =	vpush v11, $0xF  }
0x18d: {  	v10, _, _ =	vpop (xrf2)  }
0x18e: {  	(v2sf) =	vpush v10, $0xF  }
0x18f: {  	v10, _, _ =	vpop (xrf2)  }
0x190: {  	(v2sf) =	vpush v10, $0xF  }
0x191: {  	v10, _, _ =	vpop (xrf2)  }
0x192: {  	(v2sf) =	vpush v10, $0xF  }
0x193: {  	v10, _, _ =	vpop (xrf2)  }
0x194: {  	(v2sf) =	vpush v10, $0xF  }
0x195: {  	v10, _, _ =	vpop (xrf2)  }
0x196: {  	(v2sf) =	vpush v10, $0xF;
	_ =	sdelay $0x2  }
0x197: {  	s8 =	spop (v2sf)  }
0x198: {  	s6 =	sadd.f32 s8, s11  }
0x199: {  	s11 =	spop (v2sf)  }
0x19a: {  	s6 =	sadd.f32 s11, s6  }
0x19b: {  	s13 =	spop (v2sf)  }
0x19c: {  	s6 =	sadd.f32 s13, s6  }
0x19d: {  	s14 =	spop (v2sf)  }
0x19e: {  	s6 =	sadd.f32 s14, s6  }
0x19f: {  	s15 =	spop (v2sf)  }
0x1a0: {  	s6 =	sadd.f32 s15, s6  }
0x1a1: {  	s16 =	spop (v2sf)  }
0x1a2: {  	s6 =	sadd.f32 s16, s6  }
0x1a3: {  	s18 =	spop (v2sf)  }
0x1a4: {  	s6 =	sadd.f32 s18, s6;
	_ =	sdelay $0x1  }
0x1a5: {  	p1 =	sgt.f32 s6, $0.0e+00  }
.Ltmp12:
0x1a6: {  	_ = 	snop;
	(pc) =	sbr.rel @!p1 .LBB2_20-.Ltmp12, $4  }
0x1a7: {  	[tilespmem:s12+$0xA000] =	vst v2;
	v9 =	vsel vm0, v8, v9  }
0x1a8: {  	[tilespmem:s12+$0x9000] =	vst v9  }
0x1a9: {  	[bflag:$0x0] =	sbarrier.arrive $0xFFFF  }
0x1aa: {  	s11 =	simm.s32 $0x0;
	[smem:$0x0] =	sst s6  }
.LBB2_16:
0x1ab: {  	s6 =	sshra.s32 s11, $0x2  }
0x1ac: {  	v9 =	vld [tilespmem:s6+$0x0];
	_ =	sdelay $0x7  }
0x1ad: {  	v10 =	vld.idx.msk [tilespmem:v9+s28+$0x0], $0xffff;
	_ =	sdelay $0x2  }
0x1ae: {  	v11 =	vld [tilespmem:s6+$0x800];
	_ =	sdelay $0x1  }
0x1af: {  	vm0 =	veq.f32 v10, v8;
	_ =	sdelay $0x5  }
0x1b0: {  	[tilespmem:v11+s29+$0x0] =	vst.idx.msk vm0, v7  }
0x1b1: {  	v10 =	vld.idx.msk [tilespmem:v11+s28+$0x0], $0xffff;
	_ =	sdelay $0x4  }
0x1b2: {  	vm13 =	veq.f32 v10, v8;
	_ =	sdelay $0x5  }
0x1b3: {  	[tilespmem:v9+s29+$0x0] =	vst.idx.msk vm13, v7  }
0x1b4: {  	v9 =	vld [tilespmem:s6+$0x10];
	_ =	sdelay $0x7  }
0x1b5: {  	v10 =	vld.idx.msk [tilespmem:v9+s28+$0x0], $0xffff;
	_ =	sdelay $0x2  }
0x1b6: {  	v11 =	vld [tilespmem:s6+$0x810];
	_ =	sdelay $0x1  }
0x1b7: {  	vm14 =	veq.f32 v10, v8;
	_ =	sdelay $0x5  }
0x1b8: {  	[tilespmem:v11+s29+$0x0] =	vst.idx.msk vm14, v7  }
0x1b9: {  	v10 =	vld.idx.msk [tilespmem:v11+s28+$0x0], $0xffff;
	_ =	sdelay $0x4  }
0x1ba: {  	vm15 =	veq.f32 v10, v8;
	_ =	sdelay $0x5  }
0x1bb: {  	[tilespmem:v9+s29+$0x0] =	vst.idx.msk vm15, v7  }
0x1bc: {  	v9 =	vld [tilespmem:s6+$0x20];
	_ =	sdelay $0x7  }
0x1bd: {  	v10 =	vld.idx.msk [tilespmem:v9+s28+$0x0], $0xffff;
	_ =	sdelay $0x2  }
0x1be: {  	v11 =	vld [tilespmem:s6+$0x820];
	_ =	sdelay $0x1  }
0x1bf: {  	vm4 =	veq.f32 v10, v8;
	_ =	sdelay $0x5  }
0x1c0: {  	[tilespmem:v11+s29+$0x0] =	vst.idx.msk vm4, v7  }
0x1c1: {  	v10 =	vld.idx.msk [tilespmem:v11+s28+$0x0], $0xffff;
	_ =	sdelay $0x4  }
0x1c2: {  	vm5 =	veq.f32 v10, v8;
	_ =	sdelay $0x5  }
0x1c3: {  	[tilespmem:v9+s29+$0x0] =	vst.idx.msk vm5, v7  }
0x1c4: {  	v9 =	vld [tilespmem:s6+$0x30];
	_ =	sdelay $0x7  }
0x1c5: {  	v10 =	vld.idx.msk [tilespmem:v9+s28+$0x0], $0xffff;
	_ =	sdelay $0x2  }
0x1c6: {  	v11 =	vld [tilespmem:s6+$0x830];
	_ =	sdelay $0x1  }
0x1c7: {  	vm6 =	veq.f32 v10, v8;
	_ =	sdelay $0x5  }
0x1c8: {  	[tilespmem:v11+s29+$0x0] =	vst.idx.msk vm6, v7  }
0x1c9: {  	v10 =	vld.idx.msk [tilespmem:v11+s28+$0x0], $0xffff;
	_ =	sdelay $0x4  }
0x1ca: {  	vm7 =	veq.f32 v10, v8;
	_ =	sdelay $0x5  }
0x1cb: {  	[tilespmem:v9+s29+$0x0] =	vst.idx.msk vm7, v7  }
0x1cc: {  	v9 =	vld [tilespmem:s6+$0x40];
	_ =	sdelay $0x7  }
0x1cd: {  	v10 =	vld.idx.msk [tilespmem:v9+s28+$0x0], $0xffff;
	_ =	sdelay $0x2  }
0x1ce: {  	v11 =	vld [tilespmem:s6+$0x840];
	_ =	sdelay $0x1  }
0x1cf: {  	vm8 =	veq.f32 v10, v8;
	_ =	sdelay $0x5  }
0x1d0: {  	[tilespmem:v11+s29+$0x0] =	vst.idx.msk vm8, v7  }
0x1d1: {  	v10 =	vld.idx.msk [tilespmem:v11+s28+$0x0], $0xffff;
	_ =	sdelay $0x4  }
0x1d2: {  	vm9 =	veq.f32 v10, v8;
	_ =	sdelay $0x5  }
0x1d3: {  	[tilespmem:v9+s29+$0x0] =	vst.idx.msk vm9, v7  }
0x1d4: {  	v9 =	vld [tilespmem:s6+$0x50];
	_ =	sdelay $0x7  }
0x1d5: {  	v10 =	vld.idx.msk [tilespmem:v9+s28+$0x0], $0xffff;
	_ =	sdelay $0x2  }
0x1d6: {  	v11 =	vld [tilespmem:s6+$0x850];
	_ =	sdelay $0x1  }
0x1d7: {  	vm10 =	veq.f32 v10, v8;
	_ =	sdelay $0x5  }
0x1d8: {  	[tilespmem:v11+s29+$0x0] =	vst.idx.msk vm10, v7  }
0x1d9: {  	v10 =	vld.idx.msk [tilespmem:v11+s28+$0x0], $0xffff;
	_ =	sdelay $0x4  }
0x1da: {  	vm11 =	veq.f32 v10, v8;
	_ =	sdelay $0x5  }
0x1db: {  	[tilespmem:v9+s29+$0x0] =	vst.idx.msk vm11, v7  }
0x1dc: {  	v9 =	vld [tilespmem:s6+$0x60];
	_ =	sdelay $0x7  }
0x1dd: {  	v10 =	vld.idx.msk [tilespmem:v9+s28+$0x0], $0xffff;
	_ =	sdelay $0x2  }
0x1de: {  	v11 =	vld [tilespmem:s6+$0x860];
	_ =	sdelay $0x1  }
0x1df: {  	vm12 =	veq.f32 v10, v8;
	_ =	sdelay $0x5  }
0x1e0: {  	[tilespmem:v11+s29+$0x0] =	vst.idx.msk vm12, v7  }
0x1e1: {  	v10 =	vld.idx.msk [tilespmem:v11+s28+$0x0], $0xffff;
	_ =	sdelay $0x4  }
0x1e2: {  	vm13 =	veq.f32 v10, v8;
	_ =	sdelay $0x5  }
0x1e3: {  	[tilespmem:v9+s29+$0x0] =	vst.idx.msk vm13, v7  }
0x1e4: {  	v9 =	vld [tilespmem:s6+$0x70];
	_ =	sdelay $0x7  }
0x1e5: {  	v10 =	vld.idx.msk [tilespmem:v9+s28+$0x0], $0xffff;
	_ =	sdelay $0x2  }
0x1e6: {  	v11 =	vld [tilespmem:s6+$0x870];
	_ =	sdelay $0x1  }
0x1e7: {  	vm14 =	veq.f32 v10, v8;
	_ =	sdelay $0x5  }
0x1e8: {  	[tilespmem:v11+s29+$0x0] =	vst.idx.msk vm14, v7  }
0x1e9: {  	v10 =	vld.idx.msk [tilespmem:v11+s28+$0x0], $0xffff;
	_ =	sdelay $0x4  }
0x1ea: {  	vm15 =	veq.f32 v10, v8  }
0x1eb: {  	p1 =	sne.s32 s11, $0x1E00  }
.Ltmp13:
0x1ec: {  	_ = 	snop;
	(pc) =	sbr.rel @p1 .LBB2_16-.Ltmp13, $2  }
0x1ed: {  	_ =	sdelay $0x2  }
0x1ee: {  	s11 =	sadd.s32 $0x200, s11;
	[tilespmem:v9+s29+$0x0] =	vst.idx.msk vm15, v7  }
0x1ef: {  	[spmem:s3] =	stream.indirect.scatter.add.f32 [tilespmem:s29], [sflag:$0x2], $0x80, s23, s30, $0xb8;
	[tilespmem:$0x14400] =	vst v63  }
0x1f0: {  	_ =	swait.ge [sflag:s17], $0x1000  }
0x1f1: {  	[sflag:s17] =	ssyncset.done $0x0  }
0x1f2: {  	[sflag:s17] =	ssyncadd.s32 $0xFFFFF000  }
0x1f3: {  	[bflag:$0x0] =	sbarrier.arrive $0xFFFF  }
0x1f4: {  	[tilespmem:s1], [sflag:$0x2] =	stream.linear.gather [spmem:s10], $0x1000, $0x38;
	[tilespmem:$0x14400] =	vst v63  }
0x1f5: {  	_ =	swait.ge [sflag:s17], $0x1000  }
0x1f6: {  	[sflag:s17] =	ssyncset.done $0x0  }
0x1f7: {  	[sflag:s17] =	ssyncadd.s32 $0xFFFFF000  }
0x1f8: {  	[spmem:s7] =	stream.linear.scatter [tilespmem:s25], [sflag:$0x2], $0x100, $0x38;
	[tilespmem:$0x14400] =	vst v63  }
0x1f9: {  	_ =	swait.ge [sflag:s17], $0x100  }
0x1fa: {  	[sflag:s17] =	ssyncset.done $0x0  }
0x1fb: {  	s6 =	simm.s32 $0x0;
	[sflag:s17] =	ssyncadd.s32 $0xFFFFFF00  }
0x1fc: {  	v8 =	vld [tilespmem:s6+$0xB000]  }
0x1fd: {  	v9 =	vld [tilespmem:s6+$0x9000];
	_ =	sdelay $0x2  }
0x1fe: {  	s8 =	sor.u32 $0x2, s4  }
0x1ff: {  	s8 =	scvt.s32.f32 s8  }
0x200: {  	s18 =	simm.s32 $0x10;
	[tilespmem:s6+$0xA000] =	vst v2;
	vm0 =	vgt.f32 v8, $0.0e+00;
	vm1 =	veq.f32 v9, $4.096000000e+03  }
0x201: {  	v10 =	vld [tilespmem:s18+$0xB000];
	v8 =	vmov s8;
	vm0 =	vmand vm0, vm1  }
0x202: {  	v9 =	vsel vm0, v8, v9  }
0x203: {  	v11 =	vsel vm0, $0x3F800000, v2;
	[tilespmem:s6+$0x9000] =	vst v9  }
0x204: {  	(xrf2) =	vadd.scan.msk.f32 $0xffff, v11;
	v9 =	vld [tilespmem:s18+$0x9000]  }
0x205: {  	s12 =	simm.s32 $0x20;
	[tilespmem:s18+$0xA000] =	vst v2  }
0x206: {  	vm12 =	vgt.f32 v10, $0.0e+00;
	v10 =	vld [tilespmem:s12+$0xB000];
	_ =	sdelay $0x2  }
0x207: {  	vm13 =	veq.f32 v9, $4.096000000e+03  }
0x208: {  	vm0 =	vmand vm12, vm13  }
0x209: {  	vm14 =	vgt.f32 v10, $0.0e+00;
	v9 =	vsel vm0, v8, v9;
	v10 =	vsel vm0, $0x3F800000, v2  }
0x20a: {  	[tilespmem:s18+$0x9000] =	vst v9  }
0x20b: {  	(xrf2) =	vadd.scan.msk.f32 $0xffff, v10;
	v9 =	vld [tilespmem:s12+$0x9000]  }
0x20c: {  	v10, _, _ =	vpop (xrf2)  }
0x20d: {  	(v2sf) =	vpush v10, $0xF;
	_ =	sdelay $0x2  }
0x20e: {  	vm2 =	veq.f32 v9, $4.096000000e+03  }
0x20f: {  	vm15 =	vmand vm14, vm2  }
0x210: {  	v12 =	vsel vm15, $0x3F800000, v2  }
0x211: {  	s14 =	simm.s32 $0x30;
	s11 =	simm.f32 $0.0e+00;
	s15 =	simm.s32 $0x140;
	[tilespmem:s12+$0xA000] =	vst v2;
	v11 =	vsel vm15, v8, v9;
	(xrf2) =	vadd.scan.msk.f32 $0xffff, v12  }
0x212: {  	s13 =	simm.s32 $0x180;
	s6 =	simm.s32 $0x1C0;
	s18 =	simm.s32 $0x100;
	v9 =	vld [tilespmem:s14+$0xB000];
	[tilespmem:s12+$0x9000] =	vst v11  }
.LBB2_18:
0x213: {  	p1 =	sne.s32 s6, $0x3FC0;
	v10 =	vld [tilespmem:s14+$0x9000];
	[tilespmem:s14+$0xA000] =	vst v2;
	v11, _, _ =	vpop (xrf2);
	s8 =	smov.u32 s15;
	s15 =	smov.u32 s13  }
0x214: {  	s13 =	smov.u32 s6;
	(v2sf) =	vpush v11, $0xF;
	_ =	sdelay $0x2  }
.Ltmp14:
0x215: {  	(pc) =	sbr.rel @p1 .LBB2_18-.Ltmp14, $4  }
0x216: {  	vm0 =	vgt.f32 v9, $0.0e+00;
	vm1 =	veq.f32 v10, $4.096000000e+03  }
0x217: {  	vm0 =	vmand vm0, vm1  }
0x218: {  	s12 =	sshra.s32 s18, $0x2;
	s18 =	smov.u32 s8;
	v10 =	vsel vm0, v8, v10;
	v11 =	vsel vm0, $0x3F800000, v2;
	s16 =	spop (v2sf)  }
0x219: {  	s6 =	sadd.s32 $0x40, s6;
	v9 =	vld [tilespmem:s12+$0xB000];
	[tilespmem:s14+$0x9000] =	vst v10;
	(xrf2) =	vadd.scan.msk.f32 $0xffff, v11;
	s11 =	sadd.f32 s16, s11;
	s14 =	smov.u32 s12  }
0x21a: {  	v10 =	vld [tilespmem:s14+$0x9000];
	_ =	sdelay $0x4  }
0x21b: {  	vm0 =	vgt.f32 v9, $0.0e+00;
	vm1 =	veq.f32 v10, $4.096000000e+03  }
0x21c: {  	vm0 =	vmand vm0, vm1  }
0x21d: {  	[tilespmem:s14+$0xA000] =	vst v2;
	s6 =	sshra.s32 s18, $0x2;
	v51 =	vsel vm0, v8, v10  }
0x21e: {  	v52 =	vld [tilespmem:s6+$0xB000];
	[tilespmem:s14+$0x9000] =	vst v51  }
0x21f: {  	v9 =	vld [tilespmem:s6+$0x9000];
	_ =	sdelay $0x4  }
0x220: {  	vm12 =	vgt.f32 v52, $0.0e+00;
	vm2 =	veq.f32 v9, $4.096000000e+03  }
0x221: {  	vm1 =	vmand vm12, vm2  }
0x222: {  	s8 =	sshra.s32 s15, $0x2;
	[tilespmem:s6+$0xA000] =	vst v2;
	v9 =	vsel vm1, v8, v9  }
0x223: {  	v53 =	vld [tilespmem:s8+$0xB000];
	[tilespmem:s6+$0x9000] =	vst v9  }
0x224: {  	v9 =	vld [tilespmem:s8+$0x9000];
	_ =	sdelay $0x4  }
0x225: {  	vm13 =	vgt.f32 v53, $0.0e+00;
	vm3 =	veq.f32 v9, $4.096000000e+03  }
0x226: {  	vm2 =	vmand vm13, vm3  }
0x227: {  	s6 =	sshra.s32 s13, $0x2;
	[tilespmem:s8+$0xA000] =	vst v2;
	v9 =	vsel vm2, v8, v9  }
0x228: {  	v54 =	vld [tilespmem:s6+$0xB000];
	[tilespmem:s8+$0x9000] =	vst v9  }
0x229: {  	v9 =	vld [tilespmem:s6+$0x9000]  }
0x22a: {  	v11 =	vsel vm0, $0x3F800000, v2  }
0x22b: {  	(xrf2) =	vadd.scan.msk.f32 $0xffff, v11  }
0x22c: {  	v55 =	vsel vm1, $0x3F800000, v2  }
0x22d: {  	(xrf2) =	vadd.scan.msk.f32 $0xffff, v55  }
0x22e: {  	vm14 =	vgt.f32 v54, $0.0e+00;
	v56 =	vsel vm2, $0x3F800000, v2;
	vm15 =	veq.f32 v9, $4.096000000e+03  }
0x22f: {  	(xrf2) =	vadd.scan.msk.f32 $0xffff, v56;
	vm0 =	vmand vm14, vm15  }
0x230: {  	v57 =	vsel vm0, $0x3F800000, v2  }
0x231: {  	v58, _, _ =	vpop (xrf2);
	(xrf2) =	vadd.scan.msk.f32 $0xffff, v57  }
0x232: {  	(v2sf) =	vpush v58, $0xF  }
0x233: {  	v59, _, _ =	vpop (xrf2)  }
0x234: {  	(v2sf) =	vpush v59, $0xF  }
0x235: {  	v60, _, _ =	vpop (xrf2)  }
0x236: {  	(v2sf) =	vpush v60, $0xF  }
0x237: {  	v61, _, _ =	vpop (xrf2)  }
0x238: {  	(v2sf) =	vpush v61, $0xF  }
0x239: {  	v62, _, _ =	vpop (xrf2)  }
0x23a: {  	(v2sf) =	vpush v62, $0xF  }
0x23b: {  	v63, _, _ =	vpop (xrf2)  }
0x23c: {  	(v2sf) =	vpush v63, $0xF;
	_ =	sdelay $0x2  }
0x23d: {  	s18 =	spop (v2sf)  }
0x23e: {  	s8 =	sadd.f32 s18, s11  }
0x23f: {  	s12 =	spop (v2sf)  }
0x240: {  	s8 =	sadd.f32 s12, s8  }
0x241: {  	s13 =	spop (v2sf)  }
0x242: {  	s8 =	sadd.f32 s13, s8  }
0x243: {  	s14 =	spop (v2sf)  }
0x244: {  	s8 =	sadd.f32 s14, s8  }
0x245: {  	s15 =	spop (v2sf)  }
0x246: {  	s8 =	sadd.f32 s15, s8  }
0x247: {  	s16 =	spop (v2sf)  }
0x248: {  	s8 =	sadd.f32 s16, s8  }
0x249: {  	[tilespmem:s6+$0xA000] =	vst v2;
	v8 =	vsel vm0, v8, v9;
	s18 =	spop (v2sf)  }
0x24a: {  	[tilespmem:s6+$0x9000] =	vst v8;
	s6 =	sadd.f32 s18, s8  }
0x24b: {  	[bflag:$0x0] =	sbarrier.arrive $0xFFFF  }
0x24c: {  	[smem:$0x0] =	sst s6  }
.LBB2_20:
0x24d: {  	p1 =	sgt.f32 s6, $0.0e+00  }
.Ltmp15:
0x24e: {  	_ = 	snop;
	(pc) =	sbr.rel @!p1 .LBB2_46-.Ltmp15, $1  }
0x24f: {  	_ =	sdelay $0x3  }
0x250: {  	s6 =	sor.u32 $0x2, s4  }
0x251: {  	s6 =	scvt.s32.f32 s6;
	_ =	sdelay $0x1  }
0x252: {  	s11 =	simm.s32 $0x0;
	v8 =	vmov s6  }
.LBB2_22:
0x253: {  	s6 =	sshra.s32 s11, $0x2  }
0x254: {  	v9 =	vld [tilespmem:s6+$0x0];
	_ =	sdelay $0x7  }
0x255: {  	v10 =	vld.idx.msk [tilespmem:v9+s28+$0x0], $0xffff;
	_ =	sdelay $0x2  }
0x256: {  	v11 =	vld [tilespmem:s6+$0x800];
	_ =	sdelay $0x1  }
0x257: {  	vm0 =	veq.f32 v10, v8;
	_ =	sdelay $0x5  }
0x258: {  	[tilespmem:v11+s29+$0x0] =	vst.idx.msk vm0, v7  }
0x259: {  	v10 =	vld.idx.msk [tilespmem:v11+s28+$0x0], $0xffff;
	_ =	sdelay $0x4  }
0x25a: {  	vm13 =	veq.f32 v10, v8;
	_ =	sdelay $0x5  }
0x25b: {  	[tilespmem:v9+s29+$0x0] =	vst.idx.msk vm13, v7  }
0x25c: {  	v9 =	vld [tilespmem:s6+$0x10];
	_ =	sdelay $0x7  }
0x25d: {  	v10 =	vld.idx.msk [tilespmem:v9+s28+$0x0], $0xffff;
	_ =	sdelay $0x2  }
0x25e: {  	v11 =	vld [tilespmem:s6+$0x810];
	_ =	sdelay $0x1  }
0x25f: {  	vm14 =	veq.f32 v10, v8;
	_ =	sdelay $0x5  }
0x260: {  	[tilespmem:v11+s29+$0x0] =	vst.idx.msk vm14, v7  }
0x261: {  	v10 =	vld.idx.msk [tilespmem:v11+s28+$0x0], $0xffff;
	_ =	sdelay $0x4  }
0x262: {  	vm15 =	veq.f32 v10, v8;
	_ =	sdelay $0x5  }
0x263: {  	[tilespmem:v9+s29+$0x0] =	vst.idx.msk vm15, v7  }
0x264: {  	v9 =	vld [tilespmem:s6+$0x20];
	_ =	sdelay $0x7  }
0x265: {  	v10 =	vld.idx.msk [tilespmem:v9+s28+$0x0], $0xffff;
	_ =	sdelay $0x2  }
0x266: {  	v11 =	vld [tilespmem:s6+$0x820];
	_ =	sdelay $0x1  }
0x267: {  	vm4 =	veq.f32 v10, v8;
	_ =	sdelay $0x5  }
0x268: {  	[tilespmem:v11+s29+$0x0] =	vst.idx.msk vm4, v7  }
0x269: {  	v10 =	vld.idx.msk [tilespmem:v11+s28+$0x0], $0xffff;
	_ =	sdelay $0x4  }
0x26a: {  	vm5 =	veq.f32 v10, v8;
	_ =	sdelay $0x5  }
0x26b: {  	[tilespmem:v9+s29+$0x0] =	vst.idx.msk vm5, v7  }
0x26c: {  	v9 =	vld [tilespmem:s6+$0x30];
	_ =	sdelay $0x7  }
0x26d: {  	v10 =	vld.idx.msk [tilespmem:v9+s28+$0x0], $0xffff;
	_ =	sdelay $0x2  }
0x26e: {  	v11 =	vld [tilespmem:s6+$0x830];
	_ =	sdelay $0x1  }
0x26f: {  	vm6 =	veq.f32 v10, v8;
	_ =	sdelay $0x5  }
0x270: {  	[tilespmem:v11+s29+$0x0] =	vst.idx.msk vm6, v7  }
0x271: {  	v10 =	vld.idx.msk [tilespmem:v11+s28+$0x0], $0xffff;
	_ =	sdelay $0x4  }
0x272: {  	vm7 =	veq.f32 v10, v8;
	_ =	sdelay $0x5  }
0x273: {  	[tilespmem:v9+s29+$0x0] =	vst.idx.msk vm7, v7  }
0x274: {  	v9 =	vld [tilespmem:s6+$0x40];
	_ =	sdelay $0x7  }
0x275: {  	v10 =	vld.idx.msk [tilespmem:v9+s28+$0x0], $0xffff;
	_ =	sdelay $0x2  }
0x276: {  	v11 =	vld [tilespmem:s6+$0x840];
	_ =	sdelay $0x1  }
0x277: {  	vm8 =	veq.f32 v10, v8;
	_ =	sdelay $0x5  }
0x278: {  	[tilespmem:v11+s29+$0x0] =	vst.idx.msk vm8, v7  }
0x279: {  	v10 =	vld.idx.msk [tilespmem:v11+s28+$0x0], $0xffff;
	_ =	sdelay $0x4  }
0x27a: {  	vm9 =	veq.f32 v10, v8;
	_ =	sdelay $0x5  }
0x27b: {  	[tilespmem:v9+s29+$0x0] =	vst.idx.msk vm9, v7  }
0x27c: {  	v9 =	vld [tilespmem:s6+$0x50];
	_ =	sdelay $0x7  }
0x27d: {  	v10 =	vld.idx.msk [tilespmem:v9+s28+$0x0], $0xffff;
	_ =	sdelay $0x2  }
0x27e: {  	v11 =	vld [tilespmem:s6+$0x850];
	_ =	sdelay $0x1  }
0x27f: {  	vm10 =	veq.f32 v10, v8;
	_ =	sdelay $0x5  }
0x280: {  	[tilespmem:v11+s29+$0x0] =	vst.idx.msk vm10, v7  }
0x281: {  	v10 =	vld.idx.msk [tilespmem:v11+s28+$0x0], $0xffff;
	_ =	sdelay $0x4  }
0x282: {  	vm11 =	veq.f32 v10, v8;
	_ =	sdelay $0x5  }
0x283: {  	[tilespmem:v9+s29+$0x0] =	vst.idx.msk vm11, v7  }
0x284: {  	v9 =	vld [tilespmem:s6+$0x60];
	_ =	sdelay $0x7  }
0x285: {  	v10 =	vld.idx.msk [tilespmem:v9+s28+$0x0], $0xffff;
	_ =	sdelay $0x2  }
0x286: {  	v11 =	vld [tilespmem:s6+$0x860];
	_ =	sdelay $0x1  }
0x287: {  	vm12 =	veq.f32 v10, v8;
	_ =	sdelay $0x5  }
0x288: {  	[tilespmem:v11+s29+$0x0] =	vst.idx.msk vm12, v7  }
0x289: {  	v10 =	vld.idx.msk [tilespmem:v11+s28+$0x0], $0xffff;
	_ =	sdelay $0x4  }
0x28a: {  	vm13 =	veq.f32 v10, v8;
	_ =	sdelay $0x5  }
0x28b: {  	[tilespmem:v9+s29+$0x0] =	vst.idx.msk vm13, v7  }
0x28c: {  	v9 =	vld [tilespmem:s6+$0x70];
	_ =	sdelay $0x7  }
0x28d: {  	v10 =	vld.idx.msk [tilespmem:v9+s28+$0x0], $0xffff;
	_ =	sdelay $0x2  }
0x28e: {  	v11 =	vld [tilespmem:s6+$0x870];
	_ =	sdelay $0x1  }
0x28f: {  	vm14 =	veq.f32 v10, v8;
	_ =	sdelay $0x5  }
0x290: {  	[tilespmem:v11+s29+$0x0] =	vst.idx.msk vm14, v7  }
0x291: {  	v10 =	vld.idx.msk [tilespmem:v11+s28+$0x0], $0xffff;
	_ =	sdelay $0x4  }
0x292: {  	vm15 =	veq.f32 v10, v8  }
0x293: {  	p1 =	sne.s32 s11, $0x1E00  }
.Ltmp16:
0x294: {  	_ = 	snop;
	(pc) =	sbr.rel @p1 .LBB2_22-.Ltmp16, $2  }
0x295: {  	_ =	sdelay $0x2  }
0x296: {  	s11 =	sadd.s32 $0x200, s11;
	[tilespmem:v9+s29+$0x0] =	vst.idx.msk vm15, v7  }
0x297: {  	[spmem:s3] =	stream.indirect.scatter.add.f32 [tilespmem:s29], [sflag:$0x2], $0x80, s31, s30, $0xb8;
	[tilespmem:$0x14400] =	vst v63  }
0x298: {  	_ =	swait.ge [sflag:s17], $0x1000  }
0x299: {  	[sflag:s17] =	ssyncset.done $0x0  }
0x29a: {  	[sflag:s17] =	ssyncadd.s32 $0xFFFFF000  }
0x29b: {  	[bflag:$0x0] =	sbarrier.arrive $0xFFFF  }
0x29c: {  	[tilespmem:s1], [sflag:$0x2] =	stream.linear.gather [spmem:s3], $0x1000, $0x38;
	[tilespmem:$0x14400] =	vst v63  }
0x29d: {  	_ =	swait.ge [sflag:s17], $0x1000  }
0x29e: {  	[sflag:s17] =	ssyncset.done $0x0  }
0x29f: {  	[sflag:s17] =	ssyncadd.s32 $0xFFFFF000  }
0x2a0: {  	[spmem:s9] =	stream.linear.scatter [tilespmem:s25], [sflag:$0x2], $0x100, $0x38;
	[tilespmem:$0x14400] =	vst v63  }
0x2a1: {  	_ =	swait.ge [sflag:s17], $0x100  }
0x2a2: {  	[sflag:s17] =	ssyncset.done $0x0  }
0x2a3: {  	s6 =	simm.s32 $0x0;
	[sflag:s17] =	ssyncadd.s32 $0xFFFFFF00  }
0x2a4: {  	v8 =	vld [tilespmem:s6+$0xB000]  }
0x2a5: {  	v9 =	vld [tilespmem:s6+$0x9000];
	_ =	sdelay $0x2  }
0x2a6: {  	s8 =	sor.u32 $0x3, s4  }
0x2a7: {  	s8 =	scvt.s32.f32 s8  }
0x2a8: {  	s18 =	simm.s32 $0x10;
	[tilespmem:s6+$0xA000] =	vst v2;
	vm0 =	vgt.f32 v8, $0.0e+00;
	vm1 =	veq.f32 v9, $4.096000000e+03  }
0x2a9: {  	v10 =	vld [tilespmem:s18+$0xB000];
	v8 =	vmov s8;
	vm0 =	vmand vm0, vm1  }
0x2aa: {  	v9 =	vsel vm0, v8, v9  }
0x2ab: {  	v11 =	vsel vm0, $0x3F800000, v2;
	[tilespmem:s6+$0x9000] =	vst v9  }
0x2ac: {  	(xrf2) =	vadd.scan.msk.f32 $0xffff, v11;
	v9 =	vld [tilespmem:s18+$0x9000]  }
0x2ad: {  	s12 =	simm.s32 $0x20;
	[tilespmem:s18+$0xA000] =	vst v2  }
0x2ae: {  	vm12 =	vgt.f32 v10, $0.0e+00;
	v10 =	vld [tilespmem:s12+$0xB000];
	_ =	sdelay $0x2  }
0x2af: {  	vm13 =	veq.f32 v9, $4.096000000e+03  }
0x2b0: {  	vm0 =	vmand vm12, vm13  }
0x2b1: {  	vm14 =	vgt.f32 v10, $0.0e+00;
	v9 =	vsel vm0, v8, v9;
	v10 =	vsel vm0, $0x3F800000, v2  }
0x2b2: {  	[tilespmem:s18+$0x9000] =	vst v9  }
0x2b3: {  	(xrf2) =	vadd.scan.msk.f32 $0xffff, v10;
	v9 =	vld [tilespmem:s12+$0x9000]  }
0x2b4: {  	v10, _, _ =	vpop (xrf2)  }
0x2b5: {  	(v2sf) =	vpush v10, $0xF;
	_ =	sdelay $0x2  }
0x2b6: {  	vm2 =	veq.f32 v9, $4.096000000e+03  }
0x2b7: {  	vm15 =	vmand vm14, vm2  }
0x2b8: {  	v12 =	vsel vm15, $0x3F800000, v2  }
0x2b9: {  	s14 =	simm.s32 $0x30;
	s11 =	simm.f32 $0.0e+00;
	s15 =	simm.s32 $0x140;
	[tilespmem:s12+$0xA000] =	vst v2;
	v11 =	vsel vm15, v8, v9;
	(xrf2) =	vadd.scan.msk.f32 $0xffff, v12  }
0x2ba: {  	s13 =	simm.s32 $0x180;
	s6 =	simm.s32 $0x1C0;
	s18 =	simm.s32 $0x100;
	v9 =	vld [tilespmem:s14+$0xB000];
	[tilespmem:s12+$0x9000] =	vst v11  }
.LBB2_24:
0x2bb: {  	p1 =	sne.s32 s6, $0x3FC0;
	v10 =	vld [tilespmem:s14+$0x9000];
	[tilespmem:s14+$0xA000] =	vst v2;
	v11, _, _ =	vpop (xrf2);
	s8 =	smov.u32 s15;
	s15 =	smov.u32 s13  }
0x2bc: {  	s13 =	smov.u32 s6;
	(v2sf) =	vpush v11, $0xF;
	_ =	sdelay $0x2  }
.Ltmp17:
0x2bd: {  	(pc) =	sbr.rel @p1 .LBB2_24-.Ltmp17, $4  }
0x2be: {  	vm0 =	vgt.f32 v9, $0.0e+00;
	vm1 =	veq.f32 v10, $4.096000000e+03  }
0x2bf: {  	vm0 =	vmand vm0, vm1  }
0x2c0: {  	s12 =	sshra.s32 s18, $0x2;
	s18 =	smov.u32 s8;
	v10 =	vsel vm0, v8, v10;
	v11 =	vsel vm0, $0x3F800000, v2;
	s16 =	spop (v2sf)  }
0x2c1: {  	s6 =	sadd.s32 $0x40, s6;
	v9 =	vld [tilespmem:s12+$0xB000];
	[tilespmem:s14+$0x9000] =	vst v10;
	(xrf2) =	vadd.scan.msk.f32 $0xffff, v11;
	s11 =	sadd.f32 s16, s11;
	s14 =	smov.u32 s12  }
0x2c2: {  	v10 =	vld [tilespmem:s14+$0x9000];
	_ =	sdelay $0x4  }
0x2c3: {  	vm0 =	vgt.f32 v9, $0.0e+00;
	vm1 =	veq.f32 v10, $4.096000000e+03  }
0x2c4: {  	vm0 =	vmand vm0, vm1  }
0x2c5: {  	[tilespmem:s14+$0xA000] =	vst v2;
	s6 =	sshra.s32 s18, $0x2;
	v9 =	vsel vm0, v8, v10  }
0x2c6: {  	v10 =	vld [tilespmem:s6+$0xB000];
	[tilespmem:s14+$0x9000] =	vst v9  }
0x2c7: {  	v9 =	vld [tilespmem:s6+$0x9000];
	_ =	sdelay $0x4  }
0x2c8: {  	vm12 =	vgt.f32 v10, $0.0e+00;
	vm2 =	veq.f32 v9, $4.096000000e+03  }
0x2c9: {  	vm1 =	vmand vm12, vm2  }
0x2ca: {  	s8 =	sshra.s32 s15, $0x2;
	[tilespmem:s6+$0xA000] =	vst v2;
	v9 =	vsel vm1, v8, v9  }
0x2cb: {  	v10 =	vld [tilespmem:s8+$0xB000];
	[tilespmem:s6+$0x9000] =	vst v9  }
0x2cc: {  	v9 =	vld [tilespmem:s8+$0x9000];
	_ =	sdelay $0x4  }
0x2cd: {  	vm13 =	vgt.f32 v10, $0.0e+00;
	vm3 =	veq.f32 v9, $4.096000000e+03  }
0x2ce: {  	vm2 =	vmand vm13, vm3  }
0x2cf: {  	s6 =	sshra.s32 s13, $0x2;
	[tilespmem:s8+$0xA000] =	vst v2;
	v9 =	vsel vm2, v8, v9  }
0x2d0: {  	v10 =	vld [tilespmem:s6+$0xB000];
	[tilespmem:s8+$0x9000] =	vst v9  }
0x2d1: {  	v9 =	vld [tilespmem:s6+$0x9000]  }
0x2d2: {  	v11 =	vsel vm0, $0x3F800000, v2  }
0x2d3: {  	(xrf2) =	vadd.scan.msk.f32 $0xffff, v11  }
0x2d4: {  	v11 =	vsel vm1, $0x3F800000, v2  }
0x2d5: {  	(xrf2) =	vadd.scan.msk.f32 $0xffff, v11  }
0x2d6: {  	vm14 =	vgt.f32 v10, $0.0e+00;
	v11 =	vsel vm2, $0x3F800000, v2;
	vm15 =	veq.f32 v9, $4.096000000e+03  }
0x2d7: {  	(xrf2) =	vadd.scan.msk.f32 $0xffff, v11;
	vm0 =	vmand vm14, vm15  }
0x2d8: {  	v10 =	vsel vm0, $0x3F800000, v2  }
0x2d9: {  	v11, _, _ =	vpop (xrf2);
	(xrf2) =	vadd.scan.msk.f32 $0xffff, v10  }
0x2da: {  	(v2sf) =	vpush v11, $0xF  }
0x2db: {  	v10, _, _ =	vpop (xrf2)  }
0x2dc: {  	(v2sf) =	vpush v10, $0xF  }
0x2dd: {  	v10, _, _ =	vpop (xrf2)  }
0x2de: {  	(v2sf) =	vpush v10, $0xF  }
0x2df: {  	v10, _, _ =	vpop (xrf2)  }
0x2e0: {  	(v2sf) =	vpush v10, $0xF  }
0x2e1: {  	v10, _, _ =	vpop (xrf2)  }
0x2e2: {  	(v2sf) =	vpush v10, $0xF  }
0x2e3: {  	v10, _, _ =	vpop (xrf2)  }
0x2e4: {  	(v2sf) =	vpush v10, $0xF;
	_ =	sdelay $0x2  }
0x2e5: {  	s18 =	spop (v2sf)  }
0x2e6: {  	s8 =	sadd.f32 s18, s11  }
0x2e7: {  	s12 =	spop (v2sf)  }
0x2e8: {  	s8 =	sadd.f32 s12, s8  }
0x2e9: {  	s13 =	spop (v2sf)  }
0x2ea: {  	s8 =	sadd.f32 s13, s8  }
0x2eb: {  	s14 =	spop (v2sf)  }
0x2ec: {  	s8 =	sadd.f32 s14, s8  }
0x2ed: {  	s15 =	spop (v2sf)  }
0x2ee: {  	s8 =	sadd.f32 s15, s8  }
0x2ef: {  	s16 =	spop (v2sf)  }
0x2f0: {  	s8 =	sadd.f32 s16, s8  }
0x2f1: {  	s18 =	spop (v2sf)  }
0x2f2: {  	s8 =	sadd.f32 s18, s8;
	_ =	sdelay $0x1  }
0x2f3: {  	p1 =	sgt.f32 s8, $0.0e+00  }
.Ltmp18:
0x2f4: {  	_ = 	snop;
	(pc) =	sbr.rel @!p1 .LBB2_46-.Ltmp18, $4  }
0x2f5: {  	[tilespmem:s6+$0xA000] =	vst v2;
	v9 =	vsel vm0, v8, v9  }
0x2f6: {  	[tilespmem:s6+$0x9000] =	vst v9  }
0x2f7: {  	[bflag:$0x0] =	sbarrier.arrive $0xFFFF  }
0x2f8: {  	s11 =	simm.s32 $0x0;
	[smem:$0x0] =	sst s8  }
.LBB2_26:
0x2f9: {  	s6 =	sshra.s32 s11, $0x2  }
0x2fa: {  	v9 =	vld [tilespmem:s6+$0x0];
	_ =	sdelay $0x7  }
0x2fb: {  	v10 =	vld.idx.msk [tilespmem:v9+s28+$0x0], $0xffff;
	_ =	sdelay $0x2  }
0x2fc: {  	v11 =	vld [tilespmem:s6+$0x800];
	_ =	sdelay $0x1  }
0x2fd: {  	vm0 =	veq.f32 v10, v8;
	_ =	sdelay $0x5  }
0x2fe: {  	[tilespmem:v11+s29+$0x0] =	vst.idx.msk vm0, v7  }
0x2ff: {  	v10 =	vld.idx.msk [tilespmem:v11+s28+$0x0], $0xffff;
	_ =	sdelay $0x4  }
0x300: {  	vm13 =	veq.f32 v10, v8;
	_ =	sdelay $0x5  }
0x301: {  	[tilespmem:v9+s29+$0x0] =	vst.idx.msk vm13, v7  }
0x302: {  	v9 =	vld [tilespmem:s6+$0x10];
	_ =	sdelay $0x7  }
0x303: {  	v10 =	vld.idx.msk [tilespmem:v9+s28+$0x0], $0xffff;
	_ =	sdelay $0x2  }
0x304: {  	v11 =	vld [tilespmem:s6+$0x810];
	_ =	sdelay $0x1  }
0x305: {  	vm14 =	veq.f32 v10, v8;
	_ =	sdelay $0x5  }
0x306: {  	[tilespmem:v11+s29+$0x0] =	vst.idx.msk vm14, v7  }
0x307: {  	v10 =	vld.idx.msk [tilespmem:v11+s28+$0x0], $0xffff;
	_ =	sdelay $0x4  }
0x308: {  	vm15 =	veq.f32 v10, v8;
	_ =	sdelay $0x5  }
0x309: {  	[tilespmem:v9+s29+$0x0] =	vst.idx.msk vm15, v7  }
0x30a: {  	v9 =	vld [tilespmem:s6+$0x20];
	_ =	sdelay $0x7  }
0x30b: {  	v10 =	vld.idx.msk [tilespmem:v9+s28+$0x0], $0xffff;
	_ =	sdelay $0x2  }
0x30c: {  	v11 =	vld [tilespmem:s6+$0x820];
	_ =	sdelay $0x1  }
0x30d: {  	vm4 =	veq.f32 v10, v8;
	_ =	sdelay $0x5  }
0x30e: {  	[tilespmem:v11+s29+$0x0] =	vst.idx.msk vm4, v7  }
0x30f: {  	v10 =	vld.idx.msk [tilespmem:v11+s28+$0x0], $0xffff;
	_ =	sdelay $0x4  }
0x310: {  	vm5 =	veq.f32 v10, v8;
	_ =	sdelay $0x5  }
0x311: {  	[tilespmem:v9+s29+$0x0] =	vst.idx.msk vm5, v7  }
0x312: {  	v9 =	vld [tilespmem:s6+$0x30];
	_ =	sdelay $0x7  }
0x313: {  	v10 =	vld.idx.msk [tilespmem:v9+s28+$0x0], $0xffff;
	_ =	sdelay $0x2  }
0x314: {  	v11 =	vld [tilespmem:s6+$0x830];
	_ =	sdelay $0x1  }
0x315: {  	vm6 =	veq.f32 v10, v8;
	_ =	sdelay $0x5  }
0x316: {  	[tilespmem:v11+s29+$0x0] =	vst.idx.msk vm6, v7  }
0x317: {  	v10 =	vld.idx.msk [tilespmem:v11+s28+$0x0], $0xffff;
	_ =	sdelay $0x4  }
0x318: {  	vm7 =	veq.f32 v10, v8;
	_ =	sdelay $0x5  }
0x319: {  	[tilespmem:v9+s29+$0x0] =	vst.idx.msk vm7, v7  }
0x31a: {  	v9 =	vld [tilespmem:s6+$0x40];
	_ =	sdelay $0x7  }
0x31b: {  	v10 =	vld.idx.msk [tilespmem:v9+s28+$0x0], $0xffff;
	_ =	sdelay $0x2  }
0x31c: {  	v11 =	vld [tilespmem:s6+$0x840];
	_ =	sdelay $0x1  }
0x31d: {  	vm8 =	veq.f32 v10, v8;
	_ =	sdelay $0x5  }
0x31e: {  	[tilespmem:v11+s29+$0x0] =	vst.idx.msk vm8, v7  }
0x31f: {  	v10 =	vld.idx.msk [tilespmem:v11+s28+$0x0], $0xffff;
	_ =	sdelay $0x4  }
0x320: {  	vm9 =	veq.f32 v10, v8;
	_ =	sdelay $0x5  }
0x321: {  	[tilespmem:v9+s29+$0x0] =	vst.idx.msk vm9, v7  }
0x322: {  	v9 =	vld [tilespmem:s6+$0x50];
	_ =	sdelay $0x7  }
0x323: {  	v10 =	vld.idx.msk [tilespmem:v9+s28+$0x0], $0xffff;
	_ =	sdelay $0x2  }
0x324: {  	v11 =	vld [tilespmem:s6+$0x850];
	_ =	sdelay $0x1  }
0x325: {  	vm10 =	veq.f32 v10, v8;
	_ =	sdelay $0x5  }
0x326: {  	[tilespmem:v11+s29+$0x0] =	vst.idx.msk vm10, v7  }
0x327: {  	v10 =	vld.idx.msk [tilespmem:v11+s28+$0x0], $0xffff;
	_ =	sdelay $0x4  }
0x328: {  	vm11 =	veq.f32 v10, v8;
	_ =	sdelay $0x5  }
0x329: {  	[tilespmem:v9+s29+$0x0] =	vst.idx.msk vm11, v7  }
0x32a: {  	v9 =	vld [tilespmem:s6+$0x60];
	_ =	sdelay $0x7  }
0x32b: {  	v10 =	vld.idx.msk [tilespmem:v9+s28+$0x0], $0xffff;
	_ =	sdelay $0x2  }
0x32c: {  	v11 =	vld [tilespmem:s6+$0x860];
	_ =	sdelay $0x1  }
0x32d: {  	vm12 =	veq.f32 v10, v8;
	_ =	sdelay $0x5  }
0x32e: {  	[tilespmem:v11+s29+$0x0] =	vst.idx.msk vm12, v7  }
0x32f: {  	v10 =	vld.idx.msk [tilespmem:v11+s28+$0x0], $0xffff;
	_ =	sdelay $0x4  }
0x330: {  	vm13 =	veq.f32 v10, v8;
	_ =	sdelay $0x5  }
0x331: {  	[tilespmem:v9+s29+$0x0] =	vst.idx.msk vm13, v7  }
0x332: {  	v9 =	vld [tilespmem:s6+$0x70];
	_ =	sdelay $0x7  }
0x333: {  	v10 =	vld.idx.msk [tilespmem:v9+s28+$0x0], $0xffff;
	_ =	sdelay $0x2  }
0x334: {  	v11 =	vld [tilespmem:s6+$0x870];
	_ =	sdelay $0x1  }
0x335: {  	vm14 =	veq.f32 v10, v8;
	_ =	sdelay $0x5  }
0x336: {  	[tilespmem:v11+s29+$0x0] =	vst.idx.msk vm14, v7  }
0x337: {  	v10 =	vld.idx.msk [tilespmem:v11+s28+$0x0], $0xffff;
	_ =	sdelay $0x4  }
0x338: {  	vm15 =	veq.f32 v10, v8  }
0x339: {  	p1 =	sne.s32 s11, $0x1E00  }
.Ltmp19:
0x33a: {  	_ = 	snop;
	(pc) =	sbr.rel @p1 .LBB2_26-.Ltmp19, $2  }
0x33b: {  	_ =	sdelay $0x2  }
0x33c: {  	s11 =	sadd.s32 $0x200, s11;
	[tilespmem:v9+s29+$0x0] =	vst.idx.msk vm15, v7  }
0x33d: {  	[spmem:s3] =	stream.indirect.scatter.add.f32 [tilespmem:s29], [sflag:$0x2], $0x80, s23, s30, $0xb8;
	[tilespmem:$0x14400] =	vst v63  }
0x33e: {  	_ =	swait.ge [sflag:s17], $0x1000  }
0x33f: {  	[sflag:s17] =	ssyncset.done $0x0  }
0x340: {  	[sflag:s17] =	ssyncadd.s32 $0xFFFFF000  }
0x341: {  	[bflag:$0x0] =	sbarrier.arrive $0xFFFF  }
0x342: {  	[tilespmem:s1], [sflag:$0x2] =	stream.linear.gather [spmem:s10], $0x1000, $0x38;
	[tilespmem:$0x14400] =	vst v63  }
0x343: {  	_ =	swait.ge [sflag:s17], $0x1000  }
0x344: {  	[sflag:s17] =	ssyncset.done $0x0  }
0x345: {  	[sflag:s17] =	ssyncadd.s32 $0xFFFFF000  }
0x346: {  	[spmem:s7] =	stream.linear.scatter [tilespmem:s25], [sflag:$0x2], $0x100, $0x38;
	[tilespmem:$0x14400] =	vst v63  }
0x347: {  	_ =	swait.ge [sflag:s17], $0x100  }
0x348: {  	[sflag:s17] =	ssyncset.done $0x0  }
0x349: {  	s6 =	simm.s32 $0x0;
	[sflag:s17] =	ssyncadd.s32 $0xFFFFFF00  }
0x34a: {  	v8 =	vld [tilespmem:s6+$0xB000]  }
0x34b: {  	v9 =	vld [tilespmem:s6+$0x9000];
	_ =	sdelay $0x2  }
0x34c: {  	s8 =	sor.u32 $0x4, s4  }
0x34d: {  	s8 =	scvt.s32.f32 s8  }
0x34e: {  	s18 =	simm.s32 $0x10;
	[tilespmem:s6+$0xA000] =	vst v2;
	vm0 =	vgt.f32 v8, $0.0e+00;
	vm1 =	veq.f32 v9, $4.096000000e+03  }
0x34f: {  	v10 =	vld [tilespmem:s18+$0xB000];
	v8 =	vmov s8;
	vm0 =	vmand vm0, vm1  }
0x350: {  	v9 =	vsel vm0, v8, v9  }
0x351: {  	v11 =	vsel vm0, $0x3F800000, v2;
	[tilespmem:s6+$0x9000] =	vst v9  }
0x352: {  	(xrf2) =	vadd.scan.msk.f32 $0xffff, v11;
	v9 =	vld [tilespmem:s18+$0x9000]  }
0x353: {  	s12 =	simm.s32 $0x20;
	[tilespmem:s18+$0xA000] =	vst v2  }
0x354: {  	vm12 =	vgt.f32 v10, $0.0e+00;
	v10 =	vld [tilespmem:s12+$0xB000];
	_ =	sdelay $0x2  }
0x355: {  	vm13 =	veq.f32 v9, $4.096000000e+03  }
0x356: {  	vm0 =	vmand vm12, vm13  }
0x357: {  	vm14 =	vgt.f32 v10, $0.0e+00;
	v9 =	vsel vm0, v8, v9;
	v10 =	vsel vm0, $0x3F800000, v2  }
0x358: {  	[tilespmem:s18+$0x9000] =	vst v9  }
0x359: {  	(xrf2) =	vadd.scan.msk.f32 $0xffff, v10;
	v9 =	vld [tilespmem:s12+$0x9000]  }
0x35a: {  	v10, _, _ =	vpop (xrf2)  }
0x35b: {  	(v2sf) =	vpush v10, $0xF;
	_ =	sdelay $0x2  }
0x35c: {  	vm2 =	veq.f32 v9, $4.096000000e+03  }
0x35d: {  	vm15 =	vmand vm14, vm2  }
0x35e: {  	v12 =	vsel vm15, $0x3F800000, v2  }
0x35f: {  	s14 =	simm.s32 $0x30;
	s11 =	simm.f32 $0.0e+00;
	s15 =	simm.s32 $0x140;
	[tilespmem:s12+$0xA000] =	vst v2;
	v11 =	vsel vm15, v8, v9;
	(xrf2) =	vadd.scan.msk.f32 $0xffff, v12  }
0x360: {  	s13 =	simm.s32 $0x180;
	s6 =	simm.s32 $0x1C0;
	s18 =	simm.s32 $0x100;
	v9 =	vld [tilespmem:s14+$0xB000];
	[tilespmem:s12+$0x9000] =	vst v11  }
.LBB2_28:
0x361: {  	p1 =	sne.s32 s6, $0x3FC0;
	v10 =	vld [tilespmem:s14+$0x9000];
	[tilespmem:s14+$0xA000] =	vst v2;
	v11, _, _ =	vpop (xrf2);
	s8 =	smov.u32 s15;
	s15 =	smov.u32 s13  }
0x362: {  	s13 =	smov.u32 s6;
	(v2sf) =	vpush v11, $0xF;
	_ =	sdelay $0x2  }
.Ltmp20:
0x363: {  	(pc) =	sbr.rel @p1 .LBB2_28-.Ltmp20, $4  }
0x364: {  	vm0 =	vgt.f32 v9, $0.0e+00;
	vm1 =	veq.f32 v10, $4.096000000e+03  }
0x365: {  	vm0 =	vmand vm0, vm1  }
0x366: {  	s12 =	sshra.s32 s18, $0x2;
	s18 =	smov.u32 s8;
	v10 =	vsel vm0, v8, v10;
	v11 =	vsel vm0, $0x3F800000, v2;
	s16 =	spop (v2sf)  }
0x367: {  	s6 =	sadd.s32 $0x40, s6;
	v9 =	vld [tilespmem:s12+$0xB000];
	[tilespmem:s14+$0x9000] =	vst v10;
	(xrf2) =	vadd.scan.msk.f32 $0xffff, v11;
	s11 =	sadd.f32 s16, s11;
	s14 =	smov.u32 s12  }
0x368: {  	v10 =	vld [tilespmem:s14+$0x9000];
	_ =	sdelay $0x4  }
0x369: {  	vm0 =	vgt.f32 v9, $0.0e+00;
	vm1 =	veq.f32 v10, $4.096000000e+03  }
0x36a: {  	vm0 =	vmand vm0, vm1  }
0x36b: {  	[tilespmem:s14+$0xA000] =	vst v2;
	s6 =	sshra.s32 s18, $0x2;
	v9 =	vsel vm0, v8, v10  }
0x36c: {  	v10 =	vld [tilespmem:s6+$0xB000];
	[tilespmem:s14+$0x9000] =	vst v9  }
0x36d: {  	v9 =	vld [tilespmem:s6+$0x9000];
	_ =	sdelay $0x4  }
0x36e: {  	vm12 =	vgt.f32 v10, $0.0e+00;
	vm2 =	veq.f32 v9, $4.096000000e+03  }
0x36f: {  	vm1 =	vmand vm12, vm2  }
0x370: {  	s8 =	sshra.s32 s15, $0x2;
	[tilespmem:s6+$0xA000] =	vst v2;
	v9 =	vsel vm1, v8, v9  }
0x371: {  	v10 =	vld [tilespmem:s8+$0xB000];
	[tilespmem:s6+$0x9000] =	vst v9  }
0x372: {  	v9 =	vld [tilespmem:s8+$0x9000];
	_ =	sdelay $0x4  }
0x373: {  	vm13 =	vgt.f32 v10, $0.0e+00;
	vm3 =	veq.f32 v9, $4.096000000e+03  }
0x374: {  	vm2 =	vmand vm13, vm3  }
0x375: {  	s6 =	sshra.s32 s13, $0x2;
	[tilespmem:s8+$0xA000] =	vst v2;
	v9 =	vsel vm2, v8, v9  }
0x376: {  	v10 =	vld [tilespmem:s6+$0xB000];
	[tilespmem:s8+$0x9000] =	vst v9  }
0x377: {  	v9 =	vld [tilespmem:s6+$0x9000]  }
0x378: {  	v11 =	vsel vm0, $0x3F800000, v2  }
0x379: {  	(xrf2) =	vadd.scan.msk.f32 $0xffff, v11  }
0x37a: {  	v11 =	vsel vm1, $0x3F800000, v2  }
0x37b: {  	(xrf2) =	vadd.scan.msk.f32 $0xffff, v11  }
0x37c: {  	vm14 =	vgt.f32 v10, $0.0e+00;
	v11 =	vsel vm2, $0x3F800000, v2;
	vm15 =	veq.f32 v9, $4.096000000e+03  }
0x37d: {  	(xrf2) =	vadd.scan.msk.f32 $0xffff, v11;
	vm0 =	vmand vm14, vm15  }
0x37e: {  	v10 =	vsel vm0, $0x3F800000, v2  }
0x37f: {  	v11, _, _ =	vpop (xrf2);
	(xrf2) =	vadd.scan.msk.f32 $0xffff, v10  }
0x380: {  	(v2sf) =	vpush v11, $0xF  }
0x381: {  	v10, _, _ =	vpop (xrf2)  }
0x382: {  	(v2sf) =	vpush v10, $0xF  }
0x383: {  	v10, _, _ =	vpop (xrf2)  }
0x384: {  	(v2sf) =	vpush v10, $0xF  }
0x385: {  	v10, _, _ =	vpop (xrf2)  }
0x386: {  	(v2sf) =	vpush v10, $0xF  }
0x387: {  	v10, _, _ =	vpop (xrf2)  }
0x388: {  	(v2sf) =	vpush v10, $0xF  }
0x389: {  	v10, _, _ =	vpop (xrf2)  }
0x38a: {  	(v2sf) =	vpush v10, $0xF;
	_ =	sdelay $0x2  }
0x38b: {  	s18 =	spop (v2sf)  }
0x38c: {  	s8 =	sadd.f32 s18, s11  }
0x38d: {  	s12 =	spop (v2sf)  }
0x38e: {  	s8 =	sadd.f32 s12, s8  }
0x38f: {  	s13 =	spop (v2sf)  }
0x390: {  	s8 =	sadd.f32 s13, s8  }
0x391: {  	s14 =	spop (v2sf)  }
0x392: {  	s8 =	sadd.f32 s14, s8  }
0x393: {  	s15 =	spop (v2sf)  }
0x394: {  	s8 =	sadd.f32 s15, s8  }
0x395: {  	s16 =	spop (v2sf)  }
0x396: {  	s8 =	sadd.f32 s16, s8  }
0x397: {  	s18 =	spop (v2sf)  }
0x398: {  	s8 =	sadd.f32 s18, s8;
	_ =	sdelay $0x1  }
0x399: {  	p1 =	sgt.f32 s8, $0.0e+00  }
.Ltmp21:
0x39a: {  	_ = 	snop;
	(pc) =	sbr.rel @!p1 .LBB2_46-.Ltmp21, $4  }
0x39b: {  	[tilespmem:s6+$0xA000] =	vst v2;
	v9 =	vsel vm0, v8, v9  }
0x39c: {  	[tilespmem:s6+$0x9000] =	vst v9  }
0x39d: {  	[bflag:$0x0] =	sbarrier.arrive $0xFFFF  }
0x39e: {  	s11 =	simm.s32 $0x0;
	[smem:$0x0] =	sst s8  }
.LBB2_30:
0x39f: {  	s6 =	sshra.s32 s11, $0x2  }
0x3a0: {  	v9 =	vld [tilespmem:s6+$0x0];
	_ =	sdelay $0x7  }
0x3a1: {  	v10 =	vld.idx.msk [tilespmem:v9+s28+$0x0], $0xffff;
	_ =	sdelay $0x2  }
0x3a2: {  	v11 =	vld [tilespmem:s6+$0x800];
	_ =	sdelay $0x1  }
0x3a3: {  	vm0 =	veq.f32 v10, v8;
	_ =	sdelay $0x5  }
0x3a4: {  	[tilespmem:v11+s29+$0x0] =	vst.idx.msk vm0, v7  }
0x3a5: {  	v10 =	vld.idx.msk [tilespmem:v11+s28+$0x0], $0xffff;
	_ =	sdelay $0x4  }
0x3a6: {  	vm13 =	veq.f32 v10, v8;
	_ =	sdelay $0x5  }
0x3a7: {  	[tilespmem:v9+s29+$0x0] =	vst.idx.msk vm13, v7  }
0x3a8: {  	v9 =	vld [tilespmem:s6+$0x10];
	_ =	sdelay $0x7  }
0x3a9: {  	v10 =	vld.idx.msk [tilespmem:v9+s28+$0x0], $0xffff;
	_ =	sdelay $0x2  }
0x3aa: {  	v11 =	vld [tilespmem:s6+$0x810];
	_ =	sdelay $0x1  }
0x3ab: {  	vm14 =	veq.f32 v10, v8;
	_ =	sdelay $0x5  }
0x3ac: {  	[tilespmem:v11+s29+$0x0] =	vst.idx.msk vm14, v7  }
0x3ad: {  	v10 =	vld.idx.msk [tilespmem:v11+s28+$0x0], $0xffff;
	_ =	sdelay $0x4  }
0x3ae: {  	vm15 =	veq.f32 v10, v8;
	_ =	sdelay $0x5  }
0x3af: {  	[tilespmem:v9+s29+$0x0] =	vst.idx.msk vm15, v7  }
0x3b0: {  	v9 =	vld [tilespmem:s6+$0x20];
	_ =	sdelay $0x7  }
0x3b1: {  	v10 =	vld.idx.msk [tilespmem:v9+s28+$0x0], $0xffff;
	_ =	sdelay $0x2  }
0x3b2: {  	v11 =	vld [tilespmem:s6+$0x820];
	_ =	sdelay $0x1  }
0x3b3: {  	vm4 =	veq.f32 v10, v8;
	_ =	sdelay $0x5  }
0x3b4: {  	[tilespmem:v11+s29+$0x0] =	vst.idx.msk vm4, v7  }
0x3b5: {  	v10 =	vld.idx.msk [tilespmem:v11+s28+$0x0], $0xffff;
	_ =	sdelay $0x4  }
0x3b6: {  	vm5 =	veq.f32 v10, v8;
	_ =	sdelay $0x5  }
0x3b7: {  	[tilespmem:v9+s29+$0x0] =	vst.idx.msk vm5, v7  }
0x3b8: {  	v9 =	vld [tilespmem:s6+$0x30];
	_ =	sdelay $0x7  }
0x3b9: {  	v10 =	vld.idx.msk [tilespmem:v9+s28+$0x0], $0xffff;
	_ =	sdelay $0x2  }
0x3ba: {  	v11 =	vld [tilespmem:s6+$0x830];
	_ =	sdelay $0x1  }
0x3bb: {  	vm6 =	veq.f32 v10, v8;
	_ =	sdelay $0x5  }
0x3bc: {  	[tilespmem:v11+s29+$0x0] =	vst.idx.msk vm6, v7  }
0x3bd: {  	v10 =	vld.idx.msk [tilespmem:v11+s28+$0x0], $0xffff;
	_ =	sdelay $0x4  }
0x3be: {  	vm7 =	veq.f32 v10, v8;
	_ =	sdelay $0x5  }
0x3bf: {  	[tilespmem:v9+s29+$0x0] =	vst.idx.msk vm7, v7  }
0x3c0: {  	v9 =	vld [tilespmem:s6+$0x40];
	_ =	sdelay $0x7  }
0x3c1: {  	v10 =	vld.idx.msk [tilespmem:v9+s28+$0x0], $0xffff;
	_ =	sdelay $0x2  }
0x3c2: {  	v11 =	vld [tilespmem:s6+$0x840];
	_ =	sdelay $0x1  }
0x3c3: {  	vm8 =	veq.f32 v10, v8;
	_ =	sdelay $0x5  }
0x3c4: {  	[tilespmem:v11+s29+$0x0] =	vst.idx.msk vm8, v7  }
0x3c5: {  	v10 =	vld.idx.msk [tilespmem:v11+s28+$0x0], $0xffff;
	_ =	sdelay $0x4  }
0x3c6: {  	vm9 =	veq.f32 v10, v8;
	_ =	sdelay $0x5  }
0x3c7: {  	[tilespmem:v9+s29+$0x0] =	vst.idx.msk vm9, v7  }
0x3c8: {  	v9 =	vld [tilespmem:s6+$0x50];
	_ =	sdelay $0x7  }
0x3c9: {  	v10 =	vld.idx.msk [tilespmem:v9+s28+$0x0], $0xffff;
	_ =	sdelay $0x2  }
0x3ca: {  	v11 =	vld [tilespmem:s6+$0x850];
	_ =	sdelay $0x1  }
0x3cb: {  	vm10 =	veq.f32 v10, v8;
	_ =	sdelay $0x5  }
0x3cc: {  	[tilespmem:v11+s29+$0x0] =	vst.idx.msk vm10, v7  }
0x3cd: {  	v10 =	vld.idx.msk [tilespmem:v11+s28+$0x0], $0xffff;
	_ =	sdelay $0x4  }
0x3ce: {  	vm11 =	veq.f32 v10, v8;
	_ =	sdelay $0x5  }
0x3cf: {  	[tilespmem:v9+s29+$0x0] =	vst.idx.msk vm11, v7  }
0x3d0: {  	v9 =	vld [tilespmem:s6+$0x60];
	_ =	sdelay $0x7  }
0x3d1: {  	v10 =	vld.idx.msk [tilespmem:v9+s28+$0x0], $0xffff;
	_ =	sdelay $0x2  }
0x3d2: {  	v11 =	vld [tilespmem:s6+$0x860];
	_ =	sdelay $0x1  }
0x3d3: {  	vm12 =	veq.f32 v10, v8;
	_ =	sdelay $0x5  }
0x3d4: {  	[tilespmem:v11+s29+$0x0] =	vst.idx.msk vm12, v7  }
0x3d5: {  	v10 =	vld.idx.msk [tilespmem:v11+s28+$0x0], $0xffff;
	_ =	sdelay $0x4  }
0x3d6: {  	vm13 =	veq.f32 v10, v8;
	_ =	sdelay $0x5  }
0x3d7: {  	[tilespmem:v9+s29+$0x0] =	vst.idx.msk vm13, v7  }
0x3d8: {  	v9 =	vld [tilespmem:s6+$0x70];
	_ =	sdelay $0x7  }
0x3d9: {  	v10 =	vld.idx.msk [tilespmem:v9+s28+$0x0], $0xffff;
	_ =	sdelay $0x2  }
0x3da: {  	v11 =	vld [tilespmem:s6+$0x870];
	_ =	sdelay $0x1  }
0x3db: {  	vm14 =	veq.f32 v10, v8;
	_ =	sdelay $0x5  }
0x3dc: {  	[tilespmem:v11+s29+$0x0] =	vst.idx.msk vm14, v7  }
0x3dd: {  	v10 =	vld.idx.msk [tilespmem:v11+s28+$0x0], $0xffff;
	_ =	sdelay $0x4  }
0x3de: {  	vm15 =	veq.f32 v10, v8  }
0x3df: {  	p1 =	sne.s32 s11, $0x1E00  }
.Ltmp22:
0x3e0: {  	_ = 	snop;
	(pc) =	sbr.rel @p1 .LBB2_30-.Ltmp22, $2  }
0x3e1: {  	_ =	sdelay $0x2  }
0x3e2: {  	s11 =	sadd.s32 $0x200, s11;
	[tilespmem:v9+s29+$0x0] =	vst.idx.msk vm15, v7  }
0x3e3: {  	[spmem:s3] =	stream.indirect.scatter.add.f32 [tilespmem:s29], [sflag:$0x2], $0x80, s31, s30, $0xb8;
	[tilespmem:$0x14400] =	vst v63  }
0x3e4: {  	_ =	swait.ge [sflag:s17], $0x1000  }
0x3e5: {  	[sflag:s17] =	ssyncset.done $0x0  }
0x3e6: {  	[sflag:s17] =	ssyncadd.s32 $0xFFFFF000  }
0x3e7: {  	[bflag:$0x0] =	sbarrier.arrive $0xFFFF  }
0x3e8: {  	[tilespmem:s1], [sflag:$0x2] =	stream.linear.gather [spmem:s3], $0x1000, $0x38;
	[tilespmem:$0x14400] =	vst v63  }
0x3e9: {  	_ =	swait.ge [sflag:s17], $0x1000  }
0x3ea: {  	[sflag:s17] =	ssyncset.done $0x0  }
0x3eb: {  	[sflag:s17] =	ssyncadd.s32 $0xFFFFF000  }
0x3ec: {  	[spmem:s9] =	stream.linear.scatter [tilespmem:s25], [sflag:$0x2], $0x100, $0x38;
	[tilespmem:$0x14400] =	vst v63  }
0x3ed: {  	_ =	swait.ge [sflag:s17], $0x100  }
0x3ee: {  	[sflag:s17] =	ssyncset.done $0x0  }
0x3ef: {  	s6 =	simm.s32 $0x0;
	[sflag:s17] =	ssyncadd.s32 $0xFFFFFF00  }
0x3f0: {  	v8 =	vld [tilespmem:s6+$0xB000]  }
0x3f1: {  	v9 =	vld [tilespmem:s6+$0x9000];
	_ =	sdelay $0x2  }
0x3f2: {  	s8 =	sor.u32 $0x5, s4  }
0x3f3: {  	s8 =	scvt.s32.f32 s8  }
0x3f4: {  	s18 =	simm.s32 $0x10;
	[tilespmem:s6+$0xA000] =	vst v2;
	vm0 =	vgt.f32 v8, $0.0e+00;
	vm1 =	veq.f32 v9, $4.096000000e+03  }
0x3f5: {  	v10 =	vld [tilespmem:s18+$0xB000];
	v8 =	vmov s8;
	vm0 =	vmand vm0, vm1  }
0x3f6: {  	v9 =	vsel vm0, v8, v9  }
0x3f7: {  	v11 =	vsel vm0, $0x3F800000, v2;
	[tilespmem:s6+$0x9000] =	vst v9  }
0x3f8: {  	(xrf2) =	vadd.scan.msk.f32 $0xffff, v11;
	v9 =	vld [tilespmem:s18+$0x9000]  }
0x3f9: {  	s12 =	simm.s32 $0x20;
	[tilespmem:s18+$0xA000] =	vst v2  }
0x3fa: {  	vm12 =	vgt.f32 v10, $0.0e+00;
	v10 =	vld [tilespmem:s12+$0xB000];
	_ =	sdelay $0x2  }
0x3fb: {  	vm13 =	veq.f32 v9, $4.096000000e+03  }
0x3fc: {  	vm0 =	vmand vm12, vm13  }
0x3fd: {  	vm14 =	vgt.f32 v10, $0.0e+00;
	v9 =	vsel vm0, v8, v9;
	v10 =	vsel vm0, $0x3F800000, v2  }
0x3fe: {  	[tilespmem:s18+$0x9000] =	vst v9  }
0x3ff: {  	(xrf2) =	vadd.scan.msk.f32 $0xffff, v10;
	v9 =	vld [tilespmem:s12+$0x9000]  }
0x400: {  	v10, _, _ =	vpop (xrf2)  }
0x401: {  	(v2sf) =	vpush v10, $0xF;
	_ =	sdelay $0x2  }
0x402: {  	vm2 =	veq.f32 v9, $4.096000000e+03  }
0x403: {  	vm15 =	vmand vm14, vm2  }
0x404: {  	v12 =	vsel vm15, $0x3F800000, v2  }
0x405: {  	s14 =	simm.s32 $0x30;
	s11 =	simm.f32 $0.0e+00;
	s15 =	simm.s32 $0x140;
	[tilespmem:s12+$0xA000] =	vst v2;
	v11 =	vsel vm15, v8, v9;
	(xrf2) =	vadd.scan.msk.f32 $0xffff, v12  }
0x406: {  	s13 =	simm.s32 $0x180;
	s6 =	simm.s32 $0x1C0;
	s18 =	simm.s32 $0x100;
	v9 =	vld [tilespmem:s14+$0xB000];
	[tilespmem:s12+$0x9000] =	vst v11  }
.LBB2_32:
0x407: {  	p1 =	sne.s32 s6, $0x3FC0;
	v10 =	vld [tilespmem:s14+$0x9000];
	[tilespmem:s14+$0xA000] =	vst v2;
	v11, _, _ =	vpop (xrf2);
	s8 =	smov.u32 s15;
	s15 =	smov.u32 s13  }
0x408: {  	s13 =	smov.u32 s6;
	(v2sf) =	vpush v11, $0xF;
	_ =	sdelay $0x2  }
.Ltmp23:
0x409: {  	(pc) =	sbr.rel @p1 .LBB2_32-.Ltmp23, $4  }
0x40a: {  	vm0 =	vgt.f32 v9, $0.0e+00;
	vm1 =	veq.f32 v10, $4.096000000e+03  }
0x40b: {  	vm0 =	vmand vm0, vm1  }
0x40c: {  	s12 =	sshra.s32 s18, $0x2;
	s18 =	smov.u32 s8;
	v10 =	vsel vm0, v8, v10;
	v11 =	vsel vm0, $0x3F800000, v2;
	s16 =	spop (v2sf)  }
0x40d: {  	s6 =	sadd.s32 $0x40, s6;
	v9 =	vld [tilespmem:s12+$0xB000];
	[tilespmem:s14+$0x9000] =	vst v10;
	(xrf2) =	vadd.scan.msk.f32 $0xffff, v11;
	s11 =	sadd.f32 s16, s11;
	s14 =	smov.u32 s12  }
0x40e: {  	v10 =	vld [tilespmem:s14+$0x9000];
	_ =	sdelay $0x4  }
0x40f: {  	vm0 =	vgt.f32 v9, $0.0e+00;
	vm1 =	veq.f32 v10, $4.096000000e+03  }
0x410: {  	vm0 =	vmand vm0, vm1  }
0x411: {  	[tilespmem:s14+$0xA000] =	vst v2;
	s6 =	sshra.s32 s18, $0x2;
	v9 =	vsel vm0, v8, v10  }
0x412: {  	v10 =	vld [tilespmem:s6+$0xB000];
	[tilespmem:s14+$0x9000] =	vst v9  }
0x413: {  	v9 =	vld [tilespmem:s6+$0x9000];
	_ =	sdelay $0x4  }
0x414: {  	vm12 =	vgt.f32 v10, $0.0e+00;
	vm2 =	veq.f32 v9, $4.096000000e+03  }
0x415: {  	vm1 =	vmand vm12, vm2  }
0x416: {  	s8 =	sshra.s32 s15, $0x2;
	[tilespmem:s6+$0xA000] =	vst v2;
	v9 =	vsel vm1, v8, v9  }
0x417: {  	v10 =	vld [tilespmem:s8+$0xB000];
	[tilespmem:s6+$0x9000] =	vst v9  }
0x418: {  	v9 =	vld [tilespmem:s8+$0x9000];
	_ =	sdelay $0x4  }
0x419: {  	vm13 =	vgt.f32 v10, $0.0e+00;
	vm3 =	veq.f32 v9, $4.096000000e+03  }
0x41a: {  	vm2 =	vmand vm13, vm3  }
0x41b: {  	s6 =	sshra.s32 s13, $0x2;
	[tilespmem:s8+$0xA000] =	vst v2;
	v9 =	vsel vm2, v8, v9  }
0x41c: {  	v10 =	vld [tilespmem:s6+$0xB000];
	[tilespmem:s8+$0x9000] =	vst v9  }
0x41d: {  	v9 =	vld [tilespmem:s6+$0x9000]  }
0x41e: {  	v11 =	vsel vm0, $0x3F800000, v2  }
0x41f: {  	(xrf2) =	vadd.scan.msk.f32 $0xffff, v11  }
0x420: {  	v11 =	vsel vm1, $0x3F800000, v2  }
0x421: {  	(xrf2) =	vadd.scan.msk.f32 $0xffff, v11  }
0x422: {  	vm14 =	vgt.f32 v10, $0.0e+00;
	v11 =	vsel vm2, $0x3F800000, v2;
	vm15 =	veq.f32 v9, $4.096000000e+03  }
0x423: {  	(xrf2) =	vadd.scan.msk.f32 $0xffff, v11;
	vm0 =	vmand vm14, vm15  }
0x424: {  	v10 =	vsel vm0, $0x3F800000, v2  }
0x425: {  	v11, _, _ =	vpop (xrf2);
	(xrf2) =	vadd.scan.msk.f32 $0xffff, v10  }
0x426: {  	(v2sf) =	vpush v11, $0xF  }
0x427: {  	v10, _, _ =	vpop (xrf2)  }
0x428: {  	(v2sf) =	vpush v10, $0xF  }
0x429: {  	v10, _, _ =	vpop (xrf2)  }
0x42a: {  	(v2sf) =	vpush v10, $0xF  }
0x42b: {  	v10, _, _ =	vpop (xrf2)  }
0x42c: {  	(v2sf) =	vpush v10, $0xF  }
0x42d: {  	v10, _, _ =	vpop (xrf2)  }
0x42e: {  	(v2sf) =	vpush v10, $0xF  }
0x42f: {  	v10, _, _ =	vpop (xrf2)  }
0x430: {  	(v2sf) =	vpush v10, $0xF;
	_ =	sdelay $0x2  }
0x431: {  	s18 =	spop (v2sf)  }
0x432: {  	s8 =	sadd.f32 s18, s11  }
0x433: {  	s12 =	spop (v2sf)  }
0x434: {  	s8 =	sadd.f32 s12, s8  }
0x435: {  	s13 =	spop (v2sf)  }
0x436: {  	s8 =	sadd.f32 s13, s8  }
0x437: {  	s14 =	spop (v2sf)  }
0x438: {  	s8 =	sadd.f32 s14, s8  }
0x439: {  	s15 =	spop (v2sf)  }
0x43a: {  	s8 =	sadd.f32 s15, s8  }
0x43b: {  	s16 =	spop (v2sf)  }
0x43c: {  	s8 =	sadd.f32 s16, s8  }
0x43d: {  	s18 =	spop (v2sf)  }
0x43e: {  	s8 =	sadd.f32 s18, s8;
	_ =	sdelay $0x1  }
0x43f: {  	p1 =	sgt.f32 s8, $0.0e+00  }
.Ltmp24:
0x440: {  	_ = 	snop;
	(pc) =	sbr.rel @!p1 .LBB2_46-.Ltmp24, $4  }
0x441: {  	[tilespmem:s6+$0xA000] =	vst v2;
	v9 =	vsel vm0, v8, v9  }
0x442: {  	[tilespmem:s6+$0x9000] =	vst v9  }
0x443: {  	[bflag:$0x0] =	sbarrier.arrive $0xFFFF  }
0x444: {  	s11 =	simm.s32 $0x0;
	[smem:$0x0] =	sst s8  }
.LBB2_34:
0x445: {  	s6 =	sshra.s32 s11, $0x2  }
0x446: {  	v9 =	vld [tilespmem:s6+$0x0];
	_ =	sdelay $0x7  }
0x447: {  	v10 =	vld.idx.msk [tilespmem:v9+s28+$0x0], $0xffff;
	_ =	sdelay $0x2  }
0x448: {  	v11 =	vld [tilespmem:s6+$0x800];
	_ =	sdelay $0x1  }
0x449: {  	vm0 =	veq.f32 v10, v8;
	_ =	sdelay $0x5  }
0x44a: {  	[tilespmem:v11+s29+$0x0] =	vst.idx.msk vm0, v7  }
0x44b: {  	v10 =	vld.idx.msk [tilespmem:v11+s28+$0x0], $0xffff;
	_ =	sdelay $0x4  }
0x44c: {  	vm13 =	veq.f32 v10, v8;
	_ =	sdelay $0x5  }
0x44d: {  	[tilespmem:v9+s29+$0x0] =	vst.idx.msk vm13, v7  }
0x44e: {  	v9 =	vld [tilespmem:s6+$0x10];
	_ =	sdelay $0x7  }
0x44f: {  	v10 =	vld.idx.msk [tilespmem:v9+s28+$0x0], $0xffff;
	_ =	sdelay $0x2  }
0x450: {  	v11 =	vld [tilespmem:s6+$0x810];
	_ =	sdelay $0x1  }
0x451: {  	vm14 =	veq.f32 v10, v8;
	_ =	sdelay $0x5  }
0x452: {  	[tilespmem:v11+s29+$0x0] =	vst.idx.msk vm14, v7  }
0x453: {  	v10 =	vld.idx.msk [tilespmem:v11+s28+$0x0], $0xffff;
	_ =	sdelay $0x4  }
0x454: {  	vm15 =	veq.f32 v10, v8;
	_ =	sdelay $0x5  }
0x455: {  	[tilespmem:v9+s29+$0x0] =	vst.idx.msk vm15, v7  }
0x456: {  	v9 =	vld [tilespmem:s6+$0x20];
	_ =	sdelay $0x7  }
0x457: {  	v10 =	vld.idx.msk [tilespmem:v9+s28+$0x0], $0xffff;
	_ =	sdelay $0x2  }
0x458: {  	v11 =	vld [tilespmem:s6+$0x820];
	_ =	sdelay $0x1  }
0x459: {  	vm4 =	veq.f32 v10, v8;
	_ =	sdelay $0x5  }
0x45a: {  	[tilespmem:v11+s29+$0x0] =	vst.idx.msk vm4, v7  }
0x45b: {  	v10 =	vld.idx.msk [tilespmem:v11+s28+$0x0], $0xffff;
	_ =	sdelay $0x4  }
0x45c: {  	vm5 =	veq.f32 v10, v8;
	_ =	sdelay $0x5  }
0x45d: {  	[tilespmem:v9+s29+$0x0] =	vst.idx.msk vm5, v7  }
0x45e: {  	v9 =	vld [tilespmem:s6+$0x30];
	_ =	sdelay $0x7  }
0x45f: {  	v10 =	vld.idx.msk [tilespmem:v9+s28+$0x0], $0xffff;
	_ =	sdelay $0x2  }
0x460: {  	v11 =	vld [tilespmem:s6+$0x830];
	_ =	sdelay $0x1  }
0x461: {  	vm6 =	veq.f32 v10, v8;
	_ =	sdelay $0x5  }
0x462: {  	[tilespmem:v11+s29+$0x0] =	vst.idx.msk vm6, v7  }
0x463: {  	v10 =	vld.idx.msk [tilespmem:v11+s28+$0x0], $0xffff;
	_ =	sdelay $0x4  }
0x464: {  	vm7 =	veq.f32 v10, v8;
	_ =	sdelay $0x5  }
0x465: {  	[tilespmem:v9+s29+$0x0] =	vst.idx.msk vm7, v7  }
0x466: {  	v9 =	vld [tilespmem:s6+$0x40];
	_ =	sdelay $0x7  }
0x467: {  	v10 =	vld.idx.msk [tilespmem:v9+s28+$0x0], $0xffff;
	_ =	sdelay $0x2  }
0x468: {  	v11 =	vld [tilespmem:s6+$0x840];
	_ =	sdelay $0x1  }
0x469: {  	vm8 =	veq.f32 v10, v8;
	_ =	sdelay $0x5  }
0x46a: {  	[tilespmem:v11+s29+$0x0] =	vst.idx.msk vm8, v7  }
0x46b: {  	v10 =	vld.idx.msk [tilespmem:v11+s28+$0x0], $0xffff;
	_ =	sdelay $0x4  }
0x46c: {  	vm9 =	veq.f32 v10, v8;
	_ =	sdelay $0x5  }
0x46d: {  	[tilespmem:v9+s29+$0x0] =	vst.idx.msk vm9, v7  }
0x46e: {  	v9 =	vld [tilespmem:s6+$0x50];
	_ =	sdelay $0x7  }
0x46f: {  	v10 =	vld.idx.msk [tilespmem:v9+s28+$0x0], $0xffff;
	_ =	sdelay $0x2  }
0x470: {  	v11 =	vld [tilespmem:s6+$0x850];
	_ =	sdelay $0x1  }
0x471: {  	vm10 =	veq.f32 v10, v8;
	_ =	sdelay $0x5  }
0x472: {  	[tilespmem:v11+s29+$0x0] =	vst.idx.msk vm10, v7  }
0x473: {  	v10 =	vld.idx.msk [tilespmem:v11+s28+$0x0], $0xffff;
	_ =	sdelay $0x4  }
0x474: {  	vm11 =	veq.f32 v10, v8;
	_ =	sdelay $0x5  }
0x475: {  	[tilespmem:v9+s29+$0x0] =	vst.idx.msk vm11, v7  }
0x476: {  	v9 =	vld [tilespmem:s6+$0x60];
	_ =	sdelay $0x7  }
0x477: {  	v10 =	vld.idx.msk [tilespmem:v9+s28+$0x0], $0xffff;
	_ =	sdelay $0x2  }
0x478: {  	v11 =	vld [tilespmem:s6+$0x860];
	_ =	sdelay $0x1  }
0x479: {  	vm12 =	veq.f32 v10, v8;
	_ =	sdelay $0x5  }
0x47a: {  	[tilespmem:v11+s29+$0x0] =	vst.idx.msk vm12, v7  }
0x47b: {  	v10 =	vld.idx.msk [tilespmem:v11+s28+$0x0], $0xffff;
	_ =	sdelay $0x4  }
0x47c: {  	vm13 =	veq.f32 v10, v8;
	_ =	sdelay $0x5  }
0x47d: {  	[tilespmem:v9+s29+$0x0] =	vst.idx.msk vm13, v7  }
0x47e: {  	v9 =	vld [tilespmem:s6+$0x70];
	_ =	sdelay $0x7  }
0x47f: {  	v10 =	vld.idx.msk [tilespmem:v9+s28+$0x0], $0xffff;
	_ =	sdelay $0x2  }
0x480: {  	v11 =	vld [tilespmem:s6+$0x870];
	_ =	sdelay $0x1  }
0x481: {  	vm14 =	veq.f32 v10, v8;
	_ =	sdelay $0x5  }
0x482: {  	[tilespmem:v11+s29+$0x0] =	vst.idx.msk vm14, v7  }
0x483: {  	v10 =	vld.idx.msk [tilespmem:v11+s28+$0x0], $0xffff;
	_ =	sdelay $0x4  }
0x484: {  	vm15 =	veq.f32 v10, v8  }
0x485: {  	p1 =	sne.s32 s11, $0x1E00  }
.Ltmp25:
0x486: {  	_ = 	snop;
	(pc) =	sbr.rel @p1 .LBB2_34-.Ltmp25, $2  }
0x487: {  	_ =	sdelay $0x2  }
0x488: {  	s11 =	sadd.s32 $0x200, s11;
	[tilespmem:v9+s29+$0x0] =	vst.idx.msk vm15, v7  }
0x489: {  	[spmem:s3] =	stream.indirect.scatter.add.f32 [tilespmem:s29], [sflag:$0x2], $0x80, s23, s30, $0xb8;
	[tilespmem:$0x14400] =	vst v63  }
0x48a: {  	_ =	swait.ge [sflag:s17], $0x1000  }
0x48b: {  	[sflag:s17] =	ssyncset.done $0x0  }
0x48c: {  	[sflag:s17] =	ssyncadd.s32 $0xFFFFF000  }
0x48d: {  	[bflag:$0x0] =	sbarrier.arrive $0xFFFF  }
0x48e: {  	[tilespmem:s1], [sflag:$0x2] =	stream.linear.gather [spmem:s10], $0x1000, $0x38;
	[tilespmem:$0x14400] =	vst v63  }
0x48f: {  	_ =	swait.ge [sflag:s17], $0x1000  }
0x490: {  	[sflag:s17] =	ssyncset.done $0x0  }
0x491: {  	[sflag:s17] =	ssyncadd.s32 $0xFFFFF000  }
0x492: {  	[spmem:s7] =	stream.linear.scatter [tilespmem:s25], [sflag:$0x2], $0x100, $0x38;
	[tilespmem:$0x14400] =	vst v63  }
0x493: {  	_ =	swait.ge [sflag:s17], $0x100  }
0x494: {  	[sflag:s17] =	ssyncset.done $0x0  }
0x495: {  	s6 =	simm.s32 $0x0;
	[sflag:s17] =	ssyncadd.s32 $0xFFFFFF00  }
0x496: {  	v8 =	vld [tilespmem:s6+$0xB000]  }
0x497: {  	v9 =	vld [tilespmem:s6+$0x9000];
	_ =	sdelay $0x2  }
0x498: {  	s8 =	sor.u32 $0x6, s4  }
0x499: {  	s8 =	scvt.s32.f32 s8  }
0x49a: {  	s18 =	simm.s32 $0x10;
	[tilespmem:s6+$0xA000] =	vst v2;
	vm0 =	vgt.f32 v8, $0.0e+00;
	vm1 =	veq.f32 v9, $4.096000000e+03  }
0x49b: {  	v10 =	vld [tilespmem:s18+$0xB000];
	v8 =	vmov s8;
	vm0 =	vmand vm0, vm1  }
0x49c: {  	v9 =	vsel vm0, v8, v9  }
0x49d: {  	v11 =	vsel vm0, $0x3F800000, v2;
	[tilespmem:s6+$0x9000] =	vst v9  }
0x49e: {  	(xrf2) =	vadd.scan.msk.f32 $0xffff, v11;
	v9 =	vld [tilespmem:s18+$0x9000]  }
0x49f: {  	s12 =	simm.s32 $0x20;
	[tilespmem:s18+$0xA000] =	vst v2  }
0x4a0: {  	vm12 =	vgt.f32 v10, $0.0e+00;
	v10 =	vld [tilespmem:s12+$0xB000];
	_ =	sdelay $0x2  }
0x4a1: {  	vm13 =	veq.f32 v9, $4.096000000e+03  }
0x4a2: {  	vm0 =	vmand vm12, vm13  }
0x4a3: {  	vm14 =	vgt.f32 v10, $0.0e+00;
	v9 =	vsel vm0, v8, v9;
	v10 =	vsel vm0, $0x3F800000, v2  }
0x4a4: {  	[tilespmem:s18+$0x9000] =	vst v9  }
0x4a5: {  	(xrf2) =	vadd.scan.msk.f32 $0xffff, v10;
	v9 =	vld [tilespmem:s12+$0x9000]  }
0x4a6: {  	v10, _, _ =	vpop (xrf2)  }
0x4a7: {  	(v2sf) =	vpush v10, $0xF;
	_ =	sdelay $0x2  }
0x4a8: {  	vm2 =	veq.f32 v9, $4.096000000e+03  }
0x4a9: {  	vm15 =	vmand vm14, vm2  }
0x4aa: {  	v12 =	vsel vm15, $0x3F800000, v2  }
0x4ab: {  	s14 =	simm.s32 $0x30;
	s11 =	simm.f32 $0.0e+00;
	s15 =	simm.s32 $0x140;
	[tilespmem:s12+$0xA000] =	vst v2;
	v11 =	vsel vm15, v8, v9;
	(xrf2) =	vadd.scan.msk.f32 $0xffff, v12  }
0x4ac: {  	s13 =	simm.s32 $0x180;
	s6 =	simm.s32 $0x1C0;
	s18 =	simm.s32 $0x100;
	v9 =	vld [tilespmem:s14+$0xB000];
	[tilespmem:s12+$0x9000] =	vst v11  }
.LBB2_36:
0x4ad: {  	p1 =	sne.s32 s6, $0x3FC0;
	v10 =	vld [tilespmem:s14+$0x9000];
	[tilespmem:s14+$0xA000] =	vst v2;
	v11, _, _ =	vpop (xrf2);
	s8 =	smov.u32 s15;
	s15 =	smov.u32 s13  }
0x4ae: {  	s13 =	smov.u32 s6;
	(v2sf) =	vpush v11, $0xF;
	_ =	sdelay $0x2  }
.Ltmp26:
0x4af: {  	(pc) =	sbr.rel @p1 .LBB2_36-.Ltmp26, $4  }
0x4b0: {  	vm0 =	vgt.f32 v9, $0.0e+00;
	vm1 =	veq.f32 v10, $4.096000000e+03  }
0x4b1: {  	vm0 =	vmand vm0, vm1  }
0x4b2: {  	s12 =	sshra.s32 s18, $0x2;
	s18 =	smov.u32 s8;
	v10 =	vsel vm0, v8, v10;
	v11 =	vsel vm0, $0x3F800000, v2;
	s16 =	spop (v2sf)  }
0x4b3: {  	s6 =	sadd.s32 $0x40, s6;
	v9 =	vld [tilespmem:s12+$0xB000];
	[tilespmem:s14+$0x9000] =	vst v10;
	(xrf2) =	vadd.scan.msk.f32 $0xffff, v11;
	s11 =	sadd.f32 s16, s11;
	s14 =	smov.u32 s12  }
0x4b4: {  	v10 =	vld [tilespmem:s14+$0x9000];
	_ =	sdelay $0x4  }
0x4b5: {  	vm0 =	vgt.f32 v9, $0.0e+00;
	vm1 =	veq.f32 v10, $4.096000000e+03  }
0x4b6: {  	vm0 =	vmand vm0, vm1  }
0x4b7: {  	[tilespmem:s14+$0xA000] =	vst v2;
	s6 =	sshra.s32 s18, $0x2;
	v9 =	vsel vm0, v8, v10  }
0x4b8: {  	v10 =	vld [tilespmem:s6+$0xB000];
	[tilespmem:s14+$0x9000] =	vst v9  }
0x4b9: {  	v9 =	vld [tilespmem:s6+$0x9000];
	_ =	sdelay $0x4  }
0x4ba: {  	vm12 =	vgt.f32 v10, $0.0e+00;
	vm2 =	veq.f32 v9, $4.096000000e+03  }
0x4bb: {  	vm1 =	vmand vm12, vm2  }
0x4bc: {  	s8 =	sshra.s32 s15, $0x2;
	[tilespmem:s6+$0xA000] =	vst v2;
	v9 =	vsel vm1, v8, v9  }
0x4bd: {  	v10 =	vld [tilespmem:s8+$0xB000];
	[tilespmem:s6+$0x9000] =	vst v9  }
0x4be: {  	v9 =	vld [tilespmem:s8+$0x9000];
	_ =	sdelay $0x4  }
0x4bf: {  	vm13 =	vgt.f32 v10, $0.0e+00;
	vm3 =	veq.f32 v9, $4.096000000e+03  }
0x4c0: {  	vm2 =	vmand vm13, vm3  }
0x4c1: {  	s6 =	sshra.s32 s13, $0x2;
	[tilespmem:s8+$0xA000] =	vst v2;
	v9 =	vsel vm2, v8, v9  }
0x4c2: {  	v10 =	vld [tilespmem:s6+$0xB000];
	[tilespmem:s8+$0x9000] =	vst v9  }
0x4c3: {  	v9 =	vld [tilespmem:s6+$0x9000]  }
0x4c4: {  	v11 =	vsel vm0, $0x3F800000, v2  }
0x4c5: {  	(xrf2) =	vadd.scan.msk.f32 $0xffff, v11  }
0x4c6: {  	v11 =	vsel vm1, $0x3F800000, v2  }
0x4c7: {  	(xrf2) =	vadd.scan.msk.f32 $0xffff, v11  }
0x4c8: {  	vm14 =	vgt.f32 v10, $0.0e+00;
	v11 =	vsel vm2, $0x3F800000, v2;
	vm15 =	veq.f32 v9, $4.096000000e+03  }
0x4c9: {  	(xrf2) =	vadd.scan.msk.f32 $0xffff, v11;
	vm0 =	vmand vm14, vm15  }
0x4ca: {  	v10 =	vsel vm0, $0x3F800000, v2  }
0x4cb: {  	v11, _, _ =	vpop (xrf2);
	(xrf2) =	vadd.scan.msk.f32 $0xffff, v10  }
0x4cc: {  	(v2sf) =	vpush v11, $0xF  }
0x4cd: {  	v10, _, _ =	vpop (xrf2)  }
0x4ce: {  	(v2sf) =	vpush v10, $0xF  }
0x4cf: {  	v10, _, _ =	vpop (xrf2)  }
0x4d0: {  	(v2sf) =	vpush v10, $0xF  }
0x4d1: {  	v10, _, _ =	vpop (xrf2)  }
0x4d2: {  	(v2sf) =	vpush v10, $0xF  }
0x4d3: {  	v10, _, _ =	vpop (xrf2)  }
0x4d4: {  	(v2sf) =	vpush v10, $0xF  }
0x4d5: {  	v10, _, _ =	vpop (xrf2)  }
0x4d6: {  	(v2sf) =	vpush v10, $0xF;
	_ =	sdelay $0x2  }
0x4d7: {  	s18 =	spop (v2sf)  }
0x4d8: {  	s8 =	sadd.f32 s18, s11  }
0x4d9: {  	s12 =	spop (v2sf)  }
0x4da: {  	s8 =	sadd.f32 s12, s8  }
0x4db: {  	s13 =	spop (v2sf)  }
0x4dc: {  	s8 =	sadd.f32 s13, s8  }
0x4dd: {  	s14 =	spop (v2sf)  }
0x4de: {  	s8 =	sadd.f32 s14, s8  }
0x4df: {  	s15 =	spop (v2sf)  }
0x4e0: {  	s8 =	sadd.f32 s15, s8  }
0x4e1: {  	s16 =	spop (v2sf)  }
0x4e2: {  	s8 =	sadd.f32 s16, s8  }
0x4e3: {  	s18 =	spop (v2sf)  }
0x4e4: {  	s8 =	sadd.f32 s18, s8;
	_ =	sdelay $0x1  }
0x4e5: {  	p1 =	sgt.f32 s8, $0.0e+00  }
.Ltmp27:
0x4e6: {  	_ = 	snop;
	(pc) =	sbr.rel @!p1 .LBB2_46-.Ltmp27, $4  }
0x4e7: {  	[tilespmem:s6+$0xA000] =	vst v2;
	v9 =	vsel vm0, v8, v9  }
0x4e8: {  	[tilespmem:s6+$0x9000] =	vst v9  }
0x4e9: {  	[bflag:$0x0] =	sbarrier.arrive $0xFFFF  }
0x4ea: {  	s11 =	simm.s32 $0x0;
	[smem:$0x0] =	sst s8  }
.LBB2_38:
0x4eb: {  	s6 =	sshra.s32 s11, $0x2  }
0x4ec: {  	v9 =	vld [tilespmem:s6+$0x0];
	_ =	sdelay $0x7  }
0x4ed: {  	v10 =	vld.idx.msk [tilespmem:v9+s28+$0x0], $0xffff;
	_ =	sdelay $0x2  }
0x4ee: {  	v11 =	vld [tilespmem:s6+$0x800];
	_ =	sdelay $0x1  }
0x4ef: {  	vm0 =	veq.f32 v10, v8;
	_ =	sdelay $0x5  }
0x4f0: {  	[tilespmem:v11+s29+$0x0] =	vst.idx.msk vm0, v7  }
0x4f1: {  	v10 =	vld.idx.msk [tilespmem:v11+s28+$0x0], $0xffff;
	_ =	sdelay $0x4  }
0x4f2: {  	vm13 =	veq.f32 v10, v8;
	_ =	sdelay $0x5  }
0x4f3: {  	[tilespmem:v9+s29+$0x0] =	vst.idx.msk vm13, v7  }
0x4f4: {  	v9 =	vld [tilespmem:s6+$0x10];
	_ =	sdelay $0x7  }
0x4f5: {  	v10 =	vld.idx.msk [tilespmem:v9+s28+$0x0], $0xffff;
	_ =	sdelay $0x2  }
0x4f6: {  	v11 =	vld [tilespmem:s6+$0x810];
	_ =	sdelay $0x1  }
0x4f7: {  	vm14 =	veq.f32 v10, v8;
	_ =	sdelay $0x5  }
0x4f8: {  	[tilespmem:v11+s29+$0x0] =	vst.idx.msk vm14, v7  }
0x4f9: {  	v10 =	vld.idx.msk [tilespmem:v11+s28+$0x0], $0xffff;
	_ =	sdelay $0x4  }
0x4fa: {  	vm15 =	veq.f32 v10, v8;
	_ =	sdelay $0x5  }
0x4fb: {  	[tilespmem:v9+s29+$0x0] =	vst.idx.msk vm15, v7  }
0x4fc: {  	v9 =	vld [tilespmem:s6+$0x20];
	_ =	sdelay $0x7  }
0x4fd: {  	v10 =	vld.idx.msk [tilespmem:v9+s28+$0x0], $0xffff;
	_ =	sdelay $0x2  }
0x4fe: {  	v11 =	vld [tilespmem:s6+$0x820];
	_ =	sdelay $0x1  }
0x4ff: {  	vm4 =	veq.f32 v10, v8;
	_ =	sdelay $0x5  }
0x500: {  	[tilespmem:v11+s29+$0x0] =	vst.idx.msk vm4, v7  }
0x501: {  	v10 =	vld.idx.msk [tilespmem:v11+s28+$0x0], $0xffff;
	_ =	sdelay $0x4  }
0x502: {  	vm5 =	veq.f32 v10, v8;
	_ =	sdelay $0x5  }
0x503: {  	[tilespmem:v9+s29+$0x0] =	vst.idx.msk vm5, v7  }
0x504: {  	v9 =	vld [tilespmem:s6+$0x30];
	_ =	sdelay $0x7  }
0x505: {  	v10 =	vld.idx.msk [tilespmem:v9+s28+$0x0], $0xffff;
	_ =	sdelay $0x2  }
0x506: {  	v11 =	vld [tilespmem:s6+$0x830];
	_ =	sdelay $0x1  }
0x507: {  	vm6 =	veq.f32 v10, v8;
	_ =	sdelay $0x5  }
0x508: {  	[tilespmem:v11+s29+$0x0] =	vst.idx.msk vm6, v7  }
0x509: {  	v10 =	vld.idx.msk [tilespmem:v11+s28+$0x0], $0xffff;
	_ =	sdelay $0x4  }
0x50a: {  	vm7 =	veq.f32 v10, v8;
	_ =	sdelay $0x5  }
0x50b: {  	[tilespmem:v9+s29+$0x0] =	vst.idx.msk vm7, v7  }
0x50c: {  	v9 =	vld [tilespmem:s6+$0x40];
	_ =	sdelay $0x7  }
0x50d: {  	v10 =	vld.idx.msk [tilespmem:v9+s28+$0x0], $0xffff;
	_ =	sdelay $0x2  }
0x50e: {  	v11 =	vld [tilespmem:s6+$0x840];
	_ =	sdelay $0x1  }
0x50f: {  	vm8 =	veq.f32 v10, v8;
	_ =	sdelay $0x5  }
0x510: {  	[tilespmem:v11+s29+$0x0] =	vst.idx.msk vm8, v7  }
0x511: {  	v10 =	vld.idx.msk [tilespmem:v11+s28+$0x0], $0xffff;
	_ =	sdelay $0x4  }
0x512: {  	vm9 =	veq.f32 v10, v8;
	_ =	sdelay $0x5  }
0x513: {  	[tilespmem:v9+s29+$0x0] =	vst.idx.msk vm9, v7  }
0x514: {  	v9 =	vld [tilespmem:s6+$0x50];
	_ =	sdelay $0x7  }
0x515: {  	v10 =	vld.idx.msk [tilespmem:v9+s28+$0x0], $0xffff;
	_ =	sdelay $0x2  }
0x516: {  	v11 =	vld [tilespmem:s6+$0x850];
	_ =	sdelay $0x1  }
0x517: {  	vm10 =	veq.f32 v10, v8;
	_ =	sdelay $0x5  }
0x518: {  	[tilespmem:v11+s29+$0x0] =	vst.idx.msk vm10, v7  }
0x519: {  	v10 =	vld.idx.msk [tilespmem:v11+s28+$0x0], $0xffff;
	_ =	sdelay $0x4  }
0x51a: {  	vm11 =	veq.f32 v10, v8;
	_ =	sdelay $0x5  }
0x51b: {  	[tilespmem:v9+s29+$0x0] =	vst.idx.msk vm11, v7  }
0x51c: {  	v9 =	vld [tilespmem:s6+$0x60];
	_ =	sdelay $0x7  }
0x51d: {  	v10 =	vld.idx.msk [tilespmem:v9+s28+$0x0], $0xffff;
	_ =	sdelay $0x2  }
0x51e: {  	v11 =	vld [tilespmem:s6+$0x860];
	_ =	sdelay $0x1  }
0x51f: {  	vm12 =	veq.f32 v10, v8;
	_ =	sdelay $0x5  }
0x520: {  	[tilespmem:v11+s29+$0x0] =	vst.idx.msk vm12, v7  }
0x521: {  	v10 =	vld.idx.msk [tilespmem:v11+s28+$0x0], $0xffff;
	_ =	sdelay $0x4  }
0x522: {  	vm13 =	veq.f32 v10, v8;
	_ =	sdelay $0x5  }
0x523: {  	[tilespmem:v9+s29+$0x0] =	vst.idx.msk vm13, v7  }
0x524: {  	v9 =	vld [tilespmem:s6+$0x70];
	_ =	sdelay $0x7  }
0x525: {  	v10 =	vld.idx.msk [tilespmem:v9+s28+$0x0], $0xffff;
	_ =	sdelay $0x2  }
0x526: {  	v11 =	vld [tilespmem:s6+$0x870];
	_ =	sdelay $0x1  }
0x527: {  	vm14 =	veq.f32 v10, v8;
	_ =	sdelay $0x5  }
0x528: {  	[tilespmem:v11+s29+$0x0] =	vst.idx.msk vm14, v7  }
0x529: {  	v10 =	vld.idx.msk [tilespmem:v11+s28+$0x0], $0xffff;
	_ =	sdelay $0x4  }
0x52a: {  	vm15 =	veq.f32 v10, v8  }
0x52b: {  	p1 =	sne.s32 s11, $0x1E00  }
.Ltmp28:
0x52c: {  	_ = 	snop;
	(pc) =	sbr.rel @p1 .LBB2_38-.Ltmp28, $2  }
0x52d: {  	_ =	sdelay $0x2  }
0x52e: {  	s11 =	sadd.s32 $0x200, s11;
	[tilespmem:v9+s29+$0x0] =	vst.idx.msk vm15, v7  }
0x52f: {  	[spmem:s3] =	stream.indirect.scatter.add.f32 [tilespmem:s29], [sflag:$0x2], $0x80, s31, s30, $0xb8;
	[tilespmem:$0x14400] =	vst v63  }
0x530: {  	_ =	swait.ge [sflag:s17], $0x1000  }
0x531: {  	[sflag:s17] =	ssyncset.done $0x0  }
0x532: {  	[sflag:s17] =	ssyncadd.s32 $0xFFFFF000  }
0x533: {  	[bflag:$0x0] =	sbarrier.arrive $0xFFFF  }
0x534: {  	[tilespmem:s1], [sflag:$0x2] =	stream.linear.gather [spmem:s3], $0x1000, $0x38;
	[tilespmem:$0x14400] =	vst v63  }
0x535: {  	_ =	swait.ge [sflag:s17], $0x1000  }
0x536: {  	[sflag:s17] =	ssyncset.done $0x0  }
0x537: {  	[sflag:s17] =	ssyncadd.s32 $0xFFFFF000  }
0x538: {  	[spmem:s9] =	stream.linear.scatter [tilespmem:s25], [sflag:$0x2], $0x100, $0x38;
	[tilespmem:$0x14400] =	vst v63  }
0x539: {  	_ =	swait.ge [sflag:s17], $0x100  }
0x53a: {  	[sflag:s17] =	ssyncset.done $0x0  }
0x53b: {  	s6 =	simm.s32 $0x0;
	[sflag:s17] =	ssyncadd.s32 $0xFFFFFF00  }
0x53c: {  	v8 =	vld [tilespmem:s6+$0xB000]  }
0x53d: {  	v9 =	vld [tilespmem:s6+$0x9000];
	_ =	sdelay $0x2  }
0x53e: {  	s4 =	sor.u32 $0x7, s4  }
0x53f: {  	s4 =	scvt.s32.f32 s4  }
0x540: {  	s8 =	simm.s32 $0x10;
	[tilespmem:s6+$0xA000] =	vst v2;
	vm0 =	vgt.f32 v8, $0.0e+00;
	vm1 =	veq.f32 v9, $4.096000000e+03  }
0x541: {  	v10 =	vld [tilespmem:s8+$0xB000];
	v8 =	vmov s4;
	vm0 =	vmand vm0, vm1  }
0x542: {  	v9 =	vsel vm0, v8, v9  }
0x543: {  	v11 =	vsel vm0, $0x3F800000, v2;
	[tilespmem:s6+$0x9000] =	vst v9  }
0x544: {  	(xrf2) =	vadd.scan.msk.f32 $0xffff, v11;
	v9 =	vld [tilespmem:s8+$0x9000]  }
0x545: {  	s12 =	simm.s32 $0x20;
	[tilespmem:s8+$0xA000] =	vst v2  }
0x546: {  	vm12 =	vgt.f32 v10, $0.0e+00;
	v10 =	vld [tilespmem:s12+$0xB000];
	_ =	sdelay $0x2  }
0x547: {  	vm13 =	veq.f32 v9, $4.096000000e+03  }
0x548: {  	vm0 =	vmand vm12, vm13  }
0x549: {  	vm14 =	vgt.f32 v10, $0.0e+00;
	v9 =	vsel vm0, v8, v9;
	v10 =	vsel vm0, $0x3F800000, v2  }
0x54a: {  	[tilespmem:s8+$0x9000] =	vst v9  }
0x54b: {  	(xrf2) =	vadd.scan.msk.f32 $0xffff, v10;
	v9 =	vld [tilespmem:s12+$0x9000]  }
0x54c: {  	v10, _, _ =	vpop (xrf2)  }
0x54d: {  	(v2sf) =	vpush v10, $0xF;
	_ =	sdelay $0x2  }
0x54e: {  	vm2 =	veq.f32 v9, $4.096000000e+03  }
0x54f: {  	vm15 =	vmand vm14, vm2  }
0x550: {  	v12 =	vsel vm15, $0x3F800000, v2  }
0x551: {  	s14 =	simm.s32 $0x30;
	s11 =	simm.f32 $0.0e+00;
	s18 =	simm.s32 $0x100;
	[tilespmem:s12+$0xA000] =	vst v2;
	v11 =	vsel vm15, v8, v9;
	(xrf2) =	vadd.scan.msk.f32 $0xffff, v12  }
0x552: {  	s15 =	simm.s32 $0x140;
	s13 =	simm.s32 $0x180;
	s6 =	simm.s32 $0x1C0;
	v9 =	vld [tilespmem:s14+$0xB000];
	[tilespmem:s12+$0x9000] =	vst v11  }
.LBB2_40:
0x553: {  	p1 =	sne.s32 s6, $0x3FC0;
	v10 =	vld [tilespmem:s14+$0x9000];
	[tilespmem:s14+$0xA000] =	vst v2;
	v11, _, _ =	vpop (xrf2);
	s8 =	smov.u32 s15;
	s15 =	smov.u32 s13  }
0x554: {  	s13 =	smov.u32 s6;
	(v2sf) =	vpush v11, $0xF;
	_ =	sdelay $0x2  }
.Ltmp29:
0x555: {  	(pc) =	sbr.rel @p1 .LBB2_40-.Ltmp29, $4  }
0x556: {  	vm0 =	vgt.f32 v9, $0.0e+00;
	vm1 =	veq.f32 v10, $4.096000000e+03  }
0x557: {  	vm0 =	vmand vm0, vm1  }
0x558: {  	s12 =	sshra.s32 s18, $0x2;
	s18 =	smov.u32 s8;
	v10 =	vsel vm0, v8, v10;
	v11 =	vsel vm0, $0x3F800000, v2;
	s16 =	spop (v2sf)  }
0x559: {  	s6 =	sadd.s32 $0x40, s6;
	v9 =	vld [tilespmem:s12+$0xB000];
	[tilespmem:s14+$0x9000] =	vst v10;
	(xrf2) =	vadd.scan.msk.f32 $0xffff, v11;
	s11 =	sadd.f32 s16, s11;
	s14 =	smov.u32 s12  }
0x55a: {  	v10 =	vld [tilespmem:s14+$0x9000];
	_ =	sdelay $0x4  }
0x55b: {  	vm0 =	vgt.f32 v9, $0.0e+00;
	vm1 =	veq.f32 v10, $4.096000000e+03  }
0x55c: {  	vm0 =	vmand vm0, vm1  }
0x55d: {  	[tilespmem:s14+$0xA000] =	vst v2;
	s6 =	sshra.s32 s18, $0x2;
	v9 =	vsel vm0, v8, v10  }
0x55e: {  	v10 =	vld [tilespmem:s6+$0xB000];
	[tilespmem:s14+$0x9000] =	vst v9  }
0x55f: {  	v9 =	vld [tilespmem:s6+$0x9000];
	_ =	sdelay $0x4  }
0x560: {  	vm12 =	vgt.f32 v10, $0.0e+00;
	vm2 =	veq.f32 v9, $4.096000000e+03  }
0x561: {  	vm1 =	vmand vm12, vm2  }
0x562: {  	s8 =	sshra.s32 s15, $0x2;
	[tilespmem:s6+$0xA000] =	vst v2;
	v9 =	vsel vm1, v8, v9  }
0x563: {  	v10 =	vld [tilespmem:s8+$0xB000];
	[tilespmem:s6+$0x9000] =	vst v9  }
0x564: {  	v9 =	vld [tilespmem:s8+$0x9000];
	_ =	sdelay $0x4  }
0x565: {  	vm13 =	vgt.f32 v10, $0.0e+00;
	vm3 =	veq.f32 v9, $4.096000000e+03  }
0x566: {  	vm2 =	vmand vm13, vm3  }
0x567: {  	s6 =	sshra.s32 s13, $0x2;
	[tilespmem:s8+$0xA000] =	vst v2;
	v9 =	vsel vm2, v8, v9  }
0x568: {  	v10 =	vld [tilespmem:s6+$0xB000];
	[tilespmem:s8+$0x9000] =	vst v9  }
0x569: {  	v9 =	vld [tilespmem:s6+$0x9000]  }
0x56a: {  	v11 =	vsel vm0, $0x3F800000, v2  }
0x56b: {  	(xrf2) =	vadd.scan.msk.f32 $0xffff, v11  }
0x56c: {  	v11 =	vsel vm1, $0x3F800000, v2  }
0x56d: {  	(xrf2) =	vadd.scan.msk.f32 $0xffff, v11  }
0x56e: {  	vm14 =	vgt.f32 v10, $0.0e+00;
	v11 =	vsel vm2, $0x3F800000, v2;
	vm15 =	veq.f32 v9, $4.096000000e+03  }
0x56f: {  	(xrf2) =	vadd.scan.msk.f32 $0xffff, v11;
	vm0 =	vmand vm14, vm15  }
0x570: {  	v10 =	vsel vm0, $0x3F800000, v2  }
0x571: {  	v11, _, _ =	vpop (xrf2);
	(xrf2) =	vadd.scan.msk.f32 $0xffff, v10  }
0x572: {  	(v2sf) =	vpush v11, $0xF  }
0x573: {  	v10, _, _ =	vpop (xrf2)  }
0x574: {  	(v2sf) =	vpush v10, $0xF  }
0x575: {  	v10, _, _ =	vpop (xrf2)  }
0x576: {  	(v2sf) =	vpush v10, $0xF  }
0x577: {  	v10, _, _ =	vpop (xrf2)  }
0x578: {  	(v2sf) =	vpush v10, $0xF  }
0x579: {  	v10, _, _ =	vpop (xrf2)  }
0x57a: {  	(v2sf) =	vpush v10, $0xF  }
0x57b: {  	v10, _, _ =	vpop (xrf2)  }
0x57c: {  	(v2sf) =	vpush v10, $0xF;
	_ =	sdelay $0x2  }
0x57d: {  	s18 =	spop (v2sf)  }
0x57e: {  	s8 =	sadd.f32 s18, s11  }
0x57f: {  	s12 =	spop (v2sf)  }
0x580: {  	s8 =	sadd.f32 s12, s8  }
0x581: {  	s13 =	spop (v2sf)  }
0x582: {  	s8 =	sadd.f32 s13, s8  }
0x583: {  	s14 =	spop (v2sf)  }
0x584: {  	s8 =	sadd.f32 s14, s8  }
0x585: {  	s15 =	spop (v2sf)  }
0x586: {  	s8 =	sadd.f32 s15, s8  }
0x587: {  	s16 =	spop (v2sf)  }
0x588: {  	s8 =	sadd.f32 s16, s8  }
0x589: {  	s18 =	spop (v2sf)  }
0x58a: {  	s8 =	sadd.f32 s18, s8;
	_ =	sdelay $0x1  }
0x58b: {  	p1 =	sgt.f32 s8, $0.0e+00  }
.Ltmp30:
0x58c: {  	_ = 	snop;
	(pc) =	sbr.rel @!p1 .LBB2_46-.Ltmp30, $4  }
0x58d: {  	[tilespmem:s6+$0xA000] =	vst v2;
	v9 =	vsel vm0, v8, v9  }
0x58e: {  	[tilespmem:s6+$0x9000] =	vst v9  }
0x58f: {  	[bflag:$0x0] =	sbarrier.arrive $0xFFFF  }
0x590: {  	s11 =	simm.s32 $0x0;
	[smem:$0x0] =	sst s8  }
.LBB2_42:
0x591: {  	s6 =	sshra.s32 s11, $0x2  }
0x592: {  	v9 =	vld [tilespmem:s6+$0x0];
	_ =	sdelay $0x7  }
0x593: {  	v10 =	vld.idx.msk [tilespmem:v9+s28+$0x0], $0xffff;
	_ =	sdelay $0x2  }
0x594: {  	v11 =	vld [tilespmem:s6+$0x800];
	_ =	sdelay $0x1  }
0x595: {  	vm0 =	veq.f32 v10, v8;
	_ =	sdelay $0x5  }
0x596: {  	[tilespmem:v11+s29+$0x0] =	vst.idx.msk vm0, v7  }
0x597: {  	v10 =	vld.idx.msk [tilespmem:v11+s28+$0x0], $0xffff;
	_ =	sdelay $0x4  }
0x598: {  	vm13 =	veq.f32 v10, v8;
	_ =	sdelay $0x5  }
0x599: {  	[tilespmem:v9+s29+$0x0] =	vst.idx.msk vm13, v7  }
0x59a: {  	v9 =	vld [tilespmem:s6+$0x10];
	_ =	sdelay $0x7  }
0x59b: {  	v10 =	vld.idx.msk [tilespmem:v9+s28+$0x0], $0xffff;
	_ =	sdelay $0x2  }
0x59c: {  	v11 =	vld [tilespmem:s6+$0x810];
	_ =	sdelay $0x1  }
0x59d: {  	vm14 =	veq.f32 v10, v8;
	_ =	sdelay $0x5  }
0x59e: {  	[tilespmem:v11+s29+$0x0] =	vst.idx.msk vm14, v7  }
0x59f: {  	v10 =	vld.idx.msk [tilespmem:v11+s28+$0x0], $0xffff;
	_ =	sdelay $0x4  }
0x5a0: {  	vm15 =	veq.f32 v10, v8;
	_ =	sdelay $0x5  }
0x5a1: {  	[tilespmem:v9+s29+$0x0] =	vst.idx.msk vm15, v7  }
0x5a2: {  	v9 =	vld [tilespmem:s6+$0x20];
	_ =	sdelay $0x7  }
0x5a3: {  	v10 =	vld.idx.msk [tilespmem:v9+s28+$0x0], $0xffff;
	_ =	sdelay $0x2  }
0x5a4: {  	v11 =	vld [tilespmem:s6+$0x820];
	_ =	sdelay $0x1  }
0x5a5: {  	vm4 =	veq.f32 v10, v8;
	_ =	sdelay $0x5  }
0x5a6: {  	[tilespmem:v11+s29+$0x0] =	vst.idx.msk vm4, v7  }
0x5a7: {  	v10 =	vld.idx.msk [tilespmem:v11+s28+$0x0], $0xffff;
	_ =	sdelay $0x4  }
0x5a8: {  	vm5 =	veq.f32 v10, v8;
	_ =	sdelay $0x5  }
0x5a9: {  	[tilespmem:v9+s29+$0x0] =	vst.idx.msk vm5, v7  }
0x5aa: {  	v9 =	vld [tilespmem:s6+$0x30];
	_ =	sdelay $0x7  }
0x5ab: {  	v10 =	vld.idx.msk [tilespmem:v9+s28+$0x0], $0xffff;
	_ =	sdelay $0x2  }
0x5ac: {  	v11 =	vld [tilespmem:s6+$0x830];
	_ =	sdelay $0x1  }
0x5ad: {  	vm6 =	veq.f32 v10, v8;
	_ =	sdelay $0x5  }
0x5ae: {  	[tilespmem:v11+s29+$0x0] =	vst.idx.msk vm6, v7  }
0x5af: {  	v10 =	vld.idx.msk [tilespmem:v11+s28+$0x0], $0xffff;
	_ =	sdelay $0x4  }
0x5b0: {  	vm7 =	veq.f32 v10, v8;
	_ =	sdelay $0x5  }
0x5b1: {  	[tilespmem:v9+s29+$0x0] =	vst.idx.msk vm7, v7  }
0x5b2: {  	v9 =	vld [tilespmem:s6+$0x40];
	_ =	sdelay $0x7  }
0x5b3: {  	v10 =	vld.idx.msk [tilespmem:v9+s28+$0x0], $0xffff;
	_ =	sdelay $0x2  }
0x5b4: {  	v11 =	vld [tilespmem:s6+$0x840];
	_ =	sdelay $0x1  }
0x5b5: {  	vm8 =	veq.f32 v10, v8;
	_ =	sdelay $0x5  }
0x5b6: {  	[tilespmem:v11+s29+$0x0] =	vst.idx.msk vm8, v7  }
0x5b7: {  	v10 =	vld.idx.msk [tilespmem:v11+s28+$0x0], $0xffff;
	_ =	sdelay $0x4  }
0x5b8: {  	vm9 =	veq.f32 v10, v8;
	_ =	sdelay $0x5  }
0x5b9: {  	[tilespmem:v9+s29+$0x0] =	vst.idx.msk vm9, v7  }
0x5ba: {  	v9 =	vld [tilespmem:s6+$0x50];
	_ =	sdelay $0x7  }
0x5bb: {  	v10 =	vld.idx.msk [tilespmem:v9+s28+$0x0], $0xffff;
	_ =	sdelay $0x2  }
0x5bc: {  	v11 =	vld [tilespmem:s6+$0x850];
	_ =	sdelay $0x1  }
0x5bd: {  	vm10 =	veq.f32 v10, v8;
	_ =	sdelay $0x5  }
0x5be: {  	[tilespmem:v11+s29+$0x0] =	vst.idx.msk vm10, v7  }
0x5bf: {  	v10 =	vld.idx.msk [tilespmem:v11+s28+$0x0], $0xffff;
	_ =	sdelay $0x4  }
0x5c0: {  	vm11 =	veq.f32 v10, v8;
	_ =	sdelay $0x5  }
0x5c1: {  	[tilespmem:v9+s29+$0x0] =	vst.idx.msk vm11, v7  }
0x5c2: {  	v9 =	vld [tilespmem:s6+$0x60];
	_ =	sdelay $0x7  }
0x5c3: {  	v10 =	vld.idx.msk [tilespmem:v9+s28+$0x0], $0xffff;
	_ =	sdelay $0x2  }
0x5c4: {  	v11 =	vld [tilespmem:s6+$0x860];
	_ =	sdelay $0x1  }
0x5c5: {  	vm12 =	veq.f32 v10, v8;
	_ =	sdelay $0x5  }
0x5c6: {  	[tilespmem:v11+s29+$0x0] =	vst.idx.msk vm12, v7  }
0x5c7: {  	v10 =	vld.idx.msk [tilespmem:v11+s28+$0x0], $0xffff;
	_ =	sdelay $0x4  }
0x5c8: {  	vm13 =	veq.f32 v10, v8;
	_ =	sdelay $0x5  }
0x5c9: {  	[tilespmem:v9+s29+$0x0] =	vst.idx.msk vm13, v7  }
0x5ca: {  	v9 =	vld [tilespmem:s6+$0x70];
	_ =	sdelay $0x7  }
0x5cb: {  	v10 =	vld.idx.msk [tilespmem:v9+s28+$0x0], $0xffff;
	_ =	sdelay $0x2  }
0x5cc: {  	v11 =	vld [tilespmem:s6+$0x870];
	_ =	sdelay $0x1  }
0x5cd: {  	vm14 =	veq.f32 v10, v8;
	_ =	sdelay $0x5  }
0x5ce: {  	[tilespmem:v11+s29+$0x0] =	vst.idx.msk vm14, v7  }
0x5cf: {  	v10 =	vld.idx.msk [tilespmem:v11+s28+$0x0], $0xffff;
	_ =	sdelay $0x4  }
0x5d0: {  	vm15 =	veq.f32 v10, v8  }
0x5d1: {  	p1 =	sne.s32 s11, $0x1E00  }
.Ltmp31:
0x5d2: {  	_ = 	snop;
	(pc) =	sbr.rel @p1 .LBB2_42-.Ltmp31, $2  }
0x5d3: {  	_ =	sdelay $0x2  }
0x5d4: {  	s11 =	sadd.s32 $0x200, s11;
	[tilespmem:v9+s29+$0x0] =	vst.idx.msk vm15, v7  }
0x5d5: {  	[spmem:s3] =	stream.indirect.scatter.add.f32 [tilespmem:s29], [sflag:$0x2], $0x80, s23, s30, $0xb8;
	[tilespmem:$0x14400] =	vst v63  }
0x5d6: {  	_ =	swait.ge [sflag:s17], $0x1000  }
0x5d7: {  	[sflag:s17] =	ssyncset.done $0x0  }
0x5d8: {  	[sflag:s17] =	ssyncadd.s32 $0xFFFFF000  }
0x5d9: {  	[bflag:$0x0] =	sbarrier.arrive $0xFFFF  }
0x5da: {  	[tilespmem:s1], [sflag:$0x2] =	stream.linear.gather [spmem:s10], $0x1000, $0x38;
	[tilespmem:$0x14400] =	vst v63  }
0x5db: {  	_ =	swait.ge [sflag:s17], $0x1000  }
0x5dc: {  	[sflag:s17] =	ssyncset.done $0x0  }
0x5dd: {  	[sflag:s17] =	ssyncadd.s32 $0xFFFFF000  }
0x5de: {  	[spmem:s7] =	stream.linear.scatter [tilespmem:s25], [sflag:$0x2], $0x100, $0x38;
	[tilespmem:$0x14400] =	vst v63  }
0x5df: {  	_ =	swait.ge [sflag:s17], $0x100  }
0x5e0: {  	[sflag:s17] =	ssyncset.done $0x0  }
0x5e1: {  	s6 =	simm.s32 $0x0;
	[sflag:s17] =	ssyncadd.s32 $0xFFFFFF00  }
0x5e2: {  	v8 =	vld [tilespmem:s6+$0xB000]  }
0x5e3: {  	v9 =	vld [tilespmem:s6+$0x9000];
	_ =	sdelay $0x3  }
0x5e4: {  	s4 =	sadd.f32 $1.000000000e+00, s4  }
0x5e5: {  	s18 =	simm.s32 $0x10;
	[tilespmem:s6+$0xA000] =	vst v2;
	vm0 =	vgt.f32 v8, $0.0e+00;
	vm1 =	veq.f32 v9, $4.096000000e+03  }
0x5e6: {  	v10 =	vld [tilespmem:s18+$0xB000];
	v8 =	vmov s4;
	vm0 =	vmand vm0, vm1  }
0x5e7: {  	v9 =	vsel vm0, v8, v9  }
0x5e8: {  	v11 =	vsel vm0, $0x3F800000, v2;
	[tilespmem:s6+$0x9000] =	vst v9  }
0x5e9: {  	(xrf2) =	vadd.scan.msk.f32 $0xffff, v11;
	v9 =	vld [tilespmem:s18+$0x9000]  }
0x5ea: {  	s8 =	simm.s32 $0x20;
	[tilespmem:s18+$0xA000] =	vst v2  }
0x5eb: {  	vm12 =	vgt.f32 v10, $0.0e+00;
	v10 =	vld [tilespmem:s8+$0xB000];
	_ =	sdelay $0x2  }
0x5ec: {  	vm13 =	veq.f32 v9, $4.096000000e+03  }
0x5ed: {  	vm0 =	vmand vm12, vm13  }
0x5ee: {  	vm14 =	vgt.f32 v10, $0.0e+00;
	v9 =	vsel vm0, v8, v9;
	v10 =	vsel vm0, $0x3F800000, v2  }
0x5ef: {  	[tilespmem:s18+$0x9000] =	vst v9  }
0x5f0: {  	(xrf2) =	vadd.scan.msk.f32 $0xffff, v10;
	v9 =	vld [tilespmem:s8+$0x9000]  }
0x5f1: {  	v10, _, _ =	vpop (xrf2)  }
0x5f2: {  	(v2sf) =	vpush v10, $0xF;
	_ =	sdelay $0x2  }
0x5f3: {  	vm2 =	veq.f32 v9, $4.096000000e+03  }
0x5f4: {  	vm15 =	vmand vm14, vm2  }
0x5f5: {  	v12 =	vsel vm15, $0x3F800000, v2  }
0x5f6: {  	s13 =	simm.s32 $0x30;
	s15 =	simm.s32 $0x100;
	s14 =	simm.s32 $0x140;
	[tilespmem:s8+$0xA000] =	vst v2;
	v11 =	vsel vm15, v8, v9;
	(xrf2) =	vadd.scan.msk.f32 $0xffff, v12  }
0x5f7: {  	s11 =	simm.s32 $0x180;
	s4 =	simm.f32 $0.0e+00;
	s6 =	simm.s32 $0x1C0;
	v9 =	vld [tilespmem:s13+$0xB000];
	[tilespmem:s8+$0x9000] =	vst v11  }
.LBB2_44:
0x5f8: {  	p1 =	sne.s32 s6, $0x3FC0;
	v10 =	vld [tilespmem:s13+$0x9000];
	[tilespmem:s13+$0xA000] =	vst v2;
	v11, _, _ =	vpop (xrf2);
	s8 =	smov.u32 s14;
	s14 =	smov.u32 s11  }
0x5f9: {  	s11 =	smov.u32 s6;
	(v2sf) =	vpush v11, $0xF;
	_ =	sdelay $0x2  }
.Ltmp32:
0x5fa: {  	(pc) =	sbr.rel @p1 .LBB2_44-.Ltmp32, $4  }
0x5fb: {  	vm0 =	vgt.f32 v9, $0.0e+00;
	vm1 =	veq.f32 v10, $4.096000000e+03  }
0x5fc: {  	vm0 =	vmand vm0, vm1  }
0x5fd: {  	s12 =	sshra.s32 s15, $0x2;
	s15 =	smov.u32 s8;
	v10 =	vsel vm0, v8, v10;
	v11 =	vsel vm0, $0x3F800000, v2;
	s16 =	spop (v2sf)  }
0x5fe: {  	s6 =	sadd.s32 $0x40, s6;
	v9 =	vld [tilespmem:s12+$0xB000];
	[tilespmem:s13+$0x9000] =	vst v10;
	(xrf2) =	vadd.scan.msk.f32 $0xffff, v11;
	s4 =	sadd.f32 s16, s4;
	s13 =	smov.u32 s12  }
0x5ff: {  	v10 =	vld [tilespmem:s13+$0x9000];
	_ =	sdelay $0x4  }
0x600: {  	vm0 =	vgt.f32 v9, $0.0e+00;
	vm1 =	veq.f32 v10, $4.096000000e+03  }
0x601: {  	vm0 =	vmand vm0, vm1  }
0x602: {  	[tilespmem:s13+$0xA000] =	vst v2;
	s6 =	sshra.s32 s15, $0x2;
	v51 =	vsel vm0, v8, v10  }
0x603: {  	v52 =	vld [tilespmem:s6+$0xB000];
	[tilespmem:s13+$0x9000] =	vst v51  }
0x604: {  	v9 =	vld [tilespmem:s6+$0x9000];
	_ =	sdelay $0x4  }
0x605: {  	vm12 =	vgt.f32 v52, $0.0e+00;
	vm2 =	veq.f32 v9, $4.096000000e+03  }
0x606: {  	vm1 =	vmand vm12, vm2  }
0x607: {  	s8 =	sshra.s32 s14, $0x2;
	[tilespmem:s6+$0xA000] =	vst v2;
	v9 =	vsel vm1, v8, v9  }
0x608: {  	v53 =	vld [tilespmem:s8+$0xB000];
	[tilespmem:s6+$0x9000] =	vst v9  }
0x609: {  	v9 =	vld [tilespmem:s8+$0x9000];
	_ =	sdelay $0x4  }
0x60a: {  	vm13 =	vgt.f32 v53, $0.0e+00;
	vm3 =	veq.f32 v9, $4.096000000e+03  }
0x60b: {  	vm2 =	vmand vm13, vm3  }
0x60c: {  	s6 =	sshra.s32 s11, $0x2;
	[tilespmem:s8+$0xA000] =	vst v2;
	v9 =	vsel vm2, v8, v9  }
0x60d: {  	v54 =	vld [tilespmem:s6+$0xB000];
	[tilespmem:s8+$0x9000] =	vst v9  }
0x60e: {  	v9 =	vld [tilespmem:s6+$0x9000]  }
0x60f: {  	v11 =	vsel vm0, $0x3F800000, v2  }
0x610: {  	(xrf2) =	vadd.scan.msk.f32 $0xffff, v11  }
0x611: {  	v55 =	vsel vm1, $0x3F800000, v2  }
0x612: {  	(xrf2) =	vadd.scan.msk.f32 $0xffff, v55  }
0x613: {  	vm14 =	vgt.f32 v54, $0.0e+00;
	v56 =	vsel vm2, $0x3F800000, v2;
	vm15 =	veq.f32 v9, $4.096000000e+03  }
0x614: {  	(xrf2) =	vadd.scan.msk.f32 $0xffff, v56;
	vm0 =	vmand vm14, vm15  }
0x615: {  	v57 =	vsel vm0, $0x3F800000, v2  }
0x616: {  	v58, _, _ =	vpop (xrf2);
	(xrf2) =	vadd.scan.msk.f32 $0xffff, v57  }
0x617: {  	(v2sf) =	vpush v58, $0xF  }
0x618: {  	v59, _, _ =	vpop (xrf2)  }
0x619: {  	(v2sf) =	vpush v59, $0xF  }
0x61a: {  	v60, _, _ =	vpop (xrf2)  }
0x61b: {  	(v2sf) =	vpush v60, $0xF  }
0x61c: {  	v61, _, _ =	vpop (xrf2)  }
0x61d: {  	(v2sf) =	vpush v61, $0xF  }
0x61e: {  	v62, _, _ =	vpop (xrf2)  }
0x61f: {  	(v2sf) =	vpush v62, $0xF  }
0x620: {  	v63, _, _ =	vpop (xrf2)  }
0x621: {  	(v2sf) =	vpush v63, $0xF;
	_ =	sdelay $0x2  }
0x622: {  	s11 =	spop (v2sf)  }
0x623: {  	s4 =	sadd.f32 s11, s4  }
0x624: {  	s12 =	spop (v2sf)  }
0x625: {  	s4 =	sadd.f32 s12, s4  }
0x626: {  	s13 =	spop (v2sf)  }
0x627: {  	s4 =	sadd.f32 s13, s4  }
0x628: {  	s14 =	spop (v2sf)  }
0x629: {  	s4 =	sadd.f32 s14, s4  }
0x62a: {  	s15 =	spop (v2sf)  }
0x62b: {  	s4 =	sadd.f32 s15, s4  }
0x62c: {  	s16 =	spop (v2sf)  }
.Ltmp33:
0x62d: {  	s4 =	sadd.f32 s16, s4;
	(pc) =	sbr.rel .LBB2_46-.Ltmp33, $4  }
0x62e: {  	[tilespmem:s6+$0xA000] =	vst v2;
	v8 =	vsel vm0, v8, v9;
	s18 =	spop (v2sf)  }
0x62f: {  	[tilespmem:s6+$0x9000] =	vst v8;
	s4 =	sadd.f32 s18, s4  }
0x630: {  	[bflag:$0x0] =	sbarrier.arrive $0xFFFF  }
0x631: {  	[smem:$0x0] =	sst s4  }
.LBB2_49:
0x632: {  	_ =	sfence.sel $0x180000  }
0x633: {  	[bflag:$0x0] =	sbarrier.arrive $0xFFFF  }
0x634: {  	_ =	strace $0x90000047  }
0x635: {  	s0 =	stileid.u32;
	[bflag:$0x2] =	sbarrier.arrive $0xFFFF  }
0x636: {  	p0 =	sne.s32 s0, $0x0;
	s0 =	rddreg [dreg:$0x7]  }
0x637: {  	s0 =	sadd.s32 @!p0 $0x100000, s0  }
0x638: {  	[sflag:s0] =	ssyncadd.tile.s32 @!p0 $0x1;
	_ =	shalt  }
.Lfunc_end2:
_tile_overlayer_lowered:
.L_overlay_start_2:
0x639: {  	(tag) =	ssettag $0x2  }
0x63a: {  	s0 =	rddreg [dreg:$0x0];
	s2 =	stileid.u32  }
0x63b: {  	s1 =	rddreg [dreg:$0x1];
	p0 =	sne.s32 s2, $0x0  }
0x63c: {  	s3 =	rddreg [dreg:$0x2];
	[bflag:$0x3] =	sbarrier.arrive $0xFFFF;
	s2 =	simm.s32 @!p0 $0x1C02  }
0x63d: {  	[timem:s3], [sflag:s2] =	dma.local @!p0 [hbm:s0], s1  }
0x63e: {  	s0 =	simm.s32 @!p0 $0x2  }
0x63f: {  	_ =	swait.ge @!p0 [sflag:s0], s1  }
0x640: {  	s1 =	ssub.s32 @!p0 $0x0, s1;
	[sflag:s0] =	ssyncset.done @!p0 $0x0  }
0x641: {  	[sflag:s0] =	ssyncadd.s32 @!p0 s1  }
0x642: {  	[bflag:$0x3] =	sbarrier.arrive $0xFFFF  }
0x643: {  	_ =	shalt  }

</sc_bundles>
